<compile_context>
chip_gen: v7x
topology: tpu7x:2x2x1
jax: 0.10.2.dev20260603
libtpu: 0.0.44.dev20260713+nightly
codegen_flags: <defaults>
</compile_context>

<pallas_src>
import functools

import jax
import jax.numpy as jnp
from jax import lax
from jax.experimental import pallas as pl
from jax.experimental.pallas import tpu as pltpu
from jax.experimental.pallas import tpu_sc as plsc

B = 4096
C = 26
EMB = 64
NUM_NUM = 13
NUM_TEXT = 4
TEXT_IN = 768

NC = 2
NS = 16
NW = NC * NS

TOTAL = B * C
PER_W = TOTAL // NW


def _sc_gather(idx, table3):
    mesh = plsc.VectorSubcoreMesh(core_axis_name="c", subcore_axis_name="s")

    G = 16
    SCH = 256
    NGR = SCH // G
    NSC = PER_W // SCH
    QE = EMB // 16

    @functools.partial(
        pl.kernel,
        mesh=mesh,
        compiler_params=pltpu.CompilerParams(needs_layout_passes=False),
        out_type=jax.ShapeDtypeStruct((TOTAL, EMB), jnp.float32),
        scratch_types=[
            pltpu.VMEM((SCH,), jnp.int32),
            pltpu.VMEM((G, 8, EMB), jnp.float32),
            pltpu.VMEM((2, SCH, EMB), jnp.float32),
            pltpu.SemaphoreType.DMA((G,)),
            pltpu.SemaphoreType.DMA((2,)),
            pltpu.SemaphoreType.DMA,
        ],
    )
    def k(idx_hbm, table_hbm, out_hbm, idx_v, tiles_v, out_v, tsem, osem,
          isem):
        wid = lax.axis_index("s") * NC + lax.axis_index("c")
        base_row = wid * PER_W
        LANES = lax.iota(jnp.int32, 16)

        def slab_copy(t, p):
            return pltpu.make_async_copy(
                table_hbm.at[t], tiles_v.at[p], tsem.at[p]
            )

        def fire_group(g):
            idx16 = idx_v[pl.ds(g * G, G)]
            ms = []
            for l in range(G):
                s = jnp.max(jnp.where(LANES == l, idx16, 0))
                slab_copy(s >> 3, l).start()
                ms.append(jnp.bitwise_and(s, 7))
            return tuple(ms)

        def extract_group(gprev, ms, ob):
            for l in range(G):
                slab_copy(jnp.int32(0), l).wait()
                r = gprev * G + l
                for c in range(QE):
                    out_v[ob, r, pl.ds(c * 16, 16)] = (
                        tiles_v[l, ms[l], pl.ds(c * 16, 16)]
                    )

        def outcopy(sc, ob):
            return pltpu.make_async_copy(
                out_v.at[ob],
                out_hbm.at[pl.ds(base_row + sc * SCH, SCH)],
                osem.at[ob],
            )

        def super_chunk(sc, carry):
            ob = lax.rem(sc, 2)
            pltpu.async_copy(
                idx_hbm.at[pl.ds(base_row + sc * SCH, SCH)], idx_v, isem
            ).wait()

            @pl.when(sc >= 2)
            def _():
                outcopy(sc - 2, ob).wait()

            ms0 = fire_group(jnp.int32(0))

            def body(g, ms):
                idx16 = idx_v[pl.ds(g * G, G)]
                new_ms = []
                for l in range(G):
                    slab_copy(jnp.int32(0), l).wait()
                    r = (g - 1) * G + l
                    for c in range(QE):
                        out_v[ob, r, pl.ds(c * 16, 16)] = (
                            tiles_v[l, ms[l], pl.ds(c * 16, 16)]
                        )
                    s = jnp.max(jnp.where(LANES == l, idx16, 0))
                    slab_copy(s >> 3, l).start()
                    new_ms.append(jnp.bitwise_and(s, 7))
                return tuple(new_ms)

            ms_last = lax.fori_loop(1, NGR, body, ms0)
            extract_group(jnp.int32(NGR - 1), ms_last, ob)
            outcopy(sc, ob).start()
            return carry

        lax.fori_loop(0, NSC, super_chunk, 0)
        for t in range(2):
            outcopy(NSC - 2 + t, lax.rem(jnp.int32(NSC - 2 + t), 2)).wait()

    return k(idx, table3)


def _tc_dense_body(num_ref, text_ref, dir_ref, anc_ref, w_ref, out_ref):
    num = num_ref[...]
    out_ref[:, :NUM_NUM, :] = (
        num[:, :, None] * dir_ref[...][None] + anc_ref[...][None]
    )
    t = text_ref[...]
    for i in range(NUM_TEXT):
        out_ref[:, NUM_NUM + i, :] = jnp.dot(
            t[:, i, :], w_ref[i], preferred_element_type=jnp.float32
        )


def _tc_dense(numerical_inputs, text_inputs, direction, anchor, text_w):
    BB = 512
    grid = (B // BB,)
    return pl.pallas_call(
        _tc_dense_body,
        grid=grid,
        in_specs=[
            pl.BlockSpec((BB, NUM_NUM), lambda b: (b, 0)),
            pl.BlockSpec((BB, NUM_TEXT, TEXT_IN), lambda b: (b, 0, 0)),
            pl.BlockSpec((NUM_NUM, EMB), lambda b: (0, 0)),
            pl.BlockSpec((NUM_NUM, EMB), lambda b: (0, 0)),
            pl.BlockSpec((NUM_TEXT, TEXT_IN, EMB), lambda b: (0, 0, 0)),
        ],
        out_specs=pl.BlockSpec((BB, NUM_NUM + NUM_TEXT, EMB), lambda b: (b, 0, 0)),
        out_shape=jax.ShapeDtypeStruct((B, NUM_NUM + NUM_TEXT, EMB), jnp.float32),
    )(numerical_inputs, text_inputs, direction, anchor, text_w)


def kernel(categorical_inputs, numerical_inputs, text_inputs, table,
           numerical_direction, numerical_anchor, text_w, offsets):
    idx = (categorical_inputs + offsets).reshape(TOTAL)
    table3 = table.reshape(table.shape[0] // 8, 8, EMB)
    cat = _sc_gather(idx, table3).reshape(B, C, EMB)
    dense = _tc_dense(numerical_inputs, text_inputs, numerical_direction,
                      numerical_anchor, text_w)
    return jnp.concatenate((cat, dense), axis=1)

# --- scband reference (transcript-rebuilt; emitter-appended) ---
"""Pipeline reference for scband-si-dembeddings-13091060318765 (READ-ONLY COPY).

The authoritative reference and input builder live on the scoring server;
editing this copy changes nothing except your own understanding.
"""

import jax, jax.numpy as jnp
import numpy as np

NUM_CATS = [100000] * 26
EMB = 64
B = 4096
NUM_NUM = 13
NUM_TEXT = 4
TEXT_IN = 768


def setup_inputs(seed: int = 0) -> dict:
    key = jax.random.key(seed)
    ks = jax.random.split(key, 8)
    categorical_inputs = jax.random.randint(ks[0], (B, len(NUM_CATS)), 0, 100000, dtype=jnp.int32)
    numerical_inputs = jax.random.uniform(ks[1], (B, NUM_NUM), dtype=jnp.float32)
    text_inputs = jax.random.normal(ks[2], (B, NUM_TEXT, TEXT_IN), dtype=jnp.float32)
    table = jax.random.normal(ks[3], (sum(NUM_CATS), EMB), dtype=jnp.float32) * 0.02
    numerical_direction = jax.random.uniform(ks[4], (NUM_NUM, EMB), dtype=jnp.float32)
    numerical_anchor = jax.random.uniform(ks[5], (NUM_NUM, EMB), dtype=jnp.float32)
    # text_projections: num_text Linear(text_in -> emb, bias=False); stacked transposed weights [T, M, N]
    text_w = jax.random.normal(ks[6], (NUM_TEXT, TEXT_IN, EMB), dtype=jnp.float32) * 0.02
    offsets = jnp.cumsum(jnp.array([[0] + NUM_CATS[:-1]], dtype=jnp.int32), axis=1)
    return {
        'categorical_inputs': categorical_inputs,
        'numerical_inputs': numerical_inputs,
        'text_inputs': text_inputs,
        'table': table,
        'numerical_direction': numerical_direction,
        'numerical_anchor': numerical_anchor,
        'text_w': text_w,
        'offsets': offsets,
    }


def reference(categorical_inputs, numerical_inputs, text_inputs, table, numerical_direction, numerical_anchor, text_w, offsets):
    idx = categorical_inputs + offsets  # [B, C]
    cat_emb = jnp.take(table, idx, axis=0)  # [B, C, EMB]  (gather)
    num_emb = numerical_inputs[:, :, None] * numerical_direction  # [B, Nn, EMB]
    num_emb = num_emb + numerical_anchor
    text_emb = jnp.einsum('btm,tmn->btn', text_inputs, text_w)  # [B, T, EMB]
    return jnp.concatenate((cat_emb, num_emb, text_emb), axis=1)

if __name__ == "__main__":
    import jax
    _d = setup_inputs()
    print(jax.jit(kernel)(*tuple(_d.values())))

</pallas_src>

<mosaic_0001>
#map = affine_map<(d0, d1) -> (0)>
#map1 = affine_map<(d0, d1) -> (0, 0, 0)>
#map2 = affine_map<(d0, d1) -> (0, 0)>
module attributes {stable_mosaic.version = 14 : i64} {
  func.func @k(%arg0: i32, %arg1: i32, %arg2: memref<106496xi32, #tpu.memory_space<hbm>>, %arg3: memref<325000x8x64xf32, #tpu.memory_space<hbm>>, %arg4: memref<106496x64xf32, #tpu.memory_space<hbm>>, %arg5: memref<256xi32, #tpu.memory_space<vmem>>, %arg6: memref<16x8x64xf32, #tpu.memory_space<vmem>>, %arg7: memref<2x256x64xf32, #tpu.memory_space<vmem>>, %arg8: memref<16x!tpu.dma_semaphore, #tpu.memory_space<semaphore_mem>>, %arg9: memref<2x!tpu.dma_semaphore, #tpu.memory_space<semaphore_mem>>, %arg10: memref<!tpu.dma_semaphore, #tpu.memory_space<semaphore_mem>>) attributes {dimension_semantics = [#tpu.dimension_semantics<core_parallel>, #tpu.dimension_semantics<subcore_parallel>], iteration_bounds = array<i64: 2, 16>, scalar_prefetch = 0 : i64, scratch_operands = 6 : i64, tpu.core_type = #tpu.core_type<sc_vector_subcore>, window_params = [{transform_indices = #map}, {transform_indices = #map1}, {transform_indices = #map2}]} {
    %mul3A = arith.constant 2 : i32
    %mul3A_0 = arith.muli %arg1, %mul3A : i32
    %add3A = arith.addi %mul3A_0, %arg0 : i32
    %mul3A_1 = arith.constant 3328 : i32
    %mul3A_2 = arith.muli %add3A, %mul3A_1 : i32
    %iota3A = tpu.iota {dimensions = array<i32: 0>} : vector<16xi32>
    %scan3A = arith.constant 0 : i32
    %scan3A_3 = arith.constant 0 : i32
    %scan3A_4 = arith.constant 13 : i32
    %scan3A_5 = arith.addi %scan3A_3, %scan3A_4 : i32
    %scan3A_6 = arith.constant 1 : i32
    scf.for %scan3A_44 = %scan3A_3 to %scan3A_5 step %scan3A_6  : i32 {
      %rem3A_45 = arith.constant 2 : i32
      %rem3A_46 = arith.remsi %scan3A_44, %rem3A_45 : i32
      %mul3A_47 = arith.constant 256 : i32
      %mul3A_48 = arith.muli %scan3A_44, %mul3A_47 : i32
      %add3A_49 = arith.addi %mul3A_2, %mul3A_48 : i32
      %dma_start3A = tpu.memref_slice %arg2[%add3A_49] : memref<106496xi32, #tpu.memory_space<hbm>> -> memref<256xi32, #tpu.memory_space<hbm>>
      %dma_start3A_50 = tpu.memref_slice %arg2[%add3A_49] : memref<106496xi32, #tpu.memory_space<hbm>> -> memref<256xi32, #tpu.memory_space<hbm>>
      tpu.enqueue_dma source(%dma_start3A_50 : memref<256xi32, #tpu.memory_space<hbm>>) target(%arg5 : memref<256xi32, #tpu.memory_space<vmem>>) target_semaphore(%arg10 : memref<!tpu.dma_semaphore, #tpu.memory_space<semaphore_mem>>)
      %dma_wait3A_51 = tpu.memref_slice %arg2[%add3A_49] : memref<106496xi32, #tpu.memory_space<hbm>> -> memref<256xi32, #tpu.memory_space<hbm>>
      %dma_wait3A_52 = tpu.memref_slice %arg2[%add3A_49] : memref<106496xi32, #tpu.memory_space<hbm>> -> memref<256xi32, #tpu.memory_space<hbm>>
      tpu.wait_dma2 semaphore(%arg10 : memref<!tpu.dma_semaphore, #tpu.memory_space<semaphore_mem>>) src(%dma_wait3A_52 : memref<256xi32, #tpu.memory_space<hbm>>) dst(%arg5 : memref<256xi32, #tpu.memory_space<vmem>>)
      %ge3A = arith.constant 2 : i32
      %ge3A_53 = arith.cmpi sge, %scan3A_44, %ge3A : i32
      %convert_element_type3A = arith.extui %ge3A_53 : i1 to i32
      %cond3A = arith.constant 0 : i32
      %cond3A_54 = arith.cmpi ne, %convert_element_type3A, %cond3A : i32
      scf.if %cond3A_54 {
        %sub3A = arith.constant 2 : i32
        %sub3A_1674 = arith.subi %scan3A_44, %sub3A : i32
        %mul3A_1675 = arith.constant 256 : i32
        %mul3A_1676 = arith.muli %sub3A_1674, %mul3A_1675 : i32
        %add3A_1677 = arith.addi %mul3A_2, %mul3A_1676 : i32
        %dma_wait3A_1678 = arith.constant 0 : i32
        %dma_wait3A_1679 = arith.constant 0 : i32
        %dma_wait3A_1680 = tpu.memref_slice %arg7[%rem3A_46, %dma_wait3A_1678, %dma_wait3A_1679] : memref<2x256x64xf32, #tpu.memory_space<vmem>> -> memref<1x256x64xf32, #tpu.memory_space<vmem>>
        %dma_wait3A_1681 = tpu.memref_squeeze %dma_wait3A_1680 : memref<1x256x64xf32, #tpu.memory_space<vmem>> -> memref<256x64xf32, #tpu.memory_space<vmem>>
        %dma_wait3A_1682 = arith.constant 0 : i32
        %dma_wait3A_1683 = tpu.memref_slice %arg4[%add3A_1677, %dma_wait3A_1682] : memref<106496x64xf32, #tpu.memory_space<hbm>> -> memref<256x64xf32, #tpu.memory_space<hbm>>
        %dma_wait3A_1684 = tpu.memref_slice %arg9[%rem3A_46] : memref<2x!tpu.dma_semaphore, #tpu.memory_space<semaphore_mem>> -> memref<1x!tpu.dma_semaphore, #tpu.memory_space<semaphore_mem>>
        %dma_wait3A_1685 = tpu.memref_squeeze %dma_wait3A_1684 : memref<1x!tpu.dma_semaphore, #tpu.memory_space<semaphore_mem>> -> memref<!tpu.dma_semaphore, #tpu.memory_space<semaphore_mem>>
        %dma_wait3A_1686 = arith.constant 0 : i32
        %dma_wait3A_1687 = tpu.memref_slice %arg4[%add3A_1677, %dma_wait3A_1686] : memref<106496x64xf32, #tpu.memory_space<hbm>> -> memref<256x64xf32, #tpu.memory_space<hbm>>
        %dma_wait3A_1688 = arith.constant 0 : i32
        %dma_wait3A_1689 = arith.constant 0 : i32
        %dma_wait3A_1690 = tpu.memref_slice %arg7[%rem3A_46, %dma_wait3A_1688, %dma_wait3A_1689] : memref<2x256x64xf32, #tpu.memory_space<vmem>> -> memref<1x256x64xf32, #tpu.memory_space<vmem>>
        %dma_wait3A_1691 = tpu.memref_squeeze %dma_wait3A_1690 : memref<1x256x64xf32, #tpu.memory_space<vmem>> -> memref<256x64xf32, #tpu.memory_space<vmem>>
        tpu.wait_dma2 semaphore(%dma_wait3A_1685 : memref<!tpu.dma_semaphore, #tpu.memory_space<semaphore_mem>>) src(%dma_wait3A_1691 : memref<256x64xf32, #tpu.memory_space<vmem>>) dst(%dma_wait3A_1687 : memref<256x64xf32, #tpu.memory_space<hbm>>)
      } else {
      }
      %mul3A_55 = arith.constant 0 : i32
      %mul3A_56 = arith.constant 16 : i32
      %mul3A_57 = arith.muli %mul3A_55, %mul3A_56 : i32
      %get3A = arith.index_cast %mul3A_57 : i32 to index
      %get3A_58 = tpu.vector_load %arg5[%get3A] {strides = array<i32>} : memref<256xi32, #tpu.memory_space<vmem>>, vector<16xi32>,
      %eq3A = arith.constant 0 : i32
      %eq3A_59 = vector.broadcast %eq3A : i32 to vector<16xi32>
      %eq3A_60 = arith.cmpi eq, %iota3A, %eq3A_59 : vector<16xi32>
      %jit3A = arith.constant 0 : i32
      %broadcast_in_dim3A = vector.broadcast %jit3A : i32 to vector<16xi32>
      %select_n3A = arith.select %eq3A_60, %get3A_58, %broadcast_in_dim3A : vector<16xi1>, vector<16xi32>
      %reduce_max3A = arith.constant true
      %reduce_max3A_61 = vector.broadcast %reduce_max3A : i1 to vector<16xi1>
      %reduce_max3A_62 = arith.constant -2147483648 : i32
      %reduce_max3A_63 = vector.broadcast %reduce_max3A_62 : i32 to vector<16xi32>
      %reduce_max3A_64 = arith.xori %select_n3A, %reduce_max3A_63 : vector<16xi32>
      %reduce_max3A_65 = tpu.scan <max>, %reduce_max3A_64 masked %reduce_max3A_61 : vector<16xi32>, vector<16xi1> -> vector<16xi32>
      %reduce_max3A_66 = arith.xori %reduce_max3A_65, %reduce_max3A_63 : vector<16xi32>
      %reduce_max3A_67 = vector.extract %reduce_max3A_66[15] : i32 from vector<16xi32>
      %shift_right_arithmetic3A = arith.constant 3 : i32
      %shift_right_arithmetic3A_68 = arith.shrsi %reduce_max3A_67, %shift_right_arithmetic3A : i32
      %dma_start3A_69 = arith.constant 0 : i32
      %dma_start3A_70 = arith.constant 0 : i32
      %dma_start3A_71 = arith.constant 0 : i32
      %dma_start3A_72 = arith.constant 0 : i32
      %dma_start3A_73 = tpu.memref_slice %arg6[%dma_start3A_69, %dma_start3A_71, %dma_start3A_72] : memref<16x8x64xf32, #tpu.memory_space<vmem>> -> memref<1x8x64xf32, #tpu.memory_space<vmem>>
      %dma_start3A_74 = tpu.memref_squeeze %dma_start3A_73 : memref<1x8x64xf32, #tpu.memory_space<vmem>> -> memref<8x64xf32, #tpu.memory_space<vmem>>
      %dma_start3A_75 = arith.constant 0 : i32
      %dma_start3A_76 = arith.constant 0 : i32
      %dma_start3A_77 = tpu.memref_slice %arg3[%shift_right_arithmetic3A_68, %dma_start3A_75, %dma_start3A_76] : memref<325000x8x64xf32, #tpu.memory_space<hbm>> -> memref<1x8x64xf32, #tpu.memory_space<hbm>>
      %dma_start3A_78 = tpu.memref_squeeze %dma_start3A_77 : memref<1x8x64xf32, #tpu.memory_space<hbm>> -> memref<8x64xf32, #tpu.memory_space<hbm>>
      %dma_start3A_79 = tpu.memref_slice %arg8[%dma_start3A_70] : memref<16x!tpu.dma_semaphore, #tpu.memory_space<semaphore_mem>> -> memref<1x!tpu.dma_semaphore, #tpu.memory_space<semaphore_mem>>
      %dma_start3A_80 = tpu.memref_squeeze %dma_start3A_79 : memref<1x!tpu.dma_semaphore, #tpu.memory_space<semaphore_mem>> -> memref<!tpu.dma_semaphore, #tpu.memory_space<semaphore_mem>>
      %dma_start3A_81 = arith.constant 0 : i32
      %dma_start3A_82 = arith.constant 0 : i32
      %dma_start3A_83 = tpu.memref_slice %arg6[%dma_start3A_69, %dma_start3A_81, %dma_start3A_82] : memref<16x8x64xf32, #tpu.memory_space<vmem>> -> memref<1x8x64xf32, #tpu.memory_space<vmem>>
      %dma_start3A_84 = tpu.memref_squeeze %dma_start3A_83 : memref<1x8x64xf32, #tpu.memory_space<vmem>> -> memref<8x64xf32, #tpu.memory_space<vmem>>
      %dma_start3A_85 = arith.constant 0 : i32
      %dma_start3A_86 = arith.constant 0 : i32
      %dma_start3A_87 = tpu.memref_slice %arg3[%shift_right_arithmetic3A_68, %dma_start3A_85, %dma_start3A_86] : memref<325000x8x64xf32, #tpu.memory_space<hbm>> -> memref<1x8x64xf32, #tpu.memory_space<hbm>>
      %dma_start3A_88 = tpu.memref_squeeze %dma_start3A_87 : memref<1x8x64xf32, #tpu.memory_space<hbm>> -> memref<8x64xf32, #tpu.memory_space<hbm>>
      tpu.enqueue_dma source(%dma_start3A_88 : memref<8x64xf32, #tpu.memory_space<hbm>>) target(%dma_start3A_84 : memref<8x64xf32, #tpu.memory_space<vmem>>) target_semaphore(%dma_start3A_80 : memref<!tpu.dma_semaphore, #tpu.memory_space<semaphore_mem>>)
      %and3A = arith.constant 7 : i32
      %and3A_89 = arith.andi %reduce_max3A_67, %and3A : i32
      %eq3A_90 = arith.constant 1 : i32
      %eq3A_91 = vector.broadcast %eq3A_90 : i32 to vector<16xi32>
      %eq3A_92 = arith.cmpi eq, %iota3A, %eq3A_91 : vector<16xi32>
      %jit3A_93 = arith.constant 0 : i32
      %broadcast_in_dim3A_94 = vector.broadcast %jit3A_93 : i32 to vector<16xi32>
      %select_n3A_95 = arith.select %eq3A_92, %get3A_58, %broadcast_in_dim3A_94 : vector<16xi1>, vector<16xi32>
      %reduce_max3A_96 = arith.constant true
      %reduce_max3A_97 = vector.broadcast %reduce_max3A_96 : i1 to vector<16xi1>
      %reduce_max3A_98 = arith.constant -2147483648 : i32
      %reduce_max3A_99 = vector.broadcast %reduce_max3A_98 : i32 to vector<16xi32>
      %reduce_max3A_100 = arith.xori %select_n3A_95, %reduce_max3A_99 : vector<16xi32>
      %reduce_max3A_101 = tpu.scan <max>, %reduce_max3A_100 masked %reduce_max3A_97 : vector<16xi32>, vector<16xi1> -> vector<16xi32>
      %reduce_max3A_102 = arith.xori %reduce_max3A_101, %reduce_max3A_99 : vector<16xi32>
      %reduce_max3A_103 = vector.extract %reduce_max3A_102[15] : i32 from vector<16xi32>
      %shift_right_arithmetic3A_104 = arith.constant 3 : i32
      %shift_right_arithmetic3A_105 = arith.shrsi %reduce_max3A_103, %shift_right_arithmetic3A_104 : i32
      %dma_start3A_106 = arith.constant 1 : i32
      %dma_start3A_107 = arith.constant 1 : i32
      %dma_start3A_108 = arith.constant 0 : i32
      %dma_start3A_109 = arith.constant 0 : i32
      %dma_start3A_110 = tpu.memref_slice %arg6[%dma_start3A_106, %dma_start3A_108, %dma_start3A_109] : memref<16x8x64xf32, #tpu.memory_space<vmem>> -> memref<1x8x64xf32, #tpu.memory_space<vmem>>
      %dma_start3A_111 = tpu.memref_squeeze %dma_start3A_110 : memref<1x8x64xf32, #tpu.memory_space<vmem>> -> memref<8x64xf32, #tpu.memory_space<vmem>>
      %dma_start3A_112 = arith.constant 0 : i32
      %dma_start3A_113 = arith.constant 0 : i32
      %dma_start3A_114 = tpu.memref_slice %arg3[%shift_right_arithmetic3A_105, %dma_start3A_112, %dma_start3A_113] : memref<325000x8x64xf32, #tpu.memory_space<hbm>> -> memref<1x8x64xf32, #tpu.memory_space<hbm>>
      %dma_start3A_115 = tpu.memref_squeeze %dma_start3A_114 : memref<1x8x64xf32, #tpu.memory_space<hbm>> -> memref<8x64xf32, #tpu.memory_space<hbm>>
      %dma_start3A_116 = tpu.memref_slice %arg8[%dma_start3A_107] : memref<16x!tpu.dma_semaphore, #tpu.memory_space<semaphore_mem>> -> memref<1x!tpu.dma_semaphore, #tpu.memory_space<semaphore_mem>>
      %dma_start3A_117 = tpu.memref_squeeze %dma_start3A_116 : memref<1x!tpu.dma_semaphore, #tpu.memory_space<semaphore_mem>> -> memref<!tpu.dma_semaphore, #tpu.memory_space<semaphore_mem>>
      %dma_start3A_118 = arith.constant 0 : i32
      %dma_start3A_119 = arith.constant 0 : i32
      %dma_start3A_120 = tpu.memref_slice %arg6[%dma_start3A_106, %dma_start3A_118, %dma_start3A_119] : memref<16x8x64xf32, #tpu.memory_space<vmem>> -> memref<1x8x64xf32, #tpu.memory_space<vmem>>
      %dma_start3A_121 = tpu.memref_squeeze %dma_start3A_120 : memref<1x8x64xf32, #tpu.memory_space<vmem>> -> memref<8x64xf32, #tpu.memory_space<vmem>>
      %dma_start3A_122 = arith.constant 0 : i32
      %dma_start3A_123 = arith.constant 0 : i32
      %dma_start3A_124 = tpu.memref_slice %arg3[%shift_right_arithmetic3A_105, %dma_start3A_122, %dma_start3A_123] : memref<325000x8x64xf32, #tpu.memory_space<hbm>> -> memref<1x8x64xf32, #tpu.memory_space<hbm>>
      %dma_start3A_125 = tpu.memref_squeeze %dma_start3A_124 : memref<1x8x64xf32, #tpu.memory_space<hbm>> -> memref<8x64xf32, #tpu.memory_space<hbm>>
      tpu.enqueue_dma source(%dma_start3A_125 : memref<8x64xf32, #tpu.memory_space<hbm>>) target(%dma_start3A_121 : memref<8x64xf32, #tpu.memory_space<vmem>>) target_semaphore(%dma_start3A_117 : memref<!tpu.dma_semaphore, #tpu.memory_space<semaphore_mem>>)
      %and3A_126 = arith.constant 7 : i32
      %and3A_127 = arith.andi %reduce_max3A_103, %and3A_126 : i32
      %eq3A_128 = arith.constant 2 : i32
      %eq3A_129 = vector.broadcast %eq3A_128 : i32 to vector<16xi32>
      %eq3A_130 = arith.cmpi eq, %iota3A, %eq3A_129 : vector<16xi32>
      %jit3A_131 = arith.constant 0 : i32
      %broadcast_in_dim3A_132 = vector.broadcast %jit3A_131 : i32 to vector<16xi32>
      %select_n3A_133 = arith.select %eq3A_130, %get3A_58, %broadcast_in_dim3A_132 : vector<16xi1>, vector<16xi32>
      %reduce_max3A_134 = arith.constant true
      %reduce_max3A_135 = vector.broadcast %reduce_max3A_134 : i1 to vector<16xi1>
      %reduce_max3A_136 = arith.constant -2147483648 : i32
      %reduce_max3A_137 = vector.broadcast %reduce_max3A_136 : i32 to vector<16xi32>
      %reduce_max3A_138 = arith.xori %select_n3A_133, %reduce_max3A_137 : vector<16xi32>
      %reduce_max3A_139 = tpu.scan <max>, %reduce_max3A_138 masked %reduce_max3A_135 : vector<16xi32>, vector<16xi1> -> vector<16xi32>
      %reduce_max3A_140 = arith.xori %reduce_max3A_139, %reduce_max3A_137 : vector<16xi32>
      %reduce_max3A_141 = vector.extract %reduce_max3A_140[15] : i32 from vector<16xi32>
      %shift_right_arithmetic3A_142 = arith.constant 3 : i32
      %shift_right_arithmetic3A_143 = arith.shrsi %reduce_max3A_141, %shift_right_arithmetic3A_142 : i32
      %dma_start3A_144 = arith.constant 2 : i32
      %dma_start3A_145 = arith.constant 2 : i32
      %dma_start3A_146 = arith.constant 0 : i32
      %dma_start3A_147 = arith.constant 0 : i32
      %dma_start3A_148 = tpu.memref_slice %arg6[%dma_start3A_144, %dma_start3A_146, %dma_start3A_147] : memref<16x8x64xf32, #tpu.memory_space<vmem>> -> memref<1x8x64xf32, #tpu.memory_space<vmem>>
      %dma_start3A_149 = tpu.memref_squeeze %dma_start3A_148 : memref<1x8x64xf32, #tpu.memory_space<vmem>> -> memref<8x64xf32, #tpu.memory_space<vmem>>
      %dma_start3A_150 = arith.constant 0 : i32
      %dma_start3A_151 = arith.constant 0 : i32
      %dma_start3A_152 = tpu.memref_slice %arg3[%shift_right_arithmetic3A_143, %dma_start3A_150, %dma_start3A_151] : memref<325000x8x64xf32, #tpu.memory_space<hbm>> -> memref<1x8x64xf32, #tpu.memory_space<hbm>>
      %dma_start3A_153 = tpu.memref_squeeze %dma_start3A_152 : memref<1x8x64xf32, #tpu.memory_space<hbm>> -> memref<8x64xf32, #tpu.memory_space<hbm>>
      %dma_start3A_154 = tpu.memref_slice %arg8[%dma_start3A_145] : memref<16x!tpu.dma_semaphore, #tpu.memory_space<semaphore_mem>> -> memref<1x!tpu.dma_semaphore, #tpu.memory_space<semaphore_mem>>
      %dma_start3A_155 = tpu.memref_squeeze %dma_start3A_154 : memref<1x!tpu.dma_semaphore, #tpu.memory_space<semaphore_mem>> -> memref<!tpu.dma_semaphore, #tpu.memory_space<semaphore_mem>>
      %dma_start3A_156 = arith.constant 0 : i32
      %dma_start3A_157 = arith.constant 0 : i32
      %dma_start3A_158 = tpu.memref_slice %arg6[%dma_start3A_144, %dma_start3A_156, %dma_start3A_157] : memref<16x8x64xf32, #tpu.memory_space<vmem>> -> memref<1x8x64xf32, #tpu.memory_space<vmem>>
      %dma_start3A_159 = tpu.memref_squeeze %dma_start3A_158 : memref<1x8x64xf32, #tpu.memory_space<vmem>> -> memref<8x64xf32, #tpu.memory_space<vmem>>
      %dma_start3A_160 = arith.constant 0 : i32
      %dma_start3A_161 = arith.constant 0 : i32
      %dma_start3A_162 = tpu.memref_slice %arg3[%shift_right_arithmetic3A_143, %dma_start3A_160, %dma_start3A_161] : memref<325000x8x64xf32, #tpu.memory_space<hbm>> -> memref<1x8x64xf32, #tpu.memory_space<hbm>>
      %dma_start3A_163 = tpu.memref_squeeze %dma_start3A_162 : memref<1x8x64xf32, #tpu.memory_space<hbm>> -> memref<8x64xf32, #tpu.memory_space<hbm>>
      tpu.enqueue_dma source(%dma_start3A_163 : memref<8x64xf32, #tpu.memory_space<hbm>>) target(%dma_start3A_159 : memref<8x64xf32, #tpu.memory_space<vmem>>) target_semaphore(%dma_start3A_155 : memref<!tpu.dma_semaphore, #tpu.memory_space<semaphore_mem>>)
      %and3A_164 = arith.constant 7 : i32
      %and3A_165 = arith.andi %reduce_max3A_141, %and3A_164 : i32
      %eq3A_166 = arith.constant 3 : i32
      %eq3A_167 = vector.broadcast %eq3A_166 : i32 to vector<16xi32>
      %eq3A_168 = arith.cmpi eq, %iota3A, %eq3A_167 : vector<16xi32>
      %jit3A_169 = arith.constant 0 : i32
      %broadcast_in_dim3A_170 = vector.broadcast %jit3A_169 : i32 to vector<16xi32>
      %select_n3A_171 = arith.select %eq3A_168, %get3A_58, %broadcast_in_dim3A_170 : vector<16xi1>, vector<16xi32>
      %reduce_max3A_172 = arith.constant true
      %reduce_max3A_173 = vector.broadcast %reduce_max3A_172 : i1 to vector<16xi1>
      %reduce_max3A_174 = arith.constant -2147483648 : i32
      %reduce_max3A_175 = vector.broadcast %reduce_max3A_174 : i32 to vector<16xi32>
      %reduce_max3A_176 = arith.xori %select_n3A_171, %reduce_max3A_175 : vector<16xi32>
      %reduce_max3A_177 = tpu.scan <max>, %reduce_max3A_176 masked %reduce_max3A_173 : vector<16xi32>, vector<16xi1> -> vector<16xi32>
      %reduce_max3A_178 = arith.xori %reduce_max3A_177, %reduce_max3A_175 : vector<16xi32>
      %reduce_max3A_179 = vector.extract %reduce_max3A_178[15] : i32 from vector<16xi32>
      %shift_right_arithmetic3A_180 = arith.constant 3 : i32
      %shift_right_arithmetic3A_181 = arith.shrsi %reduce_max3A_179, %shift_right_arithmetic3A_180 : i32
      %dma_start3A_182 = arith.constant 3 : i32
      %dma_start3A_183 = arith.constant 3 : i32
      %dma_start3A_184 = arith.constant 0 : i32
      %dma_start3A_185 = arith.constant 0 : i32
      %dma_start3A_186 = tpu.memref_slice %arg6[%dma_start3A_182, %dma_start3A_184, %dma_start3A_185] : memref<16x8x64xf32, #tpu.memory_space<vmem>> -> memref<1x8x64xf32, #tpu.memory_space<vmem>>
      %dma_start3A_187 = tpu.memref_squeeze %dma_start3A_186 : memref<1x8x64xf32, #tpu.memory_space<vmem>> -> memref<8x64xf32, #tpu.memory_space<vmem>>
      %dma_start3A_188 = arith.constant 0 : i32
      %dma_start3A_189 = arith.constant 0 : i32
      %dma_start3A_190 = tpu.memref_slice %arg3[%shift_right_arithmetic3A_181, %dma_start3A_188, %dma_start3A_189] : memref<325000x8x64xf32, #tpu.memory_space<hbm>> -> memref<1x8x64xf32, #tpu.memory_space<hbm>>
      %dma_start3A_191 = tpu.memref_squeeze %dma_start3A_190 : memref<1x8x64xf32, #tpu.memory_space<hbm>> -> memref<8x64xf32, #tpu.memory_space<hbm>>
      %dma_start3A_192 = tpu.memref_slice %arg8[%dma_start3A_183] : memref<16x!tpu.dma_semaphore, #tpu.memory_space<semaphore_mem>> -> memref<1x!tpu.dma_semaphore, #tpu.memory_space<semaphore_mem>>
      %dma_start3A_193 = tpu.memref_squeeze %dma_start3A_192 : memref<1x!tpu.dma_semaphore, #tpu.memory_space<semaphore_mem>> -> memref<!tpu.dma_semaphore, #tpu.memory_space<semaphore_mem>>
      %dma_start3A_194 = arith.constant 0 : i32
      %dma_start3A_195 = arith.constant 0 : i32
      %dma_start3A_196 = tpu.memref_slice %arg6[%dma_start3A_182, %dma_start3A_194, %dma_start3A_195] : memref<16x8x64xf32, #tpu.memory_space<vmem>> -> memref<1x8x64xf32, #tpu.memory_space<vmem>>
      %dma_start3A_197 = tpu.memref_squeeze %dma_start3A_196 : memref<1x8x64xf32, #tpu.memory_space<vmem>> -> memref<8x64xf32, #tpu.memory_space<vmem>>
      %dma_start3A_198 = arith.constant 0 : i32
      %dma_start3A_199 = arith.constant 0 : i32
      %dma_start3A_200 = tpu.memref_slice %arg3[%shift_right_arithmetic3A_181, %dma_start3A_198, %dma_start3A_199] : memref<325000x8x64xf32, #tpu.memory_space<hbm>> -> memref<1x8x64xf32, #tpu.memory_space<hbm>>
      %dma_start3A_201 = tpu.memref_squeeze %dma_start3A_200 : memref<1x8x64xf32, #tpu.memory_space<hbm>> -> memref<8x64xf32, #tpu.memory_space<hbm>>
      tpu.enqueue_dma source(%dma_start3A_201 : memref<8x64xf32, #tpu.memory_space<hbm>>) target(%dma_start3A_197 : memref<8x64xf32, #tpu.memory_space<vmem>>) target_semaphore(%dma_start3A_193 : memref<!tpu.dma_semaphore, #tpu.memory_space<semaphore_mem>>)
      %and3A_202 = arith.constant 7 : i32
      %and3A_203 = arith.andi %reduce_max3A_179, %and3A_202 : i32
      %eq3A_204 = arith.constant 4 : i32
      %eq3A_205 = vector.broadcast %eq3A_204 : i32 to vector<16xi32>
      %eq3A_206 = arith.cmpi eq, %iota3A, %eq3A_205 : vector<16xi32>
      %jit3A_207 = arith.constant 0 : i32
      %broadcast_in_dim3A_208 = vector.broadcast %jit3A_207 : i32 to vector<16xi32>
      %select_n3A_209 = arith.select %eq3A_206, %get3A_58, %broadcast_in_dim3A_208 : vector<16xi1>, vector<16xi32>
      %reduce_max3A_210 = arith.constant true
      %reduce_max3A_211 = vector.broadcast %reduce_max3A_210 : i1 to vector<16xi1>
      %reduce_max3A_212 = arith.constant -2147483648 : i32
      %reduce_max3A_213 = vector.broadcast %reduce_max3A_212 : i32 to vector<16xi32>
      %reduce_max3A_214 = arith.xori %select_n3A_209, %reduce_max3A_213 : vector<16xi32>
      %reduce_max3A_215 = tpu.scan <max>, %reduce_max3A_214 masked %reduce_max3A_211 : vector<16xi32>, vector<16xi1> -> vector<16xi32>
      %reduce_max3A_216 = arith.xori %reduce_max3A_215, %reduce_max3A_213 : vector<16xi32>
      %reduce_max3A_217 = vector.extract %reduce_max3A_216[15] : i32 from vector<16xi32>
      %shift_right_arithmetic3A_218 = arith.constant 3 : i32
      %shift_right_arithmetic3A_219 = arith.shrsi %reduce_max3A_217, %shift_right_arithmetic3A_218 : i32
      %dma_start3A_220 = arith.constant 4 : i32
      %dma_start3A_221 = arith.constant 4 : i32
      %dma_start3A_222 = arith.constant 0 : i32
      %dma_start3A_223 = arith.constant 0 : i32
      %dma_start3A_224 = tpu.memref_slice %arg6[%dma_start3A_220, %dma_start3A_222, %dma_start3A_223] : memref<16x8x64xf32, #tpu.memory_space<vmem>> -> memref<1x8x64xf32, #tpu.memory_space<vmem>>
      %dma_start3A_225 = tpu.memref_squeeze %dma_start3A_224 : memref<1x8x64xf32, #tpu.memory_space<vmem>> -> memref<8x64xf32, #tpu.memory_space<vmem>>
      %dma_start3A_226 = arith.constant 0 : i32
      %dma_start3A_227 = arith.constant 0 : i32
      %dma_start3A_228 = tpu.memref_slice %arg3[%shift_right_arithmetic3A_219, %dma_start3A_226, %dma_start3A_227] : memref<325000x8x64xf32, #tpu.memory_space<hbm>> -> memref<1x8x64xf32, #tpu.memory_space<hbm>>
      %dma_start3A_229 = tpu.memref_squeeze %dma_start3A_228 : memref<1x8x64xf32, #tpu.memory_space<hbm>> -> memref<8x64xf32, #tpu.memory_space<hbm>>
      %dma_start3A_230 = tpu.memref_slice %arg8[%dma_start3A_221] : memref<16x!tpu.dma_semaphore, #tpu.memory_space<semaphore_mem>> -> memref<1x!tpu.dma_semaphore, #tpu.memory_space<semaphore_mem>>
      %dma_start3A_231 = tpu.memref_squeeze %dma_start3A_230 : memref<1x!tpu.dma_semaphore, #tpu.memory_space<semaphore_mem>> -> memref<!tpu.dma_semaphore, #tpu.memory_space<semaphore_mem>>
      %dma_start3A_232 = arith.constant 0 : i32
      %dma_start3A_233 = arith.constant 0 : i32
      %dma_start3A_234 = tpu.memref_slice %arg6[%dma_start3A_220, %dma_start3A_232, %dma_start3A_233] : memref<16x8x64xf32, #tpu.memory_space<vmem>> -> memref<1x8x64xf32, #tpu.memory_space<vmem>>
      %dma_start3A_235 = tpu.memref_squeeze %dma_start3A_234 : memref<1x8x64xf32, #tpu.memory_space<vmem>> -> memref<8x64xf32, #tpu.memory_space<vmem>>
      %dma_start3A_236 = arith.constant 0 : i32
      %dma_start3A_237 = arith.constant 0 : i32
      %dma_start3A_238 = tpu.memref_slice %arg3[%shift_right_arithmetic3A_219, %dma_start3A_236, %dma_start3A_237] : memref<325000x8x64xf32, #tpu.memory_space<hbm>> -> memref<1x8x64xf32, #tpu.memory_space<hbm>>
      %dma_start3A_239 = tpu.memref_squeeze %dma_start3A_238 : memref<1x8x64xf32, #tpu.memory_space<hbm>> -> memref<8x64xf32, #tpu.memory_space<hbm>>
      tpu.enqueue_dma source(%dma_start3A_239 : memref<8x64xf32, #tpu.memory_space<hbm>>) target(%dma_start3A_235 : memref<8x64xf32, #tpu.memory_space<vmem>>) target_semaphore(%dma_start3A_231 : memref<!tpu.dma_semaphore, #tpu.memory_space<semaphore_mem>>)
      %and3A_240 = arith.constant 7 : i32
      %and3A_241 = arith.andi %reduce_max3A_217, %and3A_240 : i32
      %eq3A_242 = arith.constant 5 : i32
      %eq3A_243 = vector.broadcast %eq3A_242 : i32 to vector<16xi32>
      %eq3A_244 = arith.cmpi eq, %iota3A, %eq3A_243 : vector<16xi32>
      %jit3A_245 = arith.constant 0 : i32
      %broadcast_in_dim3A_246 = vector.broadcast %jit3A_245 : i32 to vector<16xi32>
      %select_n3A_247 = arith.select %eq3A_244, %get3A_58, %broadcast_in_dim3A_246 : vector<16xi1>, vector<16xi32>
      %reduce_max3A_248 = arith.constant true
      %reduce_max3A_249 = vector.broadcast %reduce_max3A_248 : i1 to vector<16xi1>
      %reduce_max3A_250 = arith.constant -2147483648 : i32
      %reduce_max3A_251 = vector.broadcast %reduce_max3A_250 : i32 to vector<16xi32>
      %reduce_max3A_252 = arith.xori %select_n3A_247, %reduce_max3A_251 : vector<16xi32>
      %reduce_max3A_253 = tpu.scan <max>, %reduce_max3A_252 masked %reduce_max3A_249 : vector<16xi32>, vector<16xi1> -> vector<16xi32>
      %reduce_max3A_254 = arith.xori %reduce_max3A_253, %reduce_max3A_251 : vector<16xi32>
      %reduce_max3A_255 = vector.extract %reduce_max3A_254[15] : i32 from vector<16xi32>
      %shift_right_arithmetic3A_256 = arith.constant 3 : i32
      %shift_right_arithmetic3A_257 = arith.shrsi %reduce_max3A_255, %shift_right_arithmetic3A_256 : i32
      %dma_start3A_258 = arith.constant 5 : i32
      %dma_start3A_259 = arith.constant 5 : i32
      %dma_start3A_260 = arith.constant 0 : i32
      %dma_start3A_261 = arith.constant 0 : i32
      %dma_start3A_262 = tpu.memref_slice %arg6[%dma_start3A_258, %dma_start3A_260, %dma_start3A_261] : memref<16x8x64xf32, #tpu.memory_space<vmem>> -> memref<1x8x64xf32, #tpu.memory_space<vmem>>
      %dma_start3A_263 = tpu.memref_squeeze %dma_start3A_262 : memref<1x8x64xf32, #tpu.memory_space<vmem>> -> memref<8x64xf32, #tpu.memory_space<vmem>>
      %dma_start3A_264 = arith.constant 0 : i32
      %dma_start3A_265 = arith.constant 0 : i32
      %dma_start3A_266 = tpu.memref_slice %arg3[%shift_right_arithmetic3A_257, %dma_start3A_264, %dma_start3A_265] : memref<325000x8x64xf32, #tpu.memory_space<hbm>> -> memref<1x8x64xf32, #tpu.memory_space<hbm>>
      %dma_start3A_267 = tpu.memref_squeeze %dma_start3A_266 : memref<1x8x64xf32, #tpu.memory_space<hbm>> -> memref<8x64xf32, #tpu.memory_space<hbm>>
      %dma_start3A_268 = tpu.memref_slice %arg8[%dma_start3A_259] : memref<16x!tpu.dma_semaphore, #tpu.memory_space<semaphore_mem>> -> memref<1x!tpu.dma_semaphore, #tpu.memory_space<semaphore_mem>>
      %dma_start3A_269 = tpu.memref_squeeze %dma_start3A_268 : memref<1x!tpu.dma_semaphore, #tpu.memory_space<semaphore_mem>> -> memref<!tpu.dma_semaphore, #tpu.memory_space<semaphore_mem>>
      %dma_start3A_270 = arith.constant 0 : i32
      %dma_start3A_271 = arith.constant 0 : i32
      %dma_start3A_272 = tpu.memref_slice %arg6[%dma_start3A_258, %dma_start3A_270, %dma_start3A_271] : memref<16x8x64xf32, #tpu.memory_space<vmem>> -> memref<1x8x64xf32, #tpu.memory_space<vmem>>
      %dma_start3A_273 = tpu.memref_squeeze %dma_start3A_272 : memref<1x8x64xf32, #tpu.memory_space<vmem>> -> memref<8x64xf32, #tpu.memory_space<vmem>>
      %dma_start3A_274 = arith.constant 0 : i32
      %dma_start3A_275 = arith.constant 0 : i32
      %dma_start3A_276 = tpu.memref_slice %arg3[%shift_right_arithmetic3A_257, %dma_start3A_274, %dma_start3A_275] : memref<325000x8x64xf32, #tpu.memory_space<hbm>> -> memref<1x8x64xf32, #tpu.memory_space<hbm>>
      %dma_start3A_277 = tpu.memref_squeeze %dma_start3A_276 : memref<1x8x64xf32, #tpu.memory_space<hbm>> -> memref<8x64xf32, #tpu.memory_space<hbm>>
      tpu.enqueue_dma source(%dma_start3A_277 : memref<8x64xf32, #tpu.memory_space<hbm>>) target(%dma_start3A_273 : memref<8x64xf32, #tpu.memory_space<vmem>>) target_semaphore(%dma_start3A_269 : memref<!tpu.dma_semaphore, #tpu.memory_space<semaphore_mem>>)
      %and3A_278 = arith.constant 7 : i32
      %and3A_279 = arith.andi %reduce_max3A_255, %and3A_278 : i32
      %eq3A_280 = arith.constant 6 : i32
      %eq3A_281 = vector.broadcast %eq3A_280 : i32 to vector<16xi32>
      %eq3A_282 = arith.cmpi eq, %iota3A, %eq3A_281 : vector<16xi32>
      %jit3A_283 = arith.constant 0 : i32
      %broadcast_in_dim3A_284 = vector.broadcast %jit3A_283 : i32 to vector<16xi32>
      %select_n3A_285 = arith.select %eq3A_282, %get3A_58, %broadcast_in_dim3A_284 : vector<16xi1>, vector<16xi32>
      %reduce_max3A_286 = arith.constant true
      %reduce_max3A_287 = vector.broadcast %reduce_max3A_286 : i1 to vector<16xi1>
      %reduce_max3A_288 = arith.constant -2147483648 : i32
      %reduce_max3A_289 = vector.broadcast %reduce_max3A_288 : i32 to vector<16xi32>
      %reduce_max3A_290 = arith.xori %select_n3A_285, %reduce_max3A_289 : vector<16xi32>
      %reduce_max3A_291 = tpu.scan <max>, %reduce_max3A_290 masked %reduce_max3A_287 : vector<16xi32>, vector<16xi1> -> vector<16xi32>
      %reduce_max3A_292 = arith.xori %reduce_max3A_291, %reduce_max3A_289 : vector<16xi32>
      %reduce_max3A_293 = vector.extract %reduce_max3A_292[15] : i32 from vector<16xi32>
      %shift_right_arithmetic3A_294 = arith.constant 3 : i32
      %shift_right_arithmetic3A_295 = arith.shrsi %reduce_max3A_293, %shift_right_arithmetic3A_294 : i32
      %dma_start3A_296 = arith.constant 6 : i32
      %dma_start3A_297 = arith.constant 6 : i32
      %dma_start3A_298 = arith.constant 0 : i32
      %dma_start3A_299 = arith.constant 0 : i32
      %dma_start3A_300 = tpu.memref_slice %arg6[%dma_start3A_296, %dma_start3A_298, %dma_start3A_299] : memref<16x8x64xf32, #tpu.memory_space<vmem>> -> memref<1x8x64xf32, #tpu.memory_space<vmem>>
      %dma_start3A_301 = tpu.memref_squeeze %dma_start3A_300 : memref<1x8x64xf32, #tpu.memory_space<vmem>> -> memref<8x64xf32, #tpu.memory_space<vmem>>
      %dma_start3A_302 = arith.constant 0 : i32
      %dma_start3A_303 = arith.constant 0 : i32
      %dma_start3A_304 = tpu.memref_slice %arg3[%shift_right_arithmetic3A_295, %dma_start3A_302, %dma_start3A_303] : memref<325000x8x64xf32, #tpu.memory_space<hbm>> -> memref<1x8x64xf32, #tpu.memory_space<hbm>>
      %dma_start3A_305 = tpu.memref_squeeze %dma_start3A_304 : memref<1x8x64xf32, #tpu.memory_space<hbm>> -> memref<8x64xf32, #tpu.memory_space<hbm>>
      %dma_start3A_306 = tpu.memref_slice %arg8[%dma_start3A_297] : memref<16x!tpu.dma_semaphore, #tpu.memory_space<semaphore_mem>> -> memref<1x!tpu.dma_semaphore, #tpu.memory_space<semaphore_mem>>
      %dma_start3A_307 = tpu.memref_squeeze %dma_start3A_306 : memref<1x!tpu.dma_semaphore, #tpu.memory_space<semaphore_mem>> -> memref<!tpu.dma_semaphore, #tpu.memory_space<semaphore_mem>>
      %dma_start3A_308 = arith.constant 0 : i32
      %dma_start3A_309 = arith.constant 0 : i32
      %dma_start3A_310 = tpu.memref_slice %arg6[%dma_start3A_296, %dma_start3A_308, %dma_start3A_309] : memref<16x8x64xf32, #tpu.memory_space<vmem>> -> memref<1x8x64xf32, #tpu.memory_space<vmem>>
      %dma_start3A_311 = tpu.memref_squeeze %dma_start3A_310 : memref<1x8x64xf32, #tpu.memory_space<vmem>> -> memref<8x64xf32, #tpu.memory_space<vmem>>
      %dma_start3A_312 = arith.constant 0 : i32
      %dma_start3A_313 = arith.constant 0 : i32
      %dma_start3A_314 = tpu.memref_slice %arg3[%shift_right_arithmetic3A_295, %dma_start3A_312, %dma_start3A_313] : memref<325000x8x64xf32, #tpu.memory_space<hbm>> -> memref<1x8x64xf32, #tpu.memory_space<hbm>>
      %dma_start3A_315 = tpu.memref_squeeze %dma_start3A_314 : memref<1x8x64xf32, #tpu.memory_space<hbm>> -> memref<8x64xf32, #tpu.memory_space<hbm>>
      tpu.enqueue_dma source(%dma_start3A_315 : memref<8x64xf32, #tpu.memory_space<hbm>>) target(%dma_start3A_311 : memref<8x64xf32, #tpu.memory_space<vmem>>) target_semaphore(%dma_start3A_307 : memref<!tpu.dma_semaphore, #tpu.memory_space<semaphore_mem>>)
      %and3A_316 = arith.constant 7 : i32
      %and3A_317 = arith.andi %reduce_max3A_293, %and3A_316 : i32
      %eq3A_318 = arith.constant 7 : i32
      %eq3A_319 = vector.broadcast %eq3A_318 : i32 to vector<16xi32>
      %eq3A_320 = arith.cmpi eq, %iota3A, %eq3A_319 : vector<16xi32>
      %jit3A_321 = arith.constant 0 : i32
      %broadcast_in_dim3A_322 = vector.broadcast %jit3A_321 : i32 to vector<16xi32>
      %select_n3A_323 = arith.select %eq3A_320, %get3A_58, %broadcast_in_dim3A_322 : vector<16xi1>, vector<16xi32>
      %reduce_max3A_324 = arith.constant true
      %reduce_max3A_325 = vector.broadcast %reduce_max3A_324 : i1 to vector<16xi1>
      %reduce_max3A_326 = arith.constant -2147483648 : i32
      %reduce_max3A_327 = vector.broadcast %reduce_max3A_326 : i32 to vector<16xi32>
      %reduce_max3A_328 = arith.xori %select_n3A_323, %reduce_max3A_327 : vector<16xi32>
      %reduce_max3A_329 = tpu.scan <max>, %reduce_max3A_328 masked %reduce_max3A_325 : vector<16xi32>, vector<16xi1> -> vector<16xi32>
      %reduce_max3A_330 = arith.xori %reduce_max3A_329, %reduce_max3A_327 : vector<16xi32>
      %reduce_max3A_331 = vector.extract %reduce_max3A_330[15] : i32 from vector<16xi32>
      %shift_right_arithmetic3A_332 = arith.constant 3 : i32
      %shift_right_arithmetic3A_333 = arith.shrsi %reduce_max3A_331, %shift_right_arithmetic3A_332 : i32
      %dma_start3A_334 = arith.constant 7 : i32
      %dma_start3A_335 = arith.constant 7 : i32
      %dma_start3A_336 = arith.constant 0 : i32
      %dma_start3A_337 = arith.constant 0 : i32
      %dma_start3A_338 = tpu.memref_slice %arg6[%dma_start3A_334, %dma_start3A_336, %dma_start3A_337] : memref<16x8x64xf32, #tpu.memory_space<vmem>> -> memref<1x8x64xf32, #tpu.memory_space<vmem>>
      %dma_start3A_339 = tpu.memref_squeeze %dma_start3A_338 : memref<1x8x64xf32, #tpu.memory_space<vmem>> -> memref<8x64xf32, #tpu.memory_space<vmem>>
      %dma_start3A_340 = arith.constant 0 : i32
      %dma_start3A_341 = arith.constant 0 : i32
      %dma_start3A_342 = tpu.memref_slice %arg3[%shift_right_arithmetic3A_333, %dma_start3A_340, %dma_start3A_341] : memref<325000x8x64xf32, #tpu.memory_space<hbm>> -> memref<1x8x64xf32, #tpu.memory_space<hbm>>
      %dma_start3A_343 = tpu.memref_squeeze %dma_start3A_342 : memref<1x8x64xf32, #tpu.memory_space<hbm>> -> memref<8x64xf32, #tpu.memory_space<hbm>>
      %dma_start3A_344 = tpu.memref_slice %arg8[%dma_start3A_335] : memref<16x!tpu.dma_semaphore, #tpu.memory_space<semaphore_mem>> -> memref<1x!tpu.dma_semaphore, #tpu.memory_space<semaphore_mem>>
      %dma_start3A_345 = tpu.memref_squeeze %dma_start3A_344 : memref<1x!tpu.dma_semaphore, #tpu.memory_space<semaphore_mem>> -> memref<!tpu.dma_semaphore, #tpu.memory_space<semaphore_mem>>
      %dma_start3A_346 = arith.constant 0 : i32
      %dma_start3A_347 = arith.constant 0 : i32
      %dma_start3A_348 = tpu.memref_slice %arg6[%dma_start3A_334, %dma_start3A_346, %dma_start3A_347] : memref<16x8x64xf32, #tpu.memory_space<vmem>> -> memref<1x8x64xf32, #tpu.memory_space<vmem>>
      %dma_start3A_349 = tpu.memref_squeeze %dma_start3A_348 : memref<1x8x64xf32, #tpu.memory_space<vmem>> -> memref<8x64xf32, #tpu.memory_space<vmem>>
      %dma_start3A_350 = arith.constant 0 : i32
      %dma_start3A_351 = arith.constant 0 : i32
      %dma_start3A_352 = tpu.memref_slice %arg3[%shift_right_arithmetic3A_333, %dma_start3A_350, %dma_start3A_351] : memref<325000x8x64xf32, #tpu.memory_space<hbm>> -> memref<1x8x64xf32, #tpu.memory_space<hbm>>
      %dma_start3A_353 = tpu.memref_squeeze %dma_start3A_352 : memref<1x8x64xf32, #tpu.memory_space<hbm>> -> memref<8x64xf32, #tpu.memory_space<hbm>>
      tpu.enqueue_dma source(%dma_start3A_353 : memref<8x64xf32, #tpu.memory_space<hbm>>) target(%dma_start3A_349 : memref<8x64xf32, #tpu.memory_space<vmem>>) target_semaphore(%dma_start3A_345 : memref<!tpu.dma_semaphore, #tpu.memory_space<semaphore_mem>>)
      %and3A_354 = arith.constant 7 : i32
      %and3A_355 = arith.andi %reduce_max3A_331, %and3A_354 : i32
      %eq3A_356 = arith.constant 8 : i32
      %eq3A_357 = vector.broadcast %eq3A_356 : i32 to vector<16xi32>
      %eq3A_358 = arith.cmpi eq, %iota3A, %eq3A_357 : vector<16xi32>
      %jit3A_359 = arith.constant 0 : i32
      %broadcast_in_dim3A_360 = vector.broadcast %jit3A_359 : i32 to vector<16xi32>
      %select_n3A_361 = arith.select %eq3A_358, %get3A_58, %broadcast_in_dim3A_360 : vector<16xi1>, vector<16xi32>
      %reduce_max3A_362 = arith.constant true
      %reduce_max3A_363 = vector.broadcast %reduce_max3A_362 : i1 to vector<16xi1>
      %reduce_max3A_364 = arith.constant -2147483648 : i32
      %reduce_max3A_365 = vector.broadcast %reduce_max3A_364 : i32 to vector<16xi32>
      %reduce_max3A_366 = arith.xori %select_n3A_361, %reduce_max3A_365 : vector<16xi32>
      %reduce_max3A_367 = tpu.scan <max>, %reduce_max3A_366 masked %reduce_max3A_363 : vector<16xi32>, vector<16xi1> -> vector<16xi32>
      %reduce_max3A_368 = arith.xori %reduce_max3A_367, %reduce_max3A_365 : vector<16xi32>
      %reduce_max3A_369 = vector.extract %reduce_max3A_368[15] : i32 from vector<16xi32>
      %shift_right_arithmetic3A_370 = arith.constant 3 : i32
      %shift_right_arithmetic3A_371 = arith.shrsi %reduce_max3A_369, %shift_right_arithmetic3A_370 : i32
      %dma_start3A_372 = arith.constant 8 : i32
      %dma_start3A_373 = arith.constant 8 : i32
      %dma_start3A_374 = arith.constant 0 : i32
      %dma_start3A_375 = arith.constant 0 : i32
      %dma_start3A_376 = tpu.memref_slice %arg6[%dma_start3A_372, %dma_start3A_374, %dma_start3A_375] : memref<16x8x64xf32, #tpu.memory_space<vmem>> -> memref<1x8x64xf32, #tpu.memory_space<vmem>>
      %dma_start3A_377 = tpu.memref_squeeze %dma_start3A_376 : memref<1x8x64xf32, #tpu.memory_space<vmem>> -> memref<8x64xf32, #tpu.memory_space<vmem>>
      %dma_start3A_378 = arith.constant 0 : i32
      %dma_start3A_379 = arith.constant 0 : i32
      %dma_start3A_380 = tpu.memref_slice %arg3[%shift_right_arithmetic3A_371, %dma_start3A_378, %dma_start3A_379] : memref<325000x8x64xf32, #tpu.memory_space<hbm>> -> memref<1x8x64xf32, #tpu.memory_space<hbm>>
      %dma_start3A_381 = tpu.memref_squeeze %dma_start3A_380 : memref<1x8x64xf32, #tpu.memory_space<hbm>> -> memref<8x64xf32, #tpu.memory_space<hbm>>
      %dma_start3A_382 = tpu.memref_slice %arg8[%dma_start3A_373] : memref<16x!tpu.dma_semaphore, #tpu.memory_space<semaphore_mem>> -> memref<1x!tpu.dma_semaphore, #tpu.memory_space<semaphore_mem>>
      %dma_start3A_383 = tpu.memref_squeeze %dma_start3A_382 : memref<1x!tpu.dma_semaphore, #tpu.memory_space<semaphore_mem>> -> memref<!tpu.dma_semaphore, #tpu.memory_space<semaphore_mem>>
      %dma_start3A_384 = arith.constant 0 : i32
      %dma_start3A_385 = arith.constant 0 : i32
      %dma_start3A_386 = tpu.memref_slice %arg6[%dma_start3A_372, %dma_start3A_384, %dma_start3A_385] : memref<16x8x64xf32, #tpu.memory_space<vmem>> -> memref<1x8x64xf32, #tpu.memory_space<vmem>>
      %dma_start3A_387 = tpu.memref_squeeze %dma_start3A_386 : memref<1x8x64xf32, #tpu.memory_space<vmem>> -> memref<8x64xf32, #tpu.memory_space<vmem>>
      %dma_start3A_388 = arith.constant 0 : i32
      %dma_start3A_389 = arith.constant 0 : i32
      %dma_start3A_390 = tpu.memref_slice %arg3[%shift_right_arithmetic3A_371, %dma_start3A_388, %dma_start3A_389] : memref<325000x8x64xf32, #tpu.memory_space<hbm>> -> memref<1x8x64xf32, #tpu.memory_space<hbm>>
      %dma_start3A_391 = tpu.memref_squeeze %dma_start3A_390 : memref<1x8x64xf32, #tpu.memory_space<hbm>> -> memref<8x64xf32, #tpu.memory_space<hbm>>
      tpu.enqueue_dma source(%dma_start3A_391 : memref<8x64xf32, #tpu.memory_space<hbm>>) target(%dma_start3A_387 : memref<8x64xf32, #tpu.memory_space<vmem>>) target_semaphore(%dma_start3A_383 : memref<!tpu.dma_semaphore, #tpu.memory_space<semaphore_mem>>)
      %and3A_392 = arith.constant 7 : i32
      %and3A_393 = arith.andi %reduce_max3A_369, %and3A_392 : i32
      %eq3A_394 = arith.constant 9 : i32
      %eq3A_395 = vector.broadcast %eq3A_394 : i32 to vector<16xi32>
      %eq3A_396 = arith.cmpi eq, %iota3A, %eq3A_395 : vector<16xi32>
      %jit3A_397 = arith.constant 0 : i32
      %broadcast_in_dim3A_398 = vector.broadcast %jit3A_397 : i32 to vector<16xi32>
      %select_n3A_399 = arith.select %eq3A_396, %get3A_58, %broadcast_in_dim3A_398 : vector<16xi1>, vector<16xi32>
      %reduce_max3A_400 = arith.constant true
      %reduce_max3A_401 = vector.broadcast %reduce_max3A_400 : i1 to vector<16xi1>
      %reduce_max3A_402 = arith.constant -2147483648 : i32
      %reduce_max3A_403 = vector.broadcast %reduce_max3A_402 : i32 to vector<16xi32>
      %reduce_max3A_404 = arith.xori %select_n3A_399, %reduce_max3A_403 : vector<16xi32>
      %reduce_max3A_405 = tpu.scan <max>, %reduce_max3A_404 masked %reduce_max3A_401 : vector<16xi32>, vector<16xi1> -> vector<16xi32>
      %reduce_max3A_406 = arith.xori %reduce_max3A_405, %reduce_max3A_403 : vector<16xi32>
      %reduce_max3A_407 = vector.extract %reduce_max3A_406[15] : i32 from vector<16xi32>
      %shift_right_arithmetic3A_408 = arith.constant 3 : i32
      %shift_right_arithmetic3A_409 = arith.shrsi %reduce_max3A_407, %shift_right_arithmetic3A_408 : i32
      %dma_start3A_410 = arith.constant 9 : i32
      %dma_start3A_411 = arith.constant 9 : i32
      %dma_start3A_412 = arith.constant 0 : i32
      %dma_start3A_413 = arith.constant 0 : i32
      %dma_start3A_414 = tpu.memref_slice %arg6[%dma_start3A_410, %dma_start3A_412, %dma_start3A_413] : memref<16x8x64xf32, #tpu.memory_space<vmem>> -> memref<1x8x64xf32, #tpu.memory_space<vmem>>
      %dma_start3A_415 = tpu.memref_squeeze %dma_start3A_414 : memref<1x8x64xf32, #tpu.memory_space<vmem>> -> memref<8x64xf32, #tpu.memory_space<vmem>>
      %dma_start3A_416 = arith.constant 0 : i32
      %dma_start3A_417 = arith.constant 0 : i32
      %dma_start3A_418 = tpu.memref_slice %arg3[%shift_right_arithmetic3A_409, %dma_start3A_416, %dma_start3A_417] : memref<325000x8x64xf32, #tpu.memory_space<hbm>> -> memref<1x8x64xf32, #tpu.memory_space<hbm>>
      %dma_start3A_419 = tpu.memref_squeeze %dma_start3A_418 : memref<1x8x64xf32, #tpu.memory_space<hbm>> -> memref<8x64xf32, #tpu.memory_space<hbm>>
      %dma_start3A_420 = tpu.memref_slice %arg8[%dma_start3A_411] : memref<16x!tpu.dma_semaphore, #tpu.memory_space<semaphore_mem>> -> memref<1x!tpu.dma_semaphore, #tpu.memory_space<semaphore_mem>>
      %dma_start3A_421 = tpu.memref_squeeze %dma_start3A_420 : memref<1x!tpu.dma_semaphore, #tpu.memory_space<semaphore_mem>> -> memref<!tpu.dma_semaphore, #tpu.memory_space<semaphore_mem>>
      %dma_start3A_422 = arith.constant 0 : i32
      %dma_start3A_423 = arith.constant 0 : i32
      %dma_start3A_424 = tpu.memref_slice %arg6[%dma_start3A_410, %dma_start3A_422, %dma_start3A_423] : memref<16x8x64xf32, #tpu.memory_space<vmem>> -> memref<1x8x64xf32, #tpu.memory_space<vmem>>
      %dma_start3A_425 = tpu.memref_squeeze %dma_start3A_424 : memref<1x8x64xf32, #tpu.memory_space<vmem>> -> memref<8x64xf32, #tpu.memory_space<vmem>>
      %dma_start3A_426 = arith.constant 0 : i32
      %dma_start3A_427 = arith.constant 0 : i32
      %dma_start3A_428 = tpu.memref_slice %arg3[%shift_right_arithmetic3A_409, %dma_start3A_426, %dma_start3A_427] : memref<325000x8x64xf32, #tpu.memory_space<hbm>> -> memref<1x8x64xf32, #tpu.memory_space<hbm>>
      %dma_start3A_429 = tpu.memref_squeeze %dma_start3A_428 : memref<1x8x64xf32, #tpu.memory_space<hbm>> -> memref<8x64xf32, #tpu.memory_space<hbm>>
      tpu.enqueue_dma source(%dma_start3A_429 : memref<8x64xf32, #tpu.memory_space<hbm>>) target(%dma_start3A_425 : memref<8x64xf32, #tpu.memory_space<vmem>>) target_semaphore(%dma_start3A_421 : memref<!tpu.dma_semaphore, #tpu.memory_space<semaphore_mem>>)
      %and3A_430 = arith.constant 7 : i32
      %and3A_431 = arith.andi %reduce_max3A_407, %and3A_430 : i32
      %eq3A_432 = arith.constant 10 : i32
      %eq3A_433 = vector.broadcast %eq3A_432 : i32 to vector<16xi32>
      %eq3A_434 = arith.cmpi eq, %iota3A, %eq3A_433 : vector<16xi32>
      %jit3A_435 = arith.constant 0 : i32
      %broadcast_in_dim3A_436 = vector.broadcast %jit3A_435 : i32 to vector<16xi32>
      %select_n3A_437 = arith.select %eq3A_434, %get3A_58, %broadcast_in_dim3A_436 : vector<16xi1>, vector<16xi32>
      %reduce_max3A_438 = arith.constant true
      %reduce_max3A_439 = vector.broadcast %reduce_max3A_438 : i1 to vector<16xi1>
      %reduce_max3A_440 = arith.constant -2147483648 : i32
      %reduce_max3A_441 = vector.broadcast %reduce_max3A_440 : i32 to vector<16xi32>
      %reduce_max3A_442 = arith.xori %select_n3A_437, %reduce_max3A_441 : vector<16xi32>
      %reduce_max3A_443 = tpu.scan <max>, %reduce_max3A_442 masked %reduce_max3A_439 : vector<16xi32>, vector<16xi1> -> vector<16xi32>
      %reduce_max3A_444 = arith.xori %reduce_max3A_443, %reduce_max3A_441 : vector<16xi32>
      %reduce_max3A_445 = vector.extract %reduce_max3A_444[15] : i32 from vector<16xi32>
      %shift_right_arithmetic3A_446 = arith.constant 3 : i32
      %shift_right_arithmetic3A_447 = arith.shrsi %reduce_max3A_445, %shift_right_arithmetic3A_446 : i32
      %dma_start3A_448 = arith.constant 10 : i32
      %dma_start3A_449 = arith.constant 10 : i32
      %dma_start3A_450 = arith.constant 0 : i32
      %dma_start3A_451 = arith.constant 0 : i32
      %dma_start3A_452 = tpu.memref_slice %arg6[%dma_start3A_448, %dma_start3A_450, %dma_start3A_451] : memref<16x8x64xf32, #tpu.memory_space<vmem>> -> memref<1x8x64xf32, #tpu.memory_space<vmem>>
      %dma_start3A_453 = tpu.memref_squeeze %dma_start3A_452 : memref<1x8x64xf32, #tpu.memory_space<vmem>> -> memref<8x64xf32, #tpu.memory_space<vmem>>
      %dma_start3A_454 = arith.constant 0 : i32
      %dma_start3A_455 = arith.constant 0 : i32
      %dma_start3A_456 = tpu.memref_slice %arg3[%shift_right_arithmetic3A_447, %dma_start3A_454, %dma_start3A_455] : memref<325000x8x64xf32, #tpu.memory_space<hbm>> -> memref<1x8x64xf32, #tpu.memory_space<hbm>>
      %dma_start3A_457 = tpu.memref_squeeze %dma_start3A_456 : memref<1x8x64xf32, #tpu.memory_space<hbm>> -> memref<8x64xf32, #tpu.memory_space<hbm>>
      %dma_start3A_458 = tpu.memref_slice %arg8[%dma_start3A_449] : memref<16x!tpu.dma_semaphore, #tpu.memory_space<semaphore_mem>> -> memref<1x!tpu.dma_semaphore, #tpu.memory_space<semaphore_mem>>
      %dma_start3A_459 = tpu.memref_squeeze %dma_start3A_458 : memref<1x!tpu.dma_semaphore, #tpu.memory_space<semaphore_mem>> -> memref<!tpu.dma_semaphore, #tpu.memory_space<semaphore_mem>>
      %dma_start3A_460 = arith.constant 0 : i32
      %dma_start3A_461 = arith.constant 0 : i32
      %dma_start3A_462 = tpu.memref_slice %arg6[%dma_start3A_448, %dma_start3A_460, %dma_start3A_461] : memref<16x8x64xf32, #tpu.memory_space<vmem>> -> memref<1x8x64xf32, #tpu.memory_space<vmem>>
      %dma_start3A_463 = tpu.memref_squeeze %dma_start3A_462 : memref<1x8x64xf32, #tpu.memory_space<vmem>> -> memref<8x64xf32, #tpu.memory_space<vmem>>
      %dma_start3A_464 = arith.constant 0 : i32
      %dma_start3A_465 = arith.constant 0 : i32
      %dma_start3A_466 = tpu.memref_slice %arg3[%shift_right_arithmetic3A_447, %dma_start3A_464, %dma_start3A_465] : memref<325000x8x64xf32, #tpu.memory_space<hbm>> -> memref<1x8x64xf32, #tpu.memory_space<hbm>>
      %dma_start3A_467 = tpu.memref_squeeze %dma_start3A_466 : memref<1x8x64xf32, #tpu.memory_space<hbm>> -> memref<8x64xf32, #tpu.memory_space<hbm>>
      tpu.enqueue_dma source(%dma_start3A_467 : memref<8x64xf32, #tpu.memory_space<hbm>>) target(%dma_start3A_463 : memref<8x64xf32, #tpu.memory_space<vmem>>) target_semaphore(%dma_start3A_459 : memref<!tpu.dma_semaphore, #tpu.memory_space<semaphore_mem>>)
      %and3A_468 = arith.constant 7 : i32
      %and3A_469 = arith.andi %reduce_max3A_445, %and3A_468 : i32
      %eq3A_470 = arith.constant 11 : i32
      %eq3A_471 = vector.broadcast %eq3A_470 : i32 to vector<16xi32>
      %eq3A_472 = arith.cmpi eq, %iota3A, %eq3A_471 : vector<16xi32>
      %jit3A_473 = arith.constant 0 : i32
      %broadcast_in_dim3A_474 = vector.broadcast %jit3A_473 : i32 to vector<16xi32>
      %select_n3A_475 = arith.select %eq3A_472, %get3A_58, %broadcast_in_dim3A_474 : vector<16xi1>, vector<16xi32>
      %reduce_max3A_476 = arith.constant true
      %reduce_max3A_477 = vector.broadcast %reduce_max3A_476 : i1 to vector<16xi1>
      %reduce_max3A_478 = arith.constant -2147483648 : i32
      %reduce_max3A_479 = vector.broadcast %reduce_max3A_478 : i32 to vector<16xi32>
      %reduce_max3A_480 = arith.xori %select_n3A_475, %reduce_max3A_479 : vector<16xi32>
      %reduce_max3A_481 = tpu.scan <max>, %reduce_max3A_480 masked %reduce_max3A_477 : vector<16xi32>, vector<16xi1> -> vector<16xi32>
      %reduce_max3A_482 = arith.xori %reduce_max3A_481, %reduce_max3A_479 : vector<16xi32>
      %reduce_max3A_483 = vector.extract %reduce_max3A_482[15] : i32 from vector<16xi32>
      %shift_right_arithmetic3A_484 = arith.constant 3 : i32
      %shift_right_arithmetic3A_485 = arith.shrsi %reduce_max3A_483, %shift_right_arithmetic3A_484 : i32
      %dma_start3A_486 = arith.constant 11 : i32
      %dma_start3A_487 = arith.constant 11 : i32
      %dma_start3A_488 = arith.constant 0 : i32
      %dma_start3A_489 = arith.constant 0 : i32
      %dma_start3A_490 = tpu.memref_slice %arg6[%dma_start3A_486, %dma_start3A_488, %dma_start3A_489] : memref<16x8x64xf32, #tpu.memory_space<vmem>> -> memref<1x8x64xf32, #tpu.memory_space<vmem>>
      %dma_start3A_491 = tpu.memref_squeeze %dma_start3A_490 : memref<1x8x64xf32, #tpu.memory_space<vmem>> -> memref<8x64xf32, #tpu.memory_space<vmem>>
      %dma_start3A_492 = arith.constant 0 : i32
      %dma_start3A_493 = arith.constant 0 : i32
      %dma_start3A_494 = tpu.memref_slice %arg3[%shift_right_arithmetic3A_485, %dma_start3A_492, %dma_start3A_493] : memref<325000x8x64xf32, #tpu.memory_space<hbm>> -> memref<1x8x64xf32, #tpu.memory_space<hbm>>
      %dma_start3A_495 = tpu.memref_squeeze %dma_start3A_494 : memref<1x8x64xf32, #tpu.memory_space<hbm>> -> memref<8x64xf32, #tpu.memory_space<hbm>>
      %dma_start3A_496 = tpu.memref_slice %arg8[%dma_start3A_487] : memref<16x!tpu.dma_semaphore, #tpu.memory_space<semaphore_mem>> -> memref<1x!tpu.dma_semaphore, #tpu.memory_space<semaphore_mem>>
      %dma_start3A_497 = tpu.memref_squeeze %dma_start3A_496 : memref<1x!tpu.dma_semaphore, #tpu.memory_space<semaphore_mem>> -> memref<!tpu.dma_semaphore, #tpu.memory_space<semaphore_mem>>
      %dma_start3A_498 = arith.constant 0 : i32
      %dma_start3A_499 = arith.constant 0 : i32
      %dma_start3A_500 = tpu.memref_slice %arg6[%dma_start3A_486, %dma_start3A_498, %dma_start3A_499] : memref<16x8x64xf32, #tpu.memory_space<vmem>> -> memref<1x8x64xf32, #tpu.memory_space<vmem>>
      %dma_start3A_501 = tpu.memref_squeeze %dma_start3A_500 : memref<1x8x64xf32, #tpu.memory_space<vmem>> -> memref<8x64xf32, #tpu.memory_space<vmem>>
      %dma_start3A_502 = arith.constant 0 : i32
      %dma_start3A_503 = arith.constant 0 : i32
      %dma_start3A_504 = tpu.memref_slice %arg3[%shift_right_arithmetic3A_485, %dma_start3A_502, %dma_start3A_503] : memref<325000x8x64xf32, #tpu.memory_space<hbm>> -> memref<1x8x64xf32, #tpu.memory_space<hbm>>
      %dma_start3A_505 = tpu.memref_squeeze %dma_start3A_504 : memref<1x8x64xf32, #tpu.memory_space<hbm>> -> memref<8x64xf32, #tpu.memory_space<hbm>>
      tpu.enqueue_dma source(%dma_start3A_505 : memref<8x64xf32, #tpu.memory_space<hbm>>) target(%dma_start3A_501 : memref<8x64xf32, #tpu.memory_space<vmem>>) target_semaphore(%dma_start3A_497 : memref<!tpu.dma_semaphore, #tpu.memory_space<semaphore_mem>>)
      %and3A_506 = arith.constant 7 : i32
      %and3A_507 = arith.andi %reduce_max3A_483, %and3A_506 : i32
      %eq3A_508 = arith.constant 12 : i32
      %eq3A_509 = vector.broadcast %eq3A_508 : i32 to vector<16xi32>
      %eq3A_510 = arith.cmpi eq, %iota3A, %eq3A_509 : vector<16xi32>
      %jit3A_511 = arith.constant 0 : i32
      %broadcast_in_dim3A_512 = vector.broadcast %jit3A_511 : i32 to vector<16xi32>
      %select_n3A_513 = arith.select %eq3A_510, %get3A_58, %broadcast_in_dim3A_512 : vector<16xi1>, vector<16xi32>
      %reduce_max3A_514 = arith.constant true
      %reduce_max3A_515 = vector.broadcast %reduce_max3A_514 : i1 to vector<16xi1>
      %reduce_max3A_516 = arith.constant -2147483648 : i32
      %reduce_max3A_517 = vector.broadcast %reduce_max3A_516 : i32 to vector<16xi32>
      %reduce_max3A_518 = arith.xori %select_n3A_513, %reduce_max3A_517 : vector<16xi32>
      %reduce_max3A_519 = tpu.scan <max>, %reduce_max3A_518 masked %reduce_max3A_515 : vector<16xi32>, vector<16xi1> -> vector<16xi32>
      %reduce_max3A_520 = arith.xori %reduce_max3A_519, %reduce_max3A_517 : vector<16xi32>
      %reduce_max3A_521 = vector.extract %reduce_max3A_520[15] : i32 from vector<16xi32>
      %shift_right_arithmetic3A_522 = arith.constant 3 : i32
      %shift_right_arithmetic3A_523 = arith.shrsi %reduce_max3A_521, %shift_right_arithmetic3A_522 : i32
      %dma_start3A_524 = arith.constant 12 : i32
      %dma_start3A_525 = arith.constant 12 : i32
      %dma_start3A_526 = arith.constant 0 : i32
      %dma_start3A_527 = arith.constant 0 : i32
      %dma_start3A_528 = tpu.memref_slice %arg6[%dma_start3A_524, %dma_start3A_526, %dma_start3A_527] : memref<16x8x64xf32, #tpu.memory_space<vmem>> -> memref<1x8x64xf32, #tpu.memory_space<vmem>>
      %dma_start3A_529 = tpu.memref_squeeze %dma_start3A_528 : memref<1x8x64xf32, #tpu.memory_space<vmem>> -> memref<8x64xf32, #tpu.memory_space<vmem>>
      %dma_start3A_530 = arith.constant 0 : i32
      %dma_start3A_531 = arith.constant 0 : i32
      %dma_start3A_532 = tpu.memref_slice %arg3[%shift_right_arithmetic3A_523, %dma_start3A_530, %dma_start3A_531] : memref<325000x8x64xf32, #tpu.memory_space<hbm>> -> memref<1x8x64xf32, #tpu.memory_space<hbm>>
      %dma_start3A_533 = tpu.memref_squeeze %dma_start3A_532 : memref<1x8x64xf32, #tpu.memory_space<hbm>> -> memref<8x64xf32, #tpu.memory_space<hbm>>
      %dma_start3A_534 = tpu.memref_slice %arg8[%dma_start3A_525] : memref<16x!tpu.dma_semaphore, #tpu.memory_space<semaphore_mem>> -> memref<1x!tpu.dma_semaphore, #tpu.memory_space<semaphore_mem>>
      %dma_start3A_535 = tpu.memref_squeeze %dma_start3A_534 : memref<1x!tpu.dma_semaphore, #tpu.memory_space<semaphore_mem>> -> memref<!tpu.dma_semaphore, #tpu.memory_space<semaphore_mem>>
      %dma_start3A_536 = arith.constant 0 : i32
      %dma_start3A_537 = arith.constant 0 : i32
      %dma_start3A_538 = tpu.memref_slice %arg6[%dma_start3A_524, %dma_start3A_536, %dma_start3A_537] : memref<16x8x64xf32, #tpu.memory_space<vmem>> -> memref<1x8x64xf32, #tpu.memory_space<vmem>>
      %dma_start3A_539 = tpu.memref_squeeze %dma_start3A_538 : memref<1x8x64xf32, #tpu.memory_space<vmem>> -> memref<8x64xf32, #tpu.memory_space<vmem>>
      %dma_start3A_540 = arith.constant 0 : i32
      %dma_start3A_541 = arith.constant 0 : i32
      %dma_start3A_542 = tpu.memref_slice %arg3[%shift_right_arithmetic3A_523, %dma_start3A_540, %dma_start3A_541] : memref<325000x8x64xf32, #tpu.memory_space<hbm>> -> memref<1x8x64xf32, #tpu.memory_space<hbm>>
      %dma_start3A_543 = tpu.memref_squeeze %dma_start3A_542 : memref<1x8x64xf32, #tpu.memory_space<hbm>> -> memref<8x64xf32, #tpu.memory_space<hbm>>
      tpu.enqueue_dma source(%dma_start3A_543 : memref<8x64xf32, #tpu.memory_space<hbm>>) target(%dma_start3A_539 : memref<8x64xf32, #tpu.memory_space<vmem>>) target_semaphore(%dma_start3A_535 : memref<!tpu.dma_semaphore, #tpu.memory_space<semaphore_mem>>)
      %and3A_544 = arith.constant 7 : i32
      %and3A_545 = arith.andi %reduce_max3A_521, %and3A_544 : i32
      %eq3A_546 = arith.constant 13 : i32
      %eq3A_547 = vector.broadcast %eq3A_546 : i32 to vector<16xi32>
      %eq3A_548 = arith.cmpi eq, %iota3A, %eq3A_547 : vector<16xi32>
      %jit3A_549 = arith.constant 0 : i32
      %broadcast_in_dim3A_550 = vector.broadcast %jit3A_549 : i32 to vector<16xi32>
      %select_n3A_551 = arith.select %eq3A_548, %get3A_58, %broadcast_in_dim3A_550 : vector<16xi1>, vector<16xi32>
      %reduce_max3A_552 = arith.constant true
      %reduce_max3A_553 = vector.broadcast %reduce_max3A_552 : i1 to vector<16xi1>
      %reduce_max3A_554 = arith.constant -2147483648 : i32
      %reduce_max3A_555 = vector.broadcast %reduce_max3A_554 : i32 to vector<16xi32>
      %reduce_max3A_556 = arith.xori %select_n3A_551, %reduce_max3A_555 : vector<16xi32>
      %reduce_max3A_557 = tpu.scan <max>, %reduce_max3A_556 masked %reduce_max3A_553 : vector<16xi32>, vector<16xi1> -> vector<16xi32>
      %reduce_max3A_558 = arith.xori %reduce_max3A_557, %reduce_max3A_555 : vector<16xi32>
      %reduce_max3A_559 = vector.extract %reduce_max3A_558[15] : i32 from vector<16xi32>
      %shift_right_arithmetic3A_560 = arith.constant 3 : i32
      %shift_right_arithmetic3A_561 = arith.shrsi %reduce_max3A_559, %shift_right_arithmetic3A_560 : i32
      %dma_start3A_562 = arith.constant 13 : i32
      %dma_start3A_563 = arith.constant 13 : i32
      %dma_start3A_564 = arith.constant 0 : i32
      %dma_start3A_565 = arith.constant 0 : i32
      %dma_start3A_566 = tpu.memref_slice %arg6[%dma_start3A_562, %dma_start3A_564, %dma_start3A_565] : memref<16x8x64xf32, #tpu.memory_space<vmem>> -> memref<1x8x64xf32, #tpu.memory_space<vmem>>
      %dma_start3A_567 = tpu.memref_squeeze %dma_start3A_566 : memref<1x8x64xf32, #tpu.memory_space<vmem>> -> memref<8x64xf32, #tpu.memory_space<vmem>>
      %dma_start3A_568 = arith.constant 0 : i32
      %dma_start3A_569 = arith.constant 0 : i32
      %dma_start3A_570 = tpu.memref_slice %arg3[%shift_right_arithmetic3A_561, %dma_start3A_568, %dma_start3A_569] : memref<325000x8x64xf32, #tpu.memory_space<hbm>> -> memref<1x8x64xf32, #tpu.memory_space<hbm>>
      %dma_start3A_571 = tpu.memref_squeeze %dma_start3A_570 : memref<1x8x64xf32, #tpu.memory_space<hbm>> -> memref<8x64xf32, #tpu.memory_space<hbm>>
      %dma_start3A_572 = tpu.memref_slice %arg8[%dma_start3A_563] : memref<16x!tpu.dma_semaphore, #tpu.memory_space<semaphore_mem>> -> memref<1x!tpu.dma_semaphore, #tpu.memory_space<semaphore_mem>>
      %dma_start3A_573 = tpu.memref_squeeze %dma_start3A_572 : memref<1x!tpu.dma_semaphore, #tpu.memory_space<semaphore_mem>> -> memref<!tpu.dma_semaphore, #tpu.memory_space<semaphore_mem>>
      %dma_start3A_574 = arith.constant 0 : i32
      %dma_start3A_575 = arith.constant 0 : i32
      %dma_start3A_576 = tpu.memref_slice %arg6[%dma_start3A_562, %dma_start3A_574, %dma_start3A_575] : memref<16x8x64xf32, #tpu.memory_space<vmem>> -> memref<1x8x64xf32, #tpu.memory_space<vmem>>
      %dma_start3A_577 = tpu.memref_squeeze %dma_start3A_576 : memref<1x8x64xf32, #tpu.memory_space<vmem>> -> memref<8x64xf32, #tpu.memory_space<vmem>>
      %dma_start3A_578 = arith.constant 0 : i32
      %dma_start3A_579 = arith.constant 0 : i32
      %dma_start3A_580 = tpu.memref_slice %arg3[%shift_right_arithmetic3A_561, %dma_start3A_578, %dma_start3A_579] : memref<325000x8x64xf32, #tpu.memory_space<hbm>> -> memref<1x8x64xf32, #tpu.memory_space<hbm>>
      %dma_start3A_581 = tpu.memref_squeeze %dma_start3A_580 : memref<1x8x64xf32, #tpu.memory_space<hbm>> -> memref<8x64xf32, #tpu.memory_space<hbm>>
      tpu.enqueue_dma source(%dma_start3A_581 : memref<8x64xf32, #tpu.memory_space<hbm>>) target(%dma_start3A_577 : memref<8x64xf32, #tpu.memory_space<vmem>>) target_semaphore(%dma_start3A_573 : memref<!tpu.dma_semaphore, #tpu.memory_space<semaphore_mem>>)
      %and3A_582 = arith.constant 7 : i32
      %and3A_583 = arith.andi %reduce_max3A_559, %and3A_582 : i32
      %eq3A_584 = arith.constant 14 : i32
      %eq3A_585 = vector.broadcast %eq3A_584 : i32 to vector<16xi32>
      %eq3A_586 = arith.cmpi eq, %iota3A, %eq3A_585 : vector<16xi32>
      %jit3A_587 = arith.constant 0 : i32
      %broadcast_in_dim3A_588 = vector.broadcast %jit3A_587 : i32 to vector<16xi32>
      %select_n3A_589 = arith.select %eq3A_586, %get3A_58, %broadcast_in_dim3A_588 : vector<16xi1>, vector<16xi32>
      %reduce_max3A_590 = arith.constant true
      %reduce_max3A_591 = vector.broadcast %reduce_max3A_590 : i1 to vector<16xi1>
      %reduce_max3A_592 = arith.constant -2147483648 : i32
      %reduce_max3A_593 = vector.broadcast %reduce_max3A_592 : i32 to vector<16xi32>
      %reduce_max3A_594 = arith.xori %select_n3A_589, %reduce_max3A_593 : vector<16xi32>
      %reduce_max3A_595 = tpu.scan <max>, %reduce_max3A_594 masked %reduce_max3A_591 : vector<16xi32>, vector<16xi1> -> vector<16xi32>
      %reduce_max3A_596 = arith.xori %reduce_max3A_595, %reduce_max3A_593 : vector<16xi32>
      %reduce_max3A_597 = vector.extract %reduce_max3A_596[15] : i32 from vector<16xi32>
      %shift_right_arithmetic3A_598 = arith.constant 3 : i32
      %shift_right_arithmetic3A_599 = arith.shrsi %reduce_max3A_597, %shift_right_arithmetic3A_598 : i32
      %dma_start3A_600 = arith.constant 14 : i32
      %dma_start3A_601 = arith.constant 14 : i32
      %dma_start3A_602 = arith.constant 0 : i32
      %dma_start3A_603 = arith.constant 0 : i32
      %dma_start3A_604 = tpu.memref_slice %arg6[%dma_start3A_600, %dma_start3A_602, %dma_start3A_603] : memref<16x8x64xf32, #tpu.memory_space<vmem>> -> memref<1x8x64xf32, #tpu.memory_space<vmem>>
      %dma_start3A_605 = tpu.memref_squeeze %dma_start3A_604 : memref<1x8x64xf32, #tpu.memory_space<vmem>> -> memref<8x64xf32, #tpu.memory_space<vmem>>
      %dma_start3A_606 = arith.constant 0 : i32
      %dma_start3A_607 = arith.constant 0 : i32
      %dma_start3A_608 = tpu.memref_slice %arg3[%shift_right_arithmetic3A_599, %dma_start3A_606, %dma_start3A_607] : memref<325000x8x64xf32, #tpu.memory_space<hbm>> -> memref<1x8x64xf32, #tpu.memory_space<hbm>>
      %dma_start3A_609 = tpu.memref_squeeze %dma_start3A_608 : memref<1x8x64xf32, #tpu.memory_space<hbm>> -> memref<8x64xf32, #tpu.memory_space<hbm>>
      %dma_start3A_610 = tpu.memref_slice %arg8[%dma_start3A_601] : memref<16x!tpu.dma_semaphore, #tpu.memory_space<semaphore_mem>> -> memref<1x!tpu.dma_semaphore, #tpu.memory_space<semaphore_mem>>
      %dma_start3A_611 = tpu.memref_squeeze %dma_start3A_610 : memref<1x!tpu.dma_semaphore, #tpu.memory_space<semaphore_mem>> -> memref<!tpu.dma_semaphore, #tpu.memory_space<semaphore_mem>>
      %dma_start3A_612 = arith.constant 0 : i32
      %dma_start3A_613 = arith.constant 0 : i32
      %dma_start3A_614 = tpu.memref_slice %arg6[%dma_start3A_600, %dma_start3A_612, %dma_start3A_613] : memref<16x8x64xf32, #tpu.memory_space<vmem>> -> memref<1x8x64xf32, #tpu.memory_space<vmem>>
      %dma_start3A_615 = tpu.memref_squeeze %dma_start3A_614 : memref<1x8x64xf32, #tpu.memory_space<vmem>> -> memref<8x64xf32, #tpu.memory_space<vmem>>
      %dma_start3A_616 = arith.constant 0 : i32
      %dma_start3A_617 = arith.constant 0 : i32
      %dma_start3A_618 = tpu.memref_slice %arg3[%shift_right_arithmetic3A_599, %dma_start3A_616, %dma_start3A_617] : memref<325000x8x64xf32, #tpu.memory_space<hbm>> -> memref<1x8x64xf32, #tpu.memory_space<hbm>>
      %dma_start3A_619 = tpu.memref_squeeze %dma_start3A_618 : memref<1x8x64xf32, #tpu.memory_space<hbm>> -> memref<8x64xf32, #tpu.memory_space<hbm>>
      tpu.enqueue_dma source(%dma_start3A_619 : memref<8x64xf32, #tpu.memory_space<hbm>>) target(%dma_start3A_615 : memref<8x64xf32, #tpu.memory_space<vmem>>) target_semaphore(%dma_start3A_611 : memref<!tpu.dma_semaphore, #tpu.memory_space<semaphore_mem>>)
      %and3A_620 = arith.constant 7 : i32
      %and3A_621 = arith.andi %reduce_max3A_597, %and3A_620 : i32
      %eq3A_622 = arith.constant 15 : i32
      %eq3A_623 = vector.broadcast %eq3A_622 : i32 to vector<16xi32>
      %eq3A_624 = arith.cmpi eq, %iota3A, %eq3A_623 : vector<16xi32>
      %jit3A_625 = arith.constant 0 : i32
      %broadcast_in_dim3A_626 = vector.broadcast %jit3A_625 : i32 to vector<16xi32>
      %select_n3A_627 = arith.select %eq3A_624, %get3A_58, %broadcast_in_dim3A_626 : vector<16xi1>, vector<16xi32>
      %reduce_max3A_628 = arith.constant true
      %reduce_max3A_629 = vector.broadcast %reduce_max3A_628 : i1 to vector<16xi1>
      %reduce_max3A_630 = arith.constant -2147483648 : i32
      %reduce_max3A_631 = vector.broadcast %reduce_max3A_630 : i32 to vector<16xi32>
      %reduce_max3A_632 = arith.xori %select_n3A_627, %reduce_max3A_631 : vector<16xi32>
      %reduce_max3A_633 = tpu.scan <max>, %reduce_max3A_632 masked %reduce_max3A_629 : vector<16xi32>, vector<16xi1> -> vector<16xi32>
      %reduce_max3A_634 = arith.xori %reduce_max3A_633, %reduce_max3A_631 : vector<16xi32>
      %reduce_max3A_635 = vector.extract %reduce_max3A_634[15] : i32 from vector<16xi32>
      %shift_right_arithmetic3A_636 = arith.constant 3 : i32
      %shift_right_arithmetic3A_637 = arith.shrsi %reduce_max3A_635, %shift_right_arithmetic3A_636 : i32
      %dma_start3A_638 = arith.constant 15 : i32
      %dma_start3A_639 = arith.constant 15 : i32
      %dma_start3A_640 = arith.constant 0 : i32
      %dma_start3A_641 = arith.constant 0 : i32
      %dma_start3A_642 = tpu.memref_slice %arg6[%dma_start3A_638, %dma_start3A_640, %dma_start3A_641] : memref<16x8x64xf32, #tpu.memory_space<vmem>> -> memref<1x8x64xf32, #tpu.memory_space<vmem>>
      %dma_start3A_643 = tpu.memref_squeeze %dma_start3A_642 : memref<1x8x64xf32, #tpu.memory_space<vmem>> -> memref<8x64xf32, #tpu.memory_space<vmem>>
      %dma_start3A_644 = arith.constant 0 : i32
      %dma_start3A_645 = arith.constant 0 : i32
      %dma_start3A_646 = tpu.memref_slice %arg3[%shift_right_arithmetic3A_637, %dma_start3A_644, %dma_start3A_645] : memref<325000x8x64xf32, #tpu.memory_space<hbm>> -> memref<1x8x64xf32, #tpu.memory_space<hbm>>
      %dma_start3A_647 = tpu.memref_squeeze %dma_start3A_646 : memref<1x8x64xf32, #tpu.memory_space<hbm>> -> memref<8x64xf32, #tpu.memory_space<hbm>>
      %dma_start3A_648 = tpu.memref_slice %arg8[%dma_start3A_639] : memref<16x!tpu.dma_semaphore, #tpu.memory_space<semaphore_mem>> -> memref<1x!tpu.dma_semaphore, #tpu.memory_space<semaphore_mem>>
      %dma_start3A_649 = tpu.memref_squeeze %dma_start3A_648 : memref<1x!tpu.dma_semaphore, #tpu.memory_space<semaphore_mem>> -> memref<!tpu.dma_semaphore, #tpu.memory_space<semaphore_mem>>
      %dma_start3A_650 = arith.constant 0 : i32
      %dma_start3A_651 = arith.constant 0 : i32
      %dma_start3A_652 = tpu.memref_slice %arg6[%dma_start3A_638, %dma_start3A_650, %dma_start3A_651] : memref<16x8x64xf32, #tpu.memory_space<vmem>> -> memref<1x8x64xf32, #tpu.memory_space<vmem>>
      %dma_start3A_653 = tpu.memref_squeeze %dma_start3A_652 : memref<1x8x64xf32, #tpu.memory_space<vmem>> -> memref<8x64xf32, #tpu.memory_space<vmem>>
      %dma_start3A_654 = arith.constant 0 : i32
      %dma_start3A_655 = arith.constant 0 : i32
      %dma_start3A_656 = tpu.memref_slice %arg3[%shift_right_arithmetic3A_637, %dma_start3A_654, %dma_start3A_655] : memref<325000x8x64xf32, #tpu.memory_space<hbm>> -> memref<1x8x64xf32, #tpu.memory_space<hbm>>
      %dma_start3A_657 = tpu.memref_squeeze %dma_start3A_656 : memref<1x8x64xf32, #tpu.memory_space<hbm>> -> memref<8x64xf32, #tpu.memory_space<hbm>>
      tpu.enqueue_dma source(%dma_start3A_657 : memref<8x64xf32, #tpu.memory_space<hbm>>) target(%dma_start3A_653 : memref<8x64xf32, #tpu.memory_space<vmem>>) target_semaphore(%dma_start3A_649 : memref<!tpu.dma_semaphore, #tpu.memory_space<semaphore_mem>>)
      %and3A_658 = arith.constant 7 : i32
      %and3A_659 = arith.andi %reduce_max3A_635, %and3A_658 : i32
      %scan3A_660 = arith.constant 1 : i32
      %scan3A_661 = arith.constant 15 : i32
      %scan3A_662 = arith.addi %scan3A_660, %scan3A_661 : i32
      %scan3A_663 = arith.constant 1 : i32
      %scan3A_664:16 = scf.for %scan3A_1674 = %scan3A_660 to %scan3A_662 step %scan3A_663 iter_args(%scan3A_1675 = %and3A_89, %scan3A_1676 = %and3A_127, %scan3A_1677 = %and3A_165, %scan3A_1678 = %and3A_203, %scan3A_1679 = %and3A_241, %scan3A_1680 = %and3A_279, %scan3A_1681 = %and3A_317, %scan3A_1682 = %and3A_355, %scan3A_1683 = %and3A_393, %scan3A_1684 = %and3A_431, %scan3A_1685 = %and3A_469, %scan3A_1686 = %and3A_507, %scan3A_1687 = %and3A_545, %scan3A_1688 = %and3A_583, %scan3A_1689 = %and3A_621, %scan3A_1690 = %and3A_659) -> (i32, i32, i32, i32, i32, i32, i32, i32, i32, i32, i32, i32, i32, i32, i32, i32)  : i32 {
        %mul3A_1691 = arith.constant 16 : i32
        %mul3A_1692 = arith.muli %scan3A_1674, %mul3A_1691 : i32
        %get3A_1693 = arith.index_cast %mul3A_1692 : i32 to index
        %get3A_1694 = tpu.vector_load %arg5[%get3A_1693] {strides = array<i32>} : memref<256xi32, #tpu.memory_space<vmem>>, vector<16xi32>,
        %dma_wait3A_1695 = arith.constant 0 : i32
        %dma_wait3A_1696 = arith.constant 0 : i32
        %dma_wait3A_1697 = arith.constant 0 : i32
        %dma_wait3A_1698 = arith.constant 0 : i32
        %dma_wait3A_1699 = arith.constant 0 : i32
        %dma_wait3A_1700 = tpu.memref_slice %arg6[%dma_wait3A_1696, %dma_wait3A_1698, %dma_wait3A_1699] : memref<16x8x64xf32, #tpu.memory_space<vmem>> -> memref<1x8x64xf32, #tpu.memory_space<vmem>>
        %dma_wait3A_1701 = tpu.memref_squeeze %dma_wait3A_1700 : memref<1x8x64xf32, #tpu.memory_space<vmem>> -> memref<8x64xf32, #tpu.memory_space<vmem>>
        %dma_wait3A_1702 = arith.constant 0 : i32
        %dma_wait3A_1703 = arith.constant 0 : i32
        %dma_wait3A_1704 = tpu.memref_slice %arg3[%dma_wait3A_1695, %dma_wait3A_1702, %dma_wait3A_1703] : memref<325000x8x64xf32, #tpu.memory_space<hbm>> -> memref<1x8x64xf32, #tpu.memory_space<hbm>>
        %dma_wait3A_1705 = tpu.memref_squeeze %dma_wait3A_1704 : memref<1x8x64xf32, #tpu.memory_space<hbm>> -> memref<8x64xf32, #tpu.memory_space<hbm>>
        %dma_wait3A_1706 = tpu.memref_slice %arg8[%dma_wait3A_1697] : memref<16x!tpu.dma_semaphore, #tpu.memory_space<semaphore_mem>> -> memref<1x!tpu.dma_semaphore, #tpu.memory_space<semaphore_mem>>
        %dma_wait3A_1707 = tpu.memref_squeeze %dma_wait3A_1706 : memref<1x!tpu.dma_semaphore, #tpu.memory_space<semaphore_mem>> -> memref<!tpu.dma_semaphore, #tpu.memory_space<semaphore_mem>>
        %dma_wait3A_1708 = arith.constant 0 : i32
        %dma_wait3A_1709 = arith.constant 0 : i32
        %dma_wait3A_1710 = tpu.memref_slice %arg6[%dma_wait3A_1696, %dma_wait3A_1708, %dma_wait3A_1709] : memref<16x8x64xf32, #tpu.memory_space<vmem>> -> memref<1x8x64xf32, #tpu.memory_space<vmem>>
        %dma_wait3A_1711 = tpu.memref_squeeze %dma_wait3A_1710 : memref<1x8x64xf32, #tpu.memory_space<vmem>> -> memref<8x64xf32, #tpu.memory_space<vmem>>
        %dma_wait3A_1712 = arith.constant 0 : i32
        %dma_wait3A_1713 = arith.constant 0 : i32
        %dma_wait3A_1714 = tpu.memref_slice %arg3[%dma_wait3A_1695, %dma_wait3A_1712, %dma_wait3A_1713] : memref<325000x8x64xf32, #tpu.memory_space<hbm>> -> memref<1x8x64xf32, #tpu.memory_space<hbm>>
        %dma_wait3A_1715 = tpu.memref_squeeze %dma_wait3A_1714 : memref<1x8x64xf32, #tpu.memory_space<hbm>> -> memref<8x64xf32, #tpu.memory_space<hbm>>
        tpu.wait_dma2 semaphore(%dma_wait3A_1707 : memref<!tpu.dma_semaphore, #tpu.memory_space<semaphore_mem>>) src(%dma_wait3A_1715 : memref<8x64xf32, #tpu.memory_space<hbm>>) dst(%dma_wait3A_1711 : memref<8x64xf32, #tpu.memory_space<vmem>>)
        %sub3A = arith.constant 1 : i32
        %sub3A_1716 = arith.subi %scan3A_1674, %sub3A : i32
        %mul3A_1717 = arith.constant 16 : i32
        %mul3A_1718 = arith.muli %sub3A_1716, %mul3A_1717 : i32
        %add3A_1719 = arith.constant 0 : i32
        %add3A_1720 = arith.addi %mul3A_1718, %add3A_1719 : i32
        %get3A_1721 = arith.constant 0 : i32
        %get3A_1722 = arith.index_cast %get3A_1721 : i32 to index
        %get3A_1723 = arith.index_cast %scan3A_1675 : i32 to index
        %get3A_1724 = arith.constant 0 : index
        %get3A_1725 = tpu.vector_load %arg6[%get3A_1722, %get3A_1723, %get3A_1724] {strides = array<i32>} : memref<16x8x64xf32, #tpu.memory_space<vmem>>, vector<16xf32>,
        %swap3A_1726 = arith.index_cast %rem3A_46 : i32 to index
        %swap3A_1727 = arith.index_cast %add3A_1720 : i32 to index
        %swap3A_1728 = arith.constant 0 : index
        %swap3A_1729 = tpu.vector_load %arg7[%swap3A_1726, %swap3A_1727, %swap3A_1728] {strides = array<i32>} : memref<2x256x64xf32, #tpu.memory_space<vmem>>, vector<16xf32>,
        tpu.vector_store %arg7[%swap3A_1726, %swap3A_1727, %swap3A_1728], %get3A_1725 {strides = array<i32>} : memref<2x256x64xf32, #tpu.memory_space<vmem>>, vector<16xf32>,
        %get3A_1730 = arith.constant 0 : i32
        %get3A_1731 = arith.index_cast %get3A_1730 : i32 to index
        %get3A_1732 = arith.index_cast %scan3A_1675 : i32 to index
        %get3A_1733 = arith.constant 16 : index
        %get3A_1734 = tpu.vector_load %arg6[%get3A_1731, %get3A_1732, %get3A_1733] {strides = array<i32>} : memref<16x8x64xf32, #tpu.memory_space<vmem>>, vector<16xf32>,
        %swap3A_1735 = arith.index_cast %rem3A_46 : i32 to index
        %swap3A_1736 = arith.index_cast %add3A_1720 : i32 to index
        %swap3A_1737 = arith.constant 16 : index
        %swap3A_1738 = tpu.vector_load %arg7[%swap3A_1735, %swap3A_1736, %swap3A_1737] {strides = array<i32>} : memref<2x256x64xf32, #tpu.memory_space<vmem>>, vector<16xf32>,
        tpu.vector_store %arg7[%swap3A_1735, %swap3A_1736, %swap3A_1737], %get3A_1734 {strides = array<i32>} : memref<2x256x64xf32, #tpu.memory_space<vmem>>, vector<16xf32>,
        %get3A_1739 = arith.constant 0 : i32
        %get3A_1740 = arith.index_cast %get3A_1739 : i32 to index
        %get3A_1741 = arith.index_cast %scan3A_1675 : i32 to index
        %get3A_1742 = arith.constant 32 : index
        %get3A_1743 = tpu.vector_load %arg6[%get3A_1740, %get3A_1741, %get3A_1742] {strides = array<i32>} : memref<16x8x64xf32, #tpu.memory_space<vmem>>, vector<16xf32>,
        %swap3A_1744 = arith.index_cast %rem3A_46 : i32 to index
        %swap3A_1745 = arith.index_cast %add3A_1720 : i32 to index
        %swap3A_1746 = arith.constant 32 : index
        %swap3A_1747 = tpu.vector_load %arg7[%swap3A_1744, %swap3A_1745, %swap3A_1746] {strides = array<i32>} : memref<2x256x64xf32, #tpu.memory_space<vmem>>, vector<16xf32>,
        tpu.vector_store %arg7[%swap3A_1744, %swap3A_1745, %swap3A_1746], %get3A_1743 {strides = array<i32>} : memref<2x256x64xf32, #tpu.memory_space<vmem>>, vector<16xf32>,
        %get3A_1748 = arith.constant 0 : i32
        %get3A_1749 = arith.index_cast %get3A_1748 : i32 to index
        %get3A_1750 = arith.index_cast %scan3A_1675 : i32 to index
        %get3A_1751 = arith.constant 48 : index
        %get3A_1752 = tpu.vector_load %arg6[%get3A_1749, %get3A_1750, %get3A_1751] {strides = array<i32>} : memref<16x8x64xf32, #tpu.memory_space<vmem>>, vector<16xf32>,
        %swap3A_1753 = arith.index_cast %rem3A_46 : i32 to index
        %swap3A_1754 = arith.index_cast %add3A_1720 : i32 to index
        %swap3A_1755 = arith.constant 48 : index
        %swap3A_1756 = tpu.vector_load %arg7[%swap3A_1753, %swap3A_1754, %swap3A_1755] {strides = array<i32>} : memref<2x256x64xf32, #tpu.memory_space<vmem>>, vector<16xf32>,
        tpu.vector_store %arg7[%swap3A_1753, %swap3A_1754, %swap3A_1755], %get3A_1752 {strides = array<i32>} : memref<2x256x64xf32, #tpu.memory_space<vmem>>, vector<16xf32>,
        %eq3A_1757 = arith.constant 0 : i32
        %eq3A_1758 = vector.broadcast %eq3A_1757 : i32 to vector<16xi32>
        %eq3A_1759 = arith.cmpi eq, %iota3A, %eq3A_1758 : vector<16xi32>
        %jit3A_1760 = arith.constant 0 : i32
        %broadcast_in_dim3A_1761 = vector.broadcast %jit3A_1760 : i32 to vector<16xi32>
        %select_n3A_1762 = arith.select %eq3A_1759, %get3A_1694, %broadcast_in_dim3A_1761 : vector<16xi1>, vector<16xi32>
        %reduce_max3A_1763 = arith.constant true
        %reduce_max3A_1764 = vector.broadcast %reduce_max3A_1763 : i1 to vector<16xi1>
        %reduce_max3A_1765 = arith.constant -2147483648 : i32
        %reduce_max3A_1766 = vector.broadcast %reduce_max3A_1765 : i32 to vector<16xi32>
        %reduce_max3A_1767 = arith.xori %select_n3A_1762, %reduce_max3A_1766 : vector<16xi32>
        %reduce_max3A_1768 = tpu.scan <max>, %reduce_max3A_1767 masked %reduce_max3A_1764 : vector<16xi32>, vector<16xi1> -> vector<16xi32>
        %reduce_max3A_1769 = arith.xori %reduce_max3A_1768, %reduce_max3A_1766 : vector<16xi32>
        %reduce_max3A_1770 = vector.extract %reduce_max3A_1769[15] : i32 from vector<16xi32>
        %shift_right_arithmetic3A_1771 = arith.constant 3 : i32
        %shift_right_arithmetic3A_1772 = arith.shrsi %reduce_max3A_1770, %shift_right_arithmetic3A_1771 : i32
        %dma_start3A_1773 = arith.constant 0 : i32
        %dma_start3A_1774 = arith.constant 0 : i32
        %dma_start3A_1775 = arith.constant 0 : i32
        %dma_start3A_1776 = arith.constant 0 : i32
        %dma_start3A_1777 = tpu.memref_slice %arg6[%dma_start3A_1773, %dma_start3A_1775, %dma_start3A_1776] : memref<16x8x64xf32, #tpu.memory_space<vmem>> -> memref<1x8x64xf32, #tpu.memory_space<vmem>>
        %dma_start3A_1778 = tpu.memref_squeeze %dma_start3A_1777 : memref<1x8x64xf32, #tpu.memory_space<vmem>> -> memref<8x64xf32, #tpu.memory_space<vmem>>
        %dma_start3A_1779 = arith.constant 0 : i32
        %dma_start3A_1780 = arith.constant 0 : i32
        %dma_start3A_1781 = tpu.memref_slice %arg3[%shift_right_arithmetic3A_1772, %dma_start3A_1779, %dma_start3A_1780] : memref<325000x8x64xf32, #tpu.memory_space<hbm>> -> memref<1x8x64xf32, #tpu.memory_space<hbm>>
        %dma_start3A_1782 = tpu.memref_squeeze %dma_start3A_1781 : memref<1x8x64xf32, #tpu.memory_space<hbm>> -> memref<8x64xf32, #tpu.memory_space<hbm>>
        %dma_start3A_1783 = tpu.memref_slice %arg8[%dma_start3A_1774] : memref<16x!tpu.dma_semaphore, #tpu.memory_space<semaphore_mem>> -> memref<1x!tpu.dma_semaphore, #tpu.memory_space<semaphore_mem>>
        %dma_start3A_1784 = tpu.memref_squeeze %dma_start3A_1783 : memref<1x!tpu.dma_semaphore, #tpu.memory_space<semaphore_mem>> -> memref<!tpu.dma_semaphore, #tpu.memory_space<semaphore_mem>>
        %dma_start3A_1785 = arith.constant 0 : i32
        %dma_start3A_1786 = arith.constant 0 : i32
        %dma_start3A_1787 = tpu.memref_slice %arg6[%dma_start3A_1773, %dma_start3A_1785, %dma_start3A_1786] : memref<16x8x64xf32, #tpu.memory_space<vmem>> -> memref<1x8x64xf32, #tpu.memory_space<vmem>>
        %dma_start3A_1788 = tpu.memref_squeeze %dma_start3A_1787 : memref<1x8x64xf32, #tpu.memory_space<vmem>> -> memref<8x64xf32, #tpu.memory_space<vmem>>
        %dma_start3A_1789 = arith.constant 0 : i32
        %dma_start3A_1790 = arith.constant 0 : i32
        %dma_start3A_1791 = tpu.memref_slice %arg3[%shift_right_arithmetic3A_1772, %dma_start3A_1789, %dma_start3A_1790] : memref<325000x8x64xf32, #tpu.memory_space<hbm>> -> memref<1x8x64xf32, #tpu.memory_space<hbm>>
        %dma_start3A_1792 = tpu.memref_squeeze %dma_start3A_1791 : memref<1x8x64xf32, #tpu.memory_space<hbm>> -> memref<8x64xf32, #tpu.memory_space<hbm>>
        tpu.enqueue_dma source(%dma_start3A_1792 : memref<8x64xf32, #tpu.memory_space<hbm>>) target(%dma_start3A_1788 : memref<8x64xf32, #tpu.memory_space<vmem>>) target_semaphore(%dma_start3A_1784 : memref<!tpu.dma_semaphore, #tpu.memory_space<semaphore_mem>>)
        %and3A_1793 = arith.constant 7 : i32
        %and3A_1794 = arith.andi %reduce_max3A_1770, %and3A_1793 : i32
        %dma_wait3A_1795 = arith.constant 0 : i32
        %dma_wait3A_1796 = arith.constant 1 : i32
        %dma_wait3A_1797 = arith.constant 1 : i32
        %dma_wait3A_1798 = arith.constant 0 : i32
        %dma_wait3A_1799 = arith.constant 0 : i32
        %dma_wait3A_1800 = tpu.memref_slice %arg6[%dma_wait3A_1796, %dma_wait3A_1798, %dma_wait3A_1799] : memref<16x8x64xf32, #tpu.memory_space<vmem>> -> memref<1x8x64xf32, #tpu.memory_space<vmem>>
        %dma_wait3A_1801 = tpu.memref_squeeze %dma_wait3A_1800 : memref<1x8x64xf32, #tpu.memory_space<vmem>> -> memref<8x64xf32, #tpu.memory_space<vmem>>
        %dma_wait3A_1802 = arith.constant 0 : i32
        %dma_wait3A_1803 = arith.constant 0 : i32
        %dma_wait3A_1804 = tpu.memref_slice %arg3[%dma_wait3A_1795, %dma_wait3A_1802, %dma_wait3A_1803] : memref<325000x8x64xf32, #tpu.memory_space<hbm>> -> memref<1x8x64xf32, #tpu.memory_space<hbm>>
        %dma_wait3A_1805 = tpu.memref_squeeze %dma_wait3A_1804 : memref<1x8x64xf32, #tpu.memory_space<hbm>> -> memref<8x64xf32, #tpu.memory_space<hbm>>
        %dma_wait3A_1806 = tpu.memref_slice %arg8[%dma_wait3A_1797] : memref<16x!tpu.dma_semaphore, #tpu.memory_space<semaphore_mem>> -> memref<1x!tpu.dma_semaphore, #tpu.memory_space<semaphore_mem>>
        %dma_wait3A_1807 = tpu.memref_squeeze %dma_wait3A_1806 : memref<1x!tpu.dma_semaphore, #tpu.memory_space<semaphore_mem>> -> memref<!tpu.dma_semaphore, #tpu.memory_space<semaphore_mem>>
        %dma_wait3A_1808 = arith.constant 0 : i32
        %dma_wait3A_1809 = arith.constant 0 : i32
        %dma_wait3A_1810 = tpu.memref_slice %arg6[%dma_wait3A_1796, %dma_wait3A_1808, %dma_wait3A_1809] : memref<16x8x64xf32, #tpu.memory_space<vmem>> -> memref<1x8x64xf32, #tpu.memory_space<vmem>>
        %dma_wait3A_1811 = tpu.memref_squeeze %dma_wait3A_1810 : memref<1x8x64xf32, #tpu.memory_space<vmem>> -> memref<8x64xf32, #tpu.memory_space<vmem>>
        %dma_wait3A_1812 = arith.constant 0 : i32
        %dma_wait3A_1813 = arith.constant 0 : i32
        %dma_wait3A_1814 = tpu.memref_slice %arg3[%dma_wait3A_1795, %dma_wait3A_1812, %dma_wait3A_1813] : memref<325000x8x64xf32, #tpu.memory_space<hbm>> -> memref<1x8x64xf32, #tpu.memory_space<hbm>>
        %dma_wait3A_1815 = tpu.memref_squeeze %dma_wait3A_1814 : memref<1x8x64xf32, #tpu.memory_space<hbm>> -> memref<8x64xf32, #tpu.memory_space<hbm>>
        tpu.wait_dma2 semaphore(%dma_wait3A_1807 : memref<!tpu.dma_semaphore, #tpu.memory_space<semaphore_mem>>) src(%dma_wait3A_1815 : memref<8x64xf32, #tpu.memory_space<hbm>>) dst(%dma_wait3A_1811 : memref<8x64xf32, #tpu.memory_space<vmem>>)
        %sub3A_1816 = arith.constant 1 : i32
        %sub3A_1817 = arith.subi %scan3A_1674, %sub3A_1816 : i32
        %mul3A_1818 = arith.constant 16 : i32
        %mul3A_1819 = arith.muli %sub3A_1817, %mul3A_1818 : i32
        %add3A_1820 = arith.constant 1 : i32
        %add3A_1821 = arith.addi %mul3A_1819, %add3A_1820 : i32
        %get3A_1822 = arith.constant 1 : i32
        %get3A_1823 = arith.index_cast %get3A_1822 : i32 to index
        %get3A_1824 = arith.index_cast %scan3A_1676 : i32 to index
        %get3A_1825 = arith.constant 0 : index
        %get3A_1826 = tpu.vector_load %arg6[%get3A_1823, %get3A_1824, %get3A_1825] {strides = array<i32>} : memref<16x8x64xf32, #tpu.memory_space<vmem>>, vector<16xf32>,
        %swap3A_1827 = arith.index_cast %rem3A_46 : i32 to index
        %swap3A_1828 = arith.index_cast %add3A_1821 : i32 to index
        %swap3A_1829 = arith.constant 0 : index
        %swap3A_1830 = tpu.vector_load %arg7[%swap3A_1827, %swap3A_1828, %swap3A_1829] {strides = array<i32>} : memref<2x256x64xf32, #tpu.memory_space<vmem>>, vector<16xf32>,
        tpu.vector_store %arg7[%swap3A_1827, %swap3A_1828, %swap3A_1829], %get3A_1826 {strides = array<i32>} : memref<2x256x64xf32, #tpu.memory_space<vmem>>, vector<16xf32>,
        %get3A_1831 = arith.constant 1 : i32
        %get3A_1832 = arith.index_cast %get3A_1831 : i32 to index
        %get3A_1833 = arith.index_cast %scan3A_1676 : i32 to index
        %get3A_1834 = arith.constant 16 : index
        %get3A_1835 = tpu.vector_load %arg6[%get3A_1832, %get3A_1833, %get3A_1834] {strides = array<i32>} : memref<16x8x64xf32, #tpu.memory_space<vmem>>, vector<16xf32>,
        %swap3A_1836 = arith.index_cast %rem3A_46 : i32 to index
        %swap3A_1837 = arith.index_cast %add3A_1821 : i32 to index
        %swap3A_1838 = arith.constant 16 : index
        %swap3A_1839 = tpu.vector_load %arg7[%swap3A_1836, %swap3A_1837, %swap3A_1838] {strides = array<i32>} : memref<2x256x64xf32, #tpu.memory_space<vmem>>, vector<16xf32>,
        tpu.vector_store %arg7[%swap3A_1836, %swap3A_1837, %swap3A_1838], %get3A_1835 {strides = array<i32>} : memref<2x256x64xf32, #tpu.memory_space<vmem>>, vector<16xf32>,
        %get3A_1840 = arith.constant 1 : i32
        %get3A_1841 = arith.index_cast %get3A_1840 : i32 to index
        %get3A_1842 = arith.index_cast %scan3A_1676 : i32 to index
        %get3A_1843 = arith.constant 32 : index
        %get3A_1844 = tpu.vector_load %arg6[%get3A_1841, %get3A_1842, %get3A_1843] {strides = array<i32>} : memref<16x8x64xf32, #tpu.memory_space<vmem>>, vector<16xf32>,
        %swap3A_1845 = arith.index_cast %rem3A_46 : i32 to index
        %swap3A_1846 = arith.index_cast %add3A_1821 : i32 to index
        %swap3A_1847 = arith.constant 32 : index
        %swap3A_1848 = tpu.vector_load %arg7[%swap3A_1845, %swap3A_1846, %swap3A_1847] {strides = array<i32>} : memref<2x256x64xf32, #tpu.memory_space<vmem>>, vector<16xf32>,
        tpu.vector_store %arg7[%swap3A_1845, %swap3A_1846, %swap3A_1847], %get3A_1844 {strides = array<i32>} : memref<2x256x64xf32, #tpu.memory_space<vmem>>, vector<16xf32>,
        %get3A_1849 = arith.constant 1 : i32
        %get3A_1850 = arith.index_cast %get3A_1849 : i32 to index
        %get3A_1851 = arith.index_cast %scan3A_1676 : i32 to index
        %get3A_1852 = arith.constant 48 : index
        %get3A_1853 = tpu.vector_load %arg6[%get3A_1850, %get3A_1851, %get3A_1852] {strides = array<i32>} : memref<16x8x64xf32, #tpu.memory_space<vmem>>, vector<16xf32>,
        %swap3A_1854 = arith.index_cast %rem3A_46 : i32 to index
        %swap3A_1855 = arith.index_cast %add3A_1821 : i32 to index
        %swap3A_1856 = arith.constant 48 : index
        %swap3A_1857 = tpu.vector_load %arg7[%swap3A_1854, %swap3A_1855, %swap3A_1856] {strides = array<i32>} : memref<2x256x64xf32, #tpu.memory_space<vmem>>, vector<16xf32>,
        tpu.vector_store %arg7[%swap3A_1854, %swap3A_1855, %swap3A_1856], %get3A_1853 {strides = array<i32>} : memref<2x256x64xf32, #tpu.memory_space<vmem>>, vector<16xf32>,
        %eq3A_1858 = arith.constant 1 : i32
        %eq3A_1859 = vector.broadcast %eq3A_1858 : i32 to vector<16xi32>
        %eq3A_1860 = arith.cmpi eq, %iota3A, %eq3A_1859 : vector<16xi32>
        %jit3A_1861 = arith.constant 0 : i32
        %broadcast_in_dim3A_1862 = vector.broadcast %jit3A_1861 : i32 to vector<16xi32>
        %select_n3A_1863 = arith.select %eq3A_1860, %get3A_1694, %broadcast_in_dim3A_1862 : vector<16xi1>, vector<16xi32>
        %reduce_max3A_1864 = arith.constant true
        %reduce_max3A_1865 = vector.broadcast %reduce_max3A_1864 : i1 to vector<16xi1>
        %reduce_max3A_1866 = arith.constant -2147483648 : i32
        %reduce_max3A_1867 = vector.broadcast %reduce_max3A_1866 : i32 to vector<16xi32>
        %reduce_max3A_1868 = arith.xori %select_n3A_1863, %reduce_max3A_1867 : vector<16xi32>
        %reduce_max3A_1869 = tpu.scan <max>, %reduce_max3A_1868 masked %reduce_max3A_1865 : vector<16xi32>, vector<16xi1> -> vector<16xi32>
        %reduce_max3A_1870 = arith.xori %reduce_max3A_1869, %reduce_max3A_1867 : vector<16xi32>
        %reduce_max3A_1871 = vector.extract %reduce_max3A_1870[15] : i32 from vector<16xi32>
        %shift_right_arithmetic3A_1872 = arith.constant 3 : i32
        %shift_right_arithmetic3A_1873 = arith.shrsi %reduce_max3A_1871, %shift_right_arithmetic3A_1872 : i32
        %dma_start3A_1874 = arith.constant 1 : i32
        %dma_start3A_1875 = arith.constant 1 : i32
        %dma_start3A_1876 = arith.constant 0 : i32
        %dma_start3A_1877 = arith.constant 0 : i32
        %dma_start3A_1878 = tpu.memref_slice %arg6[%dma_start3A_1874, %dma_start3A_1876, %dma_start3A_1877] : memref<16x8x64xf32, #tpu.memory_space<vmem>> -> memref<1x8x64xf32, #tpu.memory_space<vmem>>
        %dma_start3A_1879 = tpu.memref_squeeze %dma_start3A_1878 : memref<1x8x64xf32, #tpu.memory_space<vmem>> -> memref<8x64xf32, #tpu.memory_space<vmem>>
        %dma_start3A_1880 = arith.constant 0 : i32
        %dma_start3A_1881 = arith.constant 0 : i32
        %dma_start3A_1882 = tpu.memref_slice %arg3[%shift_right_arithmetic3A_1873, %dma_start3A_1880, %dma_start3A_1881] : memref<325000x8x64xf32, #tpu.memory_space<hbm>> -> memref<1x8x64xf32, #tpu.memory_space<hbm>>
        %dma_start3A_1883 = tpu.memref_squeeze %dma_start3A_1882 : memref<1x8x64xf32, #tpu.memory_space<hbm>> -> memref<8x64xf32, #tpu.memory_space<hbm>>
        %dma_start3A_1884 = tpu.memref_slice %arg8[%dma_start3A_1875] : memref<16x!tpu.dma_semaphore, #tpu.memory_space<semaphore_mem>> -> memref<1x!tpu.dma_semaphore, #tpu.memory_space<semaphore_mem>>
        %dma_start3A_1885 = tpu.memref_squeeze %dma_start3A_1884 : memref<1x!tpu.dma_semaphore, #tpu.memory_space<semaphore_mem>> -> memref<!tpu.dma_semaphore, #tpu.memory_space<semaphore_mem>>
        %dma_start3A_1886 = arith.constant 0 : i32
        %dma_start3A_1887 = arith.constant 0 : i32
        %dma_start3A_1888 = tpu.memref_slice %arg6[%dma_start3A_1874, %dma_start3A_1886, %dma_start3A_1887] : memref<16x8x64xf32, #tpu.memory_space<vmem>> -> memref<1x8x64xf32, #tpu.memory_space<vmem>>
        %dma_start3A_1889 = tpu.memref_squeeze %dma_start3A_1888 : memref<1x8x64xf32, #tpu.memory_space<vmem>> -> memref<8x64xf32, #tpu.memory_space<vmem>>
        %dma_start3A_1890 = arith.constant 0 : i32
        %dma_start3A_1891 = arith.constant 0 : i32
        %dma_start3A_1892 = tpu.memref_slice %arg3[%shift_right_arithmetic3A_1873, %dma_start3A_1890, %dma_start3A_1891] : memref<325000x8x64xf32, #tpu.memory_space<hbm>> -> memref<1x8x64xf32, #tpu.memory_space<hbm>>
        %dma_start3A_1893 = tpu.memref_squeeze %dma_start3A_1892 : memref<1x8x64xf32, #tpu.memory_space<hbm>> -> memref<8x64xf32, #tpu.memory_space<hbm>>
        tpu.enqueue_dma source(%dma_start3A_1893 : memref<8x64xf32, #tpu.memory_space<hbm>>) target(%dma_start3A_1889 : memref<8x64xf32, #tpu.memory_space<vmem>>) target_semaphore(%dma_start3A_1885 : memref<!tpu.dma_semaphore, #tpu.memory_space<semaphore_mem>>)
        %and3A_1894 = arith.constant 7 : i32
        %and3A_1895 = arith.andi %reduce_max3A_1871, %and3A_1894 : i32
        %dma_wait3A_1896 = arith.constant 0 : i32
        %dma_wait3A_1897 = arith.constant 2 : i32
        %dma_wait3A_1898 = arith.constant 2 : i32
        %dma_wait3A_1899 = arith.constant 0 : i32
        %dma_wait3A_1900 = arith.constant 0 : i32
        %dma_wait3A_1901 = tpu.memref_slice %arg6[%dma_wait3A_1897, %dma_wait3A_1899, %dma_wait3A_1900] : memref<16x8x64xf32, #tpu.memory_space<vmem>> -> memref<1x8x64xf32, #tpu.memory_space<vmem>>
        %dma_wait3A_1902 = tpu.memref_squeeze %dma_wait3A_1901 : memref<1x8x64xf32, #tpu.memory_space<vmem>> -> memref<8x64xf32, #tpu.memory_space<vmem>>
        %dma_wait3A_1903 = arith.constant 0 : i32
        %dma_wait3A_1904 = arith.constant 0 : i32
        %dma_wait3A_1905 = tpu.memref_slice %arg3[%dma_wait3A_1896, %dma_wait3A_1903, %dma_wait3A_1904] : memref<325000x8x64xf32, #tpu.memory_space<hbm>> -> memref<1x8x64xf32, #tpu.memory_space<hbm>>
        %dma_wait3A_1906 = tpu.memref_squeeze %dma_wait3A_1905 : memref<1x8x64xf32, #tpu.memory_space<hbm>> -> memref<8x64xf32, #tpu.memory_space<hbm>>
        %dma_wait3A_1907 = tpu.memref_slice %arg8[%dma_wait3A_1898] : memref<16x!tpu.dma_semaphore, #tpu.memory_space<semaphore_mem>> -> memref<1x!tpu.dma_semaphore, #tpu.memory_space<semaphore_mem>>
        %dma_wait3A_1908 = tpu.memref_squeeze %dma_wait3A_1907 : memref<1x!tpu.dma_semaphore, #tpu.memory_space<semaphore_mem>> -> memref<!tpu.dma_semaphore, #tpu.memory_space<semaphore_mem>>
        %dma_wait3A_1909 = arith.constant 0 : i32
        %dma_wait3A_1910 = arith.constant 0 : i32
        %dma_wait3A_1911 = tpu.memref_slice %arg6[%dma_wait3A_1897, %dma_wait3A_1909, %dma_wait3A_1910] : memref<16x8x64xf32, #tpu.memory_space<vmem>> -> memref<1x8x64xf32, #tpu.memory_space<vmem>>
        %dma_wait3A_1912 = tpu.memref_squeeze %dma_wait3A_1911 : memref<1x8x64xf32, #tpu.memory_space<vmem>> -> memref<8x64xf32, #tpu.memory_space<vmem>>
        %dma_wait3A_1913 = arith.constant 0 : i32
        %dma_wait3A_1914 = arith.constant 0 : i32
        %dma_wait3A_1915 = tpu.memref_slice %arg3[%dma_wait3A_1896, %dma_wait3A_1913, %dma_wait3A_1914] : memref<325000x8x64xf32, #tpu.memory_space<hbm>> -> memref<1x8x64xf32, #tpu.memory_space<hbm>>
        %dma_wait3A_1916 = tpu.memref_squeeze %dma_wait3A_1915 : memref<1x8x64xf32, #tpu.memory_space<hbm>> -> memref<8x64xf32, #tpu.memory_space<hbm>>
        tpu.wait_dma2 semaphore(%dma_wait3A_1908 : memref<!tpu.dma_semaphore, #tpu.memory_space<semaphore_mem>>) src(%dma_wait3A_1916 : memref<8x64xf32, #tpu.memory_space<hbm>>) dst(%dma_wait3A_1912 : memref<8x64xf32, #tpu.memory_space<vmem>>)
        %sub3A_1917 = arith.constant 1 : i32
        %sub3A_1918 = arith.subi %scan3A_1674, %sub3A_1917 : i32
        %mul3A_1919 = arith.constant 16 : i32
        %mul3A_1920 = arith.muli %sub3A_1918, %mul3A_1919 : i32
        %add3A_1921 = arith.constant 2 : i32
        %add3A_1922 = arith.addi %mul3A_1920, %add3A_1921 : i32
        %get3A_1923 = arith.constant 2 : i32
        %get3A_1924 = arith.index_cast %get3A_1923 : i32 to index
        %get3A_1925 = arith.index_cast %scan3A_1677 : i32 to index
        %get3A_1926 = arith.constant 0 : index
        %get3A_1927 = tpu.vector_load %arg6[%get3A_1924, %get3A_1925, %get3A_1926] {strides = array<i32>} : memref<16x8x64xf32, #tpu.memory_space<vmem>>, vector<16xf32>,
        %swap3A_1928 = arith.index_cast %rem3A_46 : i32 to index
        %swap3A_1929 = arith.index_cast %add3A_1922 : i32 to index
        %swap3A_1930 = arith.constant 0 : index
        %swap3A_1931 = tpu.vector_load %arg7[%swap3A_1928, %swap3A_1929, %swap3A_1930] {strides = array<i32>} : memref<2x256x64xf32, #tpu.memory_space<vmem>>, vector<16xf32>,
        tpu.vector_store %arg7[%swap3A_1928, %swap3A_1929, %swap3A_1930], %get3A_1927 {strides = array<i32>} : memref<2x256x64xf32, #tpu.memory_space<vmem>>, vector<16xf32>,
        %get3A_1932 = arith.constant 2 : i32
        %get3A_1933 = arith.index_cast %get3A_1932 : i32 to index
        %get3A_1934 = arith.index_cast %scan3A_1677 : i32 to index
        %get3A_1935 = arith.constant 16 : index
        %get3A_1936 = tpu.vector_load %arg6[%get3A_1933, %get3A_1934, %get3A_1935] {strides = array<i32>} : memref<16x8x64xf32, #tpu.memory_space<vmem>>, vector<16xf32>,
        %swap3A_1937 = arith.index_cast %rem3A_46 : i32 to index
        %swap3A_1938 = arith.index_cast %add3A_1922 : i32 to index
        %swap3A_1939 = arith.constant 16 : index
        %swap3A_1940 = tpu.vector_load %arg7[%swap3A_1937, %swap3A_1938, %swap3A_1939] {strides = array<i32>} : memref<2x256x64xf32, #tpu.memory_space<vmem>>, vector<16xf32>,
        tpu.vector_store %arg7[%swap3A_1937, %swap3A_1938, %swap3A_1939], %get3A_1936 {strides = array<i32>} : memref<2x256x64xf32, #tpu.memory_space<vmem>>, vector<16xf32>,
        %get3A_1941 = arith.constant 2 : i32
        %get3A_1942 = arith.index_cast %get3A_1941 : i32 to index
        %get3A_1943 = arith.index_cast %scan3A_1677 : i32 to index
        %get3A_1944 = arith.constant 32 : index
        %get3A_1945 = tpu.vector_load %arg6[%get3A_1942, %get3A_1943, %get3A_1944] {strides = array<i32>} : memref<16x8x64xf32, #tpu.memory_space<vmem>>, vector<16xf32>,
        %swap3A_1946 = arith.index_cast %rem3A_46 : i32 to index
        %swap3A_1947 = arith.index_cast %add3A_1922 : i32 to index
        %swap3A_1948 = arith.constant 32 : index
        %swap3A_1949 = tpu.vector_load %arg7[%swap3A_1946, %swap3A_1947, %swap3A_1948] {strides = array<i32>} : memref<2x256x64xf32, #tpu.memory_space<vmem>>, vector<16xf32>,
        tpu.vector_store %arg7[%swap3A_1946, %swap3A_1947, %swap3A_1948], %get3A_1945 {strides = array<i32>} : memref<2x256x64xf32, #tpu.memory_space<vmem>>, vector<16xf32>,
        %get3A_1950 = arith.constant 2 : i32
        %get3A_1951 = arith.index_cast %get3A_1950 : i32 to index
        %get3A_1952 = arith.index_cast %scan3A_1677 : i32 to index
        %get3A_1953 = arith.constant 48 : index
        %get3A_1954 = tpu.vector_load %arg6[%get3A_1951, %get3A_1952, %get3A_1953] {strides = array<i32>} : memref<16x8x64xf32, #tpu.memory_space<vmem>>, vector<16xf32>,
        %swap3A_1955 = arith.index_cast %rem3A_46 : i32 to index
        %swap3A_1956 = arith.index_cast %add3A_1922 : i32 to index
        %swap3A_1957 = arith.constant 48 : index
        %swap3A_1958 = tpu.vector_load %arg7[%swap3A_1955, %swap3A_1956, %swap3A_1957] {strides = array<i32>} : memref<2x256x64xf32, #tpu.memory_space<vmem>>, vector<16xf32>,
        tpu.vector_store %arg7[%swap3A_1955, %swap3A_1956, %swap3A_1957], %get3A_1954 {strides = array<i32>} : memref<2x256x64xf32, #tpu.memory_space<vmem>>, vector<16xf32>,
        %eq3A_1959 = arith.constant 2 : i32
        %eq3A_1960 = vector.broadcast %eq3A_1959 : i32 to vector<16xi32>
        %eq3A_1961 = arith.cmpi eq, %iota3A, %eq3A_1960 : vector<16xi32>
        %jit3A_1962 = arith.constant 0 : i32
        %broadcast_in_dim3A_1963 = vector.broadcast %jit3A_1962 : i32 to vector<16xi32>
        %select_n3A_1964 = arith.select %eq3A_1961, %get3A_1694, %broadcast_in_dim3A_1963 : vector<16xi1>, vector<16xi32>
        %reduce_max3A_1965 = arith.constant true
        %reduce_max3A_1966 = vector.broadcast %reduce_max3A_1965 : i1 to vector<16xi1>
        %reduce_max3A_1967 = arith.constant -2147483648 : i32
        %reduce_max3A_1968 = vector.broadcast %reduce_max3A_1967 : i32 to vector<16xi32>
        %reduce_max3A_1969 = arith.xori %select_n3A_1964, %reduce_max3A_1968 : vector<16xi32>
        %reduce_max3A_1970 = tpu.scan <max>, %reduce_max3A_1969 masked %reduce_max3A_1966 : vector<16xi32>, vector<16xi1> -> vector<16xi32>
        %reduce_max3A_1971 = arith.xori %reduce_max3A_1970, %reduce_max3A_1968 : vector<16xi32>
        %reduce_max3A_1972 = vector.extract %reduce_max3A_1971[15] : i32 from vector<16xi32>
        %shift_right_arithmetic3A_1973 = arith.constant 3 : i32
        %shift_right_arithmetic3A_1974 = arith.shrsi %reduce_max3A_1972, %shift_right_arithmetic3A_1973 : i32
        %dma_start3A_1975 = arith.constant 2 : i32
        %dma_start3A_1976 = arith.constant 2 : i32
        %dma_start3A_1977 = arith.constant 0 : i32
        %dma_start3A_1978 = arith.constant 0 : i32
        %dma_start3A_1979 = tpu.memref_slice %arg6[%dma_start3A_1975, %dma_start3A_1977, %dma_start3A_1978] : memref<16x8x64xf32, #tpu.memory_space<vmem>> -> memref<1x8x64xf32, #tpu.memory_space<vmem>>
        %dma_start3A_1980 = tpu.memref_squeeze %dma_start3A_1979 : memref<1x8x64xf32, #tpu.memory_space<vmem>> -> memref<8x64xf32, #tpu.memory_space<vmem>>
        %dma_start3A_1981 = arith.constant 0 : i32
        %dma_start3A_1982 = arith.constant 0 : i32
        %dma_start3A_1983 = tpu.memref_slice %arg3[%shift_right_arithmetic3A_1974, %dma_start3A_1981, %dma_start3A_1982] : memref<325000x8x64xf32, #tpu.memory_space<hbm>> -> memref<1x8x64xf32, #tpu.memory_space<hbm>>
        %dma_start3A_1984 = tpu.memref_squeeze %dma_start3A_1983 : memref<1x8x64xf32, #tpu.memory_space<hbm>> -> memref<8x64xf32, #tpu.memory_space<hbm>>
        %dma_start3A_1985 = tpu.memref_slice %arg8[%dma_start3A_1976] : memref<16x!tpu.dma_semaphore, #tpu.memory_space<semaphore_mem>> -> memref<1x!tpu.dma_semaphore, #tpu.memory_space<semaphore_mem>>
        %dma_start3A_1986 = tpu.memref_squeeze %dma_start3A_1985 : memref<1x!tpu.dma_semaphore, #tpu.memory_space<semaphore_mem>> -> memref<!tpu.dma_semaphore, #tpu.memory_space<semaphore_mem>>
        %dma_start3A_1987 = arith.constant 0 : i32
        %dma_start3A_1988 = arith.constant 0 : i32
        %dma_start3A_1989 = tpu.memref_slice %arg6[%dma_start3A_1975, %dma_start3A_1987, %dma_start3A_1988] : memref<16x8x64xf32, #tpu.memory_space<vmem>> -> memref<1x8x64xf32, #tpu.memory_space<vmem>>
        %dma_start3A_1990 = tpu.memref_squeeze %dma_start3A_1989 : memref<1x8x64xf32, #tpu.memory_space<vmem>> -> memref<8x64xf32, #tpu.memory_space<vmem>>
        %dma_start3A_1991 = arith.constant 0 : i32
        %dma_start3A_1992 = arith.constant 0 : i32
        %dma_start3A_1993 = tpu.memref_slice %arg3[%shift_right_arithmetic3A_1974, %dma_start3A_1991, %dma_start3A_1992] : memref<325000x8x64xf32, #tpu.memory_space<hbm>> -> memref<1x8x64xf32, #tpu.memory_space<hbm>>
        %dma_start3A_1994 = tpu.memref_squeeze %dma_start3A_1993 : memref<1x8x64xf32, #tpu.memory_space<hbm>> -> memref<8x64xf32, #tpu.memory_space<hbm>>
        tpu.enqueue_dma source(%dma_start3A_1994 : memref<8x64xf32, #tpu.memory_space<hbm>>) target(%dma_start3A_1990 : memref<8x64xf32, #tpu.memory_space<vmem>>) target_semaphore(%dma_start3A_1986 : memref<!tpu.dma_semaphore, #tpu.memory_space<semaphore_mem>>)
        %and3A_1995 = arith.constant 7 : i32
        %and3A_1996 = arith.andi %reduce_max3A_1972, %and3A_1995 : i32
        %dma_wait3A_1997 = arith.constant 0 : i32
        %dma_wait3A_1998 = arith.constant 3 : i32
        %dma_wait3A_1999 = arith.constant 3 : i32
        %dma_wait3A_2000 = arith.constant 0 : i32
        %dma_wait3A_2001 = arith.constant 0 : i32
        %dma_wait3A_2002 = tpu.memref_slice %arg6[%dma_wait3A_1998, %dma_wait3A_2000, %dma_wait3A_2001] : memref<16x8x64xf32, #tpu.memory_space<vmem>> -> memref<1x8x64xf32, #tpu.memory_space<vmem>>
        %dma_wait3A_2003 = tpu.memref_squeeze %dma_wait3A_2002 : memref<1x8x64xf32, #tpu.memory_space<vmem>> -> memref<8x64xf32, #tpu.memory_space<vmem>>
        %dma_wait3A_2004 = arith.constant 0 : i32
        %dma_wait3A_2005 = arith.constant 0 : i32
        %dma_wait3A_2006 = tpu.memref_slice %arg3[%dma_wait3A_1997, %dma_wait3A_2004, %dma_wait3A_2005] : memref<325000x8x64xf32, #tpu.memory_space<hbm>> -> memref<1x8x64xf32, #tpu.memory_space<hbm>>
        %dma_wait3A_2007 = tpu.memref_squeeze %dma_wait3A_2006 : memref<1x8x64xf32, #tpu.memory_space<hbm>> -> memref<8x64xf32, #tpu.memory_space<hbm>>
        %dma_wait3A_2008 = tpu.memref_slice %arg8[%dma_wait3A_1999] : memref<16x!tpu.dma_semaphore, #tpu.memory_space<semaphore_mem>> -> memref<1x!tpu.dma_semaphore, #tpu.memory_space<semaphore_mem>>
        %dma_wait3A_2009 = tpu.memref_squeeze %dma_wait3A_2008 : memref<1x!tpu.dma_semaphore, #tpu.memory_space<semaphore_mem>> -> memref<!tpu.dma_semaphore, #tpu.memory_space<semaphore_mem>>
        %dma_wait3A_2010 = arith.constant 0 : i32
        %dma_wait3A_2011 = arith.constant 0 : i32
        %dma_wait3A_2012 = tpu.memref_slice %arg6[%dma_wait3A_1998, %dma_wait3A_2010, %dma_wait3A_2011] : memref<16x8x64xf32, #tpu.memory_space<vmem>> -> memref<1x8x64xf32, #tpu.memory_space<vmem>>
        %dma_wait3A_2013 = tpu.memref_squeeze %dma_wait3A_2012 : memref<1x8x64xf32, #tpu.memory_space<vmem>> -> memref<8x64xf32, #tpu.memory_space<vmem>>
        %dma_wait3A_2014 = arith.constant 0 : i32
        %dma_wait3A_2015 = arith.constant 0 : i32
        %dma_wait3A_2016 = tpu.memref_slice %arg3[%dma_wait3A_1997, %dma_wait3A_2014, %dma_wait3A_2015] : memref<325000x8x64xf32, #tpu.memory_space<hbm>> -> memref<1x8x64xf32, #tpu.memory_space<hbm>>
        %dma_wait3A_2017 = tpu.memref_squeeze %dma_wait3A_2016 : memref<1x8x64xf32, #tpu.memory_space<hbm>> -> memref<8x64xf32, #tpu.memory_space<hbm>>
        tpu.wait_dma2 semaphore(%dma_wait3A_2009 : memref<!tpu.dma_semaphore, #tpu.memory_space<semaphore_mem>>) src(%dma_wait3A_2017 : memref<8x64xf32, #tpu.memory_space<hbm>>) dst(%dma_wait3A_2013 : memref<8x64xf32, #tpu.memory_space<vmem>>)
        %sub3A_2018 = arith.constant 1 : i32
        %sub3A_2019 = arith.subi %scan3A_1674, %sub3A_2018 : i32
        %mul3A_2020 = arith.constant 16 : i32
        %mul3A_2021 = arith.muli %sub3A_2019, %mul3A_2020 : i32
        %add3A_2022 = arith.constant 3 : i32
        %add3A_2023 = arith.addi %mul3A_2021, %add3A_2022 : i32
        %get3A_2024 = arith.constant 3 : i32
        %get3A_2025 = arith.index_cast %get3A_2024 : i32 to index
        %get3A_2026 = arith.index_cast %scan3A_1678 : i32 to index
        %get3A_2027 = arith.constant 0 : index
        %get3A_2028 = tpu.vector_load %arg6[%get3A_2025, %get3A_2026, %get3A_2027] {strides = array<i32>} : memref<16x8x64xf32, #tpu.memory_space<vmem>>, vector<16xf32>,
        %swap3A_2029 = arith.index_cast %rem3A_46 : i32 to index
        %swap3A_2030 = arith.index_cast %add3A_2023 : i32 to index
        %swap3A_2031 = arith.constant 0 : index
        %swap3A_2032 = tpu.vector_load %arg7[%swap3A_2029, %swap3A_2030, %swap3A_2031] {strides = array<i32>} : memref<2x256x64xf32, #tpu.memory_space<vmem>>, vector<16xf32>,
        tpu.vector_store %arg7[%swap3A_2029, %swap3A_2030, %swap3A_2031], %get3A_2028 {strides = array<i32>} : memref<2x256x64xf32, #tpu.memory_space<vmem>>, vector<16xf32>,
        %get3A_2033 = arith.constant 3 : i32
        %get3A_2034 = arith.index_cast %get3A_2033 : i32 to index
        %get3A_2035 = arith.index_cast %scan3A_1678 : i32 to index
        %get3A_2036 = arith.constant 16 : index
        %get3A_2037 = tpu.vector_load %arg6[%get3A_2034, %get3A_2035, %get3A_2036] {strides = array<i32>} : memref<16x8x64xf32, #tpu.memory_space<vmem>>, vector<16xf32>,
        %swap3A_2038 = arith.index_cast %rem3A_46 : i32 to index
        %swap3A_2039 = arith.index_cast %add3A_2023 : i32 to index
        %swap3A_2040 = arith.constant 16 : index
        %swap3A_2041 = tpu.vector_load %arg7[%swap3A_2038, %swap3A_2039, %swap3A_2040] {strides = array<i32>} : memref<2x256x64xf32, #tpu.memory_space<vmem>>, vector<16xf32>,
        tpu.vector_store %arg7[%swap3A_2038, %swap3A_2039, %swap3A_2040], %get3A_2037 {strides = array<i32>} : memref<2x256x64xf32, #tpu.memory_space<vmem>>, vector<16xf32>,
        %get3A_2042 = arith.constant 3 : i32
        %get3A_2043 = arith.index_cast %get3A_2042 : i32 to index
        %get3A_2044 = arith.index_cast %scan3A_1678 : i32 to index
        %get3A_2045 = arith.constant 32 : index
        %get3A_2046 = tpu.vector_load %arg6[%get3A_2043, %get3A_2044, %get3A_2045] {strides = array<i32>} : memref<16x8x64xf32, #tpu.memory_space<vmem>>, vector<16xf32>,
        %swap3A_2047 = arith.index_cast %rem3A_46 : i32 to index
        %swap3A_2048 = arith.index_cast %add3A_2023 : i32 to index
        %swap3A_2049 = arith.constant 32 : index
        %swap3A_2050 = tpu.vector_load %arg7[%swap3A_2047, %swap3A_2048, %swap3A_2049] {strides = array<i32>} : memref<2x256x64xf32, #tpu.memory_space<vmem>>, vector<16xf32>,
        tpu.vector_store %arg7[%swap3A_2047, %swap3A_2048, %swap3A_2049], %get3A_2046 {strides = array<i32>} : memref<2x256x64xf32, #tpu.memory_space<vmem>>, vector<16xf32>,
        %get3A_2051 = arith.constant 3 : i32
        %get3A_2052 = arith.index_cast %get3A_2051 : i32 to index
        %get3A_2053 = arith.index_cast %scan3A_1678 : i32 to index
        %get3A_2054 = arith.constant 48 : index
        %get3A_2055 = tpu.vector_load %arg6[%get3A_2052, %get3A_2053, %get3A_2054] {strides = array<i32>} : memref<16x8x64xf32, #tpu.memory_space<vmem>>, vector<16xf32>,
        %swap3A_2056 = arith.index_cast %rem3A_46 : i32 to index
        %swap3A_2057 = arith.index_cast %add3A_2023 : i32 to index
        %swap3A_2058 = arith.constant 48 : index
        %swap3A_2059 = tpu.vector_load %arg7[%swap3A_2056, %swap3A_2057, %swap3A_2058] {strides = array<i32>} : memref<2x256x64xf32, #tpu.memory_space<vmem>>, vector<16xf32>,
        tpu.vector_store %arg7[%swap3A_2056, %swap3A_2057, %swap3A_2058], %get3A_2055 {strides = array<i32>} : memref<2x256x64xf32, #tpu.memory_space<vmem>>, vector<16xf32>,
        %eq3A_2060 = arith.constant 3 : i32
        %eq3A_2061 = vector.broadcast %eq3A_2060 : i32 to vector<16xi32>
        %eq3A_2062 = arith.cmpi eq, %iota3A, %eq3A_2061 : vector<16xi32>
        %jit3A_2063 = arith.constant 0 : i32
        %broadcast_in_dim3A_2064 = vector.broadcast %jit3A_2063 : i32 to vector<16xi32>
        %select_n3A_2065 = arith.select %eq3A_2062, %get3A_1694, %broadcast_in_dim3A_2064 : vector<16xi1>, vector<16xi32>
        %reduce_max3A_2066 = arith.constant true
        %reduce_max3A_2067 = vector.broadcast %reduce_max3A_2066 : i1 to vector<16xi1>
        %reduce_max3A_2068 = arith.constant -2147483648 : i32
        %reduce_max3A_2069 = vector.broadcast %reduce_max3A_2068 : i32 to vector<16xi32>
        %reduce_max3A_2070 = arith.xori %select_n3A_2065, %reduce_max3A_2069 : vector<16xi32>
        %reduce_max3A_2071 = tpu.scan <max>, %reduce_max3A_2070 masked %reduce_max3A_2067 : vector<16xi32>, vector<16xi1> -> vector<16xi32>
        %reduce_max3A_2072 = arith.xori %reduce_max3A_2071, %reduce_max3A_2069 : vector<16xi32>
        %reduce_max3A_2073 = vector.extract %reduce_max3A_2072[15] : i32 from vector<16xi32>
        %shift_right_arithmetic3A_2074 = arith.constant 3 : i32
        %shift_right_arithmetic3A_2075 = arith.shrsi %reduce_max3A_2073, %shift_right_arithmetic3A_2074 : i32
        %dma_start3A_2076 = arith.constant 3 : i32
        %dma_start3A_2077 = arith.constant 3 : i32
        %dma_start3A_2078 = arith.constant 0 : i32
        %dma_start3A_2079 = arith.constant 0 : i32
        %dma_start3A_2080 = tpu.memref_slice %arg6[%dma_start3A_2076, %dma_start3A_2078, %dma_start3A_2079] : memref<16x8x64xf32, #tpu.memory_space<vmem>> -> memref<1x8x64xf32, #tpu.memory_space<vmem>>
        %dma_start3A_2081 = tpu.memref_squeeze %dma_start3A_2080 : memref<1x8x64xf32, #tpu.memory_space<vmem>> -> memref<8x64xf32, #tpu.memory_space<vmem>>
        %dma_start3A_2082 = arith.constant 0 : i32
        %dma_start3A_2083 = arith.constant 0 : i32
        %dma_start3A_2084 = tpu.memref_slice %arg3[%shift_right_arithmetic3A_2075, %dma_start3A_2082, %dma_start3A_2083] : memref<325000x8x64xf32, #tpu.memory_space<hbm>> -> memref<1x8x64xf32, #tpu.memory_space<hbm>>
        %dma_start3A_2085 = tpu.memref_squeeze %dma_start3A_2084 : memref<1x8x64xf32, #tpu.memory_space<hbm>> -> memref<8x64xf32, #tpu.memory_space<hbm>>
        %dma_start3A_2086 = tpu.memref_slice %arg8[%dma_start3A_2077] : memref<16x!tpu.dma_semaphore, #tpu.memory_space<semaphore_mem>> -> memref<1x!tpu.dma_semaphore, #tpu.memory_space<semaphore_mem>>
        %dma_start3A_2087 = tpu.memref_squeeze %dma_start3A_2086 : memref<1x!tpu.dma_semaphore, #tpu.memory_space<semaphore_mem>> -> memref<!tpu.dma_semaphore, #tpu.memory_space<semaphore_mem>>
        %dma_start3A_2088 = arith.constant 0 : i32
        %dma_start3A_2089 = arith.constant 0 : i32
        %dma_start3A_2090 = tpu.memref_slice %arg6[%dma_start3A_2076, %dma_start3A_2088, %dma_start3A_2089] : memref<16x8x64xf32, #tpu.memory_space<vmem>> -> memref<1x8x64xf32, #tpu.memory_space<vmem>>
        %dma_start3A_2091 = tpu.memref_squeeze %dma_start3A_2090 : memref<1x8x64xf32, #tpu.memory_space<vmem>> -> memref<8x64xf32, #tpu.memory_space<vmem>>
        %dma_start3A_2092 = arith.constant 0 : i32
        %dma_start3A_2093 = arith.constant 0 : i32
        %dma_start3A_2094 = tpu.memref_slice %arg3[%shift_right_arithmetic3A_2075, %dma_start3A_2092, %dma_start3A_2093] : memref<325000x8x64xf32, #tpu.memory_space<hbm>> -> memref<1x8x64xf32, #tpu.memory_space<hbm>>
        %dma_start3A_2095 = tpu.memref_squeeze %dma_start3A_2094 : memref<1x8x64xf32, #tpu.memory_space<hbm>> -> memref<8x64xf32, #tpu.memory_space<hbm>>
        tpu.enqueue_dma source(%dma_start3A_2095 : memref<8x64xf32, #tpu.memory_space<hbm>>) target(%dma_start3A_2091 : memref<8x64xf32, #tpu.memory_space<vmem>>) target_semaphore(%dma_start3A_2087 : memref<!tpu.dma_semaphore, #tpu.memory_space<semaphore_mem>>)
        %and3A_2096 = arith.constant 7 : i32
        %and3A_2097 = arith.andi %reduce_max3A_2073, %and3A_2096 : i32
        %dma_wait3A_2098 = arith.constant 0 : i32
        %dma_wait3A_2099 = arith.constant 4 : i32
        %dma_wait3A_2100 = arith.constant 4 : i32
        %dma_wait3A_2101 = arith.constant 0 : i32
        %dma_wait3A_2102 = arith.constant 0 : i32
        %dma_wait3A_2103 = tpu.memref_slice %arg6[%dma_wait3A_2099, %dma_wait3A_2101, %dma_wait3A_2102] : memref<16x8x64xf32, #tpu.memory_space<vmem>> -> memref<1x8x64xf32, #tpu.memory_space<vmem>>
        %dma_wait3A_2104 = tpu.memref_squeeze %dma_wait3A_2103 : memref<1x8x64xf32, #tpu.memory_space<vmem>> -> memref<8x64xf32, #tpu.memory_space<vmem>>
        %dma_wait3A_2105 = arith.constant 0 : i32
        %dma_wait3A_2106 = arith.constant 0 : i32
        %dma_wait3A_2107 = tpu.memref_slice %arg3[%dma_wait3A_2098, %dma_wait3A_2105, %dma_wait3A_2106] : memref<325000x8x64xf32, #tpu.memory_space<hbm>> -> memref<1x8x64xf32, #tpu.memory_space<hbm>>
        %dma_wait3A_2108 = tpu.memref_squeeze %dma_wait3A_2107 : memref<1x8x64xf32, #tpu.memory_space<hbm>> -> memref<8x64xf32, #tpu.memory_space<hbm>>
        %dma_wait3A_2109 = tpu.memref_slice %arg8[%dma_wait3A_2100] : memref<16x!tpu.dma_semaphore, #tpu.memory_space<semaphore_mem>> -> memref<1x!tpu.dma_semaphore, #tpu.memory_space<semaphore_mem>>
        %dma_wait3A_2110 = tpu.memref_squeeze %dma_wait3A_2109 : memref<1x!tpu.dma_semaphore, #tpu.memory_space<semaphore_mem>> -> memref<!tpu.dma_semaphore, #tpu.memory_space<semaphore_mem>>
        %dma_wait3A_2111 = arith.constant 0 : i32
        %dma_wait3A_2112 = arith.constant 0 : i32
        %dma_wait3A_2113 = tpu.memref_slice %arg6[%dma_wait3A_2099, %dma_wait3A_2111, %dma_wait3A_2112] : memref<16x8x64xf32, #tpu.memory_space<vmem>> -> memref<1x8x64xf32, #tpu.memory_space<vmem>>
        %dma_wait3A_2114 = tpu.memref_squeeze %dma_wait3A_2113 : memref<1x8x64xf32, #tpu.memory_space<vmem>> -> memref<8x64xf32, #tpu.memory_space<vmem>>
        %dma_wait3A_2115 = arith.constant 0 : i32
        %dma_wait3A_2116 = arith.constant 0 : i32
        %dma_wait3A_2117 = tpu.memref_slice %arg3[%dma_wait3A_2098, %dma_wait3A_2115, %dma_wait3A_2116] : memref<325000x8x64xf32, #tpu.memory_space<hbm>> -> memref<1x8x64xf32, #tpu.memory_space<hbm>>
        %dma_wait3A_2118 = tpu.memref_squeeze %dma_wait3A_2117 : memref<1x8x64xf32, #tpu.memory_space<hbm>> -> memref<8x64xf32, #tpu.memory_space<hbm>>
        tpu.wait_dma2 semaphore(%dma_wait3A_2110 : memref<!tpu.dma_semaphore, #tpu.memory_space<semaphore_mem>>) src(%dma_wait3A_2118 : memref<8x64xf32, #tpu.memory_space<hbm>>) dst(%dma_wait3A_2114 : memref<8x64xf32, #tpu.memory_space<vmem>>)
        %sub3A_2119 = arith.constant 1 : i32
        %sub3A_2120 = arith.subi %scan3A_1674, %sub3A_2119 : i32
        %mul3A_2121 = arith.constant 16 : i32
        %mul3A_2122 = arith.muli %sub3A_2120, %mul3A_2121 : i32
        %add3A_2123 = arith.constant 4 : i32
        %add3A_2124 = arith.addi %mul3A_2122, %add3A_2123 : i32
        %get3A_2125 = arith.constant 4 : i32
        %get3A_2126 = arith.index_cast %get3A_2125 : i32 to index
        %get3A_2127 = arith.index_cast %scan3A_1679 : i32 to index
        %get3A_2128 = arith.constant 0 : index
        %get3A_2129 = tpu.vector_load %arg6[%get3A_2126, %get3A_2127, %get3A_2128] {strides = array<i32>} : memref<16x8x64xf32, #tpu.memory_space<vmem>>, vector<16xf32>,
        %swap3A_2130 = arith.index_cast %rem3A_46 : i32 to index
        %swap3A_2131 = arith.index_cast %add3A_2124 : i32 to index
        %swap3A_2132 = arith.constant 0 : index
        %swap3A_2133 = tpu.vector_load %arg7[%swap3A_2130, %swap3A_2131, %swap3A_2132] {strides = array<i32>} : memref<2x256x64xf32, #tpu.memory_space<vmem>>, vector<16xf32>,
        tpu.vector_store %arg7[%swap3A_2130, %swap3A_2131, %swap3A_2132], %get3A_2129 {strides = array<i32>} : memref<2x256x64xf32, #tpu.memory_space<vmem>>, vector<16xf32>,
        %get3A_2134 = arith.constant 4 : i32
        %get3A_2135 = arith.index_cast %get3A_2134 : i32 to index
        %get3A_2136 = arith.index_cast %scan3A_1679 : i32 to index
        %get3A_2137 = arith.constant 16 : index
        %get3A_2138 = tpu.vector_load %arg6[%get3A_2135, %get3A_2136, %get3A_2137] {strides = array<i32>} : memref<16x8x64xf32, #tpu.memory_space<vmem>>, vector<16xf32>,
        %swap3A_2139 = arith.index_cast %rem3A_46 : i32 to index
        %swap3A_2140 = arith.index_cast %add3A_2124 : i32 to index
        %swap3A_2141 = arith.constant 16 : index
        %swap3A_2142 = tpu.vector_load %arg7[%swap3A_2139, %swap3A_2140, %swap3A_2141] {strides = array<i32>} : memref<2x256x64xf32, #tpu.memory_space<vmem>>, vector<16xf32>,
        tpu.vector_store %arg7[%swap3A_2139, %swap3A_2140, %swap3A_2141], %get3A_2138 {strides = array<i32>} : memref<2x256x64xf32, #tpu.memory_space<vmem>>, vector<16xf32>,
        %get3A_2143 = arith.constant 4 : i32
        %get3A_2144 = arith.index_cast %get3A_2143 : i32 to index
        %get3A_2145 = arith.index_cast %scan3A_1679 : i32 to index
        %get3A_2146 = arith.constant 32 : index
        %get3A_2147 = tpu.vector_load %arg6[%get3A_2144, %get3A_2145, %get3A_2146] {strides = array<i32>} : memref<16x8x64xf32, #tpu.memory_space<vmem>>, vector<16xf32>,
        %swap3A_2148 = arith.index_cast %rem3A_46 : i32 to index
        %swap3A_2149 = arith.index_cast %add3A_2124 : i32 to index
        %swap3A_2150 = arith.constant 32 : index
        %swap3A_2151 = tpu.vector_load %arg7[%swap3A_2148, %swap3A_2149, %swap3A_2150] {strides = array<i32>} : memref<2x256x64xf32, #tpu.memory_space<vmem>>, vector<16xf32>,
        tpu.vector_store %arg7[%swap3A_2148, %swap3A_2149, %swap3A_2150], %get3A_2147 {strides = array<i32>} : memref<2x256x64xf32, #tpu.memory_space<vmem>>, vector<16xf32>,
        %get3A_2152 = arith.constant 4 : i32
        %get3A_2153 = arith.index_cast %get3A_2152 : i32 to index
        %get3A_2154 = arith.index_cast %scan3A_1679 : i32 to index
        %get3A_2155 = arith.constant 48 : index
        %get3A_2156 = tpu.vector_load %arg6[%get3A_2153, %get3A_2154, %get3A_2155] {strides = array<i32>} : memref<16x8x64xf32, #tpu.memory_space<vmem>>, vector<16xf32>,
        %swap3A_2157 = arith.index_cast %rem3A_46 : i32 to index
        %swap3A_2158 = arith.index_cast %add3A_2124 : i32 to index
        %swap3A_2159 = arith.constant 48 : index
        %swap3A_2160 = tpu.vector_load %arg7[%swap3A_2157, %swap3A_2158, %swap3A_2159] {strides = array<i32>} : memref<2x256x64xf32, #tpu.memory_space<vmem>>, vector<16xf32>,
        tpu.vector_store %arg7[%swap3A_2157, %swap3A_2158, %swap3A_2159], %get3A_2156 {strides = array<i32>} : memref<2x256x64xf32, #tpu.memory_space<vmem>>, vector<16xf32>,
        %eq3A_2161 = arith.constant 4 : i32
        %eq3A_2162 = vector.broadcast %eq3A_2161 : i32 to vector<16xi32>
        %eq3A_2163 = arith.cmpi eq, %iota3A, %eq3A_2162 : vector<16xi32>
        %jit3A_2164 = arith.constant 0 : i32
        %broadcast_in_dim3A_2165 = vector.broadcast %jit3A_2164 : i32 to vector<16xi32>
        %select_n3A_2166 = arith.select %eq3A_2163, %get3A_1694, %broadcast_in_dim3A_2165 : vector<16xi1>, vector<16xi32>
        %reduce_max3A_2167 = arith.constant true
        %reduce_max3A_2168 = vector.broadcast %reduce_max3A_2167 : i1 to vector<16xi1>
        %reduce_max3A_2169 = arith.constant -2147483648 : i32
        %reduce_max3A_2170 = vector.broadcast %reduce_max3A_2169 : i32 to vector<16xi32>
        %reduce_max3A_2171 = arith.xori %select_n3A_2166, %reduce_max3A_2170 : vector<16xi32>
        %reduce_max3A_2172 = tpu.scan <max>, %reduce_max3A_2171 masked %reduce_max3A_2168 : vector<16xi32>, vector<16xi1> -> vector<16xi32>
        %reduce_max3A_2173 = arith.xori %reduce_max3A_2172, %reduce_max3A_2170 : vector<16xi32>
        %reduce_max3A_2174 = vector.extract %reduce_max3A_2173[15] : i32 from vector<16xi32>
        %shift_right_arithmetic3A_2175 = arith.constant 3 : i32
        %shift_right_arithmetic3A_2176 = arith.shrsi %reduce_max3A_2174, %shift_right_arithmetic3A_2175 : i32
        %dma_start3A_2177 = arith.constant 4 : i32
        %dma_start3A_2178 = arith.constant 4 : i32
        %dma_start3A_2179 = arith.constant 0 : i32
        %dma_start3A_2180 = arith.constant 0 : i32
        %dma_start3A_2181 = tpu.memref_slice %arg6[%dma_start3A_2177, %dma_start3A_2179, %dma_start3A_2180] : memref<16x8x64xf32, #tpu.memory_space<vmem>> -> memref<1x8x64xf32, #tpu.memory_space<vmem>>
        %dma_start3A_2182 = tpu.memref_squeeze %dma_start3A_2181 : memref<1x8x64xf32, #tpu.memory_space<vmem>> -> memref<8x64xf32, #tpu.memory_space<vmem>>
        %dma_start3A_2183 = arith.constant 0 : i32
        %dma_start3A_2184 = arith.constant 0 : i32
        %dma_start3A_2185 = tpu.memref_slice %arg3[%shift_right_arithmetic3A_2176, %dma_start3A_2183, %dma_start3A_2184] : memref<325000x8x64xf32, #tpu.memory_space<hbm>> -> memref<1x8x64xf32, #tpu.memory_space<hbm>>
        %dma_start3A_2186 = tpu.memref_squeeze %dma_start3A_2185 : memref<1x8x64xf32, #tpu.memory_space<hbm>> -> memref<8x64xf32, #tpu.memory_space<hbm>>
        %dma_start3A_2187 = tpu.memref_slice %arg8[%dma_start3A_2178] : memref<16x!tpu.dma_semaphore, #tpu.memory_space<semaphore_mem>> -> memref<1x!tpu.dma_semaphore, #tpu.memory_space<semaphore_mem>>
        %dma_start3A_2188 = tpu.memref_squeeze %dma_start3A_2187 : memref<1x!tpu.dma_semaphore, #tpu.memory_space<semaphore_mem>> -> memref<!tpu.dma_semaphore, #tpu.memory_space<semaphore_mem>>
        %dma_start3A_2189 = arith.constant 0 : i32
        %dma_start3A_2190 = arith.constant 0 : i32
        %dma_start3A_2191 = tpu.memref_slice %arg6[%dma_start3A_2177, %dma_start3A_2189, %dma_start3A_2190] : memref<16x8x64xf32, #tpu.memory_space<vmem>> -> memref<1x8x64xf32, #tpu.memory_space<vmem>>
        %dma_start3A_2192 = tpu.memref_squeeze %dma_start3A_2191 : memref<1x8x64xf32, #tpu.memory_space<vmem>> -> memref<8x64xf32, #tpu.memory_space<vmem>>
        %dma_start3A_2193 = arith.constant 0 : i32
        %dma_start3A_2194 = arith.constant 0 : i32
        %dma_start3A_2195 = tpu.memref_slice %arg3[%shift_right_arithmetic3A_2176, %dma_start3A_2193, %dma_start3A_2194] : memref<325000x8x64xf32, #tpu.memory_space<hbm>> -> memref<1x8x64xf32, #tpu.memory_space<hbm>>
        %dma_start3A_2196 = tpu.memref_squeeze %dma_start3A_2195 : memref<1x8x64xf32, #tpu.memory_space<hbm>> -> memref<8x64xf32, #tpu.memory_space<hbm>>
        tpu.enqueue_dma source(%dma_start3A_2196 : memref<8x64xf32, #tpu.memory_space<hbm>>) target(%dma_start3A_2192 : memref<8x64xf32, #tpu.memory_space<vmem>>) target_semaphore(%dma_start3A_2188 : memref<!tpu.dma_semaphore, #tpu.memory_space<semaphore_mem>>)
        %and3A_2197 = arith.constant 7 : i32
        %and3A_2198 = arith.andi %reduce_max3A_2174, %and3A_2197 : i32
        %dma_wait3A_2199 = arith.constant 0 : i32
        %dma_wait3A_2200 = arith.constant 5 : i32
        %dma_wait3A_2201 = arith.constant 5 : i32
        %dma_wait3A_2202 = arith.constant 0 : i32
        %dma_wait3A_2203 = arith.constant 0 : i32
        %dma_wait3A_2204 = tpu.memref_slice %arg6[%dma_wait3A_2200, %dma_wait3A_2202, %dma_wait3A_2203] : memref<16x8x64xf32, #tpu.memory_space<vmem>> -> memref<1x8x64xf32, #tpu.memory_space<vmem>>
        %dma_wait3A_2205 = tpu.memref_squeeze %dma_wait3A_2204 : memref<1x8x64xf32, #tpu.memory_space<vmem>> -> memref<8x64xf32, #tpu.memory_space<vmem>>
        %dma_wait3A_2206 = arith.constant 0 : i32
        %dma_wait3A_2207 = arith.constant 0 : i32
        %dma_wait3A_2208 = tpu.memref_slice %arg3[%dma_wait3A_2199, %dma_wait3A_2206, %dma_wait3A_2207] : memref<325000x8x64xf32, #tpu.memory_space<hbm>> -> memref<1x8x64xf32, #tpu.memory_space<hbm>>
        %dma_wait3A_2209 = tpu.memref_squeeze %dma_wait3A_2208 : memref<1x8x64xf32, #tpu.memory_space<hbm>> -> memref<8x64xf32, #tpu.memory_space<hbm>>
        %dma_wait3A_2210 = tpu.memref_slice %arg8[%dma_wait3A_2201] : memref<16x!tpu.dma_semaphore, #tpu.memory_space<semaphore_mem>> -> memref<1x!tpu.dma_semaphore, #tpu.memory_space<semaphore_mem>>
        %dma_wait3A_2211 = tpu.memref_squeeze %dma_wait3A_2210 : memref<1x!tpu.dma_semaphore, #tpu.memory_space<semaphore_mem>> -> memref<!tpu.dma_semaphore, #tpu.memory_space<semaphore_mem>>
        %dma_wait3A_2212 = arith.constant 0 : i32
        %dma_wait3A_2213 = arith.constant 0 : i32
        %dma_wait3A_2214 = tpu.memref_slice %arg6[%dma_wait3A_2200, %dma_wait3A_2212, %dma_wait3A_2213] : memref<16x8x64xf32, #tpu.memory_space<vmem>> -> memref<1x8x64xf32, #tpu.memory_space<vmem>>
        %dma_wait3A_2215 = tpu.memref_squeeze %dma_wait3A_2214 : memref<1x8x64xf32, #tpu.memory_space<vmem>> -> memref<8x64xf32, #tpu.memory_space<vmem>>
        %dma_wait3A_2216 = arith.constant 0 : i32
        %dma_wait3A_2217 = arith.constant 0 : i32
        %dma_wait3A_2218 = tpu.memref_slice %arg3[%dma_wait3A_2199, %dma_wait3A_2216, %dma_wait3A_2217] : memref<325000x8x64xf32, #tpu.memory_space<hbm>> -> memref<1x8x64xf32, #tpu.memory_space<hbm>>
        %dma_wait3A_2219 = tpu.memref_squeeze %dma_wait3A_2218 : memref<1x8x64xf32, #tpu.memory_space<hbm>> -> memref<8x64xf32, #tpu.memory_space<hbm>>
        tpu.wait_dma2 semaphore(%dma_wait3A_2211 : memref<!tpu.dma_semaphore, #tpu.memory_space<semaphore_mem>>) src(%dma_wait3A_2219 : memref<8x64xf32, #tpu.memory_space<hbm>>) dst(%dma_wait3A_2215 : memref<8x64xf32, #tpu.memory_space<vmem>>)
        %sub3A_2220 = arith.constant 1 : i32
        %sub3A_2221 = arith.subi %scan3A_1674, %sub3A_2220 : i32
        %mul3A_2222 = arith.constant 16 : i32
        %mul3A_2223 = arith.muli %sub3A_2221, %mul3A_2222 : i32
        %add3A_2224 = arith.constant 5 : i32
        %add3A_2225 = arith.addi %mul3A_2223, %add3A_2224 : i32
        %get3A_2226 = arith.constant 5 : i32
        %get3A_2227 = arith.index_cast %get3A_2226 : i32 to index
        %get3A_2228 = arith.index_cast %scan3A_1680 : i32 to index
        %get3A_2229 = arith.constant 0 : index
        %get3A_2230 = tpu.vector_load %arg6[%get3A_2227, %get3A_2228, %get3A_2229] {strides = array<i32>} : memref<16x8x64xf32, #tpu.memory_space<vmem>>, vector<16xf32>,
        %swap3A_2231 = arith.index_cast %rem3A_46 : i32 to index
        %swap3A_2232 = arith.index_cast %add3A_2225 : i32 to index
        %swap3A_2233 = arith.constant 0 : index
        %swap3A_2234 = tpu.vector_load %arg7[%swap3A_2231, %swap3A_2232, %swap3A_2233] {strides = array<i32>} : memref<2x256x64xf32, #tpu.memory_space<vmem>>, vector<16xf32>,
        tpu.vector_store %arg7[%swap3A_2231, %swap3A_2232, %swap3A_2233], %get3A_2230 {strides = array<i32>} : memref<2x256x64xf32, #tpu.memory_space<vmem>>, vector<16xf32>,
        %get3A_2235 = arith.constant 5 : i32
        %get3A_2236 = arith.index_cast %get3A_2235 : i32 to index
        %get3A_2237 = arith.index_cast %scan3A_1680 : i32 to index
        %get3A_2238 = arith.constant 16 : index
        %get3A_2239 = tpu.vector_load %arg6[%get3A_2236, %get3A_2237, %get3A_2238] {strides = array<i32>} : memref<16x8x64xf32, #tpu.memory_space<vmem>>, vector<16xf32>,
        %swap3A_2240 = arith.index_cast %rem3A_46 : i32 to index
        %swap3A_2241 = arith.index_cast %add3A_2225 : i32 to index
        %swap3A_2242 = arith.constant 16 : index
        %swap3A_2243 = tpu.vector_load %arg7[%swap3A_2240, %swap3A_2241, %swap3A_2242] {strides = array<i32>} : memref<2x256x64xf32, #tpu.memory_space<vmem>>, vector<16xf32>,
        tpu.vector_store %arg7[%swap3A_2240, %swap3A_2241, %swap3A_2242], %get3A_2239 {strides = array<i32>} : memref<2x256x64xf32, #tpu.memory_space<vmem>>, vector<16xf32>,
        %get3A_2244 = arith.constant 5 : i32
        %get3A_2245 = arith.index_cast %get3A_2244 : i32 to index
        %get3A_2246 = arith.index_cast %scan3A_1680 : i32 to index
        %get3A_2247 = arith.constant 32 : index
        %get3A_2248 = tpu.vector_load %arg6[%get3A_2245, %get3A_2246, %get3A_2247] {strides = array<i32>} : memref<16x8x64xf32, #tpu.memory_space<vmem>>, vector<16xf32>,
        %swap3A_2249 = arith.index_cast %rem3A_46 : i32 to index
        %swap3A_2250 = arith.index_cast %add3A_2225 : i32 to index
        %swap3A_2251 = arith.constant 32 : index
        %swap3A_2252 = tpu.vector_load %arg7[%swap3A_2249, %swap3A_2250, %swap3A_2251] {strides = array<i32>} : memref<2x256x64xf32, #tpu.memory_space<vmem>>, vector<16xf32>,
        tpu.vector_store %arg7[%swap3A_2249, %swap3A_2250, %swap3A_2251], %get3A_2248 {strides = array<i32>} : memref<2x256x64xf32, #tpu.memory_space<vmem>>, vector<16xf32>,
        %get3A_2253 = arith.constant 5 : i32
        %get3A_2254 = arith.index_cast %get3A_2253 : i32 to index
        %get3A_2255 = arith.index_cast %scan3A_1680 : i32 to index
        %get3A_2256 = arith.constant 48 : index
        %get3A_2257 = tpu.vector_load %arg6[%get3A_2254, %get3A_2255, %get3A_2256] {strides = array<i32>} : memref<16x8x64xf32, #tpu.memory_space<vmem>>, vector<16xf32>,
        %swap3A_2258 = arith.index_cast %rem3A_46 : i32 to index
        %swap3A_2259 = arith.index_cast %add3A_2225 : i32 to index
        %swap3A_2260 = arith.constant 48 : index
        %swap3A_2261 = tpu.vector_load %arg7[%swap3A_2258, %swap3A_2259, %swap3A_2260] {strides = array<i32>} : memref<2x256x64xf32, #tpu.memory_space<vmem>>, vector<16xf32>,
        tpu.vector_store %arg7[%swap3A_2258, %swap3A_2259, %swap3A_2260], %get3A_2257 {strides = array<i32>} : memref<2x256x64xf32, #tpu.memory_space<vmem>>, vector<16xf32>,
        %eq3A_2262 = arith.constant 5 : i32
        %eq3A_2263 = vector.broadcast %eq3A_2262 : i32 to vector<16xi32>
        %eq3A_2264 = arith.cmpi eq, %iota3A, %eq3A_2263 : vector<16xi32>
        %jit3A_2265 = arith.constant 0 : i32
        %broadcast_in_dim3A_2266 = vector.broadcast %jit3A_2265 : i32 to vector<16xi32>
        %select_n3A_2267 = arith.select %eq3A_2264, %get3A_1694, %broadcast_in_dim3A_2266 : vector<16xi1>, vector<16xi32>
        %reduce_max3A_2268 = arith.constant true
        %reduce_max3A_2269 = vector.broadcast %reduce_max3A_2268 : i1 to vector<16xi1>
        %reduce_max3A_2270 = arith.constant -2147483648 : i32
        %reduce_max3A_2271 = vector.broadcast %reduce_max3A_2270 : i32 to vector<16xi32>
        %reduce_max3A_2272 = arith.xori %select_n3A_2267, %reduce_max3A_2271 : vector<16xi32>
        %reduce_max3A_2273 = tpu.scan <max>, %reduce_max3A_2272 masked %reduce_max3A_2269 : vector<16xi32>, vector<16xi1> -> vector<16xi32>
        %reduce_max3A_2274 = arith.xori %reduce_max3A_2273, %reduce_max3A_2271 : vector<16xi32>
        %reduce_max3A_2275 = vector.extract %reduce_max3A_2274[15] : i32 from vector<16xi32>
        %shift_right_arithmetic3A_2276 = arith.constant 3 : i32
        %shift_right_arithmetic3A_2277 = arith.shrsi %reduce_max3A_2275, %shift_right_arithmetic3A_2276 : i32
        %dma_start3A_2278 = arith.constant 5 : i32
        %dma_start3A_2279 = arith.constant 5 : i32
        %dma_start3A_2280 = arith.constant 0 : i32
        %dma_start3A_2281 = arith.constant 0 : i32
        %dma_start3A_2282 = tpu.memref_slice %arg6[%dma_start3A_2278, %dma_start3A_2280, %dma_start3A_2281] : memref<16x8x64xf32, #tpu.memory_space<vmem>> -> memref<1x8x64xf32, #tpu.memory_space<vmem>>
        %dma_start3A_2283 = tpu.memref_squeeze %dma_start3A_2282 : memref<1x8x64xf32, #tpu.memory_space<vmem>> -> memref<8x64xf32, #tpu.memory_space<vmem>>
        %dma_start3A_2284 = arith.constant 0 : i32
        %dma_start3A_2285 = arith.constant 0 : i32
        %dma_start3A_2286 = tpu.memref_slice %arg3[%shift_right_arithmetic3A_2277, %dma_start3A_2284, %dma_start3A_2285] : memref<325000x8x64xf32, #tpu.memory_space<hbm>> -> memref<1x8x64xf32, #tpu.memory_space<hbm>>
        %dma_start3A_2287 = tpu.memref_squeeze %dma_start3A_2286 : memref<1x8x64xf32, #tpu.memory_space<hbm>> -> memref<8x64xf32, #tpu.memory_space<hbm>>
        %dma_start3A_2288 = tpu.memref_slice %arg8[%dma_start3A_2279] : memref<16x!tpu.dma_semaphore, #tpu.memory_space<semaphore_mem>> -> memref<1x!tpu.dma_semaphore, #tpu.memory_space<semaphore_mem>>
        %dma_start3A_2289 = tpu.memref_squeeze %dma_start3A_2288 : memref<1x!tpu.dma_semaphore, #tpu.memory_space<semaphore_mem>> -> memref<!tpu.dma_semaphore, #tpu.memory_space<semaphore_mem>>
        %dma_start3A_2290 = arith.constant 0 : i32
        %dma_start3A_2291 = arith.constant 0 : i32
        %dma_start3A_2292 = tpu.memref_slice %arg6[%dma_start3A_2278, %dma_start3A_2290, %dma_start3A_2291] : memref<16x8x64xf32, #tpu.memory_space<vmem>> -> memref<1x8x64xf32, #tpu.memory_space<vmem>>
        %dma_start3A_2293 = tpu.memref_squeeze %dma_start3A_2292 : memref<1x8x64xf32, #tpu.memory_space<vmem>> -> memref<8x64xf32, #tpu.memory_space<vmem>>
        %dma_start3A_2294 = arith.constant 0 : i32
        %dma_start3A_2295 = arith.constant 0 : i32
        %dma_start3A_2296 = tpu.memref_slice %arg3[%shift_right_arithmetic3A_2277, %dma_start3A_2294, %dma_start3A_2295] : memref<325000x8x64xf32, #tpu.memory_space<hbm>> -> memref<1x8x64xf32, #tpu.memory_space<hbm>>
        %dma_start3A_2297 = tpu.memref_squeeze %dma_start3A_2296 : memref<1x8x64xf32, #tpu.memory_space<hbm>> -> memref<8x64xf32, #tpu.memory_space<hbm>>
        tpu.enqueue_dma source(%dma_start3A_2297 : memref<8x64xf32, #tpu.memory_space<hbm>>) target(%dma_start3A_2293 : memref<8x64xf32, #tpu.memory_space<vmem>>) target_semaphore(%dma_start3A_2289 : memref<!tpu.dma_semaphore, #tpu.memory_space<semaphore_mem>>)
        %and3A_2298 = arith.constant 7 : i32
        %and3A_2299 = arith.andi %reduce_max3A_2275, %and3A_2298 : i32
        %dma_wait3A_2300 = arith.constant 0 : i32
        %dma_wait3A_2301 = arith.constant 6 : i32
        %dma_wait3A_2302 = arith.constant 6 : i32
        %dma_wait3A_2303 = arith.constant 0 : i32
        %dma_wait3A_2304 = arith.constant 0 : i32
        %dma_wait3A_2305 = tpu.memref_slice %arg6[%dma_wait3A_2301, %dma_wait3A_2303, %dma_wait3A_2304] : memref<16x8x64xf32, #tpu.memory_space<vmem>> -> memref<1x8x64xf32, #tpu.memory_space<vmem>>
        %dma_wait3A_2306 = tpu.memref_squeeze %dma_wait3A_2305 : memref<1x8x64xf32, #tpu.memory_space<vmem>> -> memref<8x64xf32, #tpu.memory_space<vmem>>
        %dma_wait3A_2307 = arith.constant 0 : i32
        %dma_wait3A_2308 = arith.constant 0 : i32
        %dma_wait3A_2309 = tpu.memref_slice %arg3[%dma_wait3A_2300, %dma_wait3A_2307, %dma_wait3A_2308] : memref<325000x8x64xf32, #tpu.memory_space<hbm>> -> memref<1x8x64xf32, #tpu.memory_space<hbm>>
        %dma_wait3A_2310 = tpu.memref_squeeze %dma_wait3A_2309 : memref<1x8x64xf32, #tpu.memory_space<hbm>> -> memref<8x64xf32, #tpu.memory_space<hbm>>
        %dma_wait3A_2311 = tpu.memref_slice %arg8[%dma_wait3A_2302] : memref<16x!tpu.dma_semaphore, #tpu.memory_space<semaphore_mem>> -> memref<1x!tpu.dma_semaphore, #tpu.memory_space<semaphore_mem>>
        %dma_wait3A_2312 = tpu.memref_squeeze %dma_wait3A_2311 : memref<1x!tpu.dma_semaphore, #tpu.memory_space<semaphore_mem>> -> memref<!tpu.dma_semaphore, #tpu.memory_space<semaphore_mem>>
        %dma_wait3A_2313 = arith.constant 0 : i32
        %dma_wait3A_2314 = arith.constant 0 : i32
        %dma_wait3A_2315 = tpu.memref_slice %arg6[%dma_wait3A_2301, %dma_wait3A_2313, %dma_wait3A_2314] : memref<16x8x64xf32, #tpu.memory_space<vmem>> -> memref<1x8x64xf32, #tpu.memory_space<vmem>>
        %dma_wait3A_2316 = tpu.memref_squeeze %dma_wait3A_2315 : memref<1x8x64xf32, #tpu.memory_space<vmem>> -> memref<8x64xf32, #tpu.memory_space<vmem>>
        %dma_wait3A_2317 = arith.constant 0 : i32
        %dma_wait3A_2318 = arith.constant 0 : i32
        %dma_wait3A_2319 = tpu.memref_slice %arg3[%dma_wait3A_2300, %dma_wait3A_2317, %dma_wait3A_2318] : memref<325000x8x64xf32, #tpu.memory_space<hbm>> -> memref<1x8x64xf32, #tpu.memory_space<hbm>>
        %dma_wait3A_2320 = tpu.memref_squeeze %dma_wait3A_2319 : memref<1x8x64xf32, #tpu.memory_space<hbm>> -> memref<8x64xf32, #tpu.memory_space<hbm>>
        tpu.wait_dma2 semaphore(%dma_wait3A_2312 : memref<!tpu.dma_semaphore, #tpu.memory_space<semaphore_mem>>) src(%dma_wait3A_2320 : memref<8x64xf32, #tpu.memory_space<hbm>>) dst(%dma_wait3A_2316 : memref<8x64xf32, #tpu.memory_space<vmem>>)
        %sub3A_2321 = arith.constant 1 : i32
        %sub3A_2322 = arith.subi %scan3A_1674, %sub3A_2321 : i32
        %mul3A_2323 = arith.constant 16 : i32
        %mul3A_2324 = arith.muli %sub3A_2322, %mul3A_2323 : i32
        %add3A_2325 = arith.constant 6 : i32
        %add3A_2326 = arith.addi %mul3A_2324, %add3A_2325 : i32
        %get3A_2327 = arith.constant 6 : i32
        %get3A_2328 = arith.index_cast %get3A_2327 : i32 to index
        %get3A_2329 = arith.index_cast %scan3A_1681 : i32 to index
        %get3A_2330 = arith.constant 0 : index
        %get3A_2331 = tpu.vector_load %arg6[%get3A_2328, %get3A_2329, %get3A_2330] {strides = array<i32>} : memref<16x8x64xf32, #tpu.memory_space<vmem>>, vector<16xf32>,
        %swap3A_2332 = arith.index_cast %rem3A_46 : i32 to index
        %swap3A_2333 = arith.index_cast %add3A_2326 : i32 to index
        %swap3A_2334 = arith.constant 0 : index
        %swap3A_2335 = tpu.vector_load %arg7[%swap3A_2332, %swap3A_2333, %swap3A_2334] {strides = array<i32>} : memref<2x256x64xf32, #tpu.memory_space<vmem>>, vector<16xf32>,
        tpu.vector_store %arg7[%swap3A_2332, %swap3A_2333, %swap3A_2334], %get3A_2331 {strides = array<i32>} : memref<2x256x64xf32, #tpu.memory_space<vmem>>, vector<16xf32>,
        %get3A_2336 = arith.constant 6 : i32
        %get3A_2337 = arith.index_cast %get3A_2336 : i32 to index
        %get3A_2338 = arith.index_cast %scan3A_1681 : i32 to index
        %get3A_2339 = arith.constant 16 : index
        %get3A_2340 = tpu.vector_load %arg6[%get3A_2337, %get3A_2338, %get3A_2339] {strides = array<i32>} : memref<16x8x64xf32, #tpu.memory_space<vmem>>, vector<16xf32>,
        %swap3A_2341 = arith.index_cast %rem3A_46 : i32 to index
        %swap3A_2342 = arith.index_cast %add3A_2326 : i32 to index
        %swap3A_2343 = arith.constant 16 : index
        %swap3A_2344 = tpu.vector_load %arg7[%swap3A_2341, %swap3A_2342, %swap3A_2343] {strides = array<i32>} : memref<2x256x64xf32, #tpu.memory_space<vmem>>, vector<16xf32>,
        tpu.vector_store %arg7[%swap3A_2341, %swap3A_2342, %swap3A_2343], %get3A_2340 {strides = array<i32>} : memref<2x256x64xf32, #tpu.memory_space<vmem>>, vector<16xf32>,
        %get3A_2345 = arith.constant 6 : i32
        %get3A_2346 = arith.index_cast %get3A_2345 : i32 to index
        %get3A_2347 = arith.index_cast %scan3A_1681 : i32 to index
        %get3A_2348 = arith.constant 32 : index
        %get3A_2349 = tpu.vector_load %arg6[%get3A_2346, %get3A_2347, %get3A_2348] {strides = array<i32>} : memref<16x8x64xf32, #tpu.memory_space<vmem>>, vector<16xf32>,
        %swap3A_2350 = arith.index_cast %rem3A_46 : i32 to index
        %swap3A_2351 = arith.index_cast %add3A_2326 : i32 to index
        %swap3A_2352 = arith.constant 32 : index
        %swap3A_2353 = tpu.vector_load %arg7[%swap3A_2350, %swap3A_2351, %swap3A_2352] {strides = array<i32>} : memref<2x256x64xf32, #tpu.memory_space<vmem>>, vector<16xf32>,
        tpu.vector_store %arg7[%swap3A_2350, %swap3A_2351, %swap3A_2352], %get3A_2349 {strides = array<i32>} : memref<2x256x64xf32, #tpu.memory_space<vmem>>, vector<16xf32>,
        %get3A_2354 = arith.constant 6 : i32
        %get3A_2355 = arith.index_cast %get3A_2354 : i32 to index
        %get3A_2356 = arith.index_cast %scan3A_1681 : i32 to index
        %get3A_2357 = arith.constant 48 : index
        %get3A_2358 = tpu.vector_load %arg6[%get3A_2355, %get3A_2356, %get3A_2357] {strides = array<i32>} : memref<16x8x64xf32, #tpu.memory_space<vmem>>, vector<16xf32>,
        %swap3A_2359 = arith.index_cast %rem3A_46 : i32 to index
        %swap3A_2360 = arith.index_cast %add3A_2326 : i32 to index
        %swap3A_2361 = arith.constant 48 : index
        %swap3A_2362 = tpu.vector_load %arg7[%swap3A_2359, %swap3A_2360, %swap3A_2361] {strides = array<i32>} : memref<2x256x64xf32, #tpu.memory_space<vmem>>, vector<16xf32>,
        tpu.vector_store %arg7[%swap3A_2359, %swap3A_2360, %swap3A_2361], %get3A_2358 {strides = array<i32>} : memref<2x256x64xf32, #tpu.memory_space<vmem>>, vector<16xf32>,
        %eq3A_2363 = arith.constant 6 : i32
        %eq3A_2364 = vector.broadcast %eq3A_2363 : i32 to vector<16xi32>
        %eq3A_2365 = arith.cmpi eq, %iota3A, %eq3A_2364 : vector<16xi32>
        %jit3A_2366 = arith.constant 0 : i32
        %broadcast_in_dim3A_2367 = vector.broadcast %jit3A_2366 : i32 to vector<16xi32>
        %select_n3A_2368 = arith.select %eq3A_2365, %get3A_1694, %broadcast_in_dim3A_2367 : vector<16xi1>, vector<16xi32>
        %reduce_max3A_2369 = arith.constant true
        %reduce_max3A_2370 = vector.broadcast %reduce_max3A_2369 : i1 to vector<16xi1>
        %reduce_max3A_2371 = arith.constant -2147483648 : i32
        %reduce_max3A_2372 = vector.broadcast %reduce_max3A_2371 : i32 to vector<16xi32>
        %reduce_max3A_2373 = arith.xori %select_n3A_2368, %reduce_max3A_2372 : vector<16xi32>
        %reduce_max3A_2374 = tpu.scan <max>, %reduce_max3A_2373 masked %reduce_max3A_2370 : vector<16xi32>, vector<16xi1> -> vector<16xi32>
        %reduce_max3A_2375 = arith.xori %reduce_max3A_2374, %reduce_max3A_2372 : vector<16xi32>
        %reduce_max3A_2376 = vector.extract %reduce_max3A_2375[15] : i32 from vector<16xi32>
        %shift_right_arithmetic3A_2377 = arith.constant 3 : i32
        %shift_right_arithmetic3A_2378 = arith.shrsi %reduce_max3A_2376, %shift_right_arithmetic3A_2377 : i32
        %dma_start3A_2379 = arith.constant 6 : i32
        %dma_start3A_2380 = arith.constant 6 : i32
        %dma_start3A_2381 = arith.constant 0 : i32
        %dma_start3A_2382 = arith.constant 0 : i32
        %dma_start3A_2383 = tpu.memref_slice %arg6[%dma_start3A_2379, %dma_start3A_2381, %dma_start3A_2382] : memref<16x8x64xf32, #tpu.memory_space<vmem>> -> memref<1x8x64xf32, #tpu.memory_space<vmem>>
        %dma_start3A_2384 = tpu.memref_squeeze %dma_start3A_2383 : memref<1x8x64xf32, #tpu.memory_space<vmem>> -> memref<8x64xf32, #tpu.memory_space<vmem>>
        %dma_start3A_2385 = arith.constant 0 : i32
        %dma_start3A_2386 = arith.constant 0 : i32
        %dma_start3A_2387 = tpu.memref_slice %arg3[%shift_right_arithmetic3A_2378, %dma_start3A_2385, %dma_start3A_2386] : memref<325000x8x64xf32, #tpu.memory_space<hbm>> -> memref<1x8x64xf32, #tpu.memory_space<hbm>>
        %dma_start3A_2388 = tpu.memref_squeeze %dma_start3A_2387 : memref<1x8x64xf32, #tpu.memory_space<hbm>> -> memref<8x64xf32, #tpu.memory_space<hbm>>
        %dma_start3A_2389 = tpu.memref_slice %arg8[%dma_start3A_2380] : memref<16x!tpu.dma_semaphore, #tpu.memory_space<semaphore_mem>> -> memref<1x!tpu.dma_semaphore, #tpu.memory_space<semaphore_mem>>
        %dma_start3A_2390 = tpu.memref_squeeze %dma_start3A_2389 : memref<1x!tpu.dma_semaphore, #tpu.memory_space<semaphore_mem>> -> memref<!tpu.dma_semaphore, #tpu.memory_space<semaphore_mem>>
        %dma_start3A_2391 = arith.constant 0 : i32
        %dma_start3A_2392 = arith.constant 0 : i32
        %dma_start3A_2393 = tpu.memref_slice %arg6[%dma_start3A_2379, %dma_start3A_2391, %dma_start3A_2392] : memref<16x8x64xf32, #tpu.memory_space<vmem>> -> memref<1x8x64xf32, #tpu.memory_space<vmem>>
        %dma_start3A_2394 = tpu.memref_squeeze %dma_start3A_2393 : memref<1x8x64xf32, #tpu.memory_space<vmem>> -> memref<8x64xf32, #tpu.memory_space<vmem>>
        %dma_start3A_2395 = arith.constant 0 : i32
        %dma_start3A_2396 = arith.constant 0 : i32
        %dma_start3A_2397 = tpu.memref_slice %arg3[%shift_right_arithmetic3A_2378, %dma_start3A_2395, %dma_start3A_2396] : memref<325000x8x64xf32, #tpu.memory_space<hbm>> -> memref<1x8x64xf32, #tpu.memory_space<hbm>>
        %dma_start3A_2398 = tpu.memref_squeeze %dma_start3A_2397 : memref<1x8x64xf32, #tpu.memory_space<hbm>> -> memref<8x64xf32, #tpu.memory_space<hbm>>
        tpu.enqueue_dma source(%dma_start3A_2398 : memref<8x64xf32, #tpu.memory_space<hbm>>) target(%dma_start3A_2394 : memref<8x64xf32, #tpu.memory_space<vmem>>) target_semaphore(%dma_start3A_2390 : memref<!tpu.dma_semaphore, #tpu.memory_space<semaphore_mem>>)
        %and3A_2399 = arith.constant 7 : i32
        %and3A_2400 = arith.andi %reduce_max3A_2376, %and3A_2399 : i32
        %dma_wait3A_2401 = arith.constant 0 : i32
        %dma_wait3A_2402 = arith.constant 7 : i32
        %dma_wait3A_2403 = arith.constant 7 : i32
        %dma_wait3A_2404 = arith.constant 0 : i32
        %dma_wait3A_2405 = arith.constant 0 : i32
        %dma_wait3A_2406 = tpu.memref_slice %arg6[%dma_wait3A_2402, %dma_wait3A_2404, %dma_wait3A_2405] : memref<16x8x64xf32, #tpu.memory_space<vmem>> -> memref<1x8x64xf32, #tpu.memory_space<vmem>>
        %dma_wait3A_2407 = tpu.memref_squeeze %dma_wait3A_2406 : memref<1x8x64xf32, #tpu.memory_space<vmem>> -> memref<8x64xf32, #tpu.memory_space<vmem>>
        %dma_wait3A_2408 = arith.constant 0 : i32
        %dma_wait3A_2409 = arith.constant 0 : i32
        %dma_wait3A_2410 = tpu.memref_slice %arg3[%dma_wait3A_2401, %dma_wait3A_2408, %dma_wait3A_2409] : memref<325000x8x64xf32, #tpu.memory_space<hbm>> -> memref<1x8x64xf32, #tpu.memory_space<hbm>>
        %dma_wait3A_2411 = tpu.memref_squeeze %dma_wait3A_2410 : memref<1x8x64xf32, #tpu.memory_space<hbm>> -> memref<8x64xf32, #tpu.memory_space<hbm>>
        %dma_wait3A_2412 = tpu.memref_slice %arg8[%dma_wait3A_2403] : memref<16x!tpu.dma_semaphore, #tpu.memory_space<semaphore_mem>> -> memref<1x!tpu.dma_semaphore, #tpu.memory_space<semaphore_mem>>
        %dma_wait3A_2413 = tpu.memref_squeeze %dma_wait3A_2412 : memref<1x!tpu.dma_semaphore, #tpu.memory_space<semaphore_mem>> -> memref<!tpu.dma_semaphore, #tpu.memory_space<semaphore_mem>>
        %dma_wait3A_2414 = arith.constant 0 : i32
        %dma_wait3A_2415 = arith.constant 0 : i32
        %dma_wait3A_2416 = tpu.memref_slice %arg6[%dma_wait3A_2402, %dma_wait3A_2414, %dma_wait3A_2415] : memref<16x8x64xf32, #tpu.memory_space<vmem>> -> memref<1x8x64xf32, #tpu.memory_space<vmem>>
        %dma_wait3A_2417 = tpu.memref_squeeze %dma_wait3A_2416 : memref<1x8x64xf32, #tpu.memory_space<vmem>> -> memref<8x64xf32, #tpu.memory_space<vmem>>
        %dma_wait3A_2418 = arith.constant 0 : i32
        %dma_wait3A_2419 = arith.constant 0 : i32
        %dma_wait3A_2420 = tpu.memref_slice %arg3[%dma_wait3A_2401, %dma_wait3A_2418, %dma_wait3A_2419] : memref<325000x8x64xf32, #tpu.memory_space<hbm>> -> memref<1x8x64xf32, #tpu.memory_space<hbm>>
        %dma_wait3A_2421 = tpu.memref_squeeze %dma_wait3A_2420 : memref<1x8x64xf32, #tpu.memory_space<hbm>> -> memref<8x64xf32, #tpu.memory_space<hbm>>
        tpu.wait_dma2 semaphore(%dma_wait3A_2413 : memref<!tpu.dma_semaphore, #tpu.memory_space<semaphore_mem>>) src(%dma_wait3A_2421 : memref<8x64xf32, #tpu.memory_space<hbm>>) dst(%dma_wait3A_2417 : memref<8x64xf32, #tpu.memory_space<vmem>>)
        %sub3A_2422 = arith.constant 1 : i32
        %sub3A_2423 = arith.subi %scan3A_1674, %sub3A_2422 : i32
        %mul3A_2424 = arith.constant 16 : i32
        %mul3A_2425 = arith.muli %sub3A_2423, %mul3A_2424 : i32
        %add3A_2426 = arith.constant 7 : i32
        %add3A_2427 = arith.addi %mul3A_2425, %add3A_2426 : i32
        %get3A_2428 = arith.constant 7 : i32
        %get3A_2429 = arith.index_cast %get3A_2428 : i32 to index
        %get3A_2430 = arith.index_cast %scan3A_1682 : i32 to index
        %get3A_2431 = arith.constant 0 : index
        %get3A_2432 = tpu.vector_load %arg6[%get3A_2429, %get3A_2430, %get3A_2431] {strides = array<i32>} : memref<16x8x64xf32, #tpu.memory_space<vmem>>, vector<16xf32>,
        %swap3A_2433 = arith.index_cast %rem3A_46 : i32 to index
        %swap3A_2434 = arith.index_cast %add3A_2427 : i32 to index
        %swap3A_2435 = arith.constant 0 : index
        %swap3A_2436 = tpu.vector_load %arg7[%swap3A_2433, %swap3A_2434, %swap3A_2435] {strides = array<i32>} : memref<2x256x64xf32, #tpu.memory_space<vmem>>, vector<16xf32>,
        tpu.vector_store %arg7[%swap3A_2433, %swap3A_2434, %swap3A_2435], %get3A_2432 {strides = array<i32>} : memref<2x256x64xf32, #tpu.memory_space<vmem>>, vector<16xf32>,
        %get3A_2437 = arith.constant 7 : i32
        %get3A_2438 = arith.index_cast %get3A_2437 : i32 to index
        %get3A_2439 = arith.index_cast %scan3A_1682 : i32 to index
        %get3A_2440 = arith.constant 16 : index
        %get3A_2441 = tpu.vector_load %arg6[%get3A_2438, %get3A_2439, %get3A_2440] {strides = array<i32>} : memref<16x8x64xf32, #tpu.memory_space<vmem>>, vector<16xf32>,
        %swap3A_2442 = arith.index_cast %rem3A_46 : i32 to index
        %swap3A_2443 = arith.index_cast %add3A_2427 : i32 to index
        %swap3A_2444 = arith.constant 16 : index
        %swap3A_2445 = tpu.vector_load %arg7[%swap3A_2442, %swap3A_2443, %swap3A_2444] {strides = array<i32>} : memref<2x256x64xf32, #tpu.memory_space<vmem>>, vector<16xf32>,
        tpu.vector_store %arg7[%swap3A_2442, %swap3A_2443, %swap3A_2444], %get3A_2441 {strides = array<i32>} : memref<2x256x64xf32, #tpu.memory_space<vmem>>, vector<16xf32>,
        %get3A_2446 = arith.constant 7 : i32
        %get3A_2447 = arith.index_cast %get3A_2446 : i32 to index
        %get3A_2448 = arith.index_cast %scan3A_1682 : i32 to index
        %get3A_2449 = arith.constant 32 : index
        %get3A_2450 = tpu.vector_load %arg6[%get3A_2447, %get3A_2448, %get3A_2449] {strides = array<i32>} : memref<16x8x64xf32, #tpu.memory_space<vmem>>, vector<16xf32>,
        %swap3A_2451 = arith.index_cast %rem3A_46 : i32 to index
        %swap3A_2452 = arith.index_cast %add3A_2427 : i32 to index
        %swap3A_2453 = arith.constant 32 : index
        %swap3A_2454 = tpu.vector_load %arg7[%swap3A_2451, %swap3A_2452, %swap3A_2453] {strides = array<i32>} : memref<2x256x64xf32, #tpu.memory_space<vmem>>, vector<16xf32>,
        tpu.vector_store %arg7[%swap3A_2451, %swap3A_2452, %swap3A_2453], %get3A_2450 {strides = array<i32>} : memref<2x256x64xf32, #tpu.memory_space<vmem>>, vector<16xf32>,
        %get3A_2455 = arith.constant 7 : i32
        %get3A_2456 = arith.index_cast %get3A_2455 : i32 to index
        %get3A_2457 = arith.index_cast %scan3A_1682 : i32 to index
        %get3A_2458 = arith.constant 48 : index
        %get3A_2459 = tpu.vector_load %arg6[%get3A_2456, %get3A_2457, %get3A_2458] {strides = array<i32>} : memref<16x8x64xf32, #tpu.memory_space<vmem>>, vector<16xf32>,
        %swap3A_2460 = arith.index_cast %rem3A_46 : i32 to index
        %swap3A_2461 = arith.index_cast %add3A_2427 : i32 to index
        %swap3A_2462 = arith.constant 48 : index
        %swap3A_2463 = tpu.vector_load %arg7[%swap3A_2460, %swap3A_2461, %swap3A_2462] {strides = array<i32>} : memref<2x256x64xf32, #tpu.memory_space<vmem>>, vector<16xf32>,
        tpu.vector_store %arg7[%swap3A_2460, %swap3A_2461, %swap3A_2462], %get3A_2459 {strides = array<i32>} : memref<2x256x64xf32, #tpu.memory_space<vmem>>, vector<16xf32>,
        %eq3A_2464 = arith.constant 7 : i32
        %eq3A_2465 = vector.broadcast %eq3A_2464 : i32 to vector<16xi32>
        %eq3A_2466 = arith.cmpi eq, %iota3A, %eq3A_2465 : vector<16xi32>
        %jit3A_2467 = arith.constant 0 : i32
        %broadcast_in_dim3A_2468 = vector.broadcast %jit3A_2467 : i32 to vector<16xi32>
        %select_n3A_2469 = arith.select %eq3A_2466, %get3A_1694, %broadcast_in_dim3A_2468 : vector<16xi1>, vector<16xi32>
        %reduce_max3A_2470 = arith.constant true
        %reduce_max3A_2471 = vector.broadcast %reduce_max3A_2470 : i1 to vector<16xi1>
        %reduce_max3A_2472 = arith.constant -2147483648 : i32
        %reduce_max3A_2473 = vector.broadcast %reduce_max3A_2472 : i32 to vector<16xi32>
        %reduce_max3A_2474 = arith.xori %select_n3A_2469, %reduce_max3A_2473 : vector<16xi32>
        %reduce_max3A_2475 = tpu.scan <max>, %reduce_max3A_2474 masked %reduce_max3A_2471 : vector<16xi32>, vector<16xi1> -> vector<16xi32>
        %reduce_max3A_2476 = arith.xori %reduce_max3A_2475, %reduce_max3A_2473 : vector<16xi32>
        %reduce_max3A_2477 = vector.extract %reduce_max3A_2476[15] : i32 from vector<16xi32>
        %shift_right_arithmetic3A_2478 = arith.constant 3 : i32
        %shift_right_arithmetic3A_2479 = arith.shrsi %reduce_max3A_2477, %shift_right_arithmetic3A_2478 : i32
        %dma_start3A_2480 = arith.constant 7 : i32
        %dma_start3A_2481 = arith.constant 7 : i32
        %dma_start3A_2482 = arith.constant 0 : i32
        %dma_start3A_2483 = arith.constant 0 : i32
        %dma_start3A_2484 = tpu.memref_slice %arg6[%dma_start3A_2480, %dma_start3A_2482, %dma_start3A_2483] : memref<16x8x64xf32, #tpu.memory_space<vmem>> -> memref<1x8x64xf32, #tpu.memory_space<vmem>>
        %dma_start3A_2485 = tpu.memref_squeeze %dma_start3A_2484 : memref<1x8x64xf32, #tpu.memory_space<vmem>> -> memref<8x64xf32, #tpu.memory_space<vmem>>
        %dma_start3A_2486 = arith.constant 0 : i32
        %dma_start3A_2487 = arith.constant 0 : i32
        %dma_start3A_2488 = tpu.memref_slice %arg3[%shift_right_arithmetic3A_2479, %dma_start3A_2486, %dma_start3A_2487] : memref<325000x8x64xf32, #tpu.memory_space<hbm>> -> memref<1x8x64xf32, #tpu.memory_space<hbm>>
        %dma_start3A_2489 = tpu.memref_squeeze %dma_start3A_2488 : memref<1x8x64xf32, #tpu.memory_space<hbm>> -> memref<8x64xf32, #tpu.memory_space<hbm>>
        %dma_start3A_2490 = tpu.memref_slice %arg8[%dma_start3A_2481] : memref<16x!tpu.dma_semaphore, #tpu.memory_space<semaphore_mem>> -> memref<1x!tpu.dma_semaphore, #tpu.memory_space<semaphore_mem>>
        %dma_start3A_2491 = tpu.memref_squeeze %dma_start3A_2490 : memref<1x!tpu.dma_semaphore, #tpu.memory_space<semaphore_mem>> -> memref<!tpu.dma_semaphore, #tpu.memory_space<semaphore_mem>>
        %dma_start3A_2492 = arith.constant 0 : i32
        %dma_start3A_2493 = arith.constant 0 : i32
        %dma_start3A_2494 = tpu.memref_slice %arg6[%dma_start3A_2480, %dma_start3A_2492, %dma_start3A_2493] : memref<16x8x64xf32, #tpu.memory_space<vmem>> -> memref<1x8x64xf32, #tpu.memory_space<vmem>>
        %dma_start3A_2495 = tpu.memref_squeeze %dma_start3A_2494 : memref<1x8x64xf32, #tpu.memory_space<vmem>> -> memref<8x64xf32, #tpu.memory_space<vmem>>
        %dma_start3A_2496 = arith.constant 0 : i32
        %dma_start3A_2497 = arith.constant 0 : i32
        %dma_start3A_2498 = tpu.memref_slice %arg3[%shift_right_arithmetic3A_2479, %dma_start3A_2496, %dma_start3A_2497] : memref<325000x8x64xf32, #tpu.memory_space<hbm>> -> memref<1x8x64xf32, #tpu.memory_space<hbm>>
        %dma_start3A_2499 = tpu.memref_squeeze %dma_start3A_2498 : memref<1x8x64xf32, #tpu.memory_space<hbm>> -> memref<8x64xf32, #tpu.memory_space<hbm>>
        tpu.enqueue_dma source(%dma_start3A_2499 : memref<8x64xf32, #tpu.memory_space<hbm>>) target(%dma_start3A_2495 : memref<8x64xf32, #tpu.memory_space<vmem>>) target_semaphore(%dma_start3A_2491 : memref<!tpu.dma_semaphore, #tpu.memory_space<semaphore_mem>>)
        %and3A_2500 = arith.constant 7 : i32
        %and3A_2501 = arith.andi %reduce_max3A_2477, %and3A_2500 : i32
        %dma_wait3A_2502 = arith.constant 0 : i32
        %dma_wait3A_2503 = arith.constant 8 : i32
        %dma_wait3A_2504 = arith.constant 8 : i32
        %dma_wait3A_2505 = arith.constant 0 : i32
        %dma_wait3A_2506 = arith.constant 0 : i32
        %dma_wait3A_2507 = tpu.memref_slice %arg6[%dma_wait3A_2503, %dma_wait3A_2505, %dma_wait3A_2506] : memref<16x8x64xf32, #tpu.memory_space<vmem>> -> memref<1x8x64xf32, #tpu.memory_space<vmem>>
        %dma_wait3A_2508 = tpu.memref_squeeze %dma_wait3A_2507 : memref<1x8x64xf32, #tpu.memory_space<vmem>> -> memref<8x64xf32, #tpu.memory_space<vmem>>
        %dma_wait3A_2509 = arith.constant 0 : i32
        %dma_wait3A_2510 = arith.constant 0 : i32
        %dma_wait3A_2511 = tpu.memref_slice %arg3[%dma_wait3A_2502, %dma_wait3A_2509, %dma_wait3A_2510] : memref<325000x8x64xf32, #tpu.memory_space<hbm>> -> memref<1x8x64xf32, #tpu.memory_space<hbm>>
        %dma_wait3A_2512 = tpu.memref_squeeze %dma_wait3A_2511 : memref<1x8x64xf32, #tpu.memory_space<hbm>> -> memref<8x64xf32, #tpu.memory_space<hbm>>
        %dma_wait3A_2513 = tpu.memref_slice %arg8[%dma_wait3A_2504] : memref<16x!tpu.dma_semaphore, #tpu.memory_space<semaphore_mem>> -> memref<1x!tpu.dma_semaphore, #tpu.memory_space<semaphore_mem>>
        %dma_wait3A_2514 = tpu.memref_squeeze %dma_wait3A_2513 : memref<1x!tpu.dma_semaphore, #tpu.memory_space<semaphore_mem>> -> memref<!tpu.dma_semaphore, #tpu.memory_space<semaphore_mem>>
        %dma_wait3A_2515 = arith.constant 0 : i32
        %dma_wait3A_2516 = arith.constant 0 : i32
        %dma_wait3A_2517 = tpu.memref_slice %arg6[%dma_wait3A_2503, %dma_wait3A_2515, %dma_wait3A_2516] : memref<16x8x64xf32, #tpu.memory_space<vmem>> -> memref<1x8x64xf32, #tpu.memory_space<vmem>>
        %dma_wait3A_2518 = tpu.memref_squeeze %dma_wait3A_2517 : memref<1x8x64xf32, #tpu.memory_space<vmem>> -> memref<8x64xf32, #tpu.memory_space<vmem>>
        %dma_wait3A_2519 = arith.constant 0 : i32
        %dma_wait3A_2520 = arith.constant 0 : i32
        %dma_wait3A_2521 = tpu.memref_slice %arg3[%dma_wait3A_2502, %dma_wait3A_2519, %dma_wait3A_2520] : memref<325000x8x64xf32, #tpu.memory_space<hbm>> -> memref<1x8x64xf32, #tpu.memory_space<hbm>>
        %dma_wait3A_2522 = tpu.memref_squeeze %dma_wait3A_2521 : memref<1x8x64xf32, #tpu.memory_space<hbm>> -> memref<8x64xf32, #tpu.memory_space<hbm>>
        tpu.wait_dma2 semaphore(%dma_wait3A_2514 : memref<!tpu.dma_semaphore, #tpu.memory_space<semaphore_mem>>) src(%dma_wait3A_2522 : memref<8x64xf32, #tpu.memory_space<hbm>>) dst(%dma_wait3A_2518 : memref<8x64xf32, #tpu.memory_space<vmem>>)
        %sub3A_2523 = arith.constant 1 : i32
        %sub3A_2524 = arith.subi %scan3A_1674, %sub3A_2523 : i32
        %mul3A_2525 = arith.constant 16 : i32
        %mul3A_2526 = arith.muli %sub3A_2524, %mul3A_2525 : i32
        %add3A_2527 = arith.constant 8 : i32
        %add3A_2528 = arith.addi %mul3A_2526, %add3A_2527 : i32
        %get3A_2529 = arith.constant 8 : i32
        %get3A_2530 = arith.index_cast %get3A_2529 : i32 to index
        %get3A_2531 = arith.index_cast %scan3A_1683 : i32 to index
        %get3A_2532 = arith.constant 0 : index
        %get3A_2533 = tpu.vector_load %arg6[%get3A_2530, %get3A_2531, %get3A_2532] {strides = array<i32>} : memref<16x8x64xf32, #tpu.memory_space<vmem>>, vector<16xf32>,
        %swap3A_2534 = arith.index_cast %rem3A_46 : i32 to index
        %swap3A_2535 = arith.index_cast %add3A_2528 : i32 to index
        %swap3A_2536 = arith.constant 0 : index
        %swap3A_2537 = tpu.vector_load %arg7[%swap3A_2534, %swap3A_2535, %swap3A_2536] {strides = array<i32>} : memref<2x256x64xf32, #tpu.memory_space<vmem>>, vector<16xf32>,
        tpu.vector_store %arg7[%swap3A_2534, %swap3A_2535, %swap3A_2536], %get3A_2533 {strides = array<i32>} : memref<2x256x64xf32, #tpu.memory_space<vmem>>, vector<16xf32>,
        %get3A_2538 = arith.constant 8 : i32
        %get3A_2539 = arith.index_cast %get3A_2538 : i32 to index
        %get3A_2540 = arith.index_cast %scan3A_1683 : i32 to index
        %get3A_2541 = arith.constant 16 : index
        %get3A_2542 = tpu.vector_load %arg6[%get3A_2539, %get3A_2540, %get3A_2541] {strides = array<i32>} : memref<16x8x64xf32, #tpu.memory_space<vmem>>, vector<16xf32>,
        %swap3A_2543 = arith.index_cast %rem3A_46 : i32 to index
        %swap3A_2544 = arith.index_cast %add3A_2528 : i32 to index
        %swap3A_2545 = arith.constant 16 : index
        %swap3A_2546 = tpu.vector_load %arg7[%swap3A_2543, %swap3A_2544, %swap3A_2545] {strides = array<i32>} : memref<2x256x64xf32, #tpu.memory_space<vmem>>, vector<16xf32>,
        tpu.vector_store %arg7[%swap3A_2543, %swap3A_2544, %swap3A_2545], %get3A_2542 {strides = array<i32>} : memref<2x256x64xf32, #tpu.memory_space<vmem>>, vector<16xf32>,
        %get3A_2547 = arith.constant 8 : i32
        %get3A_2548 = arith.index_cast %get3A_2547 : i32 to index
        %get3A_2549 = arith.index_cast %scan3A_1683 : i32 to index
        %get3A_2550 = arith.constant 32 : index
        %get3A_2551 = tpu.vector_load %arg6[%get3A_2548, %get3A_2549, %get3A_2550] {strides = array<i32>} : memref<16x8x64xf32, #tpu.memory_space<vmem>>, vector<16xf32>,
        %swap3A_2552 = arith.index_cast %rem3A_46 : i32 to index
        %swap3A_2553 = arith.index_cast %add3A_2528 : i32 to index
        %swap3A_2554 = arith.constant 32 : index
        %swap3A_2555 = tpu.vector_load %arg7[%swap3A_2552, %swap3A_2553, %swap3A_2554] {strides = array<i32>} : memref<2x256x64xf32, #tpu.memory_space<vmem>>, vector<16xf32>,
        tpu.vector_store %arg7[%swap3A_2552, %swap3A_2553, %swap3A_2554], %get3A_2551 {strides = array<i32>} : memref<2x256x64xf32, #tpu.memory_space<vmem>>, vector<16xf32>,
        %get3A_2556 = arith.constant 8 : i32
        %get3A_2557 = arith.index_cast %get3A_2556 : i32 to index
        %get3A_2558 = arith.index_cast %scan3A_1683 : i32 to index
        %get3A_2559 = arith.constant 48 : index
        %get3A_2560 = tpu.vector_load %arg6[%get3A_2557, %get3A_2558, %get3A_2559] {strides = array<i32>} : memref<16x8x64xf32, #tpu.memory_space<vmem>>, vector<16xf32>,
        %swap3A_2561 = arith.index_cast %rem3A_46 : i32 to index
        %swap3A_2562 = arith.index_cast %add3A_2528 : i32 to index
        %swap3A_2563 = arith.constant 48 : index
        %swap3A_2564 = tpu.vector_load %arg7[%swap3A_2561, %swap3A_2562, %swap3A_2563] {strides = array<i32>} : memref<2x256x64xf32, #tpu.memory_space<vmem>>, vector<16xf32>,
        tpu.vector_store %arg7[%swap3A_2561, %swap3A_2562, %swap3A_2563], %get3A_2560 {strides = array<i32>} : memref<2x256x64xf32, #tpu.memory_space<vmem>>, vector<16xf32>,
        %eq3A_2565 = arith.constant 8 : i32
        %eq3A_2566 = vector.broadcast %eq3A_2565 : i32 to vector<16xi32>
        %eq3A_2567 = arith.cmpi eq, %iota3A, %eq3A_2566 : vector<16xi32>
        %jit3A_2568 = arith.constant 0 : i32
        %broadcast_in_dim3A_2569 = vector.broadcast %jit3A_2568 : i32 to vector<16xi32>
        %select_n3A_2570 = arith.select %eq3A_2567, %get3A_1694, %broadcast_in_dim3A_2569 : vector<16xi1>, vector<16xi32>
        %reduce_max3A_2571 = arith.constant true
        %reduce_max3A_2572 = vector.broadcast %reduce_max3A_2571 : i1 to vector<16xi1>
        %reduce_max3A_2573 = arith.constant -2147483648 : i32
        %reduce_max3A_2574 = vector.broadcast %reduce_max3A_2573 : i32 to vector<16xi32>
        %reduce_max3A_2575 = arith.xori %select_n3A_2570, %reduce_max3A_2574 : vector<16xi32>
        %reduce_max3A_2576 = tpu.scan <max>, %reduce_max3A_2575 masked %reduce_max3A_2572 : vector<16xi32>, vector<16xi1> -> vector<16xi32>
        %reduce_max3A_2577 = arith.xori %reduce_max3A_2576, %reduce_max3A_2574 : vector<16xi32>
        %reduce_max3A_2578 = vector.extract %reduce_max3A_2577[15] : i32 from vector<16xi32>
        %shift_right_arithmetic3A_2579 = arith.constant 3 : i32
        %shift_right_arithmetic3A_2580 = arith.shrsi %reduce_max3A_2578, %shift_right_arithmetic3A_2579 : i32
        %dma_start3A_2581 = arith.constant 8 : i32
        %dma_start3A_2582 = arith.constant 8 : i32
        %dma_start3A_2583 = arith.constant 0 : i32
        %dma_start3A_2584 = arith.constant 0 : i32
        %dma_start3A_2585 = tpu.memref_slice %arg6[%dma_start3A_2581, %dma_start3A_2583, %dma_start3A_2584] : memref<16x8x64xf32, #tpu.memory_space<vmem>> -> memref<1x8x64xf32, #tpu.memory_space<vmem>>
        %dma_start3A_2586 = tpu.memref_squeeze %dma_start3A_2585 : memref<1x8x64xf32, #tpu.memory_space<vmem>> -> memref<8x64xf32, #tpu.memory_space<vmem>>
        %dma_start3A_2587 = arith.constant 0 : i32
        %dma_start3A_2588 = arith.constant 0 : i32
        %dma_start3A_2589 = tpu.memref_slice %arg3[%shift_right_arithmetic3A_2580, %dma_start3A_2587, %dma_start3A_2588] : memref<325000x8x64xf32, #tpu.memory_space<hbm>> -> memref<1x8x64xf32, #tpu.memory_space<hbm>>
        %dma_start3A_2590 = tpu.memref_squeeze %dma_start3A_2589 : memref<1x8x64xf32, #tpu.memory_space<hbm>> -> memref<8x64xf32, #tpu.memory_space<hbm>>
        %dma_start3A_2591 = tpu.memref_slice %arg8[%dma_start3A_2582] : memref<16x!tpu.dma_semaphore, #tpu.memory_space<semaphore_mem>> -> memref<1x!tpu.dma_semaphore, #tpu.memory_space<semaphore_mem>>
        %dma_start3A_2592 = tpu.memref_squeeze %dma_start3A_2591 : memref<1x!tpu.dma_semaphore, #tpu.memory_space<semaphore_mem>> -> memref<!tpu.dma_semaphore, #tpu.memory_space<semaphore_mem>>
        %dma_start3A_2593 = arith.constant 0 : i32
        %dma_start3A_2594 = arith.constant 0 : i32
        %dma_start3A_2595 = tpu.memref_slice %arg6[%dma_start3A_2581, %dma_start3A_2593, %dma_start3A_2594] : memref<16x8x64xf32, #tpu.memory_space<vmem>> -> memref<1x8x64xf32, #tpu.memory_space<vmem>>
        %dma_start3A_2596 = tpu.memref_squeeze %dma_start3A_2595 : memref<1x8x64xf32, #tpu.memory_space<vmem>> -> memref<8x64xf32, #tpu.memory_space<vmem>>
        %dma_start3A_2597 = arith.constant 0 : i32
        %dma_start3A_2598 = arith.constant 0 : i32
        %dma_start3A_2599 = tpu.memref_slice %arg3[%shift_right_arithmetic3A_2580, %dma_start3A_2597, %dma_start3A_2598] : memref<325000x8x64xf32, #tpu.memory_space<hbm>> -> memref<1x8x64xf32, #tpu.memory_space<hbm>>
        %dma_start3A_2600 = tpu.memref_squeeze %dma_start3A_2599 : memref<1x8x64xf32, #tpu.memory_space<hbm>> -> memref<8x64xf32, #tpu.memory_space<hbm>>
        tpu.enqueue_dma source(%dma_start3A_2600 : memref<8x64xf32, #tpu.memory_space<hbm>>) target(%dma_start3A_2596 : memref<8x64xf32, #tpu.memory_space<vmem>>) target_semaphore(%dma_start3A_2592 : memref<!tpu.dma_semaphore, #tpu.memory_space<semaphore_mem>>)
        %and3A_2601 = arith.constant 7 : i32
        %and3A_2602 = arith.andi %reduce_max3A_2578, %and3A_2601 : i32
        %dma_wait3A_2603 = arith.constant 0 : i32
        %dma_wait3A_2604 = arith.constant 9 : i32
        %dma_wait3A_2605 = arith.constant 9 : i32
        %dma_wait3A_2606 = arith.constant 0 : i32
        %dma_wait3A_2607 = arith.constant 0 : i32
        %dma_wait3A_2608 = tpu.memref_slice %arg6[%dma_wait3A_2604, %dma_wait3A_2606, %dma_wait3A_2607] : memref<16x8x64xf32, #tpu.memory_space<vmem>> -> memref<1x8x64xf32, #tpu.memory_space<vmem>>
        %dma_wait3A_2609 = tpu.memref_squeeze %dma_wait3A_2608 : memref<1x8x64xf32, #tpu.memory_space<vmem>> -> memref<8x64xf32, #tpu.memory_space<vmem>>
        %dma_wait3A_2610 = arith.constant 0 : i32
        %dma_wait3A_2611 = arith.constant 0 : i32
        %dma_wait3A_2612 = tpu.memref_slice %arg3[%dma_wait3A_2603, %dma_wait3A_2610, %dma_wait3A_2611] : memref<325000x8x64xf32, #tpu.memory_space<hbm>> -> memref<1x8x64xf32, #tpu.memory_space<hbm>>
        %dma_wait3A_2613 = tpu.memref_squeeze %dma_wait3A_2612 : memref<1x8x64xf32, #tpu.memory_space<hbm>> -> memref<8x64xf32, #tpu.memory_space<hbm>>
        %dma_wait3A_2614 = tpu.memref_slice %arg8[%dma_wait3A_2605] : memref<16x!tpu.dma_semaphore, #tpu.memory_space<semaphore_mem>> -> memref<1x!tpu.dma_semaphore, #tpu.memory_space<semaphore_mem>>
        %dma_wait3A_2615 = tpu.memref_squeeze %dma_wait3A_2614 : memref<1x!tpu.dma_semaphore, #tpu.memory_space<semaphore_mem>> -> memref<!tpu.dma_semaphore, #tpu.memory_space<semaphore_mem>>
        %dma_wait3A_2616 = arith.constant 0 : i32
        %dma_wait3A_2617 = arith.constant 0 : i32
        %dma_wait3A_2618 = tpu.memref_slice %arg6[%dma_wait3A_2604, %dma_wait3A_2616, %dma_wait3A_2617] : memref<16x8x64xf32, #tpu.memory_space<vmem>> -> memref<1x8x64xf32, #tpu.memory_space<vmem>>
        %dma_wait3A_2619 = tpu.memref_squeeze %dma_wait3A_2618 : memref<1x8x64xf32, #tpu.memory_space<vmem>> -> memref<8x64xf32, #tpu.memory_space<vmem>>
        %dma_wait3A_2620 = arith.constant 0 : i32
        %dma_wait3A_2621 = arith.constant 0 : i32
        %dma_wait3A_2622 = tpu.memref_slice %arg3[%dma_wait3A_2603, %dma_wait3A_2620, %dma_wait3A_2621] : memref<325000x8x64xf32, #tpu.memory_space<hbm>> -> memref<1x8x64xf32, #tpu.memory_space<hbm>>
        %dma_wait3A_2623 = tpu.memref_squeeze %dma_wait3A_2622 : memref<1x8x64xf32, #tpu.memory_space<hbm>> -> memref<8x64xf32, #tpu.memory_space<hbm>>
        tpu.wait_dma2 semaphore(%dma_wait3A_2615 : memref<!tpu.dma_semaphore, #tpu.memory_space<semaphore_mem>>) src(%dma_wait3A_2623 : memref<8x64xf32, #tpu.memory_space<hbm>>) dst(%dma_wait3A_2619 : memref<8x64xf32, #tpu.memory_space<vmem>>)
        %sub3A_2624 = arith.constant 1 : i32
        %sub3A_2625 = arith.subi %scan3A_1674, %sub3A_2624 : i32
        %mul3A_2626 = arith.constant 16 : i32
        %mul3A_2627 = arith.muli %sub3A_2625, %mul3A_2626 : i32
        %add3A_2628 = arith.constant 9 : i32
        %add3A_2629 = arith.addi %mul3A_2627, %add3A_2628 : i32
        %get3A_2630 = arith.constant 9 : i32
        %get3A_2631 = arith.index_cast %get3A_2630 : i32 to index
        %get3A_2632 = arith.index_cast %scan3A_1684 : i32 to index
        %get3A_2633 = arith.constant 0 : index
        %get3A_2634 = tpu.vector_load %arg6[%get3A_2631, %get3A_2632, %get3A_2633] {strides = array<i32>} : memref<16x8x64xf32, #tpu.memory_space<vmem>>, vector<16xf32>,
        %swap3A_2635 = arith.index_cast %rem3A_46 : i32 to index
        %swap3A_2636 = arith.index_cast %add3A_2629 : i32 to index
        %swap3A_2637 = arith.constant 0 : index
        %swap3A_2638 = tpu.vector_load %arg7[%swap3A_2635, %swap3A_2636, %swap3A_2637] {strides = array<i32>} : memref<2x256x64xf32, #tpu.memory_space<vmem>>, vector<16xf32>,
        tpu.vector_store %arg7[%swap3A_2635, %swap3A_2636, %swap3A_2637], %get3A_2634 {strides = array<i32>} : memref<2x256x64xf32, #tpu.memory_space<vmem>>, vector<16xf32>,
        %get3A_2639 = arith.constant 9 : i32
        %get3A_2640 = arith.index_cast %get3A_2639 : i32 to index
        %get3A_2641 = arith.index_cast %scan3A_1684 : i32 to index
        %get3A_2642 = arith.constant 16 : index
        %get3A_2643 = tpu.vector_load %arg6[%get3A_2640, %get3A_2641, %get3A_2642] {strides = array<i32>} : memref<16x8x64xf32, #tpu.memory_space<vmem>>, vector<16xf32>,
        %swap3A_2644 = arith.index_cast %rem3A_46 : i32 to index
        %swap3A_2645 = arith.index_cast %add3A_2629 : i32 to index
        %swap3A_2646 = arith.constant 16 : index
        %swap3A_2647 = tpu.vector_load %arg7[%swap3A_2644, %swap3A_2645, %swap3A_2646] {strides = array<i32>} : memref<2x256x64xf32, #tpu.memory_space<vmem>>, vector<16xf32>,
        tpu.vector_store %arg7[%swap3A_2644, %swap3A_2645, %swap3A_2646], %get3A_2643 {strides = array<i32>} : memref<2x256x64xf32, #tpu.memory_space<vmem>>, vector<16xf32>,
        %get3A_2648 = arith.constant 9 : i32
        %get3A_2649 = arith.index_cast %get3A_2648 : i32 to index
        %get3A_2650 = arith.index_cast %scan3A_1684 : i32 to index
        %get3A_2651 = arith.constant 32 : index
        %get3A_2652 = tpu.vector_load %arg6[%get3A_2649, %get3A_2650, %get3A_2651] {strides = array<i32>} : memref<16x8x64xf32, #tpu.memory_space<vmem>>, vector<16xf32>,
        %swap3A_2653 = arith.index_cast %rem3A_46 : i32 to index
        %swap3A_2654 = arith.index_cast %add3A_2629 : i32 to index
        %swap3A_2655 = arith.constant 32 : index
        %swap3A_2656 = tpu.vector_load %arg7[%swap3A_2653, %swap3A_2654, %swap3A_2655] {strides = array<i32>} : memref<2x256x64xf32, #tpu.memory_space<vmem>>, vector<16xf32>,
        tpu.vector_store %arg7[%swap3A_2653, %swap3A_2654, %swap3A_2655], %get3A_2652 {strides = array<i32>} : memref<2x256x64xf32, #tpu.memory_space<vmem>>, vector<16xf32>,
        %get3A_2657 = arith.constant 9 : i32
        %get3A_2658 = arith.index_cast %get3A_2657 : i32 to index
        %get3A_2659 = arith.index_cast %scan3A_1684 : i32 to index
        %get3A_2660 = arith.constant 48 : index
        %get3A_2661 = tpu.vector_load %arg6[%get3A_2658, %get3A_2659, %get3A_2660] {strides = array<i32>} : memref<16x8x64xf32, #tpu.memory_space<vmem>>, vector<16xf32>,
        %swap3A_2662 = arith.index_cast %rem3A_46 : i32 to index
        %swap3A_2663 = arith.index_cast %add3A_2629 : i32 to index
        %swap3A_2664 = arith.constant 48 : index
        %swap3A_2665 = tpu.vector_load %arg7[%swap3A_2662, %swap3A_2663, %swap3A_2664] {strides = array<i32>} : memref<2x256x64xf32, #tpu.memory_space<vmem>>, vector<16xf32>,
        tpu.vector_store %arg7[%swap3A_2662, %swap3A_2663, %swap3A_2664], %get3A_2661 {strides = array<i32>} : memref<2x256x64xf32, #tpu.memory_space<vmem>>, vector<16xf32>,
        %eq3A_2666 = arith.constant 9 : i32
        %eq3A_2667 = vector.broadcast %eq3A_2666 : i32 to vector<16xi32>
        %eq3A_2668 = arith.cmpi eq, %iota3A, %eq3A_2667 : vector<16xi32>
        %jit3A_2669 = arith.constant 0 : i32
        %broadcast_in_dim3A_2670 = vector.broadcast %jit3A_2669 : i32 to vector<16xi32>
        %select_n3A_2671 = arith.select %eq3A_2668, %get3A_1694, %broadcast_in_dim3A_2670 : vector<16xi1>, vector<16xi32>
        %reduce_max3A_2672 = arith.constant true
        %reduce_max3A_2673 = vector.broadcast %reduce_max3A_2672 : i1 to vector<16xi1>
        %reduce_max3A_2674 = arith.constant -2147483648 : i32
        %reduce_max3A_2675 = vector.broadcast %reduce_max3A_2674 : i32 to vector<16xi32>
        %reduce_max3A_2676 = arith.xori %select_n3A_2671, %reduce_max3A_2675 : vector<16xi32>
        %reduce_max3A_2677 = tpu.scan <max>, %reduce_max3A_2676 masked %reduce_max3A_2673 : vector<16xi32>, vector<16xi1> -> vector<16xi32>
        %reduce_max3A_2678 = arith.xori %reduce_max3A_2677, %reduce_max3A_2675 : vector<16xi32>
        %reduce_max3A_2679 = vector.extract %reduce_max3A_2678[15] : i32 from vector<16xi32>
        %shift_right_arithmetic3A_2680 = arith.constant 3 : i32
        %shift_right_arithmetic3A_2681 = arith.shrsi %reduce_max3A_2679, %shift_right_arithmetic3A_2680 : i32
        %dma_start3A_2682 = arith.constant 9 : i32
        %dma_start3A_2683 = arith.constant 9 : i32
        %dma_start3A_2684 = arith.constant 0 : i32
        %dma_start3A_2685 = arith.constant 0 : i32
        %dma_start3A_2686 = tpu.memref_slice %arg6[%dma_start3A_2682, %dma_start3A_2684, %dma_start3A_2685] : memref<16x8x64xf32, #tpu.memory_space<vmem>> -> memref<1x8x64xf32, #tpu.memory_space<vmem>>
        %dma_start3A_2687 = tpu.memref_squeeze %dma_start3A_2686 : memref<1x8x64xf32, #tpu.memory_space<vmem>> -> memref<8x64xf32, #tpu.memory_space<vmem>>
        %dma_start3A_2688 = arith.constant 0 : i32
        %dma_start3A_2689 = arith.constant 0 : i32
        %dma_start3A_2690 = tpu.memref_slice %arg3[%shift_right_arithmetic3A_2681, %dma_start3A_2688, %dma_start3A_2689] : memref<325000x8x64xf32, #tpu.memory_space<hbm>> -> memref<1x8x64xf32, #tpu.memory_space<hbm>>
        %dma_start3A_2691 = tpu.memref_squeeze %dma_start3A_2690 : memref<1x8x64xf32, #tpu.memory_space<hbm>> -> memref<8x64xf32, #tpu.memory_space<hbm>>
        %dma_start3A_2692 = tpu.memref_slice %arg8[%dma_start3A_2683] : memref<16x!tpu.dma_semaphore, #tpu.memory_space<semaphore_mem>> -> memref<1x!tpu.dma_semaphore, #tpu.memory_space<semaphore_mem>>
        %dma_start3A_2693 = tpu.memref_squeeze %dma_start3A_2692 : memref<1x!tpu.dma_semaphore, #tpu.memory_space<semaphore_mem>> -> memref<!tpu.dma_semaphore, #tpu.memory_space<semaphore_mem>>
        %dma_start3A_2694 = arith.constant 0 : i32
        %dma_start3A_2695 = arith.constant 0 : i32
        %dma_start3A_2696 = tpu.memref_slice %arg6[%dma_start3A_2682, %dma_start3A_2694, %dma_start3A_2695] : memref<16x8x64xf32, #tpu.memory_space<vmem>> -> memref<1x8x64xf32, #tpu.memory_space<vmem>>
        %dma_start3A_2697 = tpu.memref_squeeze %dma_start3A_2696 : memref<1x8x64xf32, #tpu.memory_space<vmem>> -> memref<8x64xf32, #tpu.memory_space<vmem>>
        %dma_start3A_2698 = arith.constant 0 : i32
        %dma_start3A_2699 = arith.constant 0 : i32
        %dma_start3A_2700 = tpu.memref_slice %arg3[%shift_right_arithmetic3A_2681, %dma_start3A_2698, %dma_start3A_2699] : memref<325000x8x64xf32, #tpu.memory_space<hbm>> -> memref<1x8x64xf32, #tpu.memory_space<hbm>>
        %dma_start3A_2701 = tpu.memref_squeeze %dma_start3A_2700 : memref<1x8x64xf32, #tpu.memory_space<hbm>> -> memref<8x64xf32, #tpu.memory_space<hbm>>
        tpu.enqueue_dma source(%dma_start3A_2701 : memref<8x64xf32, #tpu.memory_space<hbm>>) target(%dma_start3A_2697 : memref<8x64xf32, #tpu.memory_space<vmem>>) target_semaphore(%dma_start3A_2693 : memref<!tpu.dma_semaphore, #tpu.memory_space<semaphore_mem>>)
        %and3A_2702 = arith.constant 7 : i32
        %and3A_2703 = arith.andi %reduce_max3A_2679, %and3A_2702 : i32
        %dma_wait3A_2704 = arith.constant 0 : i32
        %dma_wait3A_2705 = arith.constant 10 : i32
        %dma_wait3A_2706 = arith.constant 10 : i32
        %dma_wait3A_2707 = arith.constant 0 : i32
        %dma_wait3A_2708 = arith.constant 0 : i32
        %dma_wait3A_2709 = tpu.memref_slice %arg6[%dma_wait3A_2705, %dma_wait3A_2707, %dma_wait3A_2708] : memref<16x8x64xf32, #tpu.memory_space<vmem>> -> memref<1x8x64xf32, #tpu.memory_space<vmem>>
        %dma_wait3A_2710 = tpu.memref_squeeze %dma_wait3A_2709 : memref<1x8x64xf32, #tpu.memory_space<vmem>> -> memref<8x64xf32, #tpu.memory_space<vmem>>
        %dma_wait3A_2711 = arith.constant 0 : i32
        %dma_wait3A_2712 = arith.constant 0 : i32
        %dma_wait3A_2713 = tpu.memref_slice %arg3[%dma_wait3A_2704, %dma_wait3A_2711, %dma_wait3A_2712] : memref<325000x8x64xf32, #tpu.memory_space<hbm>> -> memref<1x8x64xf32, #tpu.memory_space<hbm>>
        %dma_wait3A_2714 = tpu.memref_squeeze %dma_wait3A_2713 : memref<1x8x64xf32, #tpu.memory_space<hbm>> -> memref<8x64xf32, #tpu.memory_space<hbm>>
        %dma_wait3A_2715 = tpu.memref_slice %arg8[%dma_wait3A_2706] : memref<16x!tpu.dma_semaphore, #tpu.memory_space<semaphore_mem>> -> memref<1x!tpu.dma_semaphore, #tpu.memory_space<semaphore_mem>>
        %dma_wait3A_2716 = tpu.memref_squeeze %dma_wait3A_2715 : memref<1x!tpu.dma_semaphore, #tpu.memory_space<semaphore_mem>> -> memref<!tpu.dma_semaphore, #tpu.memory_space<semaphore_mem>>
        %dma_wait3A_2717 = arith.constant 0 : i32
        %dma_wait3A_2718 = arith.constant 0 : i32
        %dma_wait3A_2719 = tpu.memref_slice %arg6[%dma_wait3A_2705, %dma_wait3A_2717, %dma_wait3A_2718] : memref<16x8x64xf32, #tpu.memory_space<vmem>> -> memref<1x8x64xf32, #tpu.memory_space<vmem>>
        %dma_wait3A_2720 = tpu.memref_squeeze %dma_wait3A_2719 : memref<1x8x64xf32, #tpu.memory_space<vmem>> -> memref<8x64xf32, #tpu.memory_space<vmem>>
        %dma_wait3A_2721 = arith.constant 0 : i32
        %dma_wait3A_2722 = arith.constant 0 : i32
        %dma_wait3A_2723 = tpu.memref_slice %arg3[%dma_wait3A_2704, %dma_wait3A_2721, %dma_wait3A_2722] : memref<325000x8x64xf32, #tpu.memory_space<hbm>> -> memref<1x8x64xf32, #tpu.memory_space<hbm>>
        %dma_wait3A_2724 = tpu.memref_squeeze %dma_wait3A_2723 : memref<1x8x64xf32, #tpu.memory_space<hbm>> -> memref<8x64xf32, #tpu.memory_space<hbm>>
        tpu.wait_dma2 semaphore(%dma_wait3A_2716 : memref<!tpu.dma_semaphore, #tpu.memory_space<semaphore_mem>>) src(%dma_wait3A_2724 : memref<8x64xf32, #tpu.memory_space<hbm>>) dst(%dma_wait3A_2720 : memref<8x64xf32, #tpu.memory_space<vmem>>)
        %sub3A_2725 = arith.constant 1 : i32
        %sub3A_2726 = arith.subi %scan3A_1674, %sub3A_2725 : i32
        %mul3A_2727 = arith.constant 16 : i32
        %mul3A_2728 = arith.muli %sub3A_2726, %mul3A_2727 : i32
        %add3A_2729 = arith.constant 10 : i32
        %add3A_2730 = arith.addi %mul3A_2728, %add3A_2729 : i32
        %get3A_2731 = arith.constant 10 : i32
        %get3A_2732 = arith.index_cast %get3A_2731 : i32 to index
        %get3A_2733 = arith.index_cast %scan3A_1685 : i32 to index
        %get3A_2734 = arith.constant 0 : index
        %get3A_2735 = tpu.vector_load %arg6[%get3A_2732, %get3A_2733, %get3A_2734] {strides = array<i32>} : memref<16x8x64xf32, #tpu.memory_space<vmem>>, vector<16xf32>,
        %swap3A_2736 = arith.index_cast %rem3A_46 : i32 to index
        %swap3A_2737 = arith.index_cast %add3A_2730 : i32 to index
        %swap3A_2738 = arith.constant 0 : index
        %swap3A_2739 = tpu.vector_load %arg7[%swap3A_2736, %swap3A_2737, %swap3A_2738] {strides = array<i32>} : memref<2x256x64xf32, #tpu.memory_space<vmem>>, vector<16xf32>,
        tpu.vector_store %arg7[%swap3A_2736, %swap3A_2737, %swap3A_2738], %get3A_2735 {strides = array<i32>} : memref<2x256x64xf32, #tpu.memory_space<vmem>>, vector<16xf32>,
        %get3A_2740 = arith.constant 10 : i32
        %get3A_2741 = arith.index_cast %get3A_2740 : i32 to index
        %get3A_2742 = arith.index_cast %scan3A_1685 : i32 to index
        %get3A_2743 = arith.constant 16 : index
        %get3A_2744 = tpu.vector_load %arg6[%get3A_2741, %get3A_2742, %get3A_2743] {strides = array<i32>} : memref<16x8x64xf32, #tpu.memory_space<vmem>>, vector<16xf32>,
        %swap3A_2745 = arith.index_cast %rem3A_46 : i32 to index
        %swap3A_2746 = arith.index_cast %add3A_2730 : i32 to index
        %swap3A_2747 = arith.constant 16 : index
        %swap3A_2748 = tpu.vector_load %arg7[%swap3A_2745, %swap3A_2746, %swap3A_2747] {strides = array<i32>} : memref<2x256x64xf32, #tpu.memory_space<vmem>>, vector<16xf32>,
        tpu.vector_store %arg7[%swap3A_2745, %swap3A_2746, %swap3A_2747], %get3A_2744 {strides = array<i32>} : memref<2x256x64xf32, #tpu.memory_space<vmem>>, vector<16xf32>,
        %get3A_2749 = arith.constant 10 : i32
        %get3A_2750 = arith.index_cast %get3A_2749 : i32 to index
        %get3A_2751 = arith.index_cast %scan3A_1685 : i32 to index
        %get3A_2752 = arith.constant 32 : index
        %get3A_2753 = tpu.vector_load %arg6[%get3A_2750, %get3A_2751, %get3A_2752] {strides = array<i32>} : memref<16x8x64xf32, #tpu.memory_space<vmem>>, vector<16xf32>,
        %swap3A_2754 = arith.index_cast %rem3A_46 : i32 to index
        %swap3A_2755 = arith.index_cast %add3A_2730 : i32 to index
        %swap3A_2756 = arith.constant 32 : index
        %swap3A_2757 = tpu.vector_load %arg7[%swap3A_2754, %swap3A_2755, %swap3A_2756] {strides = array<i32>} : memref<2x256x64xf32, #tpu.memory_space<vmem>>, vector<16xf32>,
        tpu.vector_store %arg7[%swap3A_2754, %swap3A_2755, %swap3A_2756], %get3A_2753 {strides = array<i32>} : memref<2x256x64xf32, #tpu.memory_space<vmem>>, vector<16xf32>,
        %get3A_2758 = arith.constant 10 : i32
        %get3A_2759 = arith.index_cast %get3A_2758 : i32 to index
        %get3A_2760 = arith.index_cast %scan3A_1685 : i32 to index
        %get3A_2761 = arith.constant 48 : index
        %get3A_2762 = tpu.vector_load %arg6[%get3A_2759, %get3A_2760, %get3A_2761] {strides = array<i32>} : memref<16x8x64xf32, #tpu.memory_space<vmem>>, vector<16xf32>,
        %swap3A_2763 = arith.index_cast %rem3A_46 : i32 to index
        %swap3A_2764 = arith.index_cast %add3A_2730 : i32 to index
        %swap3A_2765 = arith.constant 48 : index
        %swap3A_2766 = tpu.vector_load %arg7[%swap3A_2763, %swap3A_2764, %swap3A_2765] {strides = array<i32>} : memref<2x256x64xf32, #tpu.memory_space<vmem>>, vector<16xf32>,
        tpu.vector_store %arg7[%swap3A_2763, %swap3A_2764, %swap3A_2765], %get3A_2762 {strides = array<i32>} : memref<2x256x64xf32, #tpu.memory_space<vmem>>, vector<16xf32>,
        %eq3A_2767 = arith.constant 10 : i32
        %eq3A_2768 = vector.broadcast %eq3A_2767 : i32 to vector<16xi32>
        %eq3A_2769 = arith.cmpi eq, %iota3A, %eq3A_2768 : vector<16xi32>
        %jit3A_2770 = arith.constant 0 : i32
        %broadcast_in_dim3A_2771 = vector.broadcast %jit3A_2770 : i32 to vector<16xi32>
        %select_n3A_2772 = arith.select %eq3A_2769, %get3A_1694, %broadcast_in_dim3A_2771 : vector<16xi1>, vector<16xi32>
        %reduce_max3A_2773 = arith.constant true
        %reduce_max3A_2774 = vector.broadcast %reduce_max3A_2773 : i1 to vector<16xi1>
        %reduce_max3A_2775 = arith.constant -2147483648 : i32
        %reduce_max3A_2776 = vector.broadcast %reduce_max3A_2775 : i32 to vector<16xi32>
        %reduce_max3A_2777 = arith.xori %select_n3A_2772, %reduce_max3A_2776 : vector<16xi32>
        %reduce_max3A_2778 = tpu.scan <max>, %reduce_max3A_2777 masked %reduce_max3A_2774 : vector<16xi32>, vector<16xi1> -> vector<16xi32>
        %reduce_max3A_2779 = arith.xori %reduce_max3A_2778, %reduce_max3A_2776 : vector<16xi32>
        %reduce_max3A_2780 = vector.extract %reduce_max3A_2779[15] : i32 from vector<16xi32>
        %shift_right_arithmetic3A_2781 = arith.constant 3 : i32
        %shift_right_arithmetic3A_2782 = arith.shrsi %reduce_max3A_2780, %shift_right_arithmetic3A_2781 : i32
        %dma_start3A_2783 = arith.constant 10 : i32
        %dma_start3A_2784 = arith.constant 10 : i32
        %dma_start3A_2785 = arith.constant 0 : i32
        %dma_start3A_2786 = arith.constant 0 : i32
        %dma_start3A_2787 = tpu.memref_slice %arg6[%dma_start3A_2783, %dma_start3A_2785, %dma_start3A_2786] : memref<16x8x64xf32, #tpu.memory_space<vmem>> -> memref<1x8x64xf32, #tpu.memory_space<vmem>>
        %dma_start3A_2788 = tpu.memref_squeeze %dma_start3A_2787 : memref<1x8x64xf32, #tpu.memory_space<vmem>> -> memref<8x64xf32, #tpu.memory_space<vmem>>
        %dma_start3A_2789 = arith.constant 0 : i32
        %dma_start3A_2790 = arith.constant 0 : i32
        %dma_start3A_2791 = tpu.memref_slice %arg3[%shift_right_arithmetic3A_2782, %dma_start3A_2789, %dma_start3A_2790] : memref<325000x8x64xf32, #tpu.memory_space<hbm>> -> memref<1x8x64xf32, #tpu.memory_space<hbm>>
        %dma_start3A_2792 = tpu.memref_squeeze %dma_start3A_2791 : memref<1x8x64xf32, #tpu.memory_space<hbm>> -> memref<8x64xf32, #tpu.memory_space<hbm>>
        %dma_start3A_2793 = tpu.memref_slice %arg8[%dma_start3A_2784] : memref<16x!tpu.dma_semaphore, #tpu.memory_space<semaphore_mem>> -> memref<1x!tpu.dma_semaphore, #tpu.memory_space<semaphore_mem>>
        %dma_start3A_2794 = tpu.memref_squeeze %dma_start3A_2793 : memref<1x!tpu.dma_semaphore, #tpu.memory_space<semaphore_mem>> -> memref<!tpu.dma_semaphore, #tpu.memory_space<semaphore_mem>>
        %dma_start3A_2795 = arith.constant 0 : i32
        %dma_start3A_2796 = arith.constant 0 : i32
        %dma_start3A_2797 = tpu.memref_slice %arg6[%dma_start3A_2783, %dma_start3A_2795, %dma_start3A_2796] : memref<16x8x64xf32, #tpu.memory_space<vmem>> -> memref<1x8x64xf32, #tpu.memory_space<vmem>>
        %dma_start3A_2798 = tpu.memref_squeeze %dma_start3A_2797 : memref<1x8x64xf32, #tpu.memory_space<vmem>> -> memref<8x64xf32, #tpu.memory_space<vmem>>
        %dma_start3A_2799 = arith.constant 0 : i32
        %dma_start3A_2800 = arith.constant 0 : i32
        %dma_start3A_2801 = tpu.memref_slice %arg3[%shift_right_arithmetic3A_2782, %dma_start3A_2799, %dma_start3A_2800] : memref<325000x8x64xf32, #tpu.memory_space<hbm>> -> memref<1x8x64xf32, #tpu.memory_space<hbm>>
        %dma_start3A_2802 = tpu.memref_squeeze %dma_start3A_2801 : memref<1x8x64xf32, #tpu.memory_space<hbm>> -> memref<8x64xf32, #tpu.memory_space<hbm>>
        tpu.enqueue_dma source(%dma_start3A_2802 : memref<8x64xf32, #tpu.memory_space<hbm>>) target(%dma_start3A_2798 : memref<8x64xf32, #tpu.memory_space<vmem>>) target_semaphore(%dma_start3A_2794 : memref<!tpu.dma_semaphore, #tpu.memory_space<semaphore_mem>>)
        %and3A_2803 = arith.constant 7 : i32
        %and3A_2804 = arith.andi %reduce_max3A_2780, %and3A_2803 : i32
        %dma_wait3A_2805 = arith.constant 0 : i32
        %dma_wait3A_2806 = arith.constant 11 : i32
        %dma_wait3A_2807 = arith.constant 11 : i32
        %dma_wait3A_2808 = arith.constant 0 : i32
        %dma_wait3A_2809 = arith.constant 0 : i32
        %dma_wait3A_2810 = tpu.memref_slice %arg6[%dma_wait3A_2806, %dma_wait3A_2808, %dma_wait3A_2809] : memref<16x8x64xf32, #tpu.memory_space<vmem>> -> memref<1x8x64xf32, #tpu.memory_space<vmem>>
        %dma_wait3A_2811 = tpu.memref_squeeze %dma_wait3A_2810 : memref<1x8x64xf32, #tpu.memory_space<vmem>> -> memref<8x64xf32, #tpu.memory_space<vmem>>
        %dma_wait3A_2812 = arith.constant 0 : i32
        %dma_wait3A_2813 = arith.constant 0 : i32
        %dma_wait3A_2814 = tpu.memref_slice %arg3[%dma_wait3A_2805, %dma_wait3A_2812, %dma_wait3A_2813] : memref<325000x8x64xf32, #tpu.memory_space<hbm>> -> memref<1x8x64xf32, #tpu.memory_space<hbm>>
        %dma_wait3A_2815 = tpu.memref_squeeze %dma_wait3A_2814 : memref<1x8x64xf32, #tpu.memory_space<hbm>> -> memref<8x64xf32, #tpu.memory_space<hbm>>
        %dma_wait3A_2816 = tpu.memref_slice %arg8[%dma_wait3A_2807] : memref<16x!tpu.dma_semaphore, #tpu.memory_space<semaphore_mem>> -> memref<1x!tpu.dma_semaphore, #tpu.memory_space<semaphore_mem>>
        %dma_wait3A_2817 = tpu.memref_squeeze %dma_wait3A_2816 : memref<1x!tpu.dma_semaphore, #tpu.memory_space<semaphore_mem>> -> memref<!tpu.dma_semaphore, #tpu.memory_space<semaphore_mem>>
        %dma_wait3A_2818 = arith.constant 0 : i32
        %dma_wait3A_2819 = arith.constant 0 : i32
        %dma_wait3A_2820 = tpu.memref_slice %arg6[%dma_wait3A_2806, %dma_wait3A_2818, %dma_wait3A_2819] : memref<16x8x64xf32, #tpu.memory_space<vmem>> -> memref<1x8x64xf32, #tpu.memory_space<vmem>>
        %dma_wait3A_2821 = tpu.memref_squeeze %dma_wait3A_2820 : memref<1x8x64xf32, #tpu.memory_space<vmem>> -> memref<8x64xf32, #tpu.memory_space<vmem>>
        %dma_wait3A_2822 = arith.constant 0 : i32
        %dma_wait3A_2823 = arith.constant 0 : i32
        %dma_wait3A_2824 = tpu.memref_slice %arg3[%dma_wait3A_2805, %dma_wait3A_2822, %dma_wait3A_2823] : memref<325000x8x64xf32, #tpu.memory_space<hbm>> -> memref<1x8x64xf32, #tpu.memory_space<hbm>>
        %dma_wait3A_2825 = tpu.memref_squeeze %dma_wait3A_2824 : memref<1x8x64xf32, #tpu.memory_space<hbm>> -> memref<8x64xf32, #tpu.memory_space<hbm>>
        tpu.wait_dma2 semaphore(%dma_wait3A_2817 : memref<!tpu.dma_semaphore, #tpu.memory_space<semaphore_mem>>) src(%dma_wait3A_2825 : memref<8x64xf32, #tpu.memory_space<hbm>>) dst(%dma_wait3A_2821 : memref<8x64xf32, #tpu.memory_space<vmem>>)
        %sub3A_2826 = arith.constant 1 : i32
        %sub3A_2827 = arith.subi %scan3A_1674, %sub3A_2826 : i32
        %mul3A_2828 = arith.constant 16 : i32
        %mul3A_2829 = arith.muli %sub3A_2827, %mul3A_2828 : i32
        %add3A_2830 = arith.constant 11 : i32
        %add3A_2831 = arith.addi %mul3A_2829, %add3A_2830 : i32
        %get3A_2832 = arith.constant 11 : i32
        %get3A_2833 = arith.index_cast %get3A_2832 : i32 to index
        %get3A_2834 = arith.index_cast %scan3A_1686 : i32 to index
        %get3A_2835 = arith.constant 0 : index
        %get3A_2836 = tpu.vector_load %arg6[%get3A_2833, %get3A_2834, %get3A_2835] {strides = array<i32>} : memref<16x8x64xf32, #tpu.memory_space<vmem>>, vector<16xf32>,
        %swap3A_2837 = arith.index_cast %rem3A_46 : i32 to index
        %swap3A_2838 = arith.index_cast %add3A_2831 : i32 to index
        %swap3A_2839 = arith.constant 0 : index
        %swap3A_2840 = tpu.vector_load %arg7[%swap3A_2837, %swap3A_2838, %swap3A_2839] {strides = array<i32>} : memref<2x256x64xf32, #tpu.memory_space<vmem>>, vector<16xf32>,
        tpu.vector_store %arg7[%swap3A_2837, %swap3A_2838, %swap3A_2839], %get3A_2836 {strides = array<i32>} : memref<2x256x64xf32, #tpu.memory_space<vmem>>, vector<16xf32>,
        %get3A_2841 = arith.constant 11 : i32
        %get3A_2842 = arith.index_cast %get3A_2841 : i32 to index
        %get3A_2843 = arith.index_cast %scan3A_1686 : i32 to index
        %get3A_2844 = arith.constant 16 : index
        %get3A_2845 = tpu.vector_load %arg6[%get3A_2842, %get3A_2843, %get3A_2844] {strides = array<i32>} : memref<16x8x64xf32, #tpu.memory_space<vmem>>, vector<16xf32>,
        %swap3A_2846 = arith.index_cast %rem3A_46 : i32 to index
        %swap3A_2847 = arith.index_cast %add3A_2831 : i32 to index
        %swap3A_2848 = arith.constant 16 : index
        %swap3A_2849 = tpu.vector_load %arg7[%swap3A_2846, %swap3A_2847, %swap3A_2848] {strides = array<i32>} : memref<2x256x64xf32, #tpu.memory_space<vmem>>, vector<16xf32>,
        tpu.vector_store %arg7[%swap3A_2846, %swap3A_2847, %swap3A_2848], %get3A_2845 {strides = array<i32>} : memref<2x256x64xf32, #tpu.memory_space<vmem>>, vector<16xf32>,
        %get3A_2850 = arith.constant 11 : i32
        %get3A_2851 = arith.index_cast %get3A_2850 : i32 to index
        %get3A_2852 = arith.index_cast %scan3A_1686 : i32 to index
        %get3A_2853 = arith.constant 32 : index
        %get3A_2854 = tpu.vector_load %arg6[%get3A_2851, %get3A_2852, %get3A_2853] {strides = array<i32>} : memref<16x8x64xf32, #tpu.memory_space<vmem>>, vector<16xf32>,
        %swap3A_2855 = arith.index_cast %rem3A_46 : i32 to index
        %swap3A_2856 = arith.index_cast %add3A_2831 : i32 to index
        %swap3A_2857 = arith.constant 32 : index
        %swap3A_2858 = tpu.vector_load %arg7[%swap3A_2855, %swap3A_2856, %swap3A_2857] {strides = array<i32>} : memref<2x256x64xf32, #tpu.memory_space<vmem>>, vector<16xf32>,
        tpu.vector_store %arg7[%swap3A_2855, %swap3A_2856, %swap3A_2857], %get3A_2854 {strides = array<i32>} : memref<2x256x64xf32, #tpu.memory_space<vmem>>, vector<16xf32>,
        %get3A_2859 = arith.constant 11 : i32
        %get3A_2860 = arith.index_cast %get3A_2859 : i32 to index
        %get3A_2861 = arith.index_cast %scan3A_1686 : i32 to index
        %get3A_2862 = arith.constant 48 : index
        %get3A_2863 = tpu.vector_load %arg6[%get3A_2860, %get3A_2861, %get3A_2862] {strides = array<i32>} : memref<16x8x64xf32, #tpu.memory_space<vmem>>, vector<16xf32>,
        %swap3A_2864 = arith.index_cast %rem3A_46 : i32 to index
        %swap3A_2865 = arith.index_cast %add3A_2831 : i32 to index
        %swap3A_2866 = arith.constant 48 : index
        %swap3A_2867 = tpu.vector_load %arg7[%swap3A_2864, %swap3A_2865, %swap3A_2866] {strides = array<i32>} : memref<2x256x64xf32, #tpu.memory_space<vmem>>, vector<16xf32>,
        tpu.vector_store %arg7[%swap3A_2864, %swap3A_2865, %swap3A_2866], %get3A_2863 {strides = array<i32>} : memref<2x256x64xf32, #tpu.memory_space<vmem>>, vector<16xf32>,
        %eq3A_2868 = arith.constant 11 : i32
        %eq3A_2869 = vector.broadcast %eq3A_2868 : i32 to vector<16xi32>
        %eq3A_2870 = arith.cmpi eq, %iota3A, %eq3A_2869 : vector<16xi32>
        %jit3A_2871 = arith.constant 0 : i32
        %broadcast_in_dim3A_2872 = vector.broadcast %jit3A_2871 : i32 to vector<16xi32>
        %select_n3A_2873 = arith.select %eq3A_2870, %get3A_1694, %broadcast_in_dim3A_2872 : vector<16xi1>, vector<16xi32>
        %reduce_max3A_2874 = arith.constant true
        %reduce_max3A_2875 = vector.broadcast %reduce_max3A_2874 : i1 to vector<16xi1>
        %reduce_max3A_2876 = arith.constant -2147483648 : i32
        %reduce_max3A_2877 = vector.broadcast %reduce_max3A_2876 : i32 to vector<16xi32>
        %reduce_max3A_2878 = arith.xori %select_n3A_2873, %reduce_max3A_2877 : vector<16xi32>
        %reduce_max3A_2879 = tpu.scan <max>, %reduce_max3A_2878 masked %reduce_max3A_2875 : vector<16xi32>, vector<16xi1> -> vector<16xi32>
        %reduce_max3A_2880 = arith.xori %reduce_max3A_2879, %reduce_max3A_2877 : vector<16xi32>
        %reduce_max3A_2881 = vector.extract %reduce_max3A_2880[15] : i32 from vector<16xi32>
        %shift_right_arithmetic3A_2882 = arith.constant 3 : i32
        %shift_right_arithmetic3A_2883 = arith.shrsi %reduce_max3A_2881, %shift_right_arithmetic3A_2882 : i32
        %dma_start3A_2884 = arith.constant 11 : i32
        %dma_start3A_2885 = arith.constant 11 : i32
        %dma_start3A_2886 = arith.constant 0 : i32
        %dma_start3A_2887 = arith.constant 0 : i32
        %dma_start3A_2888 = tpu.memref_slice %arg6[%dma_start3A_2884, %dma_start3A_2886, %dma_start3A_2887] : memref<16x8x64xf32, #tpu.memory_space<vmem>> -> memref<1x8x64xf32, #tpu.memory_space<vmem>>
        %dma_start3A_2889 = tpu.memref_squeeze %dma_start3A_2888 : memref<1x8x64xf32, #tpu.memory_space<vmem>> -> memref<8x64xf32, #tpu.memory_space<vmem>>
        %dma_start3A_2890 = arith.constant 0 : i32
        %dma_start3A_2891 = arith.constant 0 : i32
        %dma_start3A_2892 = tpu.memref_slice %arg3[%shift_right_arithmetic3A_2883, %dma_start3A_2890, %dma_start3A_2891] : memref<325000x8x64xf32, #tpu.memory_space<hbm>> -> memref<1x8x64xf32, #tpu.memory_space<hbm>>
        %dma_start3A_2893 = tpu.memref_squeeze %dma_start3A_2892 : memref<1x8x64xf32, #tpu.memory_space<hbm>> -> memref<8x64xf32, #tpu.memory_space<hbm>>
        %dma_start3A_2894 = tpu.memref_slice %arg8[%dma_start3A_2885] : memref<16x!tpu.dma_semaphore, #tpu.memory_space<semaphore_mem>> -> memref<1x!tpu.dma_semaphore, #tpu.memory_space<semaphore_mem>>
        %dma_start3A_2895 = tpu.memref_squeeze %dma_start3A_2894 : memref<1x!tpu.dma_semaphore, #tpu.memory_space<semaphore_mem>> -> memref<!tpu.dma_semaphore, #tpu.memory_space<semaphore_mem>>
        %dma_start3A_2896 = arith.constant 0 : i32
        %dma_start3A_2897 = arith.constant 0 : i32
        %dma_start3A_2898 = tpu.memref_slice %arg6[%dma_start3A_2884, %dma_start3A_2896, %dma_start3A_2897] : memref<16x8x64xf32, #tpu.memory_space<vmem>> -> memref<1x8x64xf32, #tpu.memory_space<vmem>>
        %dma_start3A_2899 = tpu.memref_squeeze %dma_start3A_2898 : memref<1x8x64xf32, #tpu.memory_space<vmem>> -> memref<8x64xf32, #tpu.memory_space<vmem>>
        %dma_start3A_2900 = arith.constant 0 : i32
        %dma_start3A_2901 = arith.constant 0 : i32
        %dma_start3A_2902 = tpu.memref_slice %arg3[%shift_right_arithmetic3A_2883, %dma_start3A_2900, %dma_start3A_2901] : memref<325000x8x64xf32, #tpu.memory_space<hbm>> -> memref<1x8x64xf32, #tpu.memory_space<hbm>>
        %dma_start3A_2903 = tpu.memref_squeeze %dma_start3A_2902 : memref<1x8x64xf32, #tpu.memory_space<hbm>> -> memref<8x64xf32, #tpu.memory_space<hbm>>
        tpu.enqueue_dma source(%dma_start3A_2903 : memref<8x64xf32, #tpu.memory_space<hbm>>) target(%dma_start3A_2899 : memref<8x64xf32, #tpu.memory_space<vmem>>) target_semaphore(%dma_start3A_2895 : memref<!tpu.dma_semaphore, #tpu.memory_space<semaphore_mem>>)
        %and3A_2904 = arith.constant 7 : i32
        %and3A_2905 = arith.andi %reduce_max3A_2881, %and3A_2904 : i32
        %dma_wait3A_2906 = arith.constant 0 : i32
        %dma_wait3A_2907 = arith.constant 12 : i32
        %dma_wait3A_2908 = arith.constant 12 : i32
        %dma_wait3A_2909 = arith.constant 0 : i32
        %dma_wait3A_2910 = arith.constant 0 : i32
        %dma_wait3A_2911 = tpu.memref_slice %arg6[%dma_wait3A_2907, %dma_wait3A_2909, %dma_wait3A_2910] : memref<16x8x64xf32, #tpu.memory_space<vmem>> -> memref<1x8x64xf32, #tpu.memory_space<vmem>>
        %dma_wait3A_2912 = tpu.memref_squeeze %dma_wait3A_2911 : memref<1x8x64xf32, #tpu.memory_space<vmem>> -> memref<8x64xf32, #tpu.memory_space<vmem>>
        %dma_wait3A_2913 = arith.constant 0 : i32
        %dma_wait3A_2914 = arith.constant 0 : i32
        %dma_wait3A_2915 = tpu.memref_slice %arg3[%dma_wait3A_2906, %dma_wait3A_2913, %dma_wait3A_2914] : memref<325000x8x64xf32, #tpu.memory_space<hbm>> -> memref<1x8x64xf32, #tpu.memory_space<hbm>>
        %dma_wait3A_2916 = tpu.memref_squeeze %dma_wait3A_2915 : memref<1x8x64xf32, #tpu.memory_space<hbm>> -> memref<8x64xf32, #tpu.memory_space<hbm>>
        %dma_wait3A_2917 = tpu.memref_slice %arg8[%dma_wait3A_2908] : memref<16x!tpu.dma_semaphore, #tpu.memory_space<semaphore_mem>> -> memref<1x!tpu.dma_semaphore, #tpu.memory_space<semaphore_mem>>
        %dma_wait3A_2918 = tpu.memref_squeeze %dma_wait3A_2917 : memref<1x!tpu.dma_semaphore, #tpu.memory_space<semaphore_mem>> -> memref<!tpu.dma_semaphore, #tpu.memory_space<semaphore_mem>>
        %dma_wait3A_2919 = arith.constant 0 : i32
        %dma_wait3A_2920 = arith.constant 0 : i32
        %dma_wait3A_2921 = tpu.memref_slice %arg6[%dma_wait3A_2907, %dma_wait3A_2919, %dma_wait3A_2920] : memref<16x8x64xf32, #tpu.memory_space<vmem>> -> memref<1x8x64xf32, #tpu.memory_space<vmem>>
        %dma_wait3A_2922 = tpu.memref_squeeze %dma_wait3A_2921 : memref<1x8x64xf32, #tpu.memory_space<vmem>> -> memref<8x64xf32, #tpu.memory_space<vmem>>
        %dma_wait3A_2923 = arith.constant 0 : i32
        %dma_wait3A_2924 = arith.constant 0 : i32
        %dma_wait3A_2925 = tpu.memref_slice %arg3[%dma_wait3A_2906, %dma_wait3A_2923, %dma_wait3A_2924] : memref<325000x8x64xf32, #tpu.memory_space<hbm>> -> memref<1x8x64xf32, #tpu.memory_space<hbm>>
        %dma_wait3A_2926 = tpu.memref_squeeze %dma_wait3A_2925 : memref<1x8x64xf32, #tpu.memory_space<hbm>> -> memref<8x64xf32, #tpu.memory_space<hbm>>
        tpu.wait_dma2 semaphore(%dma_wait3A_2918 : memref<!tpu.dma_semaphore, #tpu.memory_space<semaphore_mem>>) src(%dma_wait3A_2926 : memref<8x64xf32, #tpu.memory_space<hbm>>) dst(%dma_wait3A_2922 : memref<8x64xf32, #tpu.memory_space<vmem>>)
        %sub3A_2927 = arith.constant 1 : i32
        %sub3A_2928 = arith.subi %scan3A_1674, %sub3A_2927 : i32
        %mul3A_2929 = arith.constant 16 : i32
        %mul3A_2930 = arith.muli %sub3A_2928, %mul3A_2929 : i32
        %add3A_2931 = arith.constant 12 : i32
        %add3A_2932 = arith.addi %mul3A_2930, %add3A_2931 : i32
        %get3A_2933 = arith.constant 12 : i32
        %get3A_2934 = arith.index_cast %get3A_2933 : i32 to index
        %get3A_2935 = arith.index_cast %scan3A_1687 : i32 to index
        %get3A_2936 = arith.constant 0 : index
        %get3A_2937 = tpu.vector_load %arg6[%get3A_2934, %get3A_2935, %get3A_2936] {strides = array<i32>} : memref<16x8x64xf32, #tpu.memory_space<vmem>>, vector<16xf32>,
        %swap3A_2938 = arith.index_cast %rem3A_46 : i32 to index
        %swap3A_2939 = arith.index_cast %add3A_2932 : i32 to index
        %swap3A_2940 = arith.constant 0 : index
        %swap3A_2941 = tpu.vector_load %arg7[%swap3A_2938, %swap3A_2939, %swap3A_2940] {strides = array<i32>} : memref<2x256x64xf32, #tpu.memory_space<vmem>>, vector<16xf32>,
        tpu.vector_store %arg7[%swap3A_2938, %swap3A_2939, %swap3A_2940], %get3A_2937 {strides = array<i32>} : memref<2x256x64xf32, #tpu.memory_space<vmem>>, vector<16xf32>,
        %get3A_2942 = arith.constant 12 : i32
        %get3A_2943 = arith.index_cast %get3A_2942 : i32 to index
        %get3A_2944 = arith.index_cast %scan3A_1687 : i32 to index
        %get3A_2945 = arith.constant 16 : index
        %get3A_2946 = tpu.vector_load %arg6[%get3A_2943, %get3A_2944, %get3A_2945] {strides = array<i32>} : memref<16x8x64xf32, #tpu.memory_space<vmem>>, vector<16xf32>,
        %swap3A_2947 = arith.index_cast %rem3A_46 : i32 to index
        %swap3A_2948 = arith.index_cast %add3A_2932 : i32 to index
        %swap3A_2949 = arith.constant 16 : index
        %swap3A_2950 = tpu.vector_load %arg7[%swap3A_2947, %swap3A_2948, %swap3A_2949] {strides = array<i32>} : memref<2x256x64xf32, #tpu.memory_space<vmem>>, vector<16xf32>,
        tpu.vector_store %arg7[%swap3A_2947, %swap3A_2948, %swap3A_2949], %get3A_2946 {strides = array<i32>} : memref<2x256x64xf32, #tpu.memory_space<vmem>>, vector<16xf32>,
        %get3A_2951 = arith.constant 12 : i32
        %get3A_2952 = arith.index_cast %get3A_2951 : i32 to index
        %get3A_2953 = arith.index_cast %scan3A_1687 : i32 to index
        %get3A_2954 = arith.constant 32 : index
        %get3A_2955 = tpu.vector_load %arg6[%get3A_2952, %get3A_2953, %get3A_2954] {strides = array<i32>} : memref<16x8x64xf32, #tpu.memory_space<vmem>>, vector<16xf32>,
        %swap3A_2956 = arith.index_cast %rem3A_46 : i32 to index
        %swap3A_2957 = arith.index_cast %add3A_2932 : i32 to index
        %swap3A_2958 = arith.constant 32 : index
        %swap3A_2959 = tpu.vector_load %arg7[%swap3A_2956, %swap3A_2957, %swap3A_2958] {strides = array<i32>} : memref<2x256x64xf32, #tpu.memory_space<vmem>>, vector<16xf32>,
        tpu.vector_store %arg7[%swap3A_2956, %swap3A_2957, %swap3A_2958], %get3A_2955 {strides = array<i32>} : memref<2x256x64xf32, #tpu.memory_space<vmem>>, vector<16xf32>,
        %get3A_2960 = arith.constant 12 : i32
        %get3A_2961 = arith.index_cast %get3A_2960 : i32 to index
        %get3A_2962 = arith.index_cast %scan3A_1687 : i32 to index
        %get3A_2963 = arith.constant 48 : index
        %get3A_2964 = tpu.vector_load %arg6[%get3A_2961, %get3A_2962, %get3A_2963] {strides = array<i32>} : memref<16x8x64xf32, #tpu.memory_space<vmem>>, vector<16xf32>,
        %swap3A_2965 = arith.index_cast %rem3A_46 : i32 to index
        %swap3A_2966 = arith.index_cast %add3A_2932 : i32 to index
        %swap3A_2967 = arith.constant 48 : index
        %swap3A_2968 = tpu.vector_load %arg7[%swap3A_2965, %swap3A_2966, %swap3A_2967] {strides = array<i32>} : memref<2x256x64xf32, #tpu.memory_space<vmem>>, vector<16xf32>,
        tpu.vector_store %arg7[%swap3A_2965, %swap3A_2966, %swap3A_2967], %get3A_2964 {strides = array<i32>} : memref<2x256x64xf32, #tpu.memory_space<vmem>>, vector<16xf32>,
        %eq3A_2969 = arith.constant 12 : i32
        %eq3A_2970 = vector.broadcast %eq3A_2969 : i32 to vector<16xi32>
        %eq3A_2971 = arith.cmpi eq, %iota3A, %eq3A_2970 : vector<16xi32>
        %jit3A_2972 = arith.constant 0 : i32
        %broadcast_in_dim3A_2973 = vector.broadcast %jit3A_2972 : i32 to vector<16xi32>
        %select_n3A_2974 = arith.select %eq3A_2971, %get3A_1694, %broadcast_in_dim3A_2973 : vector<16xi1>, vector<16xi32>
        %reduce_max3A_2975 = arith.constant true
        %reduce_max3A_2976 = vector.broadcast %reduce_max3A_2975 : i1 to vector<16xi1>
        %reduce_max3A_2977 = arith.constant -2147483648 : i32
        %reduce_max3A_2978 = vector.broadcast %reduce_max3A_2977 : i32 to vector<16xi32>
        %reduce_max3A_2979 = arith.xori %select_n3A_2974, %reduce_max3A_2978 : vector<16xi32>
        %reduce_max3A_2980 = tpu.scan <max>, %reduce_max3A_2979 masked %reduce_max3A_2976 : vector<16xi32>, vector<16xi1> -> vector<16xi32>
        %reduce_max3A_2981 = arith.xori %reduce_max3A_2980, %reduce_max3A_2978 : vector<16xi32>
        %reduce_max3A_2982 = vector.extract %reduce_max3A_2981[15] : i32 from vector<16xi32>
        %shift_right_arithmetic3A_2983 = arith.constant 3 : i32
        %shift_right_arithmetic3A_2984 = arith.shrsi %reduce_max3A_2982, %shift_right_arithmetic3A_2983 : i32
        %dma_start3A_2985 = arith.constant 12 : i32
        %dma_start3A_2986 = arith.constant 12 : i32
        %dma_start3A_2987 = arith.constant 0 : i32
        %dma_start3A_2988 = arith.constant 0 : i32
        %dma_start3A_2989 = tpu.memref_slice %arg6[%dma_start3A_2985, %dma_start3A_2987, %dma_start3A_2988] : memref<16x8x64xf32, #tpu.memory_space<vmem>> -> memref<1x8x64xf32, #tpu.memory_space<vmem>>
        %dma_start3A_2990 = tpu.memref_squeeze %dma_start3A_2989 : memref<1x8x64xf32, #tpu.memory_space<vmem>> -> memref<8x64xf32, #tpu.memory_space<vmem>>
        %dma_start3A_2991 = arith.constant 0 : i32
        %dma_start3A_2992 = arith.constant 0 : i32
        %dma_start3A_2993 = tpu.memref_slice %arg3[%shift_right_arithmetic3A_2984, %dma_start3A_2991, %dma_start3A_2992] : memref<325000x8x64xf32, #tpu.memory_space<hbm>> -> memref<1x8x64xf32, #tpu.memory_space<hbm>>
        %dma_start3A_2994 = tpu.memref_squeeze %dma_start3A_2993 : memref<1x8x64xf32, #tpu.memory_space<hbm>> -> memref<8x64xf32, #tpu.memory_space<hbm>>
        %dma_start3A_2995 = tpu.memref_slice %arg8[%dma_start3A_2986] : memref<16x!tpu.dma_semaphore, #tpu.memory_space<semaphore_mem>> -> memref<1x!tpu.dma_semaphore, #tpu.memory_space<semaphore_mem>>
        %dma_start3A_2996 = tpu.memref_squeeze %dma_start3A_2995 : memref<1x!tpu.dma_semaphore, #tpu.memory_space<semaphore_mem>> -> memref<!tpu.dma_semaphore, #tpu.memory_space<semaphore_mem>>
        %dma_start3A_2997 = arith.constant 0 : i32
        %dma_start3A_2998 = arith.constant 0 : i32
        %dma_start3A_2999 = tpu.memref_slice %arg6[%dma_start3A_2985, %dma_start3A_2997, %dma_start3A_2998] : memref<16x8x64xf32, #tpu.memory_space<vmem>> -> memref<1x8x64xf32, #tpu.memory_space<vmem>>
        %dma_start3A_3000 = tpu.memref_squeeze %dma_start3A_2999 : memref<1x8x64xf32, #tpu.memory_space<vmem>> -> memref<8x64xf32, #tpu.memory_space<vmem>>
        %dma_start3A_3001 = arith.constant 0 : i32
        %dma_start3A_3002 = arith.constant 0 : i32
        %dma_start3A_3003 = tpu.memref_slice %arg3[%shift_right_arithmetic3A_2984, %dma_start3A_3001, %dma_start3A_3002] : memref<325000x8x64xf32, #tpu.memory_space<hbm>> -> memref<1x8x64xf32, #tpu.memory_space<hbm>>
        %dma_start3A_3004 = tpu.memref_squeeze %dma_start3A_3003 : memref<1x8x64xf32, #tpu.memory_space<hbm>> -> memref<8x64xf32, #tpu.memory_space<hbm>>
        tpu.enqueue_dma source(%dma_start3A_3004 : memref<8x64xf32, #tpu.memory_space<hbm>>) target(%dma_start3A_3000 : memref<8x64xf32, #tpu.memory_space<vmem>>) target_semaphore(%dma_start3A_2996 : memref<!tpu.dma_semaphore, #tpu.memory_space<semaphore_mem>>)
        %and3A_3005 = arith.constant 7 : i32
        %and3A_3006 = arith.andi %reduce_max3A_2982, %and3A_3005 : i32
        %dma_wait3A_3007 = arith.constant 0 : i32
        %dma_wait3A_3008 = arith.constant 13 : i32
        %dma_wait3A_3009 = arith.constant 13 : i32
        %dma_wait3A_3010 = arith.constant 0 : i32
        %dma_wait3A_3011 = arith.constant 0 : i32
        %dma_wait3A_3012 = tpu.memref_slice %arg6[%dma_wait3A_3008, %dma_wait3A_3010, %dma_wait3A_3011] : memref<16x8x64xf32, #tpu.memory_space<vmem>> -> memref<1x8x64xf32, #tpu.memory_space<vmem>>
        %dma_wait3A_3013 = tpu.memref_squeeze %dma_wait3A_3012 : memref<1x8x64xf32, #tpu.memory_space<vmem>> -> memref<8x64xf32, #tpu.memory_space<vmem>>
        %dma_wait3A_3014 = arith.constant 0 : i32
        %dma_wait3A_3015 = arith.constant 0 : i32
        %dma_wait3A_3016 = tpu.memref_slice %arg3[%dma_wait3A_3007, %dma_wait3A_3014, %dma_wait3A_3015] : memref<325000x8x64xf32, #tpu.memory_space<hbm>> -> memref<1x8x64xf32, #tpu.memory_space<hbm>>
        %dma_wait3A_3017 = tpu.memref_squeeze %dma_wait3A_3016 : memref<1x8x64xf32, #tpu.memory_space<hbm>> -> memref<8x64xf32, #tpu.memory_space<hbm>>
        %dma_wait3A_3018 = tpu.memref_slice %arg8[%dma_wait3A_3009] : memref<16x!tpu.dma_semaphore, #tpu.memory_space<semaphore_mem>> -> memref<1x!tpu.dma_semaphore, #tpu.memory_space<semaphore_mem>>
        %dma_wait3A_3019 = tpu.memref_squeeze %dma_wait3A_3018 : memref<1x!tpu.dma_semaphore, #tpu.memory_space<semaphore_mem>> -> memref<!tpu.dma_semaphore, #tpu.memory_space<semaphore_mem>>
        %dma_wait3A_3020 = arith.constant 0 : i32
        %dma_wait3A_3021 = arith.constant 0 : i32
        %dma_wait3A_3022 = tpu.memref_slice %arg6[%dma_wait3A_3008, %dma_wait3A_3020, %dma_wait3A_3021] : memref<16x8x64xf32, #tpu.memory_space<vmem>> -> memref<1x8x64xf32, #tpu.memory_space<vmem>>
        %dma_wait3A_3023 = tpu.memref_squeeze %dma_wait3A_3022 : memref<1x8x64xf32, #tpu.memory_space<vmem>> -> memref<8x64xf32, #tpu.memory_space<vmem>>
        %dma_wait3A_3024 = arith.constant 0 : i32
        %dma_wait3A_3025 = arith.constant 0 : i32
        %dma_wait3A_3026 = tpu.memref_slice %arg3[%dma_wait3A_3007, %dma_wait3A_3024, %dma_wait3A_3025] : memref<325000x8x64xf32, #tpu.memory_space<hbm>> -> memref<1x8x64xf32, #tpu.memory_space<hbm>>
        %dma_wait3A_3027 = tpu.memref_squeeze %dma_wait3A_3026 : memref<1x8x64xf32, #tpu.memory_space<hbm>> -> memref<8x64xf32, #tpu.memory_space<hbm>>
        tpu.wait_dma2 semaphore(%dma_wait3A_3019 : memref<!tpu.dma_semaphore, #tpu.memory_space<semaphore_mem>>) src(%dma_wait3A_3027 : memref<8x64xf32, #tpu.memory_space<hbm>>) dst(%dma_wait3A_3023 : memref<8x64xf32, #tpu.memory_space<vmem>>)
        %sub3A_3028 = arith.constant 1 : i32
        %sub3A_3029 = arith.subi %scan3A_1674, %sub3A_3028 : i32
        %mul3A_3030 = arith.constant 16 : i32
        %mul3A_3031 = arith.muli %sub3A_3029, %mul3A_3030 : i32
        %add3A_3032 = arith.constant 13 : i32
        %add3A_3033 = arith.addi %mul3A_3031, %add3A_3032 : i32
        %get3A_3034 = arith.constant 13 : i32
        %get3A_3035 = arith.index_cast %get3A_3034 : i32 to index
        %get3A_3036 = arith.index_cast %scan3A_1688 : i32 to index
        %get3A_3037 = arith.constant 0 : index
        %get3A_3038 = tpu.vector_load %arg6[%get3A_3035, %get3A_3036, %get3A_3037] {strides = array<i32>} : memref<16x8x64xf32, #tpu.memory_space<vmem>>, vector<16xf32>,
        %swap3A_3039 = arith.index_cast %rem3A_46 : i32 to index
        %swap3A_3040 = arith.index_cast %add3A_3033 : i32 to index
        %swap3A_3041 = arith.constant 0 : index
        %swap3A_3042 = tpu.vector_load %arg7[%swap3A_3039, %swap3A_3040, %swap3A_3041] {strides = array<i32>} : memref<2x256x64xf32, #tpu.memory_space<vmem>>, vector<16xf32>,
        tpu.vector_store %arg7[%swap3A_3039, %swap3A_3040, %swap3A_3041], %get3A_3038 {strides = array<i32>} : memref<2x256x64xf32, #tpu.memory_space<vmem>>, vector<16xf32>,
        %get3A_3043 = arith.constant 13 : i32
        %get3A_3044 = arith.index_cast %get3A_3043 : i32 to index
        %get3A_3045 = arith.index_cast %scan3A_1688 : i32 to index
        %get3A_3046 = arith.constant 16 : index
        %get3A_3047 = tpu.vector_load %arg6[%get3A_3044, %get3A_3045, %get3A_3046] {strides = array<i32>} : memref<16x8x64xf32, #tpu.memory_space<vmem>>, vector<16xf32>,
        %swap3A_3048 = arith.index_cast %rem3A_46 : i32 to index
        %swap3A_3049 = arith.index_cast %add3A_3033 : i32 to index
        %swap3A_3050 = arith.constant 16 : index
        %swap3A_3051 = tpu.vector_load %arg7[%swap3A_3048, %swap3A_3049, %swap3A_3050] {strides = array<i32>} : memref<2x256x64xf32, #tpu.memory_space<vmem>>, vector<16xf32>,
        tpu.vector_store %arg7[%swap3A_3048, %swap3A_3049, %swap3A_3050], %get3A_3047 {strides = array<i32>} : memref<2x256x64xf32, #tpu.memory_space<vmem>>, vector<16xf32>,
        %get3A_3052 = arith.constant 13 : i32
        %get3A_3053 = arith.index_cast %get3A_3052 : i32 to index
        %get3A_3054 = arith.index_cast %scan3A_1688 : i32 to index
        %get3A_3055 = arith.constant 32 : index
        %get3A_3056 = tpu.vector_load %arg6[%get3A_3053, %get3A_3054, %get3A_3055] {strides = array<i32>} : memref<16x8x64xf32, #tpu.memory_space<vmem>>, vector<16xf32>,
        %swap3A_3057 = arith.index_cast %rem3A_46 : i32 to index
        %swap3A_3058 = arith.index_cast %add3A_3033 : i32 to index
        %swap3A_3059 = arith.constant 32 : index
        %swap3A_3060 = tpu.vector_load %arg7[%swap3A_3057, %swap3A_3058, %swap3A_3059] {strides = array<i32>} : memref<2x256x64xf32, #tpu.memory_space<vmem>>, vector<16xf32>,
        tpu.vector_store %arg7[%swap3A_3057, %swap3A_3058, %swap3A_3059], %get3A_3056 {strides = array<i32>} : memref<2x256x64xf32, #tpu.memory_space<vmem>>, vector<16xf32>,
        %get3A_3061 = arith.constant 13 : i32
        %get3A_3062 = arith.index_cast %get3A_3061 : i32 to index
        %get3A_3063 = arith.index_cast %scan3A_1688 : i32 to index
        %get3A_3064 = arith.constant 48 : index
        %get3A_3065 = tpu.vector_load %arg6[%get3A_3062, %get3A_3063, %get3A_3064] {strides = array<i32>} : memref<16x8x64xf32, #tpu.memory_space<vmem>>, vector<16xf32>,
        %swap3A_3066 = arith.index_cast %rem3A_46 : i32 to index
        %swap3A_3067 = arith.index_cast %add3A_3033 : i32 to index
        %swap3A_3068 = arith.constant 48 : index
        %swap3A_3069 = tpu.vector_load %arg7[%swap3A_3066, %swap3A_3067, %swap3A_3068] {strides = array<i32>} : memref<2x256x64xf32, #tpu.memory_space<vmem>>, vector<16xf32>,
        tpu.vector_store %arg7[%swap3A_3066, %swap3A_3067, %swap3A_3068], %get3A_3065 {strides = array<i32>} : memref<2x256x64xf32, #tpu.memory_space<vmem>>, vector<16xf32>,
        %eq3A_3070 = arith.constant 13 : i32
        %eq3A_3071 = vector.broadcast %eq3A_3070 : i32 to vector<16xi32>
        %eq3A_3072 = arith.cmpi eq, %iota3A, %eq3A_3071 : vector<16xi32>
        %jit3A_3073 = arith.constant 0 : i32
        %broadcast_in_dim3A_3074 = vector.broadcast %jit3A_3073 : i32 to vector<16xi32>
        %select_n3A_3075 = arith.select %eq3A_3072, %get3A_1694, %broadcast_in_dim3A_3074 : vector<16xi1>, vector<16xi32>
        %reduce_max3A_3076 = arith.constant true
        %reduce_max3A_3077 = vector.broadcast %reduce_max3A_3076 : i1 to vector<16xi1>
        %reduce_max3A_3078 = arith.constant -2147483648 : i32
        %reduce_max3A_3079 = vector.broadcast %reduce_max3A_3078 : i32 to vector<16xi32>
        %reduce_max3A_3080 = arith.xori %select_n3A_3075, %reduce_max3A_3079 : vector<16xi32>
        %reduce_max3A_3081 = tpu.scan <max>, %reduce_max3A_3080 masked %reduce_max3A_3077 : vector<16xi32>, vector<16xi1> -> vector<16xi32>
        %reduce_max3A_3082 = arith.xori %reduce_max3A_3081, %reduce_max3A_3079 : vector<16xi32>
        %reduce_max3A_3083 = vector.extract %reduce_max3A_3082[15] : i32 from vector<16xi32>
        %shift_right_arithmetic3A_3084 = arith.constant 3 : i32
        %shift_right_arithmetic3A_3085 = arith.shrsi %reduce_max3A_3083, %shift_right_arithmetic3A_3084 : i32
        %dma_start3A_3086 = arith.constant 13 : i32
        %dma_start3A_3087 = arith.constant 13 : i32
        %dma_start3A_3088 = arith.constant 0 : i32
        %dma_start3A_3089 = arith.constant 0 : i32
        %dma_start3A_3090 = tpu.memref_slice %arg6[%dma_start3A_3086, %dma_start3A_3088, %dma_start3A_3089] : memref<16x8x64xf32, #tpu.memory_space<vmem>> -> memref<1x8x64xf32, #tpu.memory_space<vmem>>
        %dma_start3A_3091 = tpu.memref_squeeze %dma_start3A_3090 : memref<1x8x64xf32, #tpu.memory_space<vmem>> -> memref<8x64xf32, #tpu.memory_space<vmem>>
        %dma_start3A_3092 = arith.constant 0 : i32
        %dma_start3A_3093 = arith.constant 0 : i32
        %dma_start3A_3094 = tpu.memref_slice %arg3[%shift_right_arithmetic3A_3085, %dma_start3A_3092, %dma_start3A_3093] : memref<325000x8x64xf32, #tpu.memory_space<hbm>> -> memref<1x8x64xf32, #tpu.memory_space<hbm>>
        %dma_start3A_3095 = tpu.memref_squeeze %dma_start3A_3094 : memref<1x8x64xf32, #tpu.memory_space<hbm>> -> memref<8x64xf32, #tpu.memory_space<hbm>>
        %dma_start3A_3096 = tpu.memref_slice %arg8[%dma_start3A_3087] : memref<16x!tpu.dma_semaphore, #tpu.memory_space<semaphore_mem>> -> memref<1x!tpu.dma_semaphore, #tpu.memory_space<semaphore_mem>>
        %dma_start3A_3097 = tpu.memref_squeeze %dma_start3A_3096 : memref<1x!tpu.dma_semaphore, #tpu.memory_space<semaphore_mem>> -> memref<!tpu.dma_semaphore, #tpu.memory_space<semaphore_mem>>
        %dma_start3A_3098 = arith.constant 0 : i32
        %dma_start3A_3099 = arith.constant 0 : i32
        %dma_start3A_3100 = tpu.memref_slice %arg6[%dma_start3A_3086, %dma_start3A_3098, %dma_start3A_3099] : memref<16x8x64xf32, #tpu.memory_space<vmem>> -> memref<1x8x64xf32, #tpu.memory_space<vmem>>
        %dma_start3A_3101 = tpu.memref_squeeze %dma_start3A_3100 : memref<1x8x64xf32, #tpu.memory_space<vmem>> -> memref<8x64xf32, #tpu.memory_space<vmem>>
        %dma_start3A_3102 = arith.constant 0 : i32
        %dma_start3A_3103 = arith.constant 0 : i32
        %dma_start3A_3104 = tpu.memref_slice %arg3[%shift_right_arithmetic3A_3085, %dma_start3A_3102, %dma_start3A_3103] : memref<325000x8x64xf32, #tpu.memory_space<hbm>> -> memref<1x8x64xf32, #tpu.memory_space<hbm>>
        %dma_start3A_3105 = tpu.memref_squeeze %dma_start3A_3104 : memref<1x8x64xf32, #tpu.memory_space<hbm>> -> memref<8x64xf32, #tpu.memory_space<hbm>>
        tpu.enqueue_dma source(%dma_start3A_3105 : memref<8x64xf32, #tpu.memory_space<hbm>>) target(%dma_start3A_3101 : memref<8x64xf32, #tpu.memory_space<vmem>>) target_semaphore(%dma_start3A_3097 : memref<!tpu.dma_semaphore, #tpu.memory_space<semaphore_mem>>)
        %and3A_3106 = arith.constant 7 : i32
        %and3A_3107 = arith.andi %reduce_max3A_3083, %and3A_3106 : i32
        %dma_wait3A_3108 = arith.constant 0 : i32
        %dma_wait3A_3109 = arith.constant 14 : i32
        %dma_wait3A_3110 = arith.constant 14 : i32
        %dma_wait3A_3111 = arith.constant 0 : i32
        %dma_wait3A_3112 = arith.constant 0 : i32
        %dma_wait3A_3113 = tpu.memref_slice %arg6[%dma_wait3A_3109, %dma_wait3A_3111, %dma_wait3A_3112] : memref<16x8x64xf32, #tpu.memory_space<vmem>> -> memref<1x8x64xf32, #tpu.memory_space<vmem>>
        %dma_wait3A_3114 = tpu.memref_squeeze %dma_wait3A_3113 : memref<1x8x64xf32, #tpu.memory_space<vmem>> -> memref<8x64xf32, #tpu.memory_space<vmem>>
        %dma_wait3A_3115 = arith.constant 0 : i32
        %dma_wait3A_3116 = arith.constant 0 : i32
        %dma_wait3A_3117 = tpu.memref_slice %arg3[%dma_wait3A_3108, %dma_wait3A_3115, %dma_wait3A_3116] : memref<325000x8x64xf32, #tpu.memory_space<hbm>> -> memref<1x8x64xf32, #tpu.memory_space<hbm>>
        %dma_wait3A_3118 = tpu.memref_squeeze %dma_wait3A_3117 : memref<1x8x64xf32, #tpu.memory_space<hbm>> -> memref<8x64xf32, #tpu.memory_space<hbm>>
        %dma_wait3A_3119 = tpu.memref_slice %arg8[%dma_wait3A_3110] : memref<16x!tpu.dma_semaphore, #tpu.memory_space<semaphore_mem>> -> memref<1x!tpu.dma_semaphore, #tpu.memory_space<semaphore_mem>>
        %dma_wait3A_3120 = tpu.memref_squeeze %dma_wait3A_3119 : memref<1x!tpu.dma_semaphore, #tpu.memory_space<semaphore_mem>> -> memref<!tpu.dma_semaphore, #tpu.memory_space<semaphore_mem>>
        %dma_wait3A_3121 = arith.constant 0 : i32
        %dma_wait3A_3122 = arith.constant 0 : i32
        %dma_wait3A_3123 = tpu.memref_slice %arg6[%dma_wait3A_3109, %dma_wait3A_3121, %dma_wait3A_3122] : memref<16x8x64xf32, #tpu.memory_space<vmem>> -> memref<1x8x64xf32, #tpu.memory_space<vmem>>
        %dma_wait3A_3124 = tpu.memref_squeeze %dma_wait3A_3123 : memref<1x8x64xf32, #tpu.memory_space<vmem>> -> memref<8x64xf32, #tpu.memory_space<vmem>>
        %dma_wait3A_3125 = arith.constant 0 : i32
        %dma_wait3A_3126 = arith.constant 0 : i32
        %dma_wait3A_3127 = tpu.memref_slice %arg3[%dma_wait3A_3108, %dma_wait3A_3125, %dma_wait3A_3126] : memref<325000x8x64xf32, #tpu.memory_space<hbm>> -> memref<1x8x64xf32, #tpu.memory_space<hbm>>
        %dma_wait3A_3128 = tpu.memref_squeeze %dma_wait3A_3127 : memref<1x8x64xf32, #tpu.memory_space<hbm>> -> memref<8x64xf32, #tpu.memory_space<hbm>>
        tpu.wait_dma2 semaphore(%dma_wait3A_3120 : memref<!tpu.dma_semaphore, #tpu.memory_space<semaphore_mem>>) src(%dma_wait3A_3128 : memref<8x64xf32, #tpu.memory_space<hbm>>) dst(%dma_wait3A_3124 : memref<8x64xf32, #tpu.memory_space<vmem>>)
        %sub3A_3129 = arith.constant 1 : i32
        %sub3A_3130 = arith.subi %scan3A_1674, %sub3A_3129 : i32
        %mul3A_3131 = arith.constant 16 : i32
        %mul3A_3132 = arith.muli %sub3A_3130, %mul3A_3131 : i32
        %add3A_3133 = arith.constant 14 : i32
        %add3A_3134 = arith.addi %mul3A_3132, %add3A_3133 : i32
        %get3A_3135 = arith.constant 14 : i32
        %get3A_3136 = arith.index_cast %get3A_3135 : i32 to index
        %get3A_3137 = arith.index_cast %scan3A_1689 : i32 to index
        %get3A_3138 = arith.constant 0 : index
        %get3A_3139 = tpu.vector_load %arg6[%get3A_3136, %get3A_3137, %get3A_3138] {strides = array<i32>} : memref<16x8x64xf32, #tpu.memory_space<vmem>>, vector<16xf32>,
        %swap3A_3140 = arith.index_cast %rem3A_46 : i32 to index
        %swap3A_3141 = arith.index_cast %add3A_3134 : i32 to index
        %swap3A_3142 = arith.constant 0 : index
        %swap3A_3143 = tpu.vector_load %arg7[%swap3A_3140, %swap3A_3141, %swap3A_3142] {strides = array<i32>} : memref<2x256x64xf32, #tpu.memory_space<vmem>>, vector<16xf32>,
        tpu.vector_store %arg7[%swap3A_3140, %swap3A_3141, %swap3A_3142], %get3A_3139 {strides = array<i32>} : memref<2x256x64xf32, #tpu.memory_space<vmem>>, vector<16xf32>,
        %get3A_3144 = arith.constant 14 : i32
        %get3A_3145 = arith.index_cast %get3A_3144 : i32 to index
        %get3A_3146 = arith.index_cast %scan3A_1689 : i32 to index
        %get3A_3147 = arith.constant 16 : index
        %get3A_3148 = tpu.vector_load %arg6[%get3A_3145, %get3A_3146, %get3A_3147] {strides = array<i32>} : memref<16x8x64xf32, #tpu.memory_space<vmem>>, vector<16xf32>,
        %swap3A_3149 = arith.index_cast %rem3A_46 : i32 to index
        %swap3A_3150 = arith.index_cast %add3A_3134 : i32 to index
        %swap3A_3151 = arith.constant 16 : index
        %swap3A_3152 = tpu.vector_load %arg7[%swap3A_3149, %swap3A_3150, %swap3A_3151] {strides = array<i32>} : memref<2x256x64xf32, #tpu.memory_space<vmem>>, vector<16xf32>,
        tpu.vector_store %arg7[%swap3A_3149, %swap3A_3150, %swap3A_3151], %get3A_3148 {strides = array<i32>} : memref<2x256x64xf32, #tpu.memory_space<vmem>>, vector<16xf32>,
        %get3A_3153 = arith.constant 14 : i32
        %get3A_3154 = arith.index_cast %get3A_3153 : i32 to index
        %get3A_3155 = arith.index_cast %scan3A_1689 : i32 to index
        %get3A_3156 = arith.constant 32 : index
        %get3A_3157 = tpu.vector_load %arg6[%get3A_3154, %get3A_3155, %get3A_3156] {strides = array<i32>} : memref<16x8x64xf32, #tpu.memory_space<vmem>>, vector<16xf32>,
        %swap3A_3158 = arith.index_cast %rem3A_46 : i32 to index
        %swap3A_3159 = arith.index_cast %add3A_3134 : i32 to index
        %swap3A_3160 = arith.constant 32 : index
        %swap3A_3161 = tpu.vector_load %arg7[%swap3A_3158, %swap3A_3159, %swap3A_3160] {strides = array<i32>} : memref<2x256x64xf32, #tpu.memory_space<vmem>>, vector<16xf32>,
        tpu.vector_store %arg7[%swap3A_3158, %swap3A_3159, %swap3A_3160], %get3A_3157 {strides = array<i32>} : memref<2x256x64xf32, #tpu.memory_space<vmem>>, vector<16xf32>,
        %get3A_3162 = arith.constant 14 : i32
        %get3A_3163 = arith.index_cast %get3A_3162 : i32 to index
        %get3A_3164 = arith.index_cast %scan3A_1689 : i32 to index
        %get3A_3165 = arith.constant 48 : index
        %get3A_3166 = tpu.vector_load %arg6[%get3A_3163, %get3A_3164, %get3A_3165] {strides = array<i32>} : memref<16x8x64xf32, #tpu.memory_space<vmem>>, vector<16xf32>,
        %swap3A_3167 = arith.index_cast %rem3A_46 : i32 to index
        %swap3A_3168 = arith.index_cast %add3A_3134 : i32 to index
        %swap3A_3169 = arith.constant 48 : index
        %swap3A_3170 = tpu.vector_load %arg7[%swap3A_3167, %swap3A_3168, %swap3A_3169] {strides = array<i32>} : memref<2x256x64xf32, #tpu.memory_space<vmem>>, vector<16xf32>,
        tpu.vector_store %arg7[%swap3A_3167, %swap3A_3168, %swap3A_3169], %get3A_3166 {strides = array<i32>} : memref<2x256x64xf32, #tpu.memory_space<vmem>>, vector<16xf32>,
        %eq3A_3171 = arith.constant 14 : i32
        %eq3A_3172 = vector.broadcast %eq3A_3171 : i32 to vector<16xi32>
        %eq3A_3173 = arith.cmpi eq, %iota3A, %eq3A_3172 : vector<16xi32>
        %jit3A_3174 = arith.constant 0 : i32
        %broadcast_in_dim3A_3175 = vector.broadcast %jit3A_3174 : i32 to vector<16xi32>
        %select_n3A_3176 = arith.select %eq3A_3173, %get3A_1694, %broadcast_in_dim3A_3175 : vector<16xi1>, vector<16xi32>
        %reduce_max3A_3177 = arith.constant true
        %reduce_max3A_3178 = vector.broadcast %reduce_max3A_3177 : i1 to vector<16xi1>
        %reduce_max3A_3179 = arith.constant -2147483648 : i32
        %reduce_max3A_3180 = vector.broadcast %reduce_max3A_3179 : i32 to vector<16xi32>
        %reduce_max3A_3181 = arith.xori %select_n3A_3176, %reduce_max3A_3180 : vector<16xi32>
        %reduce_max3A_3182 = tpu.scan <max>, %reduce_max3A_3181 masked %reduce_max3A_3178 : vector<16xi32>, vector<16xi1> -> vector<16xi32>
        %reduce_max3A_3183 = arith.xori %reduce_max3A_3182, %reduce_max3A_3180 : vector<16xi32>
        %reduce_max3A_3184 = vector.extract %reduce_max3A_3183[15] : i32 from vector<16xi32>
        %shift_right_arithmetic3A_3185 = arith.constant 3 : i32
        %shift_right_arithmetic3A_3186 = arith.shrsi %reduce_max3A_3184, %shift_right_arithmetic3A_3185 : i32
        %dma_start3A_3187 = arith.constant 14 : i32
        %dma_start3A_3188 = arith.constant 14 : i32
        %dma_start3A_3189 = arith.constant 0 : i32
        %dma_start3A_3190 = arith.constant 0 : i32
        %dma_start3A_3191 = tpu.memref_slice %arg6[%dma_start3A_3187, %dma_start3A_3189, %dma_start3A_3190] : memref<16x8x64xf32, #tpu.memory_space<vmem>> -> memref<1x8x64xf32, #tpu.memory_space<vmem>>
        %dma_start3A_3192 = tpu.memref_squeeze %dma_start3A_3191 : memref<1x8x64xf32, #tpu.memory_space<vmem>> -> memref<8x64xf32, #tpu.memory_space<vmem>>
        %dma_start3A_3193 = arith.constant 0 : i32
        %dma_start3A_3194 = arith.constant 0 : i32
        %dma_start3A_3195 = tpu.memref_slice %arg3[%shift_right_arithmetic3A_3186, %dma_start3A_3193, %dma_start3A_3194] : memref<325000x8x64xf32, #tpu.memory_space<hbm>> -> memref<1x8x64xf32, #tpu.memory_space<hbm>>
        %dma_start3A_3196 = tpu.memref_squeeze %dma_start3A_3195 : memref<1x8x64xf32, #tpu.memory_space<hbm>> -> memref<8x64xf32, #tpu.memory_space<hbm>>
        %dma_start3A_3197 = tpu.memref_slice %arg8[%dma_start3A_3188] : memref<16x!tpu.dma_semaphore, #tpu.memory_space<semaphore_mem>> -> memref<1x!tpu.dma_semaphore, #tpu.memory_space<semaphore_mem>>
        %dma_start3A_3198 = tpu.memref_squeeze %dma_start3A_3197 : memref<1x!tpu.dma_semaphore, #tpu.memory_space<semaphore_mem>> -> memref<!tpu.dma_semaphore, #tpu.memory_space<semaphore_mem>>
        %dma_start3A_3199 = arith.constant 0 : i32
        %dma_start3A_3200 = arith.constant 0 : i32
        %dma_start3A_3201 = tpu.memref_slice %arg6[%dma_start3A_3187, %dma_start3A_3199, %dma_start3A_3200] : memref<16x8x64xf32, #tpu.memory_space<vmem>> -> memref<1x8x64xf32, #tpu.memory_space<vmem>>
        %dma_start3A_3202 = tpu.memref_squeeze %dma_start3A_3201 : memref<1x8x64xf32, #tpu.memory_space<vmem>> -> memref<8x64xf32, #tpu.memory_space<vmem>>
        %dma_start3A_3203 = arith.constant 0 : i32
        %dma_start3A_3204 = arith.constant 0 : i32
        %dma_start3A_3205 = tpu.memref_slice %arg3[%shift_right_arithmetic3A_3186, %dma_start3A_3203, %dma_start3A_3204] : memref<325000x8x64xf32, #tpu.memory_space<hbm>> -> memref<1x8x64xf32, #tpu.memory_space<hbm>>
        %dma_start3A_3206 = tpu.memref_squeeze %dma_start3A_3205 : memref<1x8x64xf32, #tpu.memory_space<hbm>> -> memref<8x64xf32, #tpu.memory_space<hbm>>
        tpu.enqueue_dma source(%dma_start3A_3206 : memref<8x64xf32, #tpu.memory_space<hbm>>) target(%dma_start3A_3202 : memref<8x64xf32, #tpu.memory_space<vmem>>) target_semaphore(%dma_start3A_3198 : memref<!tpu.dma_semaphore, #tpu.memory_space<semaphore_mem>>)
        %and3A_3207 = arith.constant 7 : i32
        %and3A_3208 = arith.andi %reduce_max3A_3184, %and3A_3207 : i32
        %dma_wait3A_3209 = arith.constant 0 : i32
        %dma_wait3A_3210 = arith.constant 15 : i32
        %dma_wait3A_3211 = arith.constant 15 : i32
        %dma_wait3A_3212 = arith.constant 0 : i32
        %dma_wait3A_3213 = arith.constant 0 : i32
        %dma_wait3A_3214 = tpu.memref_slice %arg6[%dma_wait3A_3210, %dma_wait3A_3212, %dma_wait3A_3213] : memref<16x8x64xf32, #tpu.memory_space<vmem>> -> memref<1x8x64xf32, #tpu.memory_space<vmem>>
        %dma_wait3A_3215 = tpu.memref_squeeze %dma_wait3A_3214 : memref<1x8x64xf32, #tpu.memory_space<vmem>> -> memref<8x64xf32, #tpu.memory_space<vmem>>
        %dma_wait3A_3216 = arith.constant 0 : i32
        %dma_wait3A_3217 = arith.constant 0 : i32
        %dma_wait3A_3218 = tpu.memref_slice %arg3[%dma_wait3A_3209, %dma_wait3A_3216, %dma_wait3A_3217] : memref<325000x8x64xf32, #tpu.memory_space<hbm>> -> memref<1x8x64xf32, #tpu.memory_space<hbm>>
        %dma_wait3A_3219 = tpu.memref_squeeze %dma_wait3A_3218 : memref<1x8x64xf32, #tpu.memory_space<hbm>> -> memref<8x64xf32, #tpu.memory_space<hbm>>
        %dma_wait3A_3220 = tpu.memref_slice %arg8[%dma_wait3A_3211] : memref<16x!tpu.dma_semaphore, #tpu.memory_space<semaphore_mem>> -> memref<1x!tpu.dma_semaphore, #tpu.memory_space<semaphore_mem>>
        %dma_wait3A_3221 = tpu.memref_squeeze %dma_wait3A_3220 : memref<1x!tpu.dma_semaphore, #tpu.memory_space<semaphore_mem>> -> memref<!tpu.dma_semaphore, #tpu.memory_space<semaphore_mem>>
        %dma_wait3A_3222 = arith.constant 0 : i32
        %dma_wait3A_3223 = arith.constant 0 : i32
        %dma_wait3A_3224 = tpu.memref_slice %arg6[%dma_wait3A_3210, %dma_wait3A_3222, %dma_wait3A_3223] : memref<16x8x64xf32, #tpu.memory_space<vmem>> -> memref<1x8x64xf32, #tpu.memory_space<vmem>>
        %dma_wait3A_3225 = tpu.memref_squeeze %dma_wait3A_3224 : memref<1x8x64xf32, #tpu.memory_space<vmem>> -> memref<8x64xf32, #tpu.memory_space<vmem>>
        %dma_wait3A_3226 = arith.constant 0 : i32
        %dma_wait3A_3227 = arith.constant 0 : i32
        %dma_wait3A_3228 = tpu.memref_slice %arg3[%dma_wait3A_3209, %dma_wait3A_3226, %dma_wait3A_3227] : memref<325000x8x64xf32, #tpu.memory_space<hbm>> -> memref<1x8x64xf32, #tpu.memory_space<hbm>>
        %dma_wait3A_3229 = tpu.memref_squeeze %dma_wait3A_3228 : memref<1x8x64xf32, #tpu.memory_space<hbm>> -> memref<8x64xf32, #tpu.memory_space<hbm>>
        tpu.wait_dma2 semaphore(%dma_wait3A_3221 : memref<!tpu.dma_semaphore, #tpu.memory_space<semaphore_mem>>) src(%dma_wait3A_3229 : memref<8x64xf32, #tpu.memory_space<hbm>>) dst(%dma_wait3A_3225 : memref<8x64xf32, #tpu.memory_space<vmem>>)
        %sub3A_3230 = arith.constant 1 : i32
        %sub3A_3231 = arith.subi %scan3A_1674, %sub3A_3230 : i32
        %mul3A_3232 = arith.constant 16 : i32
        %mul3A_3233 = arith.muli %sub3A_3231, %mul3A_3232 : i32
        %add3A_3234 = arith.constant 15 : i32
        %add3A_3235 = arith.addi %mul3A_3233, %add3A_3234 : i32
        %get3A_3236 = arith.constant 15 : i32
        %get3A_3237 = arith.index_cast %get3A_3236 : i32 to index
        %get3A_3238 = arith.index_cast %scan3A_1690 : i32 to index
        %get3A_3239 = arith.constant 0 : index
        %get3A_3240 = tpu.vector_load %arg6[%get3A_3237, %get3A_3238, %get3A_3239] {strides = array<i32>} : memref<16x8x64xf32, #tpu.memory_space<vmem>>, vector<16xf32>,
        %swap3A_3241 = arith.index_cast %rem3A_46 : i32 to index
        %swap3A_3242 = arith.index_cast %add3A_3235 : i32 to index
        %swap3A_3243 = arith.constant 0 : index
        %swap3A_3244 = tpu.vector_load %arg7[%swap3A_3241, %swap3A_3242, %swap3A_3243] {strides = array<i32>} : memref<2x256x64xf32, #tpu.memory_space<vmem>>, vector<16xf32>,
        tpu.vector_store %arg7[%swap3A_3241, %swap3A_3242, %swap3A_3243], %get3A_3240 {strides = array<i32>} : memref<2x256x64xf32, #tpu.memory_space<vmem>>, vector<16xf32>,
        %get3A_3245 = arith.constant 15 : i32
        %get3A_3246 = arith.index_cast %get3A_3245 : i32 to index
        %get3A_3247 = arith.index_cast %scan3A_1690 : i32 to index
        %get3A_3248 = arith.constant 16 : index
        %get3A_3249 = tpu.vector_load %arg6[%get3A_3246, %get3A_3247, %get3A_3248] {strides = array<i32>} : memref<16x8x64xf32, #tpu.memory_space<vmem>>, vector<16xf32>,
        %swap3A_3250 = arith.index_cast %rem3A_46 : i32 to index
        %swap3A_3251 = arith.index_cast %add3A_3235 : i32 to index
        %swap3A_3252 = arith.constant 16 : index
        %swap3A_3253 = tpu.vector_load %arg7[%swap3A_3250, %swap3A_3251, %swap3A_3252] {strides = array<i32>} : memref<2x256x64xf32, #tpu.memory_space<vmem>>, vector<16xf32>,
        tpu.vector_store %arg7[%swap3A_3250, %swap3A_3251, %swap3A_3252], %get3A_3249 {strides = array<i32>} : memref<2x256x64xf32, #tpu.memory_space<vmem>>, vector<16xf32>,
        %get3A_3254 = arith.constant 15 : i32
        %get3A_3255 = arith.index_cast %get3A_3254 : i32 to index
        %get3A_3256 = arith.index_cast %scan3A_1690 : i32 to index
        %get3A_3257 = arith.constant 32 : index
        %get3A_3258 = tpu.vector_load %arg6[%get3A_3255, %get3A_3256, %get3A_3257] {strides = array<i32>} : memref<16x8x64xf32, #tpu.memory_space<vmem>>, vector<16xf32>,
        %swap3A_3259 = arith.index_cast %rem3A_46 : i32 to index
        %swap3A_3260 = arith.index_cast %add3A_3235 : i32 to index
        %swap3A_3261 = arith.constant 32 : index
        %swap3A_3262 = tpu.vector_load %arg7[%swap3A_3259, %swap3A_3260, %swap3A_3261] {strides = array<i32>} : memref<2x256x64xf32, #tpu.memory_space<vmem>>, vector<16xf32>,
        tpu.vector_store %arg7[%swap3A_3259, %swap3A_3260, %swap3A_3261], %get3A_3258 {strides = array<i32>} : memref<2x256x64xf32, #tpu.memory_space<vmem>>, vector<16xf32>,
        %get3A_3263 = arith.constant 15 : i32
        %get3A_3264 = arith.index_cast %get3A_3263 : i32 to index
        %get3A_3265 = arith.index_cast %scan3A_1690 : i32 to index
        %get3A_3266 = arith.constant 48 : index
        %get3A_3267 = tpu.vector_load %arg6[%get3A_3264, %get3A_3265, %get3A_3266] {strides = array<i32>} : memref<16x8x64xf32, #tpu.memory_space<vmem>>, vector<16xf32>,
        %swap3A_3268 = arith.index_cast %rem3A_46 : i32 to index
        %swap3A_3269 = arith.index_cast %add3A_3235 : i32 to index
        %swap3A_3270 = arith.constant 48 : index
        %swap3A_3271 = tpu.vector_load %arg7[%swap3A_3268, %swap3A_3269, %swap3A_3270] {strides = array<i32>} : memref<2x256x64xf32, #tpu.memory_space<vmem>>, vector<16xf32>,
        tpu.vector_store %arg7[%swap3A_3268, %swap3A_3269, %swap3A_3270], %get3A_3267 {strides = array<i32>} : memref<2x256x64xf32, #tpu.memory_space<vmem>>, vector<16xf32>,
        %eq3A_3272 = arith.constant 15 : i32
        %eq3A_3273 = vector.broadcast %eq3A_3272 : i32 to vector<16xi32>
        %eq3A_3274 = arith.cmpi eq, %iota3A, %eq3A_3273 : vector<16xi32>
        %jit3A_3275 = arith.constant 0 : i32
        %broadcast_in_dim3A_3276 = vector.broadcast %jit3A_3275 : i32 to vector<16xi32>
        %select_n3A_3277 = arith.select %eq3A_3274, %get3A_1694, %broadcast_in_dim3A_3276 : vector<16xi1>, vector<16xi32>
        %reduce_max3A_3278 = arith.constant true
        %reduce_max3A_3279 = vector.broadcast %reduce_max3A_3278 : i1 to vector<16xi1>
        %reduce_max3A_3280 = arith.constant -2147483648 : i32
        %reduce_max3A_3281 = vector.broadcast %reduce_max3A_3280 : i32 to vector<16xi32>
        %reduce_max3A_3282 = arith.xori %select_n3A_3277, %reduce_max3A_3281 : vector<16xi32>
        %reduce_max3A_3283 = tpu.scan <max>, %reduce_max3A_3282 masked %reduce_max3A_3279 : vector<16xi32>, vector<16xi1> -> vector<16xi32>
        %reduce_max3A_3284 = arith.xori %reduce_max3A_3283, %reduce_max3A_3281 : vector<16xi32>
        %reduce_max3A_3285 = vector.extract %reduce_max3A_3284[15] : i32 from vector<16xi32>
        %shift_right_arithmetic3A_3286 = arith.constant 3 : i32
        %shift_right_arithmetic3A_3287 = arith.shrsi %reduce_max3A_3285, %shift_right_arithmetic3A_3286 : i32
        %dma_start3A_3288 = arith.constant 15 : i32
        %dma_start3A_3289 = arith.constant 15 : i32
        %dma_start3A_3290 = arith.constant 0 : i32
        %dma_start3A_3291 = arith.constant 0 : i32
        %dma_start3A_3292 = tpu.memref_slice %arg6[%dma_start3A_3288, %dma_start3A_3290, %dma_start3A_3291] : memref<16x8x64xf32, #tpu.memory_space<vmem>> -> memref<1x8x64xf32, #tpu.memory_space<vmem>>
        %dma_start3A_3293 = tpu.memref_squeeze %dma_start3A_3292 : memref<1x8x64xf32, #tpu.memory_space<vmem>> -> memref<8x64xf32, #tpu.memory_space<vmem>>
        %dma_start3A_3294 = arith.constant 0 : i32
        %dma_start3A_3295 = arith.constant 0 : i32
        %dma_start3A_3296 = tpu.memref_slice %arg3[%shift_right_arithmetic3A_3287, %dma_start3A_3294, %dma_start3A_3295] : memref<325000x8x64xf32, #tpu.memory_space<hbm>> -> memref<1x8x64xf32, #tpu.memory_space<hbm>>
        %dma_start3A_3297 = tpu.memref_squeeze %dma_start3A_3296 : memref<1x8x64xf32, #tpu.memory_space<hbm>> -> memref<8x64xf32, #tpu.memory_space<hbm>>
        %dma_start3A_3298 = tpu.memref_slice %arg8[%dma_start3A_3289] : memref<16x!tpu.dma_semaphore, #tpu.memory_space<semaphore_mem>> -> memref<1x!tpu.dma_semaphore, #tpu.memory_space<semaphore_mem>>
        %dma_start3A_3299 = tpu.memref_squeeze %dma_start3A_3298 : memref<1x!tpu.dma_semaphore, #tpu.memory_space<semaphore_mem>> -> memref<!tpu.dma_semaphore, #tpu.memory_space<semaphore_mem>>
        %dma_start3A_3300 = arith.constant 0 : i32
        %dma_start3A_3301 = arith.constant 0 : i32
        %dma_start3A_3302 = tpu.memref_slice %arg6[%dma_start3A_3288, %dma_start3A_3300, %dma_start3A_3301] : memref<16x8x64xf32, #tpu.memory_space<vmem>> -> memref<1x8x64xf32, #tpu.memory_space<vmem>>
        %dma_start3A_3303 = tpu.memref_squeeze %dma_start3A_3302 : memref<1x8x64xf32, #tpu.memory_space<vmem>> -> memref<8x64xf32, #tpu.memory_space<vmem>>
        %dma_start3A_3304 = arith.constant 0 : i32
        %dma_start3A_3305 = arith.constant 0 : i32
        %dma_start3A_3306 = tpu.memref_slice %arg3[%shift_right_arithmetic3A_3287, %dma_start3A_3304, %dma_start3A_3305] : memref<325000x8x64xf32, #tpu.memory_space<hbm>> -> memref<1x8x64xf32, #tpu.memory_space<hbm>>
        %dma_start3A_3307 = tpu.memref_squeeze %dma_start3A_3306 : memref<1x8x64xf32, #tpu.memory_space<hbm>> -> memref<8x64xf32, #tpu.memory_space<hbm>>
        tpu.enqueue_dma source(%dma_start3A_3307 : memref<8x64xf32, #tpu.memory_space<hbm>>) target(%dma_start3A_3303 : memref<8x64xf32, #tpu.memory_space<vmem>>) target_semaphore(%dma_start3A_3299 : memref<!tpu.dma_semaphore, #tpu.memory_space<semaphore_mem>>)
        %and3A_3308 = arith.constant 7 : i32
        %and3A_3309 = arith.andi %reduce_max3A_3285, %and3A_3308 : i32
        scf.yield %and3A_1794, %and3A_1895, %and3A_1996, %and3A_2097, %and3A_2198, %and3A_2299, %and3A_2400, %and3A_2501, %and3A_2602, %and3A_2703, %and3A_2804, %and3A_2905, %and3A_3006, %and3A_3107, %and3A_3208, %and3A_3309 : i32, i32, i32, i32, i32, i32, i32, i32, i32, i32, i32, i32, i32, i32, i32, i32
      }
      %scan3A_665 = arith.constant 15 : i32
      %dma_wait3A_666 = arith.constant 0 : i32
      %dma_wait3A_667 = arith.constant 0 : i32
      %dma_wait3A_668 = arith.constant 0 : i32
      %dma_wait3A_669 = arith.constant 0 : i32
      %dma_wait3A_670 = arith.constant 0 : i32
      %dma_wait3A_671 = tpu.memref_slice %arg6[%dma_wait3A_667, %dma_wait3A_669, %dma_wait3A_670] : memref<16x8x64xf32, #tpu.memory_space<vmem>> -> memref<1x8x64xf32, #tpu.memory_space<vmem>>
      %dma_wait3A_672 = tpu.memref_squeeze %dma_wait3A_671 : memref<1x8x64xf32, #tpu.memory_space<vmem>> -> memref<8x64xf32, #tpu.memory_space<vmem>>
      %dma_wait3A_673 = arith.constant 0 : i32
      %dma_wait3A_674 = arith.constant 0 : i32
      %dma_wait3A_675 = tpu.memref_slice %arg3[%dma_wait3A_666, %dma_wait3A_673, %dma_wait3A_674] : memref<325000x8x64xf32, #tpu.memory_space<hbm>> -> memref<1x8x64xf32, #tpu.memory_space<hbm>>
      %dma_wait3A_676 = tpu.memref_squeeze %dma_wait3A_675 : memref<1x8x64xf32, #tpu.memory_space<hbm>> -> memref<8x64xf32, #tpu.memory_space<hbm>>
      %dma_wait3A_677 = tpu.memref_slice %arg8[%dma_wait3A_668] : memref<16x!tpu.dma_semaphore, #tpu.memory_space<semaphore_mem>> -> memref<1x!tpu.dma_semaphore, #tpu.memory_space<semaphore_mem>>
      %dma_wait3A_678 = tpu.memref_squeeze %dma_wait3A_677 : memref<1x!tpu.dma_semaphore, #tpu.memory_space<semaphore_mem>> -> memref<!tpu.dma_semaphore, #tpu.memory_space<semaphore_mem>>
      %dma_wait3A_679 = arith.constant 0 : i32
      %dma_wait3A_680 = arith.constant 0 : i32
      %dma_wait3A_681 = tpu.memref_slice %arg6[%dma_wait3A_667, %dma_wait3A_679, %dma_wait3A_680] : memref<16x8x64xf32, #tpu.memory_space<vmem>> -> memref<1x8x64xf32, #tpu.memory_space<vmem>>
      %dma_wait3A_682 = tpu.memref_squeeze %dma_wait3A_681 : memref<1x8x64xf32, #tpu.memory_space<vmem>> -> memref<8x64xf32, #tpu.memory_space<vmem>>
      %dma_wait3A_683 = arith.constant 0 : i32
      %dma_wait3A_684 = arith.constant 0 : i32
      %dma_wait3A_685 = tpu.memref_slice %arg3[%dma_wait3A_666, %dma_wait3A_683, %dma_wait3A_684] : memref<325000x8x64xf32, #tpu.memory_space<hbm>> -> memref<1x8x64xf32, #tpu.memory_space<hbm>>
      %dma_wait3A_686 = tpu.memref_squeeze %dma_wait3A_685 : memref<1x8x64xf32, #tpu.memory_space<hbm>> -> memref<8x64xf32, #tpu.memory_space<hbm>>
      tpu.wait_dma2 semaphore(%dma_wait3A_678 : memref<!tpu.dma_semaphore, #tpu.memory_space<semaphore_mem>>) src(%dma_wait3A_686 : memref<8x64xf32, #tpu.memory_space<hbm>>) dst(%dma_wait3A_682 : memref<8x64xf32, #tpu.memory_space<vmem>>)
      %mul3A_687 = arith.constant 15 : i32
      %mul3A_688 = arith.constant 16 : i32
      %mul3A_689 = arith.muli %mul3A_687, %mul3A_688 : i32
      %add3A_690 = arith.constant 0 : i32
      %add3A_691 = arith.addi %mul3A_689, %add3A_690 : i32
      %get3A_692 = arith.constant 0 : i32
      %get3A_693 = arith.index_cast %get3A_692 : i32 to index
      %get3A_694 = arith.index_cast %scan3A_664#0 : i32 to index
      %get3A_695 = arith.constant 0 : index
      %get3A_696 = tpu.vector_load %arg6[%get3A_693, %get3A_694, %get3A_695] {strides = array<i32>} : memref<16x8x64xf32, #tpu.memory_space<vmem>>, vector<16xf32>,
      %swap3A = arith.index_cast %rem3A_46 : i32 to index
      %swap3A_697 = arith.index_cast %add3A_691 : i32 to index
      %swap3A_698 = arith.constant 0 : index
      %swap3A_699 = tpu.vector_load %arg7[%swap3A, %swap3A_697, %swap3A_698] {strides = array<i32>} : memref<2x256x64xf32, #tpu.memory_space<vmem>>, vector<16xf32>,
      tpu.vector_store %arg7[%swap3A, %swap3A_697, %swap3A_698], %get3A_696 {strides = array<i32>} : memref<2x256x64xf32, #tpu.memory_space<vmem>>, vector<16xf32>,
      %get3A_700 = arith.constant 0 : i32
      %get3A_701 = arith.index_cast %get3A_700 : i32 to index
      %get3A_702 = arith.index_cast %scan3A_664#0 : i32 to index
      %get3A_703 = arith.constant 16 : index
      %get3A_704 = tpu.vector_load %arg6[%get3A_701, %get3A_702, %get3A_703] {strides = array<i32>} : memref<16x8x64xf32, #tpu.memory_space<vmem>>, vector<16xf32>,
      %swap3A_705 = arith.index_cast %rem3A_46 : i32 to index
      %swap3A_706 = arith.index_cast %add3A_691 : i32 to index
      %swap3A_707 = arith.constant 16 : index
      %swap3A_708 = tpu.vector_load %arg7[%swap3A_705, %swap3A_706, %swap3A_707] {strides = array<i32>} : memref<2x256x64xf32, #tpu.memory_space<vmem>>, vector<16xf32>,
      tpu.vector_store %arg7[%swap3A_705, %swap3A_706, %swap3A_707], %get3A_704 {strides = array<i32>} : memref<2x256x64xf32, #tpu.memory_space<vmem>>, vector<16xf32>,
      %get3A_709 = arith.constant 0 : i32
      %get3A_710 = arith.index_cast %get3A_709 : i32 to index
      %get3A_711 = arith.index_cast %scan3A_664#0 : i32 to index
      %get3A_712 = arith.constant 32 : index
      %get3A_713 = tpu.vector_load %arg6[%get3A_710, %get3A_711, %get3A_712] {strides = array<i32>} : memref<16x8x64xf32, #tpu.memory_space<vmem>>, vector<16xf32>,
      %swap3A_714 = arith.index_cast %rem3A_46 : i32 to index
      %swap3A_715 = arith.index_cast %add3A_691 : i32 to index
      %swap3A_716 = arith.constant 32 : index
      %swap3A_717 = tpu.vector_load %arg7[%swap3A_714, %swap3A_715, %swap3A_716] {strides = array<i32>} : memref<2x256x64xf32, #tpu.memory_space<vmem>>, vector<16xf32>,
      tpu.vector_store %arg7[%swap3A_714, %swap3A_715, %swap3A_716], %get3A_713 {strides = array<i32>} : memref<2x256x64xf32, #tpu.memory_space<vmem>>, vector<16xf32>,
      %get3A_718 = arith.constant 0 : i32
      %get3A_719 = arith.index_cast %get3A_718 : i32 to index
      %get3A_720 = arith.index_cast %scan3A_664#0 : i32 to index
      %get3A_721 = arith.constant 48 : index
      %get3A_722 = tpu.vector_load %arg6[%get3A_719, %get3A_720, %get3A_721] {strides = array<i32>} : memref<16x8x64xf32, #tpu.memory_space<vmem>>, vector<16xf32>,
      %swap3A_723 = arith.index_cast %rem3A_46 : i32 to index
      %swap3A_724 = arith.index_cast %add3A_691 : i32 to index
      %swap3A_725 = arith.constant 48 : index
      %swap3A_726 = tpu.vector_load %arg7[%swap3A_723, %swap3A_724, %swap3A_725] {strides = array<i32>} : memref<2x256x64xf32, #tpu.memory_space<vmem>>, vector<16xf32>,
      tpu.vector_store %arg7[%swap3A_723, %swap3A_724, %swap3A_725], %get3A_722 {strides = array<i32>} : memref<2x256x64xf32, #tpu.memory_space<vmem>>, vector<16xf32>,
      %dma_wait3A_727 = arith.constant 0 : i32
      %dma_wait3A_728 = arith.constant 1 : i32
      %dma_wait3A_729 = arith.constant 1 : i32
      %dma_wait3A_730 = arith.constant 0 : i32
      %dma_wait3A_731 = arith.constant 0 : i32
      %dma_wait3A_732 = tpu.memref_slice %arg6[%dma_wait3A_728, %dma_wait3A_730, %dma_wait3A_731] : memref<16x8x64xf32, #tpu.memory_space<vmem>> -> memref<1x8x64xf32, #tpu.memory_space<vmem>>
      %dma_wait3A_733 = tpu.memref_squeeze %dma_wait3A_732 : memref<1x8x64xf32, #tpu.memory_space<vmem>> -> memref<8x64xf32, #tpu.memory_space<vmem>>
      %dma_wait3A_734 = arith.constant 0 : i32
      %dma_wait3A_735 = arith.constant 0 : i32
      %dma_wait3A_736 = tpu.memref_slice %arg3[%dma_wait3A_727, %dma_wait3A_734, %dma_wait3A_735] : memref<325000x8x64xf32, #tpu.memory_space<hbm>> -> memref<1x8x64xf32, #tpu.memory_space<hbm>>
      %dma_wait3A_737 = tpu.memref_squeeze %dma_wait3A_736 : memref<1x8x64xf32, #tpu.memory_space<hbm>> -> memref<8x64xf32, #tpu.memory_space<hbm>>
      %dma_wait3A_738 = tpu.memref_slice %arg8[%dma_wait3A_729] : memref<16x!tpu.dma_semaphore, #tpu.memory_space<semaphore_mem>> -> memref<1x!tpu.dma_semaphore, #tpu.memory_space<semaphore_mem>>
      %dma_wait3A_739 = tpu.memref_squeeze %dma_wait3A_738 : memref<1x!tpu.dma_semaphore, #tpu.memory_space<semaphore_mem>> -> memref<!tpu.dma_semaphore, #tpu.memory_space<semaphore_mem>>
      %dma_wait3A_740 = arith.constant 0 : i32
      %dma_wait3A_741 = arith.constant 0 : i32
      %dma_wait3A_742 = tpu.memref_slice %arg6[%dma_wait3A_728, %dma_wait3A_740, %dma_wait3A_741] : memref<16x8x64xf32, #tpu.memory_space<vmem>> -> memref<1x8x64xf32, #tpu.memory_space<vmem>>
      %dma_wait3A_743 = tpu.memref_squeeze %dma_wait3A_742 : memref<1x8x64xf32, #tpu.memory_space<vmem>> -> memref<8x64xf32, #tpu.memory_space<vmem>>
      %dma_wait3A_744 = arith.constant 0 : i32
      %dma_wait3A_745 = arith.constant 0 : i32
      %dma_wait3A_746 = tpu.memref_slice %arg3[%dma_wait3A_727, %dma_wait3A_744, %dma_wait3A_745] : memref<325000x8x64xf32, #tpu.memory_space<hbm>> -> memref<1x8x64xf32, #tpu.memory_space<hbm>>
      %dma_wait3A_747 = tpu.memref_squeeze %dma_wait3A_746 : memref<1x8x64xf32, #tpu.memory_space<hbm>> -> memref<8x64xf32, #tpu.memory_space<hbm>>
      tpu.wait_dma2 semaphore(%dma_wait3A_739 : memref<!tpu.dma_semaphore, #tpu.memory_space<semaphore_mem>>) src(%dma_wait3A_747 : memref<8x64xf32, #tpu.memory_space<hbm>>) dst(%dma_wait3A_743 : memref<8x64xf32, #tpu.memory_space<vmem>>)
      %mul3A_748 = arith.constant 15 : i32
      %mul3A_749 = arith.constant 16 : i32
      %mul3A_750 = arith.muli %mul3A_748, %mul3A_749 : i32
      %add3A_751 = arith.constant 1 : i32
      %add3A_752 = arith.addi %mul3A_750, %add3A_751 : i32
      %get3A_753 = arith.constant 1 : i32
      %get3A_754 = arith.index_cast %get3A_753 : i32 to index
      %get3A_755 = arith.index_cast %scan3A_664#1 : i32 to index
      %get3A_756 = arith.constant 0 : index
      %get3A_757 = tpu.vector_load %arg6[%get3A_754, %get3A_755, %get3A_756] {strides = array<i32>} : memref<16x8x64xf32, #tpu.memory_space<vmem>>, vector<16xf32>,
      %swap3A_758 = arith.index_cast %rem3A_46 : i32 to index
      %swap3A_759 = arith.index_cast %add3A_752 : i32 to index
      %swap3A_760 = arith.constant 0 : index
      %swap3A_761 = tpu.vector_load %arg7[%swap3A_758, %swap3A_759, %swap3A_760] {strides = array<i32>} : memref<2x256x64xf32, #tpu.memory_space<vmem>>, vector<16xf32>,
      tpu.vector_store %arg7[%swap3A_758, %swap3A_759, %swap3A_760], %get3A_757 {strides = array<i32>} : memref<2x256x64xf32, #tpu.memory_space<vmem>>, vector<16xf32>,
      %get3A_762 = arith.constant 1 : i32
      %get3A_763 = arith.index_cast %get3A_762 : i32 to index
      %get3A_764 = arith.index_cast %scan3A_664#1 : i32 to index
      %get3A_765 = arith.constant 16 : index
      %get3A_766 = tpu.vector_load %arg6[%get3A_763, %get3A_764, %get3A_765] {strides = array<i32>} : memref<16x8x64xf32, #tpu.memory_space<vmem>>, vector<16xf32>,
      %swap3A_767 = arith.index_cast %rem3A_46 : i32 to index
      %swap3A_768 = arith.index_cast %add3A_752 : i32 to index
      %swap3A_769 = arith.constant 16 : index
      %swap3A_770 = tpu.vector_load %arg7[%swap3A_767, %swap3A_768, %swap3A_769] {strides = array<i32>} : memref<2x256x64xf32, #tpu.memory_space<vmem>>, vector<16xf32>,
      tpu.vector_store %arg7[%swap3A_767, %swap3A_768, %swap3A_769], %get3A_766 {strides = array<i32>} : memref<2x256x64xf32, #tpu.memory_space<vmem>>, vector<16xf32>,
      %get3A_771 = arith.constant 1 : i32
      %get3A_772 = arith.index_cast %get3A_771 : i32 to index
      %get3A_773 = arith.index_cast %scan3A_664#1 : i32 to index
      %get3A_774 = arith.constant 32 : index
      %get3A_775 = tpu.vector_load %arg6[%get3A_772, %get3A_773, %get3A_774] {strides = array<i32>} : memref<16x8x64xf32, #tpu.memory_space<vmem>>, vector<16xf32>,
      %swap3A_776 = arith.index_cast %rem3A_46 : i32 to index
      %swap3A_777 = arith.index_cast %add3A_752 : i32 to index
      %swap3A_778 = arith.constant 32 : index
      %swap3A_779 = tpu.vector_load %arg7[%swap3A_776, %swap3A_777, %swap3A_778] {strides = array<i32>} : memref<2x256x64xf32, #tpu.memory_space<vmem>>, vector<16xf32>,
      tpu.vector_store %arg7[%swap3A_776, %swap3A_777, %swap3A_778], %get3A_775 {strides = array<i32>} : memref<2x256x64xf32, #tpu.memory_space<vmem>>, vector<16xf32>,
      %get3A_780 = arith.constant 1 : i32
      %get3A_781 = arith.index_cast %get3A_780 : i32 to index
      %get3A_782 = arith.index_cast %scan3A_664#1 : i32 to index
      %get3A_783 = arith.constant 48 : index
      %get3A_784 = tpu.vector_load %arg6[%get3A_781, %get3A_782, %get3A_783] {strides = array<i32>} : memref<16x8x64xf32, #tpu.memory_space<vmem>>, vector<16xf32>,
      %swap3A_785 = arith.index_cast %rem3A_46 : i32 to index
      %swap3A_786 = arith.index_cast %add3A_752 : i32 to index
      %swap3A_787 = arith.constant 48 : index
      %swap3A_788 = tpu.vector_load %arg7[%swap3A_785, %swap3A_786, %swap3A_787] {strides = array<i32>} : memref<2x256x64xf32, #tpu.memory_space<vmem>>, vector<16xf32>,
      tpu.vector_store %arg7[%swap3A_785, %swap3A_786, %swap3A_787], %get3A_784 {strides = array<i32>} : memref<2x256x64xf32, #tpu.memory_space<vmem>>, vector<16xf32>,
      %dma_wait3A_789 = arith.constant 0 : i32
      %dma_wait3A_790 = arith.constant 2 : i32
      %dma_wait3A_791 = arith.constant 2 : i32
      %dma_wait3A_792 = arith.constant 0 : i32
      %dma_wait3A_793 = arith.constant 0 : i32
      %dma_wait3A_794 = tpu.memref_slice %arg6[%dma_wait3A_790, %dma_wait3A_792, %dma_wait3A_793] : memref<16x8x64xf32, #tpu.memory_space<vmem>> -> memref<1x8x64xf32, #tpu.memory_space<vmem>>
      %dma_wait3A_795 = tpu.memref_squeeze %dma_wait3A_794 : memref<1x8x64xf32, #tpu.memory_space<vmem>> -> memref<8x64xf32, #tpu.memory_space<vmem>>
      %dma_wait3A_796 = arith.constant 0 : i32
      %dma_wait3A_797 = arith.constant 0 : i32
      %dma_wait3A_798 = tpu.memref_slice %arg3[%dma_wait3A_789, %dma_wait3A_796, %dma_wait3A_797] : memref<325000x8x64xf32, #tpu.memory_space<hbm>> -> memref<1x8x64xf32, #tpu.memory_space<hbm>>
      %dma_wait3A_799 = tpu.memref_squeeze %dma_wait3A_798 : memref<1x8x64xf32, #tpu.memory_space<hbm>> -> memref<8x64xf32, #tpu.memory_space<hbm>>
      %dma_wait3A_800 = tpu.memref_slice %arg8[%dma_wait3A_791] : memref<16x!tpu.dma_semaphore, #tpu.memory_space<semaphore_mem>> -> memref<1x!tpu.dma_semaphore, #tpu.memory_space<semaphore_mem>>
      %dma_wait3A_801 = tpu.memref_squeeze %dma_wait3A_800 : memref<1x!tpu.dma_semaphore, #tpu.memory_space<semaphore_mem>> -> memref<!tpu.dma_semaphore, #tpu.memory_space<semaphore_mem>>
      %dma_wait3A_802 = arith.constant 0 : i32
      %dma_wait3A_803 = arith.constant 0 : i32
      %dma_wait3A_804 = tpu.memref_slice %arg6[%dma_wait3A_790, %dma_wait3A_802, %dma_wait3A_803] : memref<16x8x64xf32, #tpu.memory_space<vmem>> -> memref<1x8x64xf32, #tpu.memory_space<vmem>>
      %dma_wait3A_805 = tpu.memref_squeeze %dma_wait3A_804 : memref<1x8x64xf32, #tpu.memory_space<vmem>> -> memref<8x64xf32, #tpu.memory_space<vmem>>
      %dma_wait3A_806 = arith.constant 0 : i32
      %dma_wait3A_807 = arith.constant 0 : i32
      %dma_wait3A_808 = tpu.memref_slice %arg3[%dma_wait3A_789, %dma_wait3A_806, %dma_wait3A_807] : memref<325000x8x64xf32, #tpu.memory_space<hbm>> -> memref<1x8x64xf32, #tpu.memory_space<hbm>>
      %dma_wait3A_809 = tpu.memref_squeeze %dma_wait3A_808 : memref<1x8x64xf32, #tpu.memory_space<hbm>> -> memref<8x64xf32, #tpu.memory_space<hbm>>
      tpu.wait_dma2 semaphore(%dma_wait3A_801 : memref<!tpu.dma_semaphore, #tpu.memory_space<semaphore_mem>>) src(%dma_wait3A_809 : memref<8x64xf32, #tpu.memory_space<hbm>>) dst(%dma_wait3A_805 : memref<8x64xf32, #tpu.memory_space<vmem>>)
      %mul3A_810 = arith.constant 15 : i32
      %mul3A_811 = arith.constant 16 : i32
      %mul3A_812 = arith.muli %mul3A_810, %mul3A_811 : i32
      %add3A_813 = arith.constant 2 : i32
      %add3A_814 = arith.addi %mul3A_812, %add3A_813 : i32
      %get3A_815 = arith.constant 2 : i32
      %get3A_816 = arith.index_cast %get3A_815 : i32 to index
      %get3A_817 = arith.index_cast %scan3A_664#2 : i32 to index
      %get3A_818 = arith.constant 0 : index
      %get3A_819 = tpu.vector_load %arg6[%get3A_816, %get3A_817, %get3A_818] {strides = array<i32>} : memref<16x8x64xf32, #tpu.memory_space<vmem>>, vector<16xf32>,
      %swap3A_820 = arith.index_cast %rem3A_46 : i32 to index
      %swap3A_821 = arith.index_cast %add3A_814 : i32 to index
      %swap3A_822 = arith.constant 0 : index
      %swap3A_823 = tpu.vector_load %arg7[%swap3A_820, %swap3A_821, %swap3A_822] {strides = array<i32>} : memref<2x256x64xf32, #tpu.memory_space<vmem>>, vector<16xf32>,
      tpu.vector_store %arg7[%swap3A_820, %swap3A_821, %swap3A_822], %get3A_819 {strides = array<i32>} : memref<2x256x64xf32, #tpu.memory_space<vmem>>, vector<16xf32>,
      %get3A_824 = arith.constant 2 : i32
      %get3A_825 = arith.index_cast %get3A_824 : i32 to index
      %get3A_826 = arith.index_cast %scan3A_664#2 : i32 to index
      %get3A_827 = arith.constant 16 : index
      %get3A_828 = tpu.vector_load %arg6[%get3A_825, %get3A_826, %get3A_827] {strides = array<i32>} : memref<16x8x64xf32, #tpu.memory_space<vmem>>, vector<16xf32>,
      %swap3A_829 = arith.index_cast %rem3A_46 : i32 to index
      %swap3A_830 = arith.index_cast %add3A_814 : i32 to index
      %swap3A_831 = arith.constant 16 : index
      %swap3A_832 = tpu.vector_load %arg7[%swap3A_829, %swap3A_830, %swap3A_831] {strides = array<i32>} : memref<2x256x64xf32, #tpu.memory_space<vmem>>, vector<16xf32>,
      tpu.vector_store %arg7[%swap3A_829, %swap3A_830, %swap3A_831], %get3A_828 {strides = array<i32>} : memref<2x256x64xf32, #tpu.memory_space<vmem>>, vector<16xf32>,
      %get3A_833 = arith.constant 2 : i32
      %get3A_834 = arith.index_cast %get3A_833 : i32 to index
      %get3A_835 = arith.index_cast %scan3A_664#2 : i32 to index
      %get3A_836 = arith.constant 32 : index
      %get3A_837 = tpu.vector_load %arg6[%get3A_834, %get3A_835, %get3A_836] {strides = array<i32>} : memref<16x8x64xf32, #tpu.memory_space<vmem>>, vector<16xf32>,
      %swap3A_838 = arith.index_cast %rem3A_46 : i32 to index
      %swap3A_839 = arith.index_cast %add3A_814 : i32 to index
      %swap3A_840 = arith.constant 32 : index
      %swap3A_841 = tpu.vector_load %arg7[%swap3A_838, %swap3A_839, %swap3A_840] {strides = array<i32>} : memref<2x256x64xf32, #tpu.memory_space<vmem>>, vector<16xf32>,
      tpu.vector_store %arg7[%swap3A_838, %swap3A_839, %swap3A_840], %get3A_837 {strides = array<i32>} : memref<2x256x64xf32, #tpu.memory_space<vmem>>, vector<16xf32>,
      %get3A_842 = arith.constant 2 : i32
      %get3A_843 = arith.index_cast %get3A_842 : i32 to index
      %get3A_844 = arith.index_cast %scan3A_664#2 : i32 to index
      %get3A_845 = arith.constant 48 : index
      %get3A_846 = tpu.vector_load %arg6[%get3A_843, %get3A_844, %get3A_845] {strides = array<i32>} : memref<16x8x64xf32, #tpu.memory_space<vmem>>, vector<16xf32>,
      %swap3A_847 = arith.index_cast %rem3A_46 : i32 to index
      %swap3A_848 = arith.index_cast %add3A_814 : i32 to index
      %swap3A_849 = arith.constant 48 : index
      %swap3A_850 = tpu.vector_load %arg7[%swap3A_847, %swap3A_848, %swap3A_849] {strides = array<i32>} : memref<2x256x64xf32, #tpu.memory_space<vmem>>, vector<16xf32>,
      tpu.vector_store %arg7[%swap3A_847, %swap3A_848, %swap3A_849], %get3A_846 {strides = array<i32>} : memref<2x256x64xf32, #tpu.memory_space<vmem>>, vector<16xf32>,
      %dma_wait3A_851 = arith.constant 0 : i32
      %dma_wait3A_852 = arith.constant 3 : i32
      %dma_wait3A_853 = arith.constant 3 : i32
      %dma_wait3A_854 = arith.constant 0 : i32
      %dma_wait3A_855 = arith.constant 0 : i32
      %dma_wait3A_856 = tpu.memref_slice %arg6[%dma_wait3A_852, %dma_wait3A_854, %dma_wait3A_855] : memref<16x8x64xf32, #tpu.memory_space<vmem>> -> memref<1x8x64xf32, #tpu.memory_space<vmem>>
      %dma_wait3A_857 = tpu.memref_squeeze %dma_wait3A_856 : memref<1x8x64xf32, #tpu.memory_space<vmem>> -> memref<8x64xf32, #tpu.memory_space<vmem>>
      %dma_wait3A_858 = arith.constant 0 : i32
      %dma_wait3A_859 = arith.constant 0 : i32
      %dma_wait3A_860 = tpu.memref_slice %arg3[%dma_wait3A_851, %dma_wait3A_858, %dma_wait3A_859] : memref<325000x8x64xf32, #tpu.memory_space<hbm>> -> memref<1x8x64xf32, #tpu.memory_space<hbm>>
      %dma_wait3A_861 = tpu.memref_squeeze %dma_wait3A_860 : memref<1x8x64xf32, #tpu.memory_space<hbm>> -> memref<8x64xf32, #tpu.memory_space<hbm>>
      %dma_wait3A_862 = tpu.memref_slice %arg8[%dma_wait3A_853] : memref<16x!tpu.dma_semaphore, #tpu.memory_space<semaphore_mem>> -> memref<1x!tpu.dma_semaphore, #tpu.memory_space<semaphore_mem>>
      %dma_wait3A_863 = tpu.memref_squeeze %dma_wait3A_862 : memref<1x!tpu.dma_semaphore, #tpu.memory_space<semaphore_mem>> -> memref<!tpu.dma_semaphore, #tpu.memory_space<semaphore_mem>>
      %dma_wait3A_864 = arith.constant 0 : i32
      %dma_wait3A_865 = arith.constant 0 : i32
      %dma_wait3A_866 = tpu.memref_slice %arg6[%dma_wait3A_852, %dma_wait3A_864, %dma_wait3A_865] : memref<16x8x64xf32, #tpu.memory_space<vmem>> -> memref<1x8x64xf32, #tpu.memory_space<vmem>>
      %dma_wait3A_867 = tpu.memref_squeeze %dma_wait3A_866 : memref<1x8x64xf32, #tpu.memory_space<vmem>> -> memref<8x64xf32, #tpu.memory_space<vmem>>
      %dma_wait3A_868 = arith.constant 0 : i32
      %dma_wait3A_869 = arith.constant 0 : i32
      %dma_wait3A_870 = tpu.memref_slice %arg3[%dma_wait3A_851, %dma_wait3A_868, %dma_wait3A_869] : memref<325000x8x64xf32, #tpu.memory_space<hbm>> -> memref<1x8x64xf32, #tpu.memory_space<hbm>>
      %dma_wait3A_871 = tpu.memref_squeeze %dma_wait3A_870 : memref<1x8x64xf32, #tpu.memory_space<hbm>> -> memref<8x64xf32, #tpu.memory_space<hbm>>
      tpu.wait_dma2 semaphore(%dma_wait3A_863 : memref<!tpu.dma_semaphore, #tpu.memory_space<semaphore_mem>>) src(%dma_wait3A_871 : memref<8x64xf32, #tpu.memory_space<hbm>>) dst(%dma_wait3A_867 : memref<8x64xf32, #tpu.memory_space<vmem>>)
      %mul3A_872 = arith.constant 15 : i32
      %mul3A_873 = arith.constant 16 : i32
      %mul3A_874 = arith.muli %mul3A_872, %mul3A_873 : i32
      %add3A_875 = arith.constant 3 : i32
      %add3A_876 = arith.addi %mul3A_874, %add3A_875 : i32
      %get3A_877 = arith.constant 3 : i32
      %get3A_878 = arith.index_cast %get3A_877 : i32 to index
      %get3A_879 = arith.index_cast %scan3A_664#3 : i32 to index
      %get3A_880 = arith.constant 0 : index
      %get3A_881 = tpu.vector_load %arg6[%get3A_878, %get3A_879, %get3A_880] {strides = array<i32>} : memref<16x8x64xf32, #tpu.memory_space<vmem>>, vector<16xf32>,
      %swap3A_882 = arith.index_cast %rem3A_46 : i32 to index
      %swap3A_883 = arith.index_cast %add3A_876 : i32 to index
      %swap3A_884 = arith.constant 0 : index
      %swap3A_885 = tpu.vector_load %arg7[%swap3A_882, %swap3A_883, %swap3A_884] {strides = array<i32>} : memref<2x256x64xf32, #tpu.memory_space<vmem>>, vector<16xf32>,
      tpu.vector_store %arg7[%swap3A_882, %swap3A_883, %swap3A_884], %get3A_881 {strides = array<i32>} : memref<2x256x64xf32, #tpu.memory_space<vmem>>, vector<16xf32>,
      %get3A_886 = arith.constant 3 : i32
      %get3A_887 = arith.index_cast %get3A_886 : i32 to index
      %get3A_888 = arith.index_cast %scan3A_664#3 : i32 to index
      %get3A_889 = arith.constant 16 : index
      %get3A_890 = tpu.vector_load %arg6[%get3A_887, %get3A_888, %get3A_889] {strides = array<i32>} : memref<16x8x64xf32, #tpu.memory_space<vmem>>, vector<16xf32>,
      %swap3A_891 = arith.index_cast %rem3A_46 : i32 to index
      %swap3A_892 = arith.index_cast %add3A_876 : i32 to index
      %swap3A_893 = arith.constant 16 : index
      %swap3A_894 = tpu.vector_load %arg7[%swap3A_891, %swap3A_892, %swap3A_893] {strides = array<i32>} : memref<2x256x64xf32, #tpu.memory_space<vmem>>, vector<16xf32>,
      tpu.vector_store %arg7[%swap3A_891, %swap3A_892, %swap3A_893], %get3A_890 {strides = array<i32>} : memref<2x256x64xf32, #tpu.memory_space<vmem>>, vector<16xf32>,
      %get3A_895 = arith.constant 3 : i32
      %get3A_896 = arith.index_cast %get3A_895 : i32 to index
      %get3A_897 = arith.index_cast %scan3A_664#3 : i32 to index
      %get3A_898 = arith.constant 32 : index
      %get3A_899 = tpu.vector_load %arg6[%get3A_896, %get3A_897, %get3A_898] {strides = array<i32>} : memref<16x8x64xf32, #tpu.memory_space<vmem>>, vector<16xf32>,
      %swap3A_900 = arith.index_cast %rem3A_46 : i32 to index
      %swap3A_901 = arith.index_cast %add3A_876 : i32 to index
      %swap3A_902 = arith.constant 32 : index
      %swap3A_903 = tpu.vector_load %arg7[%swap3A_900, %swap3A_901, %swap3A_902] {strides = array<i32>} : memref<2x256x64xf32, #tpu.memory_space<vmem>>, vector<16xf32>,
      tpu.vector_store %arg7[%swap3A_900, %swap3A_901, %swap3A_902], %get3A_899 {strides = array<i32>} : memref<2x256x64xf32, #tpu.memory_space<vmem>>, vector<16xf32>,
      %get3A_904 = arith.constant 3 : i32
      %get3A_905 = arith.index_cast %get3A_904 : i32 to index
      %get3A_906 = arith.index_cast %scan3A_664#3 : i32 to index
      %get3A_907 = arith.constant 48 : index
      %get3A_908 = tpu.vector_load %arg6[%get3A_905, %get3A_906, %get3A_907] {strides = array<i32>} : memref<16x8x64xf32, #tpu.memory_space<vmem>>, vector<16xf32>,
      %swap3A_909 = arith.index_cast %rem3A_46 : i32 to index
      %swap3A_910 = arith.index_cast %add3A_876 : i32 to index
      %swap3A_911 = arith.constant 48 : index
      %swap3A_912 = tpu.vector_load %arg7[%swap3A_909, %swap3A_910, %swap3A_911] {strides = array<i32>} : memref<2x256x64xf32, #tpu.memory_space<vmem>>, vector<16xf32>,
      tpu.vector_store %arg7[%swap3A_909, %swap3A_910, %swap3A_911], %get3A_908 {strides = array<i32>} : memref<2x256x64xf32, #tpu.memory_space<vmem>>, vector<16xf32>,
      %dma_wait3A_913 = arith.constant 0 : i32
      %dma_wait3A_914 = arith.constant 4 : i32
      %dma_wait3A_915 = arith.constant 4 : i32
      %dma_wait3A_916 = arith.constant 0 : i32
      %dma_wait3A_917 = arith.constant 0 : i32
      %dma_wait3A_918 = tpu.memref_slice %arg6[%dma_wait3A_914, %dma_wait3A_916, %dma_wait3A_917] : memref<16x8x64xf32, #tpu.memory_space<vmem>> -> memref<1x8x64xf32, #tpu.memory_space<vmem>>
      %dma_wait3A_919 = tpu.memref_squeeze %dma_wait3A_918 : memref<1x8x64xf32, #tpu.memory_space<vmem>> -> memref<8x64xf32, #tpu.memory_space<vmem>>
      %dma_wait3A_920 = arith.constant 0 : i32
      %dma_wait3A_921 = arith.constant 0 : i32
      %dma_wait3A_922 = tpu.memref_slice %arg3[%dma_wait3A_913, %dma_wait3A_920, %dma_wait3A_921] : memref<325000x8x64xf32, #tpu.memory_space<hbm>> -> memref<1x8x64xf32, #tpu.memory_space<hbm>>
      %dma_wait3A_923 = tpu.memref_squeeze %dma_wait3A_922 : memref<1x8x64xf32, #tpu.memory_space<hbm>> -> memref<8x64xf32, #tpu.memory_space<hbm>>
      %dma_wait3A_924 = tpu.memref_slice %arg8[%dma_wait3A_915] : memref<16x!tpu.dma_semaphore, #tpu.memory_space<semaphore_mem>> -> memref<1x!tpu.dma_semaphore, #tpu.memory_space<semaphore_mem>>
      %dma_wait3A_925 = tpu.memref_squeeze %dma_wait3A_924 : memref<1x!tpu.dma_semaphore, #tpu.memory_space<semaphore_mem>> -> memref<!tpu.dma_semaphore, #tpu.memory_space<semaphore_mem>>
      %dma_wait3A_926 = arith.constant 0 : i32
      %dma_wait3A_927 = arith.constant 0 : i32
      %dma_wait3A_928 = tpu.memref_slice %arg6[%dma_wait3A_914, %dma_wait3A_926, %dma_wait3A_927] : memref<16x8x64xf32, #tpu.memory_space<vmem>> -> memref<1x8x64xf32, #tpu.memory_space<vmem>>
      %dma_wait3A_929 = tpu.memref_squeeze %dma_wait3A_928 : memref<1x8x64xf32, #tpu.memory_space<vmem>> -> memref<8x64xf32, #tpu.memory_space<vmem>>
      %dma_wait3A_930 = arith.constant 0 : i32
      %dma_wait3A_931 = arith.constant 0 : i32
      %dma_wait3A_932 = tpu.memref_slice %arg3[%dma_wait3A_913, %dma_wait3A_930, %dma_wait3A_931] : memref<325000x8x64xf32, #tpu.memory_space<hbm>> -> memref<1x8x64xf32, #tpu.memory_space<hbm>>
      %dma_wait3A_933 = tpu.memref_squeeze %dma_wait3A_932 : memref<1x8x64xf32, #tpu.memory_space<hbm>> -> memref<8x64xf32, #tpu.memory_space<hbm>>
      tpu.wait_dma2 semaphore(%dma_wait3A_925 : memref<!tpu.dma_semaphore, #tpu.memory_space<semaphore_mem>>) src(%dma_wait3A_933 : memref<8x64xf32, #tpu.memory_space<hbm>>) dst(%dma_wait3A_929 : memref<8x64xf32, #tpu.memory_space<vmem>>)
      %mul3A_934 = arith.constant 15 : i32
      %mul3A_935 = arith.constant 16 : i32
      %mul3A_936 = arith.muli %mul3A_934, %mul3A_935 : i32
      %add3A_937 = arith.constant 4 : i32
      %add3A_938 = arith.addi %mul3A_936, %add3A_937 : i32
      %get3A_939 = arith.constant 4 : i32
      %get3A_940 = arith.index_cast %get3A_939 : i32 to index
      %get3A_941 = arith.index_cast %scan3A_664#4 : i32 to index
      %get3A_942 = arith.constant 0 : index
      %get3A_943 = tpu.vector_load %arg6[%get3A_940, %get3A_941, %get3A_942] {strides = array<i32>} : memref<16x8x64xf32, #tpu.memory_space<vmem>>, vector<16xf32>,
      %swap3A_944 = arith.index_cast %rem3A_46 : i32 to index
      %swap3A_945 = arith.index_cast %add3A_938 : i32 to index
      %swap3A_946 = arith.constant 0 : index
      %swap3A_947 = tpu.vector_load %arg7[%swap3A_944, %swap3A_945, %swap3A_946] {strides = array<i32>} : memref<2x256x64xf32, #tpu.memory_space<vmem>>, vector<16xf32>,
      tpu.vector_store %arg7[%swap3A_944, %swap3A_945, %swap3A_946], %get3A_943 {strides = array<i32>} : memref<2x256x64xf32, #tpu.memory_space<vmem>>, vector<16xf32>,
      %get3A_948 = arith.constant 4 : i32
      %get3A_949 = arith.index_cast %get3A_948 : i32 to index
      %get3A_950 = arith.index_cast %scan3A_664#4 : i32 to index
      %get3A_951 = arith.constant 16 : index
      %get3A_952 = tpu.vector_load %arg6[%get3A_949, %get3A_950, %get3A_951] {strides = array<i32>} : memref<16x8x64xf32, #tpu.memory_space<vmem>>, vector<16xf32>,
      %swap3A_953 = arith.index_cast %rem3A_46 : i32 to index
      %swap3A_954 = arith.index_cast %add3A_938 : i32 to index
      %swap3A_955 = arith.constant 16 : index
      %swap3A_956 = tpu.vector_load %arg7[%swap3A_953, %swap3A_954, %swap3A_955] {strides = array<i32>} : memref<2x256x64xf32, #tpu.memory_space<vmem>>, vector<16xf32>,
      tpu.vector_store %arg7[%swap3A_953, %swap3A_954, %swap3A_955], %get3A_952 {strides = array<i32>} : memref<2x256x64xf32, #tpu.memory_space<vmem>>, vector<16xf32>,
      %get3A_957 = arith.constant 4 : i32
      %get3A_958 = arith.index_cast %get3A_957 : i32 to index
      %get3A_959 = arith.index_cast %scan3A_664#4 : i32 to index
      %get3A_960 = arith.constant 32 : index
      %get3A_961 = tpu.vector_load %arg6[%get3A_958, %get3A_959, %get3A_960] {strides = array<i32>} : memref<16x8x64xf32, #tpu.memory_space<vmem>>, vector<16xf32>,
      %swap3A_962 = arith.index_cast %rem3A_46 : i32 to index
      %swap3A_963 = arith.index_cast %add3A_938 : i32 to index
      %swap3A_964 = arith.constant 32 : index
      %swap3A_965 = tpu.vector_load %arg7[%swap3A_962, %swap3A_963, %swap3A_964] {strides = array<i32>} : memref<2x256x64xf32, #tpu.memory_space<vmem>>, vector<16xf32>,
      tpu.vector_store %arg7[%swap3A_962, %swap3A_963, %swap3A_964], %get3A_961 {strides = array<i32>} : memref<2x256x64xf32, #tpu.memory_space<vmem>>, vector<16xf32>,
      %get3A_966 = arith.constant 4 : i32
      %get3A_967 = arith.index_cast %get3A_966 : i32 to index
      %get3A_968 = arith.index_cast %scan3A_664#4 : i32 to index
      %get3A_969 = arith.constant 48 : index
      %get3A_970 = tpu.vector_load %arg6[%get3A_967, %get3A_968, %get3A_969] {strides = array<i32>} : memref<16x8x64xf32, #tpu.memory_space<vmem>>, vector<16xf32>,
      %swap3A_971 = arith.index_cast %rem3A_46 : i32 to index
      %swap3A_972 = arith.index_cast %add3A_938 : i32 to index
      %swap3A_973 = arith.constant 48 : index
      %swap3A_974 = tpu.vector_load %arg7[%swap3A_971, %swap3A_972, %swap3A_973] {strides = array<i32>} : memref<2x256x64xf32, #tpu.memory_space<vmem>>, vector<16xf32>,
      tpu.vector_store %arg7[%swap3A_971, %swap3A_972, %swap3A_973], %get3A_970 {strides = array<i32>} : memref<2x256x64xf32, #tpu.memory_space<vmem>>, vector<16xf32>,
      %dma_wait3A_975 = arith.constant 0 : i32
      %dma_wait3A_976 = arith.constant 5 : i32
      %dma_wait3A_977 = arith.constant 5 : i32
      %dma_wait3A_978 = arith.constant 0 : i32
      %dma_wait3A_979 = arith.constant 0 : i32
      %dma_wait3A_980 = tpu.memref_slice %arg6[%dma_wait3A_976, %dma_wait3A_978, %dma_wait3A_979] : memref<16x8x64xf32, #tpu.memory_space<vmem>> -> memref<1x8x64xf32, #tpu.memory_space<vmem>>
      %dma_wait3A_981 = tpu.memref_squeeze %dma_wait3A_980 : memref<1x8x64xf32, #tpu.memory_space<vmem>> -> memref<8x64xf32, #tpu.memory_space<vmem>>
      %dma_wait3A_982 = arith.constant 0 : i32
      %dma_wait3A_983 = arith.constant 0 : i32
      %dma_wait3A_984 = tpu.memref_slice %arg3[%dma_wait3A_975, %dma_wait3A_982, %dma_wait3A_983] : memref<325000x8x64xf32, #tpu.memory_space<hbm>> -> memref<1x8x64xf32, #tpu.memory_space<hbm>>
      %dma_wait3A_985 = tpu.memref_squeeze %dma_wait3A_984 : memref<1x8x64xf32, #tpu.memory_space<hbm>> -> memref<8x64xf32, #tpu.memory_space<hbm>>
      %dma_wait3A_986 = tpu.memref_slice %arg8[%dma_wait3A_977] : memref<16x!tpu.dma_semaphore, #tpu.memory_space<semaphore_mem>> -> memref<1x!tpu.dma_semaphore, #tpu.memory_space<semaphore_mem>>
      %dma_wait3A_987 = tpu.memref_squeeze %dma_wait3A_986 : memref<1x!tpu.dma_semaphore, #tpu.memory_space<semaphore_mem>> -> memref<!tpu.dma_semaphore, #tpu.memory_space<semaphore_mem>>
      %dma_wait3A_988 = arith.constant 0 : i32
      %dma_wait3A_989 = arith.constant 0 : i32
      %dma_wait3A_990 = tpu.memref_slice %arg6[%dma_wait3A_976, %dma_wait3A_988, %dma_wait3A_989] : memref<16x8x64xf32, #tpu.memory_space<vmem>> -> memref<1x8x64xf32, #tpu.memory_space<vmem>>
      %dma_wait3A_991 = tpu.memref_squeeze %dma_wait3A_990 : memref<1x8x64xf32, #tpu.memory_space<vmem>> -> memref<8x64xf32, #tpu.memory_space<vmem>>
      %dma_wait3A_992 = arith.constant 0 : i32
      %dma_wait3A_993 = arith.constant 0 : i32
      %dma_wait3A_994 = tpu.memref_slice %arg3[%dma_wait3A_975, %dma_wait3A_992, %dma_wait3A_993] : memref<325000x8x64xf32, #tpu.memory_space<hbm>> -> memref<1x8x64xf32, #tpu.memory_space<hbm>>
      %dma_wait3A_995 = tpu.memref_squeeze %dma_wait3A_994 : memref<1x8x64xf32, #tpu.memory_space<hbm>> -> memref<8x64xf32, #tpu.memory_space<hbm>>
      tpu.wait_dma2 semaphore(%dma_wait3A_987 : memref<!tpu.dma_semaphore, #tpu.memory_space<semaphore_mem>>) src(%dma_wait3A_995 : memref<8x64xf32, #tpu.memory_space<hbm>>) dst(%dma_wait3A_991 : memref<8x64xf32, #tpu.memory_space<vmem>>)
      %mul3A_996 = arith.constant 15 : i32
      %mul3A_997 = arith.constant 16 : i32
      %mul3A_998 = arith.muli %mul3A_996, %mul3A_997 : i32
      %add3A_999 = arith.constant 5 : i32
      %add3A_1000 = arith.addi %mul3A_998, %add3A_999 : i32
      %get3A_1001 = arith.constant 5 : i32
      %get3A_1002 = arith.index_cast %get3A_1001 : i32 to index
      %get3A_1003 = arith.index_cast %scan3A_664#5 : i32 to index
      %get3A_1004 = arith.constant 0 : index
      %get3A_1005 = tpu.vector_load %arg6[%get3A_1002, %get3A_1003, %get3A_1004] {strides = array<i32>} : memref<16x8x64xf32, #tpu.memory_space<vmem>>, vector<16xf32>,
      %swap3A_1006 = arith.index_cast %rem3A_46 : i32 to index
      %swap3A_1007 = arith.index_cast %add3A_1000 : i32 to index
      %swap3A_1008 = arith.constant 0 : index
      %swap3A_1009 = tpu.vector_load %arg7[%swap3A_1006, %swap3A_1007, %swap3A_1008] {strides = array<i32>} : memref<2x256x64xf32, #tpu.memory_space<vmem>>, vector<16xf32>,
      tpu.vector_store %arg7[%swap3A_1006, %swap3A_1007, %swap3A_1008], %get3A_1005 {strides = array<i32>} : memref<2x256x64xf32, #tpu.memory_space<vmem>>, vector<16xf32>,
      %get3A_1010 = arith.constant 5 : i32
      %get3A_1011 = arith.index_cast %get3A_1010 : i32 to index
      %get3A_1012 = arith.index_cast %scan3A_664#5 : i32 to index
      %get3A_1013 = arith.constant 16 : index
      %get3A_1014 = tpu.vector_load %arg6[%get3A_1011, %get3A_1012, %get3A_1013] {strides = array<i32>} : memref<16x8x64xf32, #tpu.memory_space<vmem>>, vector<16xf32>,
      %swap3A_1015 = arith.index_cast %rem3A_46 : i32 to index
      %swap3A_1016 = arith.index_cast %add3A_1000 : i32 to index
      %swap3A_1017 = arith.constant 16 : index
      %swap3A_1018 = tpu.vector_load %arg7[%swap3A_1015, %swap3A_1016, %swap3A_1017] {strides = array<i32>} : memref<2x256x64xf32, #tpu.memory_space<vmem>>, vector<16xf32>,
      tpu.vector_store %arg7[%swap3A_1015, %swap3A_1016, %swap3A_1017], %get3A_1014 {strides = array<i32>} : memref<2x256x64xf32, #tpu.memory_space<vmem>>, vector<16xf32>,
      %get3A_1019 = arith.constant 5 : i32
      %get3A_1020 = arith.index_cast %get3A_1019 : i32 to index
      %get3A_1021 = arith.index_cast %scan3A_664#5 : i32 to index
      %get3A_1022 = arith.constant 32 : index
      %get3A_1023 = tpu.vector_load %arg6[%get3A_1020, %get3A_1021, %get3A_1022] {strides = array<i32>} : memref<16x8x64xf32, #tpu.memory_space<vmem>>, vector<16xf32>,
      %swap3A_1024 = arith.index_cast %rem3A_46 : i32 to index
      %swap3A_1025 = arith.index_cast %add3A_1000 : i32 to index
      %swap3A_1026 = arith.constant 32 : index
      %swap3A_1027 = tpu.vector_load %arg7[%swap3A_1024, %swap3A_1025, %swap3A_1026] {strides = array<i32>} : memref<2x256x64xf32, #tpu.memory_space<vmem>>, vector<16xf32>,
      tpu.vector_store %arg7[%swap3A_1024, %swap3A_1025, %swap3A_1026], %get3A_1023 {strides = array<i32>} : memref<2x256x64xf32, #tpu.memory_space<vmem>>, vector<16xf32>,
      %get3A_1028 = arith.constant 5 : i32
      %get3A_1029 = arith.index_cast %get3A_1028 : i32 to index
      %get3A_1030 = arith.index_cast %scan3A_664#5 : i32 to index
      %get3A_1031 = arith.constant 48 : index
      %get3A_1032 = tpu.vector_load %arg6[%get3A_1029, %get3A_1030, %get3A_1031] {strides = array<i32>} : memref<16x8x64xf32, #tpu.memory_space<vmem>>, vector<16xf32>,
      %swap3A_1033 = arith.index_cast %rem3A_46 : i32 to index
      %swap3A_1034 = arith.index_cast %add3A_1000 : i32 to index
      %swap3A_1035 = arith.constant 48 : index
      %swap3A_1036 = tpu.vector_load %arg7[%swap3A_1033, %swap3A_1034, %swap3A_1035] {strides = array<i32>} : memref<2x256x64xf32, #tpu.memory_space<vmem>>, vector<16xf32>,
      tpu.vector_store %arg7[%swap3A_1033, %swap3A_1034, %swap3A_1035], %get3A_1032 {strides = array<i32>} : memref<2x256x64xf32, #tpu.memory_space<vmem>>, vector<16xf32>,
      %dma_wait3A_1037 = arith.constant 0 : i32
      %dma_wait3A_1038 = arith.constant 6 : i32
      %dma_wait3A_1039 = arith.constant 6 : i32
      %dma_wait3A_1040 = arith.constant 0 : i32
      %dma_wait3A_1041 = arith.constant 0 : i32
      %dma_wait3A_1042 = tpu.memref_slice %arg6[%dma_wait3A_1038, %dma_wait3A_1040, %dma_wait3A_1041] : memref<16x8x64xf32, #tpu.memory_space<vmem>> -> memref<1x8x64xf32, #tpu.memory_space<vmem>>
      %dma_wait3A_1043 = tpu.memref_squeeze %dma_wait3A_1042 : memref<1x8x64xf32, #tpu.memory_space<vmem>> -> memref<8x64xf32, #tpu.memory_space<vmem>>
      %dma_wait3A_1044 = arith.constant 0 : i32
      %dma_wait3A_1045 = arith.constant 0 : i32
      %dma_wait3A_1046 = tpu.memref_slice %arg3[%dma_wait3A_1037, %dma_wait3A_1044, %dma_wait3A_1045] : memref<325000x8x64xf32, #tpu.memory_space<hbm>> -> memref<1x8x64xf32, #tpu.memory_space<hbm>>
      %dma_wait3A_1047 = tpu.memref_squeeze %dma_wait3A_1046 : memref<1x8x64xf32, #tpu.memory_space<hbm>> -> memref<8x64xf32, #tpu.memory_space<hbm>>
      %dma_wait3A_1048 = tpu.memref_slice %arg8[%dma_wait3A_1039] : memref<16x!tpu.dma_semaphore, #tpu.memory_space<semaphore_mem>> -> memref<1x!tpu.dma_semaphore, #tpu.memory_space<semaphore_mem>>
      %dma_wait3A_1049 = tpu.memref_squeeze %dma_wait3A_1048 : memref<1x!tpu.dma_semaphore, #tpu.memory_space<semaphore_mem>> -> memref<!tpu.dma_semaphore, #tpu.memory_space<semaphore_mem>>
      %dma_wait3A_1050 = arith.constant 0 : i32
      %dma_wait3A_1051 = arith.constant 0 : i32
      %dma_wait3A_1052 = tpu.memref_slice %arg6[%dma_wait3A_1038, %dma_wait3A_1050, %dma_wait3A_1051] : memref<16x8x64xf32, #tpu.memory_space<vmem>> -> memref<1x8x64xf32, #tpu.memory_space<vmem>>
      %dma_wait3A_1053 = tpu.memref_squeeze %dma_wait3A_1052 : memref<1x8x64xf32, #tpu.memory_space<vmem>> -> memref<8x64xf32, #tpu.memory_space<vmem>>
      %dma_wait3A_1054 = arith.constant 0 : i32
      %dma_wait3A_1055 = arith.constant 0 : i32
      %dma_wait3A_1056 = tpu.memref_slice %arg3[%dma_wait3A_1037, %dma_wait3A_1054, %dma_wait3A_1055] : memref<325000x8x64xf32, #tpu.memory_space<hbm>> -> memref<1x8x64xf32, #tpu.memory_space<hbm>>
      %dma_wait3A_1057 = tpu.memref_squeeze %dma_wait3A_1056 : memref<1x8x64xf32, #tpu.memory_space<hbm>> -> memref<8x64xf32, #tpu.memory_space<hbm>>
      tpu.wait_dma2 semaphore(%dma_wait3A_1049 : memref<!tpu.dma_semaphore, #tpu.memory_space<semaphore_mem>>) src(%dma_wait3A_1057 : memref<8x64xf32, #tpu.memory_space<hbm>>) dst(%dma_wait3A_1053 : memref<8x64xf32, #tpu.memory_space<vmem>>)
      %mul3A_1058 = arith.constant 15 : i32
      %mul3A_1059 = arith.constant 16 : i32
      %mul3A_1060 = arith.muli %mul3A_1058, %mul3A_1059 : i32
      %add3A_1061 = arith.constant 6 : i32
      %add3A_1062 = arith.addi %mul3A_1060, %add3A_1061 : i32
      %get3A_1063 = arith.constant 6 : i32
      %get3A_1064 = arith.index_cast %get3A_1063 : i32 to index
      %get3A_1065 = arith.index_cast %scan3A_664#6 : i32 to index
      %get3A_1066 = arith.constant 0 : index
      %get3A_1067 = tpu.vector_load %arg6[%get3A_1064, %get3A_1065, %get3A_1066] {strides = array<i32>} : memref<16x8x64xf32, #tpu.memory_space<vmem>>, vector<16xf32>,
      %swap3A_1068 = arith.index_cast %rem3A_46 : i32 to index
      %swap3A_1069 = arith.index_cast %add3A_1062 : i32 to index
      %swap3A_1070 = arith.constant 0 : index
      %swap3A_1071 = tpu.vector_load %arg7[%swap3A_1068, %swap3A_1069, %swap3A_1070] {strides = array<i32>} : memref<2x256x64xf32, #tpu.memory_space<vmem>>, vector<16xf32>,
      tpu.vector_store %arg7[%swap3A_1068, %swap3A_1069, %swap3A_1070], %get3A_1067 {strides = array<i32>} : memref<2x256x64xf32, #tpu.memory_space<vmem>>, vector<16xf32>,
      %get3A_1072 = arith.constant 6 : i32
      %get3A_1073 = arith.index_cast %get3A_1072 : i32 to index
      %get3A_1074 = arith.index_cast %scan3A_664#6 : i32 to index
      %get3A_1075 = arith.constant 16 : index
      %get3A_1076 = tpu.vector_load %arg6[%get3A_1073, %get3A_1074, %get3A_1075] {strides = array<i32>} : memref<16x8x64xf32, #tpu.memory_space<vmem>>, vector<16xf32>,
      %swap3A_1077 = arith.index_cast %rem3A_46 : i32 to index
      %swap3A_1078 = arith.index_cast %add3A_1062 : i32 to index
      %swap3A_1079 = arith.constant 16 : index
      %swap3A_1080 = tpu.vector_load %arg7[%swap3A_1077, %swap3A_1078, %swap3A_1079] {strides = array<i32>} : memref<2x256x64xf32, #tpu.memory_space<vmem>>, vector<16xf32>,
      tpu.vector_store %arg7[%swap3A_1077, %swap3A_1078, %swap3A_1079], %get3A_1076 {strides = array<i32>} : memref<2x256x64xf32, #tpu.memory_space<vmem>>, vector<16xf32>,
      %get3A_1081 = arith.constant 6 : i32
      %get3A_1082 = arith.index_cast %get3A_1081 : i32 to index
      %get3A_1083 = arith.index_cast %scan3A_664#6 : i32 to index
      %get3A_1084 = arith.constant 32 : index
      %get3A_1085 = tpu.vector_load %arg6[%get3A_1082, %get3A_1083, %get3A_1084] {strides = array<i32>} : memref<16x8x64xf32, #tpu.memory_space<vmem>>, vector<16xf32>,
      %swap3A_1086 = arith.index_cast %rem3A_46 : i32 to index
      %swap3A_1087 = arith.index_cast %add3A_1062 : i32 to index
      %swap3A_1088 = arith.constant 32 : index
      %swap3A_1089 = tpu.vector_load %arg7[%swap3A_1086, %swap3A_1087, %swap3A_1088] {strides = array<i32>} : memref<2x256x64xf32, #tpu.memory_space<vmem>>, vector<16xf32>,
      tpu.vector_store %arg7[%swap3A_1086, %swap3A_1087, %swap3A_1088], %get3A_1085 {strides = array<i32>} : memref<2x256x64xf32, #tpu.memory_space<vmem>>, vector<16xf32>,
      %get3A_1090 = arith.constant 6 : i32
      %get3A_1091 = arith.index_cast %get3A_1090 : i32 to index
      %get3A_1092 = arith.index_cast %scan3A_664#6 : i32 to index
      %get3A_1093 = arith.constant 48 : index
      %get3A_1094 = tpu.vector_load %arg6[%get3A_1091, %get3A_1092, %get3A_1093] {strides = array<i32>} : memref<16x8x64xf32, #tpu.memory_space<vmem>>, vector<16xf32>,
      %swap3A_1095 = arith.index_cast %rem3A_46 : i32 to index
      %swap3A_1096 = arith.index_cast %add3A_1062 : i32 to index
      %swap3A_1097 = arith.constant 48 : index
      %swap3A_1098 = tpu.vector_load %arg7[%swap3A_1095, %swap3A_1096, %swap3A_1097] {strides = array<i32>} : memref<2x256x64xf32, #tpu.memory_space<vmem>>, vector<16xf32>,
      tpu.vector_store %arg7[%swap3A_1095, %swap3A_1096, %swap3A_1097], %get3A_1094 {strides = array<i32>} : memref<2x256x64xf32, #tpu.memory_space<vmem>>, vector<16xf32>,
      %dma_wait3A_1099 = arith.constant 0 : i32
      %dma_wait3A_1100 = arith.constant 7 : i32
      %dma_wait3A_1101 = arith.constant 7 : i32
      %dma_wait3A_1102 = arith.constant 0 : i32
      %dma_wait3A_1103 = arith.constant 0 : i32
      %dma_wait3A_1104 = tpu.memref_slice %arg6[%dma_wait3A_1100, %dma_wait3A_1102, %dma_wait3A_1103] : memref<16x8x64xf32, #tpu.memory_space<vmem>> -> memref<1x8x64xf32, #tpu.memory_space<vmem>>
      %dma_wait3A_1105 = tpu.memref_squeeze %dma_wait3A_1104 : memref<1x8x64xf32, #tpu.memory_space<vmem>> -> memref<8x64xf32, #tpu.memory_space<vmem>>
      %dma_wait3A_1106 = arith.constant 0 : i32
      %dma_wait3A_1107 = arith.constant 0 : i32
      %dma_wait3A_1108 = tpu.memref_slice %arg3[%dma_wait3A_1099, %dma_wait3A_1106, %dma_wait3A_1107] : memref<325000x8x64xf32, #tpu.memory_space<hbm>> -> memref<1x8x64xf32, #tpu.memory_space<hbm>>
      %dma_wait3A_1109 = tpu.memref_squeeze %dma_wait3A_1108 : memref<1x8x64xf32, #tpu.memory_space<hbm>> -> memref<8x64xf32, #tpu.memory_space<hbm>>
      %dma_wait3A_1110 = tpu.memref_slice %arg8[%dma_wait3A_1101] : memref<16x!tpu.dma_semaphore, #tpu.memory_space<semaphore_mem>> -> memref<1x!tpu.dma_semaphore, #tpu.memory_space<semaphore_mem>>
      %dma_wait3A_1111 = tpu.memref_squeeze %dma_wait3A_1110 : memref<1x!tpu.dma_semaphore, #tpu.memory_space<semaphore_mem>> -> memref<!tpu.dma_semaphore, #tpu.memory_space<semaphore_mem>>
      %dma_wait3A_1112 = arith.constant 0 : i32
      %dma_wait3A_1113 = arith.constant 0 : i32
      %dma_wait3A_1114 = tpu.memref_slice %arg6[%dma_wait3A_1100, %dma_wait3A_1112, %dma_wait3A_1113] : memref<16x8x64xf32, #tpu.memory_space<vmem>> -> memref<1x8x64xf32, #tpu.memory_space<vmem>>
      %dma_wait3A_1115 = tpu.memref_squeeze %dma_wait3A_1114 : memref<1x8x64xf32, #tpu.memory_space<vmem>> -> memref<8x64xf32, #tpu.memory_space<vmem>>
      %dma_wait3A_1116 = arith.constant 0 : i32
      %dma_wait3A_1117 = arith.constant 0 : i32
      %dma_wait3A_1118 = tpu.memref_slice %arg3[%dma_wait3A_1099, %dma_wait3A_1116, %dma_wait3A_1117] : memref<325000x8x64xf32, #tpu.memory_space<hbm>> -> memref<1x8x64xf32, #tpu.memory_space<hbm>>
      %dma_wait3A_1119 = tpu.memref_squeeze %dma_wait3A_1118 : memref<1x8x64xf32, #tpu.memory_space<hbm>> -> memref<8x64xf32, #tpu.memory_space<hbm>>
      tpu.wait_dma2 semaphore(%dma_wait3A_1111 : memref<!tpu.dma_semaphore, #tpu.memory_space<semaphore_mem>>) src(%dma_wait3A_1119 : memref<8x64xf32, #tpu.memory_space<hbm>>) dst(%dma_wait3A_1115 : memref<8x64xf32, #tpu.memory_space<vmem>>)
      %mul3A_1120 = arith.constant 15 : i32
      %mul3A_1121 = arith.constant 16 : i32
      %mul3A_1122 = arith.muli %mul3A_1120, %mul3A_1121 : i32
      %add3A_1123 = arith.constant 7 : i32
      %add3A_1124 = arith.addi %mul3A_1122, %add3A_1123 : i32
      %get3A_1125 = arith.constant 7 : i32
      %get3A_1126 = arith.index_cast %get3A_1125 : i32 to index
      %get3A_1127 = arith.index_cast %scan3A_664#7 : i32 to index
      %get3A_1128 = arith.constant 0 : index
      %get3A_1129 = tpu.vector_load %arg6[%get3A_1126, %get3A_1127, %get3A_1128] {strides = array<i32>} : memref<16x8x64xf32, #tpu.memory_space<vmem>>, vector<16xf32>,
      %swap3A_1130 = arith.index_cast %rem3A_46 : i32 to index
      %swap3A_1131 = arith.index_cast %add3A_1124 : i32 to index
      %swap3A_1132 = arith.constant 0 : index
      %swap3A_1133 = tpu.vector_load %arg7[%swap3A_1130, %swap3A_1131, %swap3A_1132] {strides = array<i32>} : memref<2x256x64xf32, #tpu.memory_space<vmem>>, vector<16xf32>,
      tpu.vector_store %arg7[%swap3A_1130, %swap3A_1131, %swap3A_1132], %get3A_1129 {strides = array<i32>} : memref<2x256x64xf32, #tpu.memory_space<vmem>>, vector<16xf32>,
      %get3A_1134 = arith.constant 7 : i32
      %get3A_1135 = arith.index_cast %get3A_1134 : i32 to index
      %get3A_1136 = arith.index_cast %scan3A_664#7 : i32 to index
      %get3A_1137 = arith.constant 16 : index
      %get3A_1138 = tpu.vector_load %arg6[%get3A_1135, %get3A_1136, %get3A_1137] {strides = array<i32>} : memref<16x8x64xf32, #tpu.memory_space<vmem>>, vector<16xf32>,
      %swap3A_1139 = arith.index_cast %rem3A_46 : i32 to index
      %swap3A_1140 = arith.index_cast %add3A_1124 : i32 to index
      %swap3A_1141 = arith.constant 16 : index
      %swap3A_1142 = tpu.vector_load %arg7[%swap3A_1139, %swap3A_1140, %swap3A_1141] {strides = array<i32>} : memref<2x256x64xf32, #tpu.memory_space<vmem>>, vector<16xf32>,
      tpu.vector_store %arg7[%swap3A_1139, %swap3A_1140, %swap3A_1141], %get3A_1138 {strides = array<i32>} : memref<2x256x64xf32, #tpu.memory_space<vmem>>, vector<16xf32>,
      %get3A_1143 = arith.constant 7 : i32
      %get3A_1144 = arith.index_cast %get3A_1143 : i32 to index
      %get3A_1145 = arith.index_cast %scan3A_664#7 : i32 to index
      %get3A_1146 = arith.constant 32 : index
      %get3A_1147 = tpu.vector_load %arg6[%get3A_1144, %get3A_1145, %get3A_1146] {strides = array<i32>} : memref<16x8x64xf32, #tpu.memory_space<vmem>>, vector<16xf32>,
      %swap3A_1148 = arith.index_cast %rem3A_46 : i32 to index
      %swap3A_1149 = arith.index_cast %add3A_1124 : i32 to index
      %swap3A_1150 = arith.constant 32 : index
      %swap3A_1151 = tpu.vector_load %arg7[%swap3A_1148, %swap3A_1149, %swap3A_1150] {strides = array<i32>} : memref<2x256x64xf32, #tpu.memory_space<vmem>>, vector<16xf32>,
      tpu.vector_store %arg7[%swap3A_1148, %swap3A_1149, %swap3A_1150], %get3A_1147 {strides = array<i32>} : memref<2x256x64xf32, #tpu.memory_space<vmem>>, vector<16xf32>,
      %get3A_1152 = arith.constant 7 : i32
      %get3A_1153 = arith.index_cast %get3A_1152 : i32 to index
      %get3A_1154 = arith.index_cast %scan3A_664#7 : i32 to index
      %get3A_1155 = arith.constant 48 : index
      %get3A_1156 = tpu.vector_load %arg6[%get3A_1153, %get3A_1154, %get3A_1155] {strides = array<i32>} : memref<16x8x64xf32, #tpu.memory_space<vmem>>, vector<16xf32>,
      %swap3A_1157 = arith.index_cast %rem3A_46 : i32 to index
      %swap3A_1158 = arith.index_cast %add3A_1124 : i32 to index
      %swap3A_1159 = arith.constant 48 : index
      %swap3A_1160 = tpu.vector_load %arg7[%swap3A_1157, %swap3A_1158, %swap3A_1159] {strides = array<i32>} : memref<2x256x64xf32, #tpu.memory_space<vmem>>, vector<16xf32>,
      tpu.vector_store %arg7[%swap3A_1157, %swap3A_1158, %swap3A_1159], %get3A_1156 {strides = array<i32>} : memref<2x256x64xf32, #tpu.memory_space<vmem>>, vector<16xf32>,
      %dma_wait3A_1161 = arith.constant 0 : i32
      %dma_wait3A_1162 = arith.constant 8 : i32
      %dma_wait3A_1163 = arith.constant 8 : i32
      %dma_wait3A_1164 = arith.constant 0 : i32
      %dma_wait3A_1165 = arith.constant 0 : i32
      %dma_wait3A_1166 = tpu.memref_slice %arg6[%dma_wait3A_1162, %dma_wait3A_1164, %dma_wait3A_1165] : memref<16x8x64xf32, #tpu.memory_space<vmem>> -> memref<1x8x64xf32, #tpu.memory_space<vmem>>
      %dma_wait3A_1167 = tpu.memref_squeeze %dma_wait3A_1166 : memref<1x8x64xf32, #tpu.memory_space<vmem>> -> memref<8x64xf32, #tpu.memory_space<vmem>>
      %dma_wait3A_1168 = arith.constant 0 : i32
      %dma_wait3A_1169 = arith.constant 0 : i32
      %dma_wait3A_1170 = tpu.memref_slice %arg3[%dma_wait3A_1161, %dma_wait3A_1168, %dma_wait3A_1169] : memref<325000x8x64xf32, #tpu.memory_space<hbm>> -> memref<1x8x64xf32, #tpu.memory_space<hbm>>
      %dma_wait3A_1171 = tpu.memref_squeeze %dma_wait3A_1170 : memref<1x8x64xf32, #tpu.memory_space<hbm>> -> memref<8x64xf32, #tpu.memory_space<hbm>>
      %dma_wait3A_1172 = tpu.memref_slice %arg8[%dma_wait3A_1163] : memref<16x!tpu.dma_semaphore, #tpu.memory_space<semaphore_mem>> -> memref<1x!tpu.dma_semaphore, #tpu.memory_space<semaphore_mem>>
      %dma_wait3A_1173 = tpu.memref_squeeze %dma_wait3A_1172 : memref<1x!tpu.dma_semaphore, #tpu.memory_space<semaphore_mem>> -> memref<!tpu.dma_semaphore, #tpu.memory_space<semaphore_mem>>
      %dma_wait3A_1174 = arith.constant 0 : i32
      %dma_wait3A_1175 = arith.constant 0 : i32
      %dma_wait3A_1176 = tpu.memref_slice %arg6[%dma_wait3A_1162, %dma_wait3A_1174, %dma_wait3A_1175] : memref<16x8x64xf32, #tpu.memory_space<vmem>> -> memref<1x8x64xf32, #tpu.memory_space<vmem>>
      %dma_wait3A_1177 = tpu.memref_squeeze %dma_wait3A_1176 : memref<1x8x64xf32, #tpu.memory_space<vmem>> -> memref<8x64xf32, #tpu.memory_space<vmem>>
      %dma_wait3A_1178 = arith.constant 0 : i32
      %dma_wait3A_1179 = arith.constant 0 : i32
      %dma_wait3A_1180 = tpu.memref_slice %arg3[%dma_wait3A_1161, %dma_wait3A_1178, %dma_wait3A_1179] : memref<325000x8x64xf32, #tpu.memory_space<hbm>> -> memref<1x8x64xf32, #tpu.memory_space<hbm>>
      %dma_wait3A_1181 = tpu.memref_squeeze %dma_wait3A_1180 : memref<1x8x64xf32, #tpu.memory_space<hbm>> -> memref<8x64xf32, #tpu.memory_space<hbm>>
      tpu.wait_dma2 semaphore(%dma_wait3A_1173 : memref<!tpu.dma_semaphore, #tpu.memory_space<semaphore_mem>>) src(%dma_wait3A_1181 : memref<8x64xf32, #tpu.memory_space<hbm>>) dst(%dma_wait3A_1177 : memref<8x64xf32, #tpu.memory_space<vmem>>)
      %mul3A_1182 = arith.constant 15 : i32
      %mul3A_1183 = arith.constant 16 : i32
      %mul3A_1184 = arith.muli %mul3A_1182, %mul3A_1183 : i32
      %add3A_1185 = arith.constant 8 : i32
      %add3A_1186 = arith.addi %mul3A_1184, %add3A_1185 : i32
      %get3A_1187 = arith.constant 8 : i32
      %get3A_1188 = arith.index_cast %get3A_1187 : i32 to index
      %get3A_1189 = arith.index_cast %scan3A_664#8 : i32 to index
      %get3A_1190 = arith.constant 0 : index
      %get3A_1191 = tpu.vector_load %arg6[%get3A_1188, %get3A_1189, %get3A_1190] {strides = array<i32>} : memref<16x8x64xf32, #tpu.memory_space<vmem>>, vector<16xf32>,
      %swap3A_1192 = arith.index_cast %rem3A_46 : i32 to index
      %swap3A_1193 = arith.index_cast %add3A_1186 : i32 to index
      %swap3A_1194 = arith.constant 0 : index
      %swap3A_1195 = tpu.vector_load %arg7[%swap3A_1192, %swap3A_1193, %swap3A_1194] {strides = array<i32>} : memref<2x256x64xf32, #tpu.memory_space<vmem>>, vector<16xf32>,
      tpu.vector_store %arg7[%swap3A_1192, %swap3A_1193, %swap3A_1194], %get3A_1191 {strides = array<i32>} : memref<2x256x64xf32, #tpu.memory_space<vmem>>, vector<16xf32>,
      %get3A_1196 = arith.constant 8 : i32
      %get3A_1197 = arith.index_cast %get3A_1196 : i32 to index
      %get3A_1198 = arith.index_cast %scan3A_664#8 : i32 to index
      %get3A_1199 = arith.constant 16 : index
      %get3A_1200 = tpu.vector_load %arg6[%get3A_1197, %get3A_1198, %get3A_1199] {strides = array<i32>} : memref<16x8x64xf32, #tpu.memory_space<vmem>>, vector<16xf32>,
      %swap3A_1201 = arith.index_cast %rem3A_46 : i32 to index
      %swap3A_1202 = arith.index_cast %add3A_1186 : i32 to index
      %swap3A_1203 = arith.constant 16 : index
      %swap3A_1204 = tpu.vector_load %arg7[%swap3A_1201, %swap3A_1202, %swap3A_1203] {strides = array<i32>} : memref<2x256x64xf32, #tpu.memory_space<vmem>>, vector<16xf32>,
      tpu.vector_store %arg7[%swap3A_1201, %swap3A_1202, %swap3A_1203], %get3A_1200 {strides = array<i32>} : memref<2x256x64xf32, #tpu.memory_space<vmem>>, vector<16xf32>,
      %get3A_1205 = arith.constant 8 : i32
      %get3A_1206 = arith.index_cast %get3A_1205 : i32 to index
      %get3A_1207 = arith.index_cast %scan3A_664#8 : i32 to index
      %get3A_1208 = arith.constant 32 : index
      %get3A_1209 = tpu.vector_load %arg6[%get3A_1206, %get3A_1207, %get3A_1208] {strides = array<i32>} : memref<16x8x64xf32, #tpu.memory_space<vmem>>, vector<16xf32>,
      %swap3A_1210 = arith.index_cast %rem3A_46 : i32 to index
      %swap3A_1211 = arith.index_cast %add3A_1186 : i32 to index
      %swap3A_1212 = arith.constant 32 : index
      %swap3A_1213 = tpu.vector_load %arg7[%swap3A_1210, %swap3A_1211, %swap3A_1212] {strides = array<i32>} : memref<2x256x64xf32, #tpu.memory_space<vmem>>, vector<16xf32>,
      tpu.vector_store %arg7[%swap3A_1210, %swap3A_1211, %swap3A_1212], %get3A_1209 {strides = array<i32>} : memref<2x256x64xf32, #tpu.memory_space<vmem>>, vector<16xf32>,
      %get3A_1214 = arith.constant 8 : i32
      %get3A_1215 = arith.index_cast %get3A_1214 : i32 to index
      %get3A_1216 = arith.index_cast %scan3A_664#8 : i32 to index
      %get3A_1217 = arith.constant 48 : index
      %get3A_1218 = tpu.vector_load %arg6[%get3A_1215, %get3A_1216, %get3A_1217] {strides = array<i32>} : memref<16x8x64xf32, #tpu.memory_space<vmem>>, vector<16xf32>,
      %swap3A_1219 = arith.index_cast %rem3A_46 : i32 to index
      %swap3A_1220 = arith.index_cast %add3A_1186 : i32 to index
      %swap3A_1221 = arith.constant 48 : index
      %swap3A_1222 = tpu.vector_load %arg7[%swap3A_1219, %swap3A_1220, %swap3A_1221] {strides = array<i32>} : memref<2x256x64xf32, #tpu.memory_space<vmem>>, vector<16xf32>,
      tpu.vector_store %arg7[%swap3A_1219, %swap3A_1220, %swap3A_1221], %get3A_1218 {strides = array<i32>} : memref<2x256x64xf32, #tpu.memory_space<vmem>>, vector<16xf32>,
      %dma_wait3A_1223 = arith.constant 0 : i32
      %dma_wait3A_1224 = arith.constant 9 : i32
      %dma_wait3A_1225 = arith.constant 9 : i32
      %dma_wait3A_1226 = arith.constant 0 : i32
      %dma_wait3A_1227 = arith.constant 0 : i32
      %dma_wait3A_1228 = tpu.memref_slice %arg6[%dma_wait3A_1224, %dma_wait3A_1226, %dma_wait3A_1227] : memref<16x8x64xf32, #tpu.memory_space<vmem>> -> memref<1x8x64xf32, #tpu.memory_space<vmem>>
      %dma_wait3A_1229 = tpu.memref_squeeze %dma_wait3A_1228 : memref<1x8x64xf32, #tpu.memory_space<vmem>> -> memref<8x64xf32, #tpu.memory_space<vmem>>
      %dma_wait3A_1230 = arith.constant 0 : i32
      %dma_wait3A_1231 = arith.constant 0 : i32
      %dma_wait3A_1232 = tpu.memref_slice %arg3[%dma_wait3A_1223, %dma_wait3A_1230, %dma_wait3A_1231] : memref<325000x8x64xf32, #tpu.memory_space<hbm>> -> memref<1x8x64xf32, #tpu.memory_space<hbm>>
      %dma_wait3A_1233 = tpu.memref_squeeze %dma_wait3A_1232 : memref<1x8x64xf32, #tpu.memory_space<hbm>> -> memref<8x64xf32, #tpu.memory_space<hbm>>
      %dma_wait3A_1234 = tpu.memref_slice %arg8[%dma_wait3A_1225] : memref<16x!tpu.dma_semaphore, #tpu.memory_space<semaphore_mem>> -> memref<1x!tpu.dma_semaphore, #tpu.memory_space<semaphore_mem>>
      %dma_wait3A_1235 = tpu.memref_squeeze %dma_wait3A_1234 : memref<1x!tpu.dma_semaphore, #tpu.memory_space<semaphore_mem>> -> memref<!tpu.dma_semaphore, #tpu.memory_space<semaphore_mem>>
      %dma_wait3A_1236 = arith.constant 0 : i32
      %dma_wait3A_1237 = arith.constant 0 : i32
      %dma_wait3A_1238 = tpu.memref_slice %arg6[%dma_wait3A_1224, %dma_wait3A_1236, %dma_wait3A_1237] : memref<16x8x64xf32, #tpu.memory_space<vmem>> -> memref<1x8x64xf32, #tpu.memory_space<vmem>>
      %dma_wait3A_1239 = tpu.memref_squeeze %dma_wait3A_1238 : memref<1x8x64xf32, #tpu.memory_space<vmem>> -> memref<8x64xf32, #tpu.memory_space<vmem>>
      %dma_wait3A_1240 = arith.constant 0 : i32
      %dma_wait3A_1241 = arith.constant 0 : i32
      %dma_wait3A_1242 = tpu.memref_slice %arg3[%dma_wait3A_1223, %dma_wait3A_1240, %dma_wait3A_1241] : memref<325000x8x64xf32, #tpu.memory_space<hbm>> -> memref<1x8x64xf32, #tpu.memory_space<hbm>>
      %dma_wait3A_1243 = tpu.memref_squeeze %dma_wait3A_1242 : memref<1x8x64xf32, #tpu.memory_space<hbm>> -> memref<8x64xf32, #tpu.memory_space<hbm>>
      tpu.wait_dma2 semaphore(%dma_wait3A_1235 : memref<!tpu.dma_semaphore, #tpu.memory_space<semaphore_mem>>) src(%dma_wait3A_1243 : memref<8x64xf32, #tpu.memory_space<hbm>>) dst(%dma_wait3A_1239 : memref<8x64xf32, #tpu.memory_space<vmem>>)
      %mul3A_1244 = arith.constant 15 : i32
      %mul3A_1245 = arith.constant 16 : i32
      %mul3A_1246 = arith.muli %mul3A_1244, %mul3A_1245 : i32
      %add3A_1247 = arith.constant 9 : i32
      %add3A_1248 = arith.addi %mul3A_1246, %add3A_1247 : i32
      %get3A_1249 = arith.constant 9 : i32
      %get3A_1250 = arith.index_cast %get3A_1249 : i32 to index
      %get3A_1251 = arith.index_cast %scan3A_664#9 : i32 to index
      %get3A_1252 = arith.constant 0 : index
      %get3A_1253 = tpu.vector_load %arg6[%get3A_1250, %get3A_1251, %get3A_1252] {strides = array<i32>} : memref<16x8x64xf32, #tpu.memory_space<vmem>>, vector<16xf32>,
      %swap3A_1254 = arith.index_cast %rem3A_46 : i32 to index
      %swap3A_1255 = arith.index_cast %add3A_1248 : i32 to index
      %swap3A_1256 = arith.constant 0 : index
      %swap3A_1257 = tpu.vector_load %arg7[%swap3A_1254, %swap3A_1255, %swap3A_1256] {strides = array<i32>} : memref<2x256x64xf32, #tpu.memory_space<vmem>>, vector<16xf32>,
      tpu.vector_store %arg7[%swap3A_1254, %swap3A_1255, %swap3A_1256], %get3A_1253 {strides = array<i32>} : memref<2x256x64xf32, #tpu.memory_space<vmem>>, vector<16xf32>,
      %get3A_1258 = arith.constant 9 : i32
      %get3A_1259 = arith.index_cast %get3A_1258 : i32 to index
      %get3A_1260 = arith.index_cast %scan3A_664#9 : i32 to index
      %get3A_1261 = arith.constant 16 : index
      %get3A_1262 = tpu.vector_load %arg6[%get3A_1259, %get3A_1260, %get3A_1261] {strides = array<i32>} : memref<16x8x64xf32, #tpu.memory_space<vmem>>, vector<16xf32>,
      %swap3A_1263 = arith.index_cast %rem3A_46 : i32 to index
      %swap3A_1264 = arith.index_cast %add3A_1248 : i32 to index
      %swap3A_1265 = arith.constant 16 : index
      %swap3A_1266 = tpu.vector_load %arg7[%swap3A_1263, %swap3A_1264, %swap3A_1265] {strides = array<i32>} : memref<2x256x64xf32, #tpu.memory_space<vmem>>, vector<16xf32>,
      tpu.vector_store %arg7[%swap3A_1263, %swap3A_1264, %swap3A_1265], %get3A_1262 {strides = array<i32>} : memref<2x256x64xf32, #tpu.memory_space<vmem>>, vector<16xf32>,
      %get3A_1267 = arith.constant 9 : i32
      %get3A_1268 = arith.index_cast %get3A_1267 : i32 to index
      %get3A_1269 = arith.index_cast %scan3A_664#9 : i32 to index
      %get3A_1270 = arith.constant 32 : index
      %get3A_1271 = tpu.vector_load %arg6[%get3A_1268, %get3A_1269, %get3A_1270] {strides = array<i32>} : memref<16x8x64xf32, #tpu.memory_space<vmem>>, vector<16xf32>,
      %swap3A_1272 = arith.index_cast %rem3A_46 : i32 to index
      %swap3A_1273 = arith.index_cast %add3A_1248 : i32 to index
      %swap3A_1274 = arith.constant 32 : index
      %swap3A_1275 = tpu.vector_load %arg7[%swap3A_1272, %swap3A_1273, %swap3A_1274] {strides = array<i32>} : memref<2x256x64xf32, #tpu.memory_space<vmem>>, vector<16xf32>,
      tpu.vector_store %arg7[%swap3A_1272, %swap3A_1273, %swap3A_1274], %get3A_1271 {strides = array<i32>} : memref<2x256x64xf32, #tpu.memory_space<vmem>>, vector<16xf32>,
      %get3A_1276 = arith.constant 9 : i32
      %get3A_1277 = arith.index_cast %get3A_1276 : i32 to index
      %get3A_1278 = arith.index_cast %scan3A_664#9 : i32 to index
      %get3A_1279 = arith.constant 48 : index
      %get3A_1280 = tpu.vector_load %arg6[%get3A_1277, %get3A_1278, %get3A_1279] {strides = array<i32>} : memref<16x8x64xf32, #tpu.memory_space<vmem>>, vector<16xf32>,
      %swap3A_1281 = arith.index_cast %rem3A_46 : i32 to index
      %swap3A_1282 = arith.index_cast %add3A_1248 : i32 to index
      %swap3A_1283 = arith.constant 48 : index
      %swap3A_1284 = tpu.vector_load %arg7[%swap3A_1281, %swap3A_1282, %swap3A_1283] {strides = array<i32>} : memref<2x256x64xf32, #tpu.memory_space<vmem>>, vector<16xf32>,
      tpu.vector_store %arg7[%swap3A_1281, %swap3A_1282, %swap3A_1283], %get3A_1280 {strides = array<i32>} : memref<2x256x64xf32, #tpu.memory_space<vmem>>, vector<16xf32>,
      %dma_wait3A_1285 = arith.constant 0 : i32
      %dma_wait3A_1286 = arith.constant 10 : i32
      %dma_wait3A_1287 = arith.constant 10 : i32
      %dma_wait3A_1288 = arith.constant 0 : i32
      %dma_wait3A_1289 = arith.constant 0 : i32
      %dma_wait3A_1290 = tpu.memref_slice %arg6[%dma_wait3A_1286, %dma_wait3A_1288, %dma_wait3A_1289] : memref<16x8x64xf32, #tpu.memory_space<vmem>> -> memref<1x8x64xf32, #tpu.memory_space<vmem>>
      %dma_wait3A_1291 = tpu.memref_squeeze %dma_wait3A_1290 : memref<1x8x64xf32, #tpu.memory_space<vmem>> -> memref<8x64xf32, #tpu.memory_space<vmem>>
      %dma_wait3A_1292 = arith.constant 0 : i32
      %dma_wait3A_1293 = arith.constant 0 : i32
      %dma_wait3A_1294 = tpu.memref_slice %arg3[%dma_wait3A_1285, %dma_wait3A_1292, %dma_wait3A_1293] : memref<325000x8x64xf32, #tpu.memory_space<hbm>> -> memref<1x8x64xf32, #tpu.memory_space<hbm>>
      %dma_wait3A_1295 = tpu.memref_squeeze %dma_wait3A_1294 : memref<1x8x64xf32, #tpu.memory_space<hbm>> -> memref<8x64xf32, #tpu.memory_space<hbm>>
      %dma_wait3A_1296 = tpu.memref_slice %arg8[%dma_wait3A_1287] : memref<16x!tpu.dma_semaphore, #tpu.memory_space<semaphore_mem>> -> memref<1x!tpu.dma_semaphore, #tpu.memory_space<semaphore_mem>>
      %dma_wait3A_1297 = tpu.memref_squeeze %dma_wait3A_1296 : memref<1x!tpu.dma_semaphore, #tpu.memory_space<semaphore_mem>> -> memref<!tpu.dma_semaphore, #tpu.memory_space<semaphore_mem>>
      %dma_wait3A_1298 = arith.constant 0 : i32
      %dma_wait3A_1299 = arith.constant 0 : i32
      %dma_wait3A_1300 = tpu.memref_slice %arg6[%dma_wait3A_1286, %dma_wait3A_1298, %dma_wait3A_1299] : memref<16x8x64xf32, #tpu.memory_space<vmem>> -> memref<1x8x64xf32, #tpu.memory_space<vmem>>
      %dma_wait3A_1301 = tpu.memref_squeeze %dma_wait3A_1300 : memref<1x8x64xf32, #tpu.memory_space<vmem>> -> memref<8x64xf32, #tpu.memory_space<vmem>>
      %dma_wait3A_1302 = arith.constant 0 : i32
      %dma_wait3A_1303 = arith.constant 0 : i32
      %dma_wait3A_1304 = tpu.memref_slice %arg3[%dma_wait3A_1285, %dma_wait3A_1302, %dma_wait3A_1303] : memref<325000x8x64xf32, #tpu.memory_space<hbm>> -> memref<1x8x64xf32, #tpu.memory_space<hbm>>
      %dma_wait3A_1305 = tpu.memref_squeeze %dma_wait3A_1304 : memref<1x8x64xf32, #tpu.memory_space<hbm>> -> memref<8x64xf32, #tpu.memory_space<hbm>>
      tpu.wait_dma2 semaphore(%dma_wait3A_1297 : memref<!tpu.dma_semaphore, #tpu.memory_space<semaphore_mem>>) src(%dma_wait3A_1305 : memref<8x64xf32, #tpu.memory_space<hbm>>) dst(%dma_wait3A_1301 : memref<8x64xf32, #tpu.memory_space<vmem>>)
      %mul3A_1306 = arith.constant 15 : i32
      %mul3A_1307 = arith.constant 16 : i32
      %mul3A_1308 = arith.muli %mul3A_1306, %mul3A_1307 : i32
      %add3A_1309 = arith.constant 10 : i32
      %add3A_1310 = arith.addi %mul3A_1308, %add3A_1309 : i32
      %get3A_1311 = arith.constant 10 : i32
      %get3A_1312 = arith.index_cast %get3A_1311 : i32 to index
      %get3A_1313 = arith.index_cast %scan3A_664#10 : i32 to index
      %get3A_1314 = arith.constant 0 : index
      %get3A_1315 = tpu.vector_load %arg6[%get3A_1312, %get3A_1313, %get3A_1314] {strides = array<i32>} : memref<16x8x64xf32, #tpu.memory_space<vmem>>, vector<16xf32>,
      %swap3A_1316 = arith.index_cast %rem3A_46 : i32 to index
      %swap3A_1317 = arith.index_cast %add3A_1310 : i32 to index
      %swap3A_1318 = arith.constant 0 : index
      %swap3A_1319 = tpu.vector_load %arg7[%swap3A_1316, %swap3A_1317, %swap3A_1318] {strides = array<i32>} : memref<2x256x64xf32, #tpu.memory_space<vmem>>, vector<16xf32>,
      tpu.vector_store %arg7[%swap3A_1316, %swap3A_1317, %swap3A_1318], %get3A_1315 {strides = array<i32>} : memref<2x256x64xf32, #tpu.memory_space<vmem>>, vector<16xf32>,
      %get3A_1320 = arith.constant 10 : i32
      %get3A_1321 = arith.index_cast %get3A_1320 : i32 to index
      %get3A_1322 = arith.index_cast %scan3A_664#10 : i32 to index
      %get3A_1323 = arith.constant 16 : index
      %get3A_1324 = tpu.vector_load %arg6[%get3A_1321, %get3A_1322, %get3A_1323] {strides = array<i32>} : memref<16x8x64xf32, #tpu.memory_space<vmem>>, vector<16xf32>,
      %swap3A_1325 = arith.index_cast %rem3A_46 : i32 to index
      %swap3A_1326 = arith.index_cast %add3A_1310 : i32 to index
      %swap3A_1327 = arith.constant 16 : index
      %swap3A_1328 = tpu.vector_load %arg7[%swap3A_1325, %swap3A_1326, %swap3A_1327] {strides = array<i32>} : memref<2x256x64xf32, #tpu.memory_space<vmem>>, vector<16xf32>,
      tpu.vector_store %arg7[%swap3A_1325, %swap3A_1326, %swap3A_1327], %get3A_1324 {strides = array<i32>} : memref<2x256x64xf32, #tpu.memory_space<vmem>>, vector<16xf32>,
      %get3A_1329 = arith.constant 10 : i32
      %get3A_1330 = arith.index_cast %get3A_1329 : i32 to index
      %get3A_1331 = arith.index_cast %scan3A_664#10 : i32 to index
      %get3A_1332 = arith.constant 32 : index
      %get3A_1333 = tpu.vector_load %arg6[%get3A_1330, %get3A_1331, %get3A_1332] {strides = array<i32>} : memref<16x8x64xf32, #tpu.memory_space<vmem>>, vector<16xf32>,
      %swap3A_1334 = arith.index_cast %rem3A_46 : i32 to index
      %swap3A_1335 = arith.index_cast %add3A_1310 : i32 to index
      %swap3A_1336 = arith.constant 32 : index
      %swap3A_1337 = tpu.vector_load %arg7[%swap3A_1334, %swap3A_1335, %swap3A_1336] {strides = array<i32>} : memref<2x256x64xf32, #tpu.memory_space<vmem>>, vector<16xf32>,
      tpu.vector_store %arg7[%swap3A_1334, %swap3A_1335, %swap3A_1336], %get3A_1333 {strides = array<i32>} : memref<2x256x64xf32, #tpu.memory_space<vmem>>, vector<16xf32>,
      %get3A_1338 = arith.constant 10 : i32
      %get3A_1339 = arith.index_cast %get3A_1338 : i32 to index
      %get3A_1340 = arith.index_cast %scan3A_664#10 : i32 to index
      %get3A_1341 = arith.constant 48 : index
      %get3A_1342 = tpu.vector_load %arg6[%get3A_1339, %get3A_1340, %get3A_1341] {strides = array<i32>} : memref<16x8x64xf32, #tpu.memory_space<vmem>>, vector<16xf32>,
      %swap3A_1343 = arith.index_cast %rem3A_46 : i32 to index
      %swap3A_1344 = arith.index_cast %add3A_1310 : i32 to index
      %swap3A_1345 = arith.constant 48 : index
      %swap3A_1346 = tpu.vector_load %arg7[%swap3A_1343, %swap3A_1344, %swap3A_1345] {strides = array<i32>} : memref<2x256x64xf32, #tpu.memory_space<vmem>>, vector<16xf32>,
      tpu.vector_store %arg7[%swap3A_1343, %swap3A_1344, %swap3A_1345], %get3A_1342 {strides = array<i32>} : memref<2x256x64xf32, #tpu.memory_space<vmem>>, vector<16xf32>,
      %dma_wait3A_1347 = arith.constant 0 : i32
      %dma_wait3A_1348 = arith.constant 11 : i32
      %dma_wait3A_1349 = arith.constant 11 : i32
      %dma_wait3A_1350 = arith.constant 0 : i32
      %dma_wait3A_1351 = arith.constant 0 : i32
      %dma_wait3A_1352 = tpu.memref_slice %arg6[%dma_wait3A_1348, %dma_wait3A_1350, %dma_wait3A_1351] : memref<16x8x64xf32, #tpu.memory_space<vmem>> -> memref<1x8x64xf32, #tpu.memory_space<vmem>>
      %dma_wait3A_1353 = tpu.memref_squeeze %dma_wait3A_1352 : memref<1x8x64xf32, #tpu.memory_space<vmem>> -> memref<8x64xf32, #tpu.memory_space<vmem>>
      %dma_wait3A_1354 = arith.constant 0 : i32
      %dma_wait3A_1355 = arith.constant 0 : i32
      %dma_wait3A_1356 = tpu.memref_slice %arg3[%dma_wait3A_1347, %dma_wait3A_1354, %dma_wait3A_1355] : memref<325000x8x64xf32, #tpu.memory_space<hbm>> -> memref<1x8x64xf32, #tpu.memory_space<hbm>>
      %dma_wait3A_1357 = tpu.memref_squeeze %dma_wait3A_1356 : memref<1x8x64xf32, #tpu.memory_space<hbm>> -> memref<8x64xf32, #tpu.memory_space<hbm>>
      %dma_wait3A_1358 = tpu.memref_slice %arg8[%dma_wait3A_1349] : memref<16x!tpu.dma_semaphore, #tpu.memory_space<semaphore_mem>> -> memref<1x!tpu.dma_semaphore, #tpu.memory_space<semaphore_mem>>
      %dma_wait3A_1359 = tpu.memref_squeeze %dma_wait3A_1358 : memref<1x!tpu.dma_semaphore, #tpu.memory_space<semaphore_mem>> -> memref<!tpu.dma_semaphore, #tpu.memory_space<semaphore_mem>>
      %dma_wait3A_1360 = arith.constant 0 : i32
      %dma_wait3A_1361 = arith.constant 0 : i32
      %dma_wait3A_1362 = tpu.memref_slice %arg6[%dma_wait3A_1348, %dma_wait3A_1360, %dma_wait3A_1361] : memref<16x8x64xf32, #tpu.memory_space<vmem>> -> memref<1x8x64xf32, #tpu.memory_space<vmem>>
      %dma_wait3A_1363 = tpu.memref_squeeze %dma_wait3A_1362 : memref<1x8x64xf32, #tpu.memory_space<vmem>> -> memref<8x64xf32, #tpu.memory_space<vmem>>
      %dma_wait3A_1364 = arith.constant 0 : i32
      %dma_wait3A_1365 = arith.constant 0 : i32
      %dma_wait3A_1366 = tpu.memref_slice %arg3[%dma_wait3A_1347, %dma_wait3A_1364, %dma_wait3A_1365] : memref<325000x8x64xf32, #tpu.memory_space<hbm>> -> memref<1x8x64xf32, #tpu.memory_space<hbm>>
      %dma_wait3A_1367 = tpu.memref_squeeze %dma_wait3A_1366 : memref<1x8x64xf32, #tpu.memory_space<hbm>> -> memref<8x64xf32, #tpu.memory_space<hbm>>
      tpu.wait_dma2 semaphore(%dma_wait3A_1359 : memref<!tpu.dma_semaphore, #tpu.memory_space<semaphore_mem>>) src(%dma_wait3A_1367 : memref<8x64xf32, #tpu.memory_space<hbm>>) dst(%dma_wait3A_1363 : memref<8x64xf32, #tpu.memory_space<vmem>>)
      %mul3A_1368 = arith.constant 15 : i32
      %mul3A_1369 = arith.constant 16 : i32
      %mul3A_1370 = arith.muli %mul3A_1368, %mul3A_1369 : i32
      %add3A_1371 = arith.constant 11 : i32
      %add3A_1372 = arith.addi %mul3A_1370, %add3A_1371 : i32
      %get3A_1373 = arith.constant 11 : i32
      %get3A_1374 = arith.index_cast %get3A_1373 : i32 to index
      %get3A_1375 = arith.index_cast %scan3A_664#11 : i32 to index
      %get3A_1376 = arith.constant 0 : index
      %get3A_1377 = tpu.vector_load %arg6[%get3A_1374, %get3A_1375, %get3A_1376] {strides = array<i32>} : memref<16x8x64xf32, #tpu.memory_space<vmem>>, vector<16xf32>,
      %swap3A_1378 = arith.index_cast %rem3A_46 : i32 to index
      %swap3A_1379 = arith.index_cast %add3A_1372 : i32 to index
      %swap3A_1380 = arith.constant 0 : index
      %swap3A_1381 = tpu.vector_load %arg7[%swap3A_1378, %swap3A_1379, %swap3A_1380] {strides = array<i32>} : memref<2x256x64xf32, #tpu.memory_space<vmem>>, vector<16xf32>,
      tpu.vector_store %arg7[%swap3A_1378, %swap3A_1379, %swap3A_1380], %get3A_1377 {strides = array<i32>} : memref<2x256x64xf32, #tpu.memory_space<vmem>>, vector<16xf32>,
      %get3A_1382 = arith.constant 11 : i32
      %get3A_1383 = arith.index_cast %get3A_1382 : i32 to index
      %get3A_1384 = arith.index_cast %scan3A_664#11 : i32 to index
      %get3A_1385 = arith.constant 16 : index
      %get3A_1386 = tpu.vector_load %arg6[%get3A_1383, %get3A_1384, %get3A_1385] {strides = array<i32>} : memref<16x8x64xf32, #tpu.memory_space<vmem>>, vector<16xf32>,
      %swap3A_1387 = arith.index_cast %rem3A_46 : i32 to index
      %swap3A_1388 = arith.index_cast %add3A_1372 : i32 to index
      %swap3A_1389 = arith.constant 16 : index
      %swap3A_1390 = tpu.vector_load %arg7[%swap3A_1387, %swap3A_1388, %swap3A_1389] {strides = array<i32>} : memref<2x256x64xf32, #tpu.memory_space<vmem>>, vector<16xf32>,
      tpu.vector_store %arg7[%swap3A_1387, %swap3A_1388, %swap3A_1389], %get3A_1386 {strides = array<i32>} : memref<2x256x64xf32, #tpu.memory_space<vmem>>, vector<16xf32>,
      %get3A_1391 = arith.constant 11 : i32
      %get3A_1392 = arith.index_cast %get3A_1391 : i32 to index
      %get3A_1393 = arith.index_cast %scan3A_664#11 : i32 to index
      %get3A_1394 = arith.constant 32 : index
      %get3A_1395 = tpu.vector_load %arg6[%get3A_1392, %get3A_1393, %get3A_1394] {strides = array<i32>} : memref<16x8x64xf32, #tpu.memory_space<vmem>>, vector<16xf32>,
      %swap3A_1396 = arith.index_cast %rem3A_46 : i32 to index
      %swap3A_1397 = arith.index_cast %add3A_1372 : i32 to index
      %swap3A_1398 = arith.constant 32 : index
      %swap3A_1399 = tpu.vector_load %arg7[%swap3A_1396, %swap3A_1397, %swap3A_1398] {strides = array<i32>} : memref<2x256x64xf32, #tpu.memory_space<vmem>>, vector<16xf32>,
      tpu.vector_store %arg7[%swap3A_1396, %swap3A_1397, %swap3A_1398], %get3A_1395 {strides = array<i32>} : memref<2x256x64xf32, #tpu.memory_space<vmem>>, vector<16xf32>,
      %get3A_1400 = arith.constant 11 : i32
      %get3A_1401 = arith.index_cast %get3A_1400 : i32 to index
      %get3A_1402 = arith.index_cast %scan3A_664#11 : i32 to index
      %get3A_1403 = arith.constant 48 : index
      %get3A_1404 = tpu.vector_load %arg6[%get3A_1401, %get3A_1402, %get3A_1403] {strides = array<i32>} : memref<16x8x64xf32, #tpu.memory_space<vmem>>, vector<16xf32>,
      %swap3A_1405 = arith.index_cast %rem3A_46 : i32 to index
      %swap3A_1406 = arith.index_cast %add3A_1372 : i32 to index
      %swap3A_1407 = arith.constant 48 : index
      %swap3A_1408 = tpu.vector_load %arg7[%swap3A_1405, %swap3A_1406, %swap3A_1407] {strides = array<i32>} : memref<2x256x64xf32, #tpu.memory_space<vmem>>, vector<16xf32>,
      tpu.vector_store %arg7[%swap3A_1405, %swap3A_1406, %swap3A_1407], %get3A_1404 {strides = array<i32>} : memref<2x256x64xf32, #tpu.memory_space<vmem>>, vector<16xf32>,
      %dma_wait3A_1409 = arith.constant 0 : i32
      %dma_wait3A_1410 = arith.constant 12 : i32
      %dma_wait3A_1411 = arith.constant 12 : i32
      %dma_wait3A_1412 = arith.constant 0 : i32
      %dma_wait3A_1413 = arith.constant 0 : i32
      %dma_wait3A_1414 = tpu.memref_slice %arg6[%dma_wait3A_1410, %dma_wait3A_1412, %dma_wait3A_1413] : memref<16x8x64xf32, #tpu.memory_space<vmem>> -> memref<1x8x64xf32, #tpu.memory_space<vmem>>
      %dma_wait3A_1415 = tpu.memref_squeeze %dma_wait3A_1414 : memref<1x8x64xf32, #tpu.memory_space<vmem>> -> memref<8x64xf32, #tpu.memory_space<vmem>>
      %dma_wait3A_1416 = arith.constant 0 : i32
      %dma_wait3A_1417 = arith.constant 0 : i32
      %dma_wait3A_1418 = tpu.memref_slice %arg3[%dma_wait3A_1409, %dma_wait3A_1416, %dma_wait3A_1417] : memref<325000x8x64xf32, #tpu.memory_space<hbm>> -> memref<1x8x64xf32, #tpu.memory_space<hbm>>
      %dma_wait3A_1419 = tpu.memref_squeeze %dma_wait3A_1418 : memref<1x8x64xf32, #tpu.memory_space<hbm>> -> memref<8x64xf32, #tpu.memory_space<hbm>>
      %dma_wait3A_1420 = tpu.memref_slice %arg8[%dma_wait3A_1411] : memref<16x!tpu.dma_semaphore, #tpu.memory_space<semaphore_mem>> -> memref<1x!tpu.dma_semaphore, #tpu.memory_space<semaphore_mem>>
      %dma_wait3A_1421 = tpu.memref_squeeze %dma_wait3A_1420 : memref<1x!tpu.dma_semaphore, #tpu.memory_space<semaphore_mem>> -> memref<!tpu.dma_semaphore, #tpu.memory_space<semaphore_mem>>
      %dma_wait3A_1422 = arith.constant 0 : i32
      %dma_wait3A_1423 = arith.constant 0 : i32
      %dma_wait3A_1424 = tpu.memref_slice %arg6[%dma_wait3A_1410, %dma_wait3A_1422, %dma_wait3A_1423] : memref<16x8x64xf32, #tpu.memory_space<vmem>> -> memref<1x8x64xf32, #tpu.memory_space<vmem>>
      %dma_wait3A_1425 = tpu.memref_squeeze %dma_wait3A_1424 : memref<1x8x64xf32, #tpu.memory_space<vmem>> -> memref<8x64xf32, #tpu.memory_space<vmem>>
      %dma_wait3A_1426 = arith.constant 0 : i32
      %dma_wait3A_1427 = arith.constant 0 : i32
      %dma_wait3A_1428 = tpu.memref_slice %arg3[%dma_wait3A_1409, %dma_wait3A_1426, %dma_wait3A_1427] : memref<325000x8x64xf32, #tpu.memory_space<hbm>> -> memref<1x8x64xf32, #tpu.memory_space<hbm>>
      %dma_wait3A_1429 = tpu.memref_squeeze %dma_wait3A_1428 : memref<1x8x64xf32, #tpu.memory_space<hbm>> -> memref<8x64xf32, #tpu.memory_space<hbm>>
      tpu.wait_dma2 semaphore(%dma_wait3A_1421 : memref<!tpu.dma_semaphore, #tpu.memory_space<semaphore_mem>>) src(%dma_wait3A_1429 : memref<8x64xf32, #tpu.memory_space<hbm>>) dst(%dma_wait3A_1425 : memref<8x64xf32, #tpu.memory_space<vmem>>)
      %mul3A_1430 = arith.constant 15 : i32
      %mul3A_1431 = arith.constant 16 : i32
      %mul3A_1432 = arith.muli %mul3A_1430, %mul3A_1431 : i32
      %add3A_1433 = arith.constant 12 : i32
      %add3A_1434 = arith.addi %mul3A_1432, %add3A_1433 : i32
      %get3A_1435 = arith.constant 12 : i32
      %get3A_1436 = arith.index_cast %get3A_1435 : i32 to index
      %get3A_1437 = arith.index_cast %scan3A_664#12 : i32 to index
      %get3A_1438 = arith.constant 0 : index
      %get3A_1439 = tpu.vector_load %arg6[%get3A_1436, %get3A_1437, %get3A_1438] {strides = array<i32>} : memref<16x8x64xf32, #tpu.memory_space<vmem>>, vector<16xf32>,
      %swap3A_1440 = arith.index_cast %rem3A_46 : i32 to index
      %swap3A_1441 = arith.index_cast %add3A_1434 : i32 to index
      %swap3A_1442 = arith.constant 0 : index
      %swap3A_1443 = tpu.vector_load %arg7[%swap3A_1440, %swap3A_1441, %swap3A_1442] {strides = array<i32>} : memref<2x256x64xf32, #tpu.memory_space<vmem>>, vector<16xf32>,
      tpu.vector_store %arg7[%swap3A_1440, %swap3A_1441, %swap3A_1442], %get3A_1439 {strides = array<i32>} : memref<2x256x64xf32, #tpu.memory_space<vmem>>, vector<16xf32>,
      %get3A_1444 = arith.constant 12 : i32
      %get3A_1445 = arith.index_cast %get3A_1444 : i32 to index
      %get3A_1446 = arith.index_cast %scan3A_664#12 : i32 to index
      %get3A_1447 = arith.constant 16 : index
      %get3A_1448 = tpu.vector_load %arg6[%get3A_1445, %get3A_1446, %get3A_1447] {strides = array<i32>} : memref<16x8x64xf32, #tpu.memory_space<vmem>>, vector<16xf32>,
      %swap3A_1449 = arith.index_cast %rem3A_46 : i32 to index
      %swap3A_1450 = arith.index_cast %add3A_1434 : i32 to index
      %swap3A_1451 = arith.constant 16 : index
      %swap3A_1452 = tpu.vector_load %arg7[%swap3A_1449, %swap3A_1450, %swap3A_1451] {strides = array<i32>} : memref<2x256x64xf32, #tpu.memory_space<vmem>>, vector<16xf32>,
      tpu.vector_store %arg7[%swap3A_1449, %swap3A_1450, %swap3A_1451], %get3A_1448 {strides = array<i32>} : memref<2x256x64xf32, #tpu.memory_space<vmem>>, vector<16xf32>,
      %get3A_1453 = arith.constant 12 : i32
      %get3A_1454 = arith.index_cast %get3A_1453 : i32 to index
      %get3A_1455 = arith.index_cast %scan3A_664#12 : i32 to index
      %get3A_1456 = arith.constant 32 : index
      %get3A_1457 = tpu.vector_load %arg6[%get3A_1454, %get3A_1455, %get3A_1456] {strides = array<i32>} : memref<16x8x64xf32, #tpu.memory_space<vmem>>, vector<16xf32>,
      %swap3A_1458 = arith.index_cast %rem3A_46 : i32 to index
      %swap3A_1459 = arith.index_cast %add3A_1434 : i32 to index
      %swap3A_1460 = arith.constant 32 : index
      %swap3A_1461 = tpu.vector_load %arg7[%swap3A_1458, %swap3A_1459, %swap3A_1460] {strides = array<i32>} : memref<2x256x64xf32, #tpu.memory_space<vmem>>, vector<16xf32>,
      tpu.vector_store %arg7[%swap3A_1458, %swap3A_1459, %swap3A_1460], %get3A_1457 {strides = array<i32>} : memref<2x256x64xf32, #tpu.memory_space<vmem>>, vector<16xf32>,
      %get3A_1462 = arith.constant 12 : i32
      %get3A_1463 = arith.index_cast %get3A_1462 : i32 to index
      %get3A_1464 = arith.index_cast %scan3A_664#12 : i32 to index
      %get3A_1465 = arith.constant 48 : index
      %get3A_1466 = tpu.vector_load %arg6[%get3A_1463, %get3A_1464, %get3A_1465] {strides = array<i32>} : memref<16x8x64xf32, #tpu.memory_space<vmem>>, vector<16xf32>,
      %swap3A_1467 = arith.index_cast %rem3A_46 : i32 to index
      %swap3A_1468 = arith.index_cast %add3A_1434 : i32 to index
      %swap3A_1469 = arith.constant 48 : index
      %swap3A_1470 = tpu.vector_load %arg7[%swap3A_1467, %swap3A_1468, %swap3A_1469] {strides = array<i32>} : memref<2x256x64xf32, #tpu.memory_space<vmem>>, vector<16xf32>,
      tpu.vector_store %arg7[%swap3A_1467, %swap3A_1468, %swap3A_1469], %get3A_1466 {strides = array<i32>} : memref<2x256x64xf32, #tpu.memory_space<vmem>>, vector<16xf32>,
      %dma_wait3A_1471 = arith.constant 0 : i32
      %dma_wait3A_1472 = arith.constant 13 : i32
      %dma_wait3A_1473 = arith.constant 13 : i32
      %dma_wait3A_1474 = arith.constant 0 : i32
      %dma_wait3A_1475 = arith.constant 0 : i32
      %dma_wait3A_1476 = tpu.memref_slice %arg6[%dma_wait3A_1472, %dma_wait3A_1474, %dma_wait3A_1475] : memref<16x8x64xf32, #tpu.memory_space<vmem>> -> memref<1x8x64xf32, #tpu.memory_space<vmem>>
      %dma_wait3A_1477 = tpu.memref_squeeze %dma_wait3A_1476 : memref<1x8x64xf32, #tpu.memory_space<vmem>> -> memref<8x64xf32, #tpu.memory_space<vmem>>
      %dma_wait3A_1478 = arith.constant 0 : i32
      %dma_wait3A_1479 = arith.constant 0 : i32
      %dma_wait3A_1480 = tpu.memref_slice %arg3[%dma_wait3A_1471, %dma_wait3A_1478, %dma_wait3A_1479] : memref<325000x8x64xf32, #tpu.memory_space<hbm>> -> memref<1x8x64xf32, #tpu.memory_space<hbm>>
      %dma_wait3A_1481 = tpu.memref_squeeze %dma_wait3A_1480 : memref<1x8x64xf32, #tpu.memory_space<hbm>> -> memref<8x64xf32, #tpu.memory_space<hbm>>
      %dma_wait3A_1482 = tpu.memref_slice %arg8[%dma_wait3A_1473] : memref<16x!tpu.dma_semaphore, #tpu.memory_space<semaphore_mem>> -> memref<1x!tpu.dma_semaphore, #tpu.memory_space<semaphore_mem>>
      %dma_wait3A_1483 = tpu.memref_squeeze %dma_wait3A_1482 : memref<1x!tpu.dma_semaphore, #tpu.memory_space<semaphore_mem>> -> memref<!tpu.dma_semaphore, #tpu.memory_space<semaphore_mem>>
      %dma_wait3A_1484 = arith.constant 0 : i32
      %dma_wait3A_1485 = arith.constant 0 : i32
      %dma_wait3A_1486 = tpu.memref_slice %arg6[%dma_wait3A_1472, %dma_wait3A_1484, %dma_wait3A_1485] : memref<16x8x64xf32, #tpu.memory_space<vmem>> -> memref<1x8x64xf32, #tpu.memory_space<vmem>>
      %dma_wait3A_1487 = tpu.memref_squeeze %dma_wait3A_1486 : memref<1x8x64xf32, #tpu.memory_space<vmem>> -> memref<8x64xf32, #tpu.memory_space<vmem>>
      %dma_wait3A_1488 = arith.constant 0 : i32
      %dma_wait3A_1489 = arith.constant 0 : i32
      %dma_wait3A_1490 = tpu.memref_slice %arg3[%dma_wait3A_1471, %dma_wait3A_1488, %dma_wait3A_1489] : memref<325000x8x64xf32, #tpu.memory_space<hbm>> -> memref<1x8x64xf32, #tpu.memory_space<hbm>>
      %dma_wait3A_1491 = tpu.memref_squeeze %dma_wait3A_1490 : memref<1x8x64xf32, #tpu.memory_space<hbm>> -> memref<8x64xf32, #tpu.memory_space<hbm>>
      tpu.wait_dma2 semaphore(%dma_wait3A_1483 : memref<!tpu.dma_semaphore, #tpu.memory_space<semaphore_mem>>) src(%dma_wait3A_1491 : memref<8x64xf32, #tpu.memory_space<hbm>>) dst(%dma_wait3A_1487 : memref<8x64xf32, #tpu.memory_space<vmem>>)
      %mul3A_1492 = arith.constant 15 : i32
      %mul3A_1493 = arith.constant 16 : i32
      %mul3A_1494 = arith.muli %mul3A_1492, %mul3A_1493 : i32
      %add3A_1495 = arith.constant 13 : i32
      %add3A_1496 = arith.addi %mul3A_1494, %add3A_1495 : i32
      %get3A_1497 = arith.constant 13 : i32
      %get3A_1498 = arith.index_cast %get3A_1497 : i32 to index
      %get3A_1499 = arith.index_cast %scan3A_664#13 : i32 to index
      %get3A_1500 = arith.constant 0 : index
      %get3A_1501 = tpu.vector_load %arg6[%get3A_1498, %get3A_1499, %get3A_1500] {strides = array<i32>} : memref<16x8x64xf32, #tpu.memory_space<vmem>>, vector<16xf32>,
      %swap3A_1502 = arith.index_cast %rem3A_46 : i32 to index
      %swap3A_1503 = arith.index_cast %add3A_1496 : i32 to index
      %swap3A_1504 = arith.constant 0 : index
      %swap3A_1505 = tpu.vector_load %arg7[%swap3A_1502, %swap3A_1503, %swap3A_1504] {strides = array<i32>} : memref<2x256x64xf32, #tpu.memory_space<vmem>>, vector<16xf32>,
      tpu.vector_store %arg7[%swap3A_1502, %swap3A_1503, %swap3A_1504], %get3A_1501 {strides = array<i32>} : memref<2x256x64xf32, #tpu.memory_space<vmem>>, vector<16xf32>,
      %get3A_1506 = arith.constant 13 : i32
      %get3A_1507 = arith.index_cast %get3A_1506 : i32 to index
      %get3A_1508 = arith.index_cast %scan3A_664#13 : i32 to index
      %get3A_1509 = arith.constant 16 : index
      %get3A_1510 = tpu.vector_load %arg6[%get3A_1507, %get3A_1508, %get3A_1509] {strides = array<i32>} : memref<16x8x64xf32, #tpu.memory_space<vmem>>, vector<16xf32>,
      %swap3A_1511 = arith.index_cast %rem3A_46 : i32 to index
      %swap3A_1512 = arith.index_cast %add3A_1496 : i32 to index
      %swap3A_1513 = arith.constant 16 : index
      %swap3A_1514 = tpu.vector_load %arg7[%swap3A_1511, %swap3A_1512, %swap3A_1513] {strides = array<i32>} : memref<2x256x64xf32, #tpu.memory_space<vmem>>, vector<16xf32>,
      tpu.vector_store %arg7[%swap3A_1511, %swap3A_1512, %swap3A_1513], %get3A_1510 {strides = array<i32>} : memref<2x256x64xf32, #tpu.memory_space<vmem>>, vector<16xf32>,
      %get3A_1515 = arith.constant 13 : i32
      %get3A_1516 = arith.index_cast %get3A_1515 : i32 to index
      %get3A_1517 = arith.index_cast %scan3A_664#13 : i32 to index
      %get3A_1518 = arith.constant 32 : index
      %get3A_1519 = tpu.vector_load %arg6[%get3A_1516, %get3A_1517, %get3A_1518] {strides = array<i32>} : memref<16x8x64xf32, #tpu.memory_space<vmem>>, vector<16xf32>,
      %swap3A_1520 = arith.index_cast %rem3A_46 : i32 to index
      %swap3A_1521 = arith.index_cast %add3A_1496 : i32 to index
      %swap3A_1522 = arith.constant 32 : index
      %swap3A_1523 = tpu.vector_load %arg7[%swap3A_1520, %swap3A_1521, %swap3A_1522] {strides = array<i32>} : memref<2x256x64xf32, #tpu.memory_space<vmem>>, vector<16xf32>,
      tpu.vector_store %arg7[%swap3A_1520, %swap3A_1521, %swap3A_1522], %get3A_1519 {strides = array<i32>} : memref<2x256x64xf32, #tpu.memory_space<vmem>>, vector<16xf32>,
      %get3A_1524 = arith.constant 13 : i32
      %get3A_1525 = arith.index_cast %get3A_1524 : i32 to index
      %get3A_1526 = arith.index_cast %scan3A_664#13 : i32 to index
      %get3A_1527 = arith.constant 48 : index
      %get3A_1528 = tpu.vector_load %arg6[%get3A_1525, %get3A_1526, %get3A_1527] {strides = array<i32>} : memref<16x8x64xf32, #tpu.memory_space<vmem>>, vector<16xf32>,
      %swap3A_1529 = arith.index_cast %rem3A_46 : i32 to index
      %swap3A_1530 = arith.index_cast %add3A_1496 : i32 to index
      %swap3A_1531 = arith.constant 48 : index
      %swap3A_1532 = tpu.vector_load %arg7[%swap3A_1529, %swap3A_1530, %swap3A_1531] {strides = array<i32>} : memref<2x256x64xf32, #tpu.memory_space<vmem>>, vector<16xf32>,
      tpu.vector_store %arg7[%swap3A_1529, %swap3A_1530, %swap3A_1531], %get3A_1528 {strides = array<i32>} : memref<2x256x64xf32, #tpu.memory_space<vmem>>, vector<16xf32>,
      %dma_wait3A_1533 = arith.constant 0 : i32
      %dma_wait3A_1534 = arith.constant 14 : i32
      %dma_wait3A_1535 = arith.constant 14 : i32
      %dma_wait3A_1536 = arith.constant 0 : i32
      %dma_wait3A_1537 = arith.constant 0 : i32
      %dma_wait3A_1538 = tpu.memref_slice %arg6[%dma_wait3A_1534, %dma_wait3A_1536, %dma_wait3A_1537] : memref<16x8x64xf32, #tpu.memory_space<vmem>> -> memref<1x8x64xf32, #tpu.memory_space<vmem>>
      %dma_wait3A_1539 = tpu.memref_squeeze %dma_wait3A_1538 : memref<1x8x64xf32, #tpu.memory_space<vmem>> -> memref<8x64xf32, #tpu.memory_space<vmem>>
      %dma_wait3A_1540 = arith.constant 0 : i32
      %dma_wait3A_1541 = arith.constant 0 : i32
      %dma_wait3A_1542 = tpu.memref_slice %arg3[%dma_wait3A_1533, %dma_wait3A_1540, %dma_wait3A_1541] : memref<325000x8x64xf32, #tpu.memory_space<hbm>> -> memref<1x8x64xf32, #tpu.memory_space<hbm>>
      %dma_wait3A_1543 = tpu.memref_squeeze %dma_wait3A_1542 : memref<1x8x64xf32, #tpu.memory_space<hbm>> -> memref<8x64xf32, #tpu.memory_space<hbm>>
      %dma_wait3A_1544 = tpu.memref_slice %arg8[%dma_wait3A_1535] : memref<16x!tpu.dma_semaphore, #tpu.memory_space<semaphore_mem>> -> memref<1x!tpu.dma_semaphore, #tpu.memory_space<semaphore_mem>>
      %dma_wait3A_1545 = tpu.memref_squeeze %dma_wait3A_1544 : memref<1x!tpu.dma_semaphore, #tpu.memory_space<semaphore_mem>> -> memref<!tpu.dma_semaphore, #tpu.memory_space<semaphore_mem>>
      %dma_wait3A_1546 = arith.constant 0 : i32
      %dma_wait3A_1547 = arith.constant 0 : i32
      %dma_wait3A_1548 = tpu.memref_slice %arg6[%dma_wait3A_1534, %dma_wait3A_1546, %dma_wait3A_1547] : memref<16x8x64xf32, #tpu.memory_space<vmem>> -> memref<1x8x64xf32, #tpu.memory_space<vmem>>
      %dma_wait3A_1549 = tpu.memref_squeeze %dma_wait3A_1548 : memref<1x8x64xf32, #tpu.memory_space<vmem>> -> memref<8x64xf32, #tpu.memory_space<vmem>>
      %dma_wait3A_1550 = arith.constant 0 : i32
      %dma_wait3A_1551 = arith.constant 0 : i32
      %dma_wait3A_1552 = tpu.memref_slice %arg3[%dma_wait3A_1533, %dma_wait3A_1550, %dma_wait3A_1551] : memref<325000x8x64xf32, #tpu.memory_space<hbm>> -> memref<1x8x64xf32, #tpu.memory_space<hbm>>
      %dma_wait3A_1553 = tpu.memref_squeeze %dma_wait3A_1552 : memref<1x8x64xf32, #tpu.memory_space<hbm>> -> memref<8x64xf32, #tpu.memory_space<hbm>>
      tpu.wait_dma2 semaphore(%dma_wait3A_1545 : memref<!tpu.dma_semaphore, #tpu.memory_space<semaphore_mem>>) src(%dma_wait3A_1553 : memref<8x64xf32, #tpu.memory_space<hbm>>) dst(%dma_wait3A_1549 : memref<8x64xf32, #tpu.memory_space<vmem>>)
      %mul3A_1554 = arith.constant 15 : i32
      %mul3A_1555 = arith.constant 16 : i32
      %mul3A_1556 = arith.muli %mul3A_1554, %mul3A_1555 : i32
      %add3A_1557 = arith.constant 14 : i32
      %add3A_1558 = arith.addi %mul3A_1556, %add3A_1557 : i32
      %get3A_1559 = arith.constant 14 : i32
      %get3A_1560 = arith.index_cast %get3A_1559 : i32 to index
      %get3A_1561 = arith.index_cast %scan3A_664#14 : i32 to index
      %get3A_1562 = arith.constant 0 : index
      %get3A_1563 = tpu.vector_load %arg6[%get3A_1560, %get3A_1561, %get3A_1562] {strides = array<i32>} : memref<16x8x64xf32, #tpu.memory_space<vmem>>, vector<16xf32>,
      %swap3A_1564 = arith.index_cast %rem3A_46 : i32 to index
      %swap3A_1565 = arith.index_cast %add3A_1558 : i32 to index
      %swap3A_1566 = arith.constant 0 : index
      %swap3A_1567 = tpu.vector_load %arg7[%swap3A_1564, %swap3A_1565, %swap3A_1566] {strides = array<i32>} : memref<2x256x64xf32, #tpu.memory_space<vmem>>, vector<16xf32>,
      tpu.vector_store %arg7[%swap3A_1564, %swap3A_1565, %swap3A_1566], %get3A_1563 {strides = array<i32>} : memref<2x256x64xf32, #tpu.memory_space<vmem>>, vector<16xf32>,
      %get3A_1568 = arith.constant 14 : i32
      %get3A_1569 = arith.index_cast %get3A_1568 : i32 to index
      %get3A_1570 = arith.index_cast %scan3A_664#14 : i32 to index
      %get3A_1571 = arith.constant 16 : index
      %get3A_1572 = tpu.vector_load %arg6[%get3A_1569, %get3A_1570, %get3A_1571] {strides = array<i32>} : memref<16x8x64xf32, #tpu.memory_space<vmem>>, vector<16xf32>,
      %swap3A_1573 = arith.index_cast %rem3A_46 : i32 to index
      %swap3A_1574 = arith.index_cast %add3A_1558 : i32 to index
      %swap3A_1575 = arith.constant 16 : index
      %swap3A_1576 = tpu.vector_load %arg7[%swap3A_1573, %swap3A_1574, %swap3A_1575] {strides = array<i32>} : memref<2x256x64xf32, #tpu.memory_space<vmem>>, vector<16xf32>,
      tpu.vector_store %arg7[%swap3A_1573, %swap3A_1574, %swap3A_1575], %get3A_1572 {strides = array<i32>} : memref<2x256x64xf32, #tpu.memory_space<vmem>>, vector<16xf32>,
      %get3A_1577 = arith.constant 14 : i32
      %get3A_1578 = arith.index_cast %get3A_1577 : i32 to index
      %get3A_1579 = arith.index_cast %scan3A_664#14 : i32 to index
      %get3A_1580 = arith.constant 32 : index
      %get3A_1581 = tpu.vector_load %arg6[%get3A_1578, %get3A_1579, %get3A_1580] {strides = array<i32>} : memref<16x8x64xf32, #tpu.memory_space<vmem>>, vector<16xf32>,
      %swap3A_1582 = arith.index_cast %rem3A_46 : i32 to index
      %swap3A_1583 = arith.index_cast %add3A_1558 : i32 to index
      %swap3A_1584 = arith.constant 32 : index
      %swap3A_1585 = tpu.vector_load %arg7[%swap3A_1582, %swap3A_1583, %swap3A_1584] {strides = array<i32>} : memref<2x256x64xf32, #tpu.memory_space<vmem>>, vector<16xf32>,
      tpu.vector_store %arg7[%swap3A_1582, %swap3A_1583, %swap3A_1584], %get3A_1581 {strides = array<i32>} : memref<2x256x64xf32, #tpu.memory_space<vmem>>, vector<16xf32>,
      %get3A_1586 = arith.constant 14 : i32
      %get3A_1587 = arith.index_cast %get3A_1586 : i32 to index
      %get3A_1588 = arith.index_cast %scan3A_664#14 : i32 to index
      %get3A_1589 = arith.constant 48 : index
      %get3A_1590 = tpu.vector_load %arg6[%get3A_1587, %get3A_1588, %get3A_1589] {strides = array<i32>} : memref<16x8x64xf32, #tpu.memory_space<vmem>>, vector<16xf32>,
      %swap3A_1591 = arith.index_cast %rem3A_46 : i32 to index
      %swap3A_1592 = arith.index_cast %add3A_1558 : i32 to index
      %swap3A_1593 = arith.constant 48 : index
      %swap3A_1594 = tpu.vector_load %arg7[%swap3A_1591, %swap3A_1592, %swap3A_1593] {strides = array<i32>} : memref<2x256x64xf32, #tpu.memory_space<vmem>>, vector<16xf32>,
      tpu.vector_store %arg7[%swap3A_1591, %swap3A_1592, %swap3A_1593], %get3A_1590 {strides = array<i32>} : memref<2x256x64xf32, #tpu.memory_space<vmem>>, vector<16xf32>,
      %dma_wait3A_1595 = arith.constant 0 : i32
      %dma_wait3A_1596 = arith.constant 15 : i32
      %dma_wait3A_1597 = arith.constant 15 : i32
      %dma_wait3A_1598 = arith.constant 0 : i32
      %dma_wait3A_1599 = arith.constant 0 : i32
      %dma_wait3A_1600 = tpu.memref_slice %arg6[%dma_wait3A_1596, %dma_wait3A_1598, %dma_wait3A_1599] : memref<16x8x64xf32, #tpu.memory_space<vmem>> -> memref<1x8x64xf32, #tpu.memory_space<vmem>>
      %dma_wait3A_1601 = tpu.memref_squeeze %dma_wait3A_1600 : memref<1x8x64xf32, #tpu.memory_space<vmem>> -> memref<8x64xf32, #tpu.memory_space<vmem>>
      %dma_wait3A_1602 = arith.constant 0 : i32
      %dma_wait3A_1603 = arith.constant 0 : i32
      %dma_wait3A_1604 = tpu.memref_slice %arg3[%dma_wait3A_1595, %dma_wait3A_1602, %dma_wait3A_1603] : memref<325000x8x64xf32, #tpu.memory_space<hbm>> -> memref<1x8x64xf32, #tpu.memory_space<hbm>>
      %dma_wait3A_1605 = tpu.memref_squeeze %dma_wait3A_1604 : memref<1x8x64xf32, #tpu.memory_space<hbm>> -> memref<8x64xf32, #tpu.memory_space<hbm>>
      %dma_wait3A_1606 = tpu.memref_slice %arg8[%dma_wait3A_1597] : memref<16x!tpu.dma_semaphore, #tpu.memory_space<semaphore_mem>> -> memref<1x!tpu.dma_semaphore, #tpu.memory_space<semaphore_mem>>
      %dma_wait3A_1607 = tpu.memref_squeeze %dma_wait3A_1606 : memref<1x!tpu.dma_semaphore, #tpu.memory_space<semaphore_mem>> -> memref<!tpu.dma_semaphore, #tpu.memory_space<semaphore_mem>>
      %dma_wait3A_1608 = arith.constant 0 : i32
      %dma_wait3A_1609 = arith.constant 0 : i32
      %dma_wait3A_1610 = tpu.memref_slice %arg6[%dma_wait3A_1596, %dma_wait3A_1608, %dma_wait3A_1609] : memref<16x8x64xf32, #tpu.memory_space<vmem>> -> memref<1x8x64xf32, #tpu.memory_space<vmem>>
      %dma_wait3A_1611 = tpu.memref_squeeze %dma_wait3A_1610 : memref<1x8x64xf32, #tpu.memory_space<vmem>> -> memref<8x64xf32, #tpu.memory_space<vmem>>
      %dma_wait3A_1612 = arith.constant 0 : i32
      %dma_wait3A_1613 = arith.constant 0 : i32
      %dma_wait3A_1614 = tpu.memref_slice %arg3[%dma_wait3A_1595, %dma_wait3A_1612, %dma_wait3A_1613] : memref<325000x8x64xf32, #tpu.memory_space<hbm>> -> memref<1x8x64xf32, #tpu.memory_space<hbm>>
      %dma_wait3A_1615 = tpu.memref_squeeze %dma_wait3A_1614 : memref<1x8x64xf32, #tpu.memory_space<hbm>> -> memref<8x64xf32, #tpu.memory_space<hbm>>
      tpu.wait_dma2 semaphore(%dma_wait3A_1607 : memref<!tpu.dma_semaphore, #tpu.memory_space<semaphore_mem>>) src(%dma_wait3A_1615 : memref<8x64xf32, #tpu.memory_space<hbm>>) dst(%dma_wait3A_1611 : memref<8x64xf32, #tpu.memory_space<vmem>>)
      %mul3A_1616 = arith.constant 15 : i32
      %mul3A_1617 = arith.constant 16 : i32
      %mul3A_1618 = arith.muli %mul3A_1616, %mul3A_1617 : i32
      %add3A_1619 = arith.constant 15 : i32
      %add3A_1620 = arith.addi %mul3A_1618, %add3A_1619 : i32
      %get3A_1621 = arith.constant 15 : i32
      %get3A_1622 = arith.index_cast %get3A_1621 : i32 to index
      %get3A_1623 = arith.index_cast %scan3A_664#15 : i32 to index
      %get3A_1624 = arith.constant 0 : index
      %get3A_1625 = tpu.vector_load %arg6[%get3A_1622, %get3A_1623, %get3A_1624] {strides = array<i32>} : memref<16x8x64xf32, #tpu.memory_space<vmem>>, vector<16xf32>,
      %swap3A_1626 = arith.index_cast %rem3A_46 : i32 to index
      %swap3A_1627 = arith.index_cast %add3A_1620 : i32 to index
      %swap3A_1628 = arith.constant 0 : index
      %swap3A_1629 = tpu.vector_load %arg7[%swap3A_1626, %swap3A_1627, %swap3A_1628] {strides = array<i32>} : memref<2x256x64xf32, #tpu.memory_space<vmem>>, vector<16xf32>,
      tpu.vector_store %arg7[%swap3A_1626, %swap3A_1627, %swap3A_1628], %get3A_1625 {strides = array<i32>} : memref<2x256x64xf32, #tpu.memory_space<vmem>>, vector<16xf32>,
      %get3A_1630 = arith.constant 15 : i32
      %get3A_1631 = arith.index_cast %get3A_1630 : i32 to index
      %get3A_1632 = arith.index_cast %scan3A_664#15 : i32 to index
      %get3A_1633 = arith.constant 16 : index
      %get3A_1634 = tpu.vector_load %arg6[%get3A_1631, %get3A_1632, %get3A_1633] {strides = array<i32>} : memref<16x8x64xf32, #tpu.memory_space<vmem>>, vector<16xf32>,
      %swap3A_1635 = arith.index_cast %rem3A_46 : i32 to index
      %swap3A_1636 = arith.index_cast %add3A_1620 : i32 to index
      %swap3A_1637 = arith.constant 16 : index
      %swap3A_1638 = tpu.vector_load %arg7[%swap3A_1635, %swap3A_1636, %swap3A_1637] {strides = array<i32>} : memref<2x256x64xf32, #tpu.memory_space<vmem>>, vector<16xf32>,
      tpu.vector_store %arg7[%swap3A_1635, %swap3A_1636, %swap3A_1637], %get3A_1634 {strides = array<i32>} : memref<2x256x64xf32, #tpu.memory_space<vmem>>, vector<16xf32>,
      %get3A_1639 = arith.constant 15 : i32
      %get3A_1640 = arith.index_cast %get3A_1639 : i32 to index
      %get3A_1641 = arith.index_cast %scan3A_664#15 : i32 to index
      %get3A_1642 = arith.constant 32 : index
      %get3A_1643 = tpu.vector_load %arg6[%get3A_1640, %get3A_1641, %get3A_1642] {strides = array<i32>} : memref<16x8x64xf32, #tpu.memory_space<vmem>>, vector<16xf32>,
      %swap3A_1644 = arith.index_cast %rem3A_46 : i32 to index
      %swap3A_1645 = arith.index_cast %add3A_1620 : i32 to index
      %swap3A_1646 = arith.constant 32 : index
      %swap3A_1647 = tpu.vector_load %arg7[%swap3A_1644, %swap3A_1645, %swap3A_1646] {strides = array<i32>} : memref<2x256x64xf32, #tpu.memory_space<vmem>>, vector<16xf32>,
      tpu.vector_store %arg7[%swap3A_1644, %swap3A_1645, %swap3A_1646], %get3A_1643 {strides = array<i32>} : memref<2x256x64xf32, #tpu.memory_space<vmem>>, vector<16xf32>,
      %get3A_1648 = arith.constant 15 : i32
      %get3A_1649 = arith.index_cast %get3A_1648 : i32 to index
      %get3A_1650 = arith.index_cast %scan3A_664#15 : i32 to index
      %get3A_1651 = arith.constant 48 : index
      %get3A_1652 = tpu.vector_load %arg6[%get3A_1649, %get3A_1650, %get3A_1651] {strides = array<i32>} : memref<16x8x64xf32, #tpu.memory_space<vmem>>, vector<16xf32>,
      %swap3A_1653 = arith.index_cast %rem3A_46 : i32 to index
      %swap3A_1654 = arith.index_cast %add3A_1620 : i32 to index
      %swap3A_1655 = arith.constant 48 : index
      %swap3A_1656 = tpu.vector_load %arg7[%swap3A_1653, %swap3A_1654, %swap3A_1655] {strides = array<i32>} : memref<2x256x64xf32, #tpu.memory_space<vmem>>, vector<16xf32>,
      tpu.vector_store %arg7[%swap3A_1653, %swap3A_1654, %swap3A_1655], %get3A_1652 {strides = array<i32>} : memref<2x256x64xf32, #tpu.memory_space<vmem>>, vector<16xf32>,
      %mul3A_1657 = arith.constant 256 : i32
      %mul3A_1658 = arith.muli %scan3A_44, %mul3A_1657 : i32
      %add3A_1659 = arith.addi %mul3A_2, %mul3A_1658 : i32
      %dma_start3A_1660 = arith.constant 0 : i32
      %dma_start3A_1661 = arith.constant 0 : i32
      %dma_start3A_1662 = tpu.memref_slice %arg7[%rem3A_46, %dma_start3A_1660, %dma_start3A_1661] : memref<2x256x64xf32, #tpu.memory_space<vmem>> -> memref<1x256x64xf32, #tpu.memory_space<vmem>>
      %dma_start3A_1663 = tpu.memref_squeeze %dma_start3A_1662 : memref<1x256x64xf32, #tpu.memory_space<vmem>> -> memref<256x64xf32, #tpu.memory_space<vmem>>
      %dma_start3A_1664 = arith.constant 0 : i32
      %dma_start3A_1665 = tpu.memref_slice %arg4[%add3A_1659, %dma_start3A_1664] : memref<106496x64xf32, #tpu.memory_space<hbm>> -> memref<256x64xf32, #tpu.memory_space<hbm>>
      %dma_start3A_1666 = tpu.memref_slice %arg9[%rem3A_46] : memref<2x!tpu.dma_semaphore, #tpu.memory_space<semaphore_mem>> -> memref<1x!tpu.dma_semaphore, #tpu.memory_space<semaphore_mem>>
      %dma_start3A_1667 = tpu.memref_squeeze %dma_start3A_1666 : memref<1x!tpu.dma_semaphore, #tpu.memory_space<semaphore_mem>> -> memref<!tpu.dma_semaphore, #tpu.memory_space<semaphore_mem>>
      %dma_start3A_1668 = arith.constant 0 : i32
      %dma_start3A_1669 = tpu.memref_slice %arg4[%add3A_1659, %dma_start3A_1668] : memref<106496x64xf32, #tpu.memory_space<hbm>> -> memref<256x64xf32, #tpu.memory_space<hbm>>
      %dma_start3A_1670 = arith.constant 0 : i32
      %dma_start3A_1671 = arith.constant 0 : i32
      %dma_start3A_1672 = tpu.memref_slice %arg7[%rem3A_46, %dma_start3A_1670, %dma_start3A_1671] : memref<2x256x64xf32, #tpu.memory_space<vmem>> -> memref<1x256x64xf32, #tpu.memory_space<vmem>>
      %dma_start3A_1673 = tpu.memref_squeeze %dma_start3A_1672 : memref<1x256x64xf32, #tpu.memory_space<vmem>> -> memref<256x64xf32, #tpu.memory_space<vmem>>
      tpu.enqueue_dma source(%dma_start3A_1673 : memref<256x64xf32, #tpu.memory_space<vmem>>) target(%dma_start3A_1669 : memref<256x64xf32, #tpu.memory_space<hbm>>) target_semaphore(%dma_start3A_1667 : memref<!tpu.dma_semaphore, #tpu.memory_space<semaphore_mem>>)
    }
    %scan3A_7 = arith.constant 13 : i32
    %rem3A = arith.constant 11 : i32
    %rem3A_8 = arith.constant 2 : i32
    %rem3A_9 = arith.remsi %rem3A, %rem3A_8 : i32
    %add3A_10 = arith.constant 2816 : i32
    %add3A_11 = arith.addi %mul3A_2, %add3A_10 : i32
    %dma_wait3A = arith.constant 0 : i32
    %dma_wait3A_12 = arith.constant 0 : i32
    %dma_wait3A_13 = tpu.memref_slice %arg7[%rem3A_9, %dma_wait3A, %dma_wait3A_12] : memref<2x256x64xf32, #tpu.memory_space<vmem>> -> memref<1x256x64xf32, #tpu.memory_space<vmem>>
    %dma_wait3A_14 = tpu.memref_squeeze %dma_wait3A_13 : memref<1x256x64xf32, #tpu.memory_space<vmem>> -> memref<256x64xf32, #tpu.memory_space<vmem>>
    %dma_wait3A_15 = arith.constant 0 : i32
    %dma_wait3A_16 = tpu.memref_slice %arg4[%add3A_11, %dma_wait3A_15] : memref<106496x64xf32, #tpu.memory_space<hbm>> -> memref<256x64xf32, #tpu.memory_space<hbm>>
    %dma_wait3A_17 = tpu.memref_slice %arg9[%rem3A_9] : memref<2x!tpu.dma_semaphore, #tpu.memory_space<semaphore_mem>> -> memref<1x!tpu.dma_semaphore, #tpu.memory_space<semaphore_mem>>
    %dma_wait3A_18 = tpu.memref_squeeze %dma_wait3A_17 : memref<1x!tpu.dma_semaphore, #tpu.memory_space<semaphore_mem>> -> memref<!tpu.dma_semaphore, #tpu.memory_space<semaphore_mem>>
    %dma_wait3A_19 = arith.constant 0 : i32
    %dma_wait3A_20 = tpu.memref_slice %arg4[%add3A_11, %dma_wait3A_19] : memref<106496x64xf32, #tpu.memory_space<hbm>> -> memref<256x64xf32, #tpu.memory_space<hbm>>
    %dma_wait3A_21 = arith.constant 0 : i32
    %dma_wait3A_22 = arith.constant 0 : i32
    %dma_wait3A_23 = tpu.memref_slice %arg7[%rem3A_9, %dma_wait3A_21, %dma_wait3A_22] : memref<2x256x64xf32, #tpu.memory_space<vmem>> -> memref<1x256x64xf32, #tpu.memory_space<vmem>>
    %dma_wait3A_24 = tpu.memref_squeeze %dma_wait3A_23 : memref<1x256x64xf32, #tpu.memory_space<vmem>> -> memref<256x64xf32, #tpu.memory_space<vmem>>
    tpu.wait_dma2 semaphore(%dma_wait3A_18 : memref<!tpu.dma_semaphore, #tpu.memory_space<semaphore_mem>>) src(%dma_wait3A_24 : memref<256x64xf32, #tpu.memory_space<vmem>>) dst(%dma_wait3A_20 : memref<256x64xf32, #tpu.memory_space<hbm>>)
    %rem3A_25 = arith.constant 12 : i32
    %rem3A_26 = arith.constant 2 : i32
    %rem3A_27 = arith.remsi %rem3A_25, %rem3A_26 : i32
    %add3A_28 = arith.constant 3072 : i32
    %add3A_29 = arith.addi %mul3A_2, %add3A_28 : i32
    %dma_wait3A_30 = arith.constant 0 : i32
    %dma_wait3A_31 = arith.constant 0 : i32
    %dma_wait3A_32 = tpu.memref_slice %arg7[%rem3A_27, %dma_wait3A_30, %dma_wait3A_31] : memref<2x256x64xf32, #tpu.memory_space<vmem>> -> memref<1x256x64xf32, #tpu.memory_space<vmem>>
    %dma_wait3A_33 = tpu.memref_squeeze %dma_wait3A_32 : memref<1x256x64xf32, #tpu.memory_space<vmem>> -> memref<256x64xf32, #tpu.memory_space<vmem>>
    %dma_wait3A_34 = arith.constant 0 : i32
    %dma_wait3A_35 = tpu.memref_slice %arg4[%add3A_29, %dma_wait3A_34] : memref<106496x64xf32, #tpu.memory_space<hbm>> -> memref<256x64xf32, #tpu.memory_space<hbm>>
    %dma_wait3A_36 = tpu.memref_slice %arg9[%rem3A_27] : memref<2x!tpu.dma_semaphore, #tpu.memory_space<semaphore_mem>> -> memref<1x!tpu.dma_semaphore, #tpu.memory_space<semaphore_mem>>
    %dma_wait3A_37 = tpu.memref_squeeze %dma_wait3A_36 : memref<1x!tpu.dma_semaphore, #tpu.memory_space<semaphore_mem>> -> memref<!tpu.dma_semaphore, #tpu.memory_space<semaphore_mem>>
    %dma_wait3A_38 = arith.constant 0 : i32
    %dma_wait3A_39 = tpu.memref_slice %arg4[%add3A_29, %dma_wait3A_38] : memref<106496x64xf32, #tpu.memory_space<hbm>> -> memref<256x64xf32, #tpu.memory_space<hbm>>
    %dma_wait3A_40 = arith.constant 0 : i32
    %dma_wait3A_41 = arith.constant 0 : i32
    %dma_wait3A_42 = tpu.memref_slice %arg7[%rem3A_27, %dma_wait3A_40, %dma_wait3A_41] : memref<2x256x64xf32, #tpu.memory_space<vmem>> -> memref<1x256x64xf32, #tpu.memory_space<vmem>>
    %dma_wait3A_43 = tpu.memref_squeeze %dma_wait3A_42 : memref<1x256x64xf32, #tpu.memory_space<vmem>> -> memref<256x64xf32, #tpu.memory_space<vmem>>
    tpu.wait_dma2 semaphore(%dma_wait3A_37 : memref<!tpu.dma_semaphore, #tpu.memory_space<semaphore_mem>>) src(%dma_wait3A_43 : memref<256x64xf32, #tpu.memory_space<vmem>>) dst(%dma_wait3A_39 : memref<256x64xf32, #tpu.memory_space<hbm>>)
    return
  }
}

module attributes {stable_mosaic.version = 14 : i64} {
  func.func @_tc_dense_body(%arg0: i32, %arg1: memref<512x13xf32, #tpu.memory_space<vmem>>, %arg2: memref<512x4x768xf32, #tpu.memory_space<vmem>>, %arg3: memref<13x64xf32, #tpu.memory_space<vmem>>, %arg4: memref<13x64xf32, #tpu.memory_space<vmem>>, %arg5: memref<4x768x64xf32, #tpu.memory_space<vmem>>, %arg6: memref<512x17x64xf32, #tpu.memory_space<vmem>>) attributes {dimension_semantics = [#tpu.dimension_semantics<arbitrary>], iteration_bounds = array<i64: 8>, scalar_prefetch = 0 : i64, scratch_operands = 0 : i64, tpu.core_type = #tpu.core_type<tc>, window_params = [{transform_indices = @transform_0, window_bounds = array<i64: 512, 13>}, {transform_indices = @transform_1, window_bounds = array<i64: 512, 4, 768>}, {pipeline_mode = #tpu.pipeline_mode<synchronous>, transform_indices = @transform_2, window_bounds = array<i64: 13, 64>}, {pipeline_mode = #tpu.pipeline_mode<synchronous>, transform_indices = @transform_3, window_bounds = array<i64: 13, 64>}, {pipeline_mode = #tpu.pipeline_mode<synchronous>, transform_indices = @transform_4, window_bounds = array<i64: 4, 768, 64>}, {transform_indices = @transform_5, window_bounds = array<i64: 512, 17, 64>}]} {
    %get3A = arith.constant 0 : index
    %get3A_0 = arith.constant 0 : index
    %get3A_1 = vector.load %arg1[%get3A, %get3A_0] : memref<512x13xf32, #tpu.memory_space<vmem>>, vector<512x13xf32>
    %broadcast_in_dim3A = vector.shape_cast %get3A_1 : vector<512x13xf32> to vector<512x13x1xf32>
    %get3A_2 = arith.constant 0 : index
    %get3A_3 = arith.constant 0 : index
    %get3A_4 = vector.load %arg3[%get3A_2, %get3A_3] : memref<13x64xf32, #tpu.memory_space<vmem>>, vector<13x64xf32>
    %broadcast_in_dim3A_5 = vector.shape_cast %get3A_4 : vector<13x64xf32> to vector<1x13x64xf32>
    %mul3A = vector.broadcast %broadcast_in_dim3A : vector<512x13x1xf32> to vector<512x13x64xf32>
    %mul3A_6 = vector.broadcast %broadcast_in_dim3A_5 : vector<1x13x64xf32> to vector<512x13x64xf32>
    %mul3A_7 = arith.mulf %mul3A, %mul3A_6 : vector<512x13x64xf32>
    %get3A_8 = arith.constant 0 : index
    %get3A_9 = arith.constant 0 : index
    %get3A_10 = vector.load %arg4[%get3A_8, %get3A_9] : memref<13x64xf32, #tpu.memory_space<vmem>>, vector<13x64xf32>
    %broadcast_in_dim3A_11 = vector.shape_cast %get3A_10 : vector<13x64xf32> to vector<1x13x64xf32>
    %add3A = vector.broadcast %broadcast_in_dim3A_11 : vector<1x13x64xf32> to vector<512x13x64xf32>
    %add3A_12 = arith.addf %mul3A_7, %add3A : vector<512x13x64xf32>
    %swap3A = arith.constant 0 : index
    %swap3A_13 = arith.constant 0 : index
    %swap3A_14 = arith.constant 0 : index
    %swap3A_15 = vector.load %arg6[%swap3A, %swap3A_13, %swap3A_14] : memref<512x17x64xf32, #tpu.memory_space<vmem>>, vector<512x13x64xf32>
    tpu.vector_store %arg6[%swap3A, %swap3A_13, %swap3A_14], %add3A_12 {strides = array<i32>} : memref<512x17x64xf32, #tpu.memory_space<vmem>>, vector<512x13x64xf32>,
    %get3A_16 = arith.constant 0 : index
    %get3A_17 = arith.constant 0 : index
    %get3A_18 = arith.constant 0 : index
    %get3A_19 = vector.load %arg2[%get3A_16, %get3A_17, %get3A_18] : memref<512x4x768xf32, #tpu.memory_space<vmem>>, vector<512x4x768xf32>
    %slice3A = vector.extract_strided_slice %get3A_19 {offsets = [0, 0, 0], sizes = [512, 1, 768], strides = [1, 1, 1]} : vector<512x4x768xf32> to vector<512x1x768xf32>
    %squeeze3A = vector.shape_cast %slice3A : vector<512x1x768xf32> to vector<512x768xf32>
    %get3A_20 = arith.constant 0 : index
    %get3A_21 = arith.constant 0 : index
    %get3A_22 = arith.constant 0 : index
    %get3A_23 = vector.load %arg5[%get3A_20, %get3A_21, %get3A_22] : memref<4x768x64xf32, #tpu.memory_space<vmem>>, vector<1x768x64xf32>
    %get3A_24 = vector.shape_cast %get3A_23 : vector<1x768x64xf32> to vector<768x64xf32>
    %dot_general3A = arith.constant dense<0.000000e+00> : vector<512x64xf32>
    %dot_general3A_25 = tpu.matmul %squeeze3A, %get3A_24, %dot_general3A {dimension_numbers = #tpu.dot_dimension_numbers<[1], [0], [0], [1], [0, 0, 1, 1], [], []>, transpose_lhs_hint = false} : vector<512x768xf32>, vector<768x64xf32>, vector<512x64xf32> -> vector<512x64xf32>
    %swap3A_26 = arith.constant 0 : index
    %swap3A_27 = arith.constant 13 : index
    %swap3A_28 = arith.constant 0 : index
    %swap3A_29 = vector.load %arg6[%swap3A_26, %swap3A_27, %swap3A_28] : memref<512x17x64xf32, #tpu.memory_space<vmem>>, vector<512x1x64xf32>
    %swap3A_30 = vector.shape_cast %swap3A_29 : vector<512x1x64xf32> to vector<512x64xf32>
    %swap3A_31 = vector.shape_cast %dot_general3A_25 : vector<512x64xf32> to vector<512x1x64xf32>
    tpu.vector_store %arg6[%swap3A_26, %swap3A_27, %swap3A_28], %swap3A_31 {strides = array<i32>} : memref<512x17x64xf32, #tpu.memory_space<vmem>>, vector<512x1x64xf32>,
    %slice3A_32 = vector.extract_strided_slice %get3A_19 {offsets = [0, 1, 0], sizes = [512, 1, 768], strides = [1, 1, 1]} : vector<512x4x768xf32> to vector<512x1x768xf32>
    %squeeze3A_33 = vector.shape_cast %slice3A_32 : vector<512x1x768xf32> to vector<512x768xf32>
    %get3A_34 = arith.constant 1 : index
    %get3A_35 = arith.constant 0 : index
    %get3A_36 = arith.constant 0 : index
    %get3A_37 = vector.load %arg5[%get3A_34, %get3A_35, %get3A_36] : memref<4x768x64xf32, #tpu.memory_space<vmem>>, vector<1x768x64xf32>
    %get3A_38 = vector.shape_cast %get3A_37 : vector<1x768x64xf32> to vector<768x64xf32>
    %dot_general3A_39 = arith.constant dense<0.000000e+00> : vector<512x64xf32>
    %dot_general3A_40 = tpu.matmul %squeeze3A_33, %get3A_38, %dot_general3A_39 {dimension_numbers = #tpu.dot_dimension_numbers<[1], [0], [0], [1], [0, 0, 1, 1], [], []>, transpose_lhs_hint = false} : vector<512x768xf32>, vector<768x64xf32>, vector<512x64xf32> -> vector<512x64xf32>
    %swap3A_41 = arith.constant 0 : index
    %swap3A_42 = arith.constant 14 : index
    %swap3A_43 = arith.constant 0 : index
    %swap3A_44 = vector.load %arg6[%swap3A_41, %swap3A_42, %swap3A_43] : memref<512x17x64xf32, #tpu.memory_space<vmem>>, vector<512x1x64xf32>
    %swap3A_45 = vector.shape_cast %swap3A_44 : vector<512x1x64xf32> to vector<512x64xf32>
    %swap3A_46 = vector.shape_cast %dot_general3A_40 : vector<512x64xf32> to vector<512x1x64xf32>
    tpu.vector_store %arg6[%swap3A_41, %swap3A_42, %swap3A_43], %swap3A_46 {strides = array<i32>} : memref<512x17x64xf32, #tpu.memory_space<vmem>>, vector<512x1x64xf32>,
    %slice3A_47 = vector.extract_strided_slice %get3A_19 {offsets = [0, 2, 0], sizes = [512, 1, 768], strides = [1, 1, 1]} : vector<512x4x768xf32> to vector<512x1x768xf32>
    %squeeze3A_48 = vector.shape_cast %slice3A_47 : vector<512x1x768xf32> to vector<512x768xf32>
    %get3A_49 = arith.constant 2 : index
    %get3A_50 = arith.constant 0 : index
    %get3A_51 = arith.constant 0 : index
    %get3A_52 = vector.load %arg5[%get3A_49, %get3A_50, %get3A_51] : memref<4x768x64xf32, #tpu.memory_space<vmem>>, vector<1x768x64xf32>
    %get3A_53 = vector.shape_cast %get3A_52 : vector<1x768x64xf32> to vector<768x64xf32>
    %dot_general3A_54 = arith.constant dense<0.000000e+00> : vector<512x64xf32>
    %dot_general3A_55 = tpu.matmul %squeeze3A_48, %get3A_53, %dot_general3A_54 {dimension_numbers = #tpu.dot_dimension_numbers<[1], [0], [0], [1], [0, 0, 1, 1], [], []>, transpose_lhs_hint = false} : vector<512x768xf32>, vector<768x64xf32>, vector<512x64xf32> -> vector<512x64xf32>
    %swap3A_56 = arith.constant 0 : index
    %swap3A_57 = arith.constant 15 : index
    %swap3A_58 = arith.constant 0 : index
    %swap3A_59 = vector.load %arg6[%swap3A_56, %swap3A_57, %swap3A_58] : memref<512x17x64xf32, #tpu.memory_space<vmem>>, vector<512x1x64xf32>
    %swap3A_60 = vector.shape_cast %swap3A_59 : vector<512x1x64xf32> to vector<512x64xf32>
    %swap3A_61 = vector.shape_cast %dot_general3A_55 : vector<512x64xf32> to vector<512x1x64xf32>
    tpu.vector_store %arg6[%swap3A_56, %swap3A_57, %swap3A_58], %swap3A_61 {strides = array<i32>} : memref<512x17x64xf32, #tpu.memory_space<vmem>>, vector<512x1x64xf32>,
    %slice3A_62 = vector.extract_strided_slice %get3A_19 {offsets = [0, 3, 0], sizes = [512, 1, 768], strides = [1, 1, 1]} : vector<512x4x768xf32> to vector<512x1x768xf32>
    %squeeze3A_63 = vector.shape_cast %slice3A_62 : vector<512x1x768xf32> to vector<512x768xf32>
    %get3A_64 = arith.constant 3 : index
    %get3A_65 = arith.constant 0 : index
    %get3A_66 = arith.constant 0 : index
    %get3A_67 = vector.load %arg5[%get3A_64, %get3A_65, %get3A_66] : memref<4x768x64xf32, #tpu.memory_space<vmem>>, vector<1x768x64xf32>
    %get3A_68 = vector.shape_cast %get3A_67 : vector<1x768x64xf32> to vector<768x64xf32>
    %dot_general3A_69 = arith.constant dense<0.000000e+00> : vector<512x64xf32>
    %dot_general3A_70 = tpu.matmul %squeeze3A_63, %get3A_68, %dot_general3A_69 {dimension_numbers = #tpu.dot_dimension_numbers<[1], [0], [0], [1], [0, 0, 1, 1], [], []>, transpose_lhs_hint = false} : vector<512x768xf32>, vector<768x64xf32>, vector<512x64xf32> -> vector<512x64xf32>
    %swap3A_71 = arith.constant 0 : index
    %swap3A_72 = arith.constant 16 : index
    %swap3A_73 = arith.constant 0 : index
    %swap3A_74 = vector.load %arg6[%swap3A_71, %swap3A_72, %swap3A_73] : memref<512x17x64xf32, #tpu.memory_space<vmem>>, vector<512x1x64xf32>
    %swap3A_75 = vector.shape_cast %swap3A_74 : vector<512x1x64xf32> to vector<512x64xf32>
    %swap3A_76 = vector.shape_cast %dot_general3A_70 : vector<512x64xf32> to vector<512x1x64xf32>
    tpu.vector_store %arg6[%swap3A_71, %swap3A_72, %swap3A_73], %swap3A_76 {strides = array<i32>} : memref<512x17x64xf32, #tpu.memory_space<vmem>>, vector<512x1x64xf32>,
    return
  }
  func.func @transform_0(%arg0: i32) -> (i32, i32) {
    %c0_i32 = arith.constant 0 : i32
    %c0_i32_0 = arith.constant 0 : i32
    return %arg0, %c0_i32 : i32, i32
  }
  func.func @transform_1(%arg0: i32) -> (i32, i32, i32) {
    %c0_i32 = arith.constant 0 : i32
    %c0_i32_0 = arith.constant 0 : i32
    %c0_i32_1 = arith.constant 0 : i32
    return %arg0, %c0_i32, %c0_i32_0 : i32, i32, i32
  }
  func.func @transform_2(%arg0: i32) -> (i32, i32) {
    %c0_i32 = arith.constant 0 : i32
    %c0_i32_0 = arith.constant 0 : i32
    %c0_i32_1 = arith.constant 0 : i32
    return %c0_i32, %c0_i32_0 : i32, i32
  }
  func.func @transform_3(%arg0: i32) -> (i32, i32) {
    %c0_i32 = arith.constant 0 : i32
    %c0_i32_0 = arith.constant 0 : i32
    %c0_i32_1 = arith.constant 0 : i32
    return %c0_i32, %c0_i32_0 : i32, i32
  }
  func.func @transform_4(%arg0: i32) -> (i32, i32, i32) {
    %c0_i32 = arith.constant 0 : i32
    %c0_i32_0 = arith.constant 0 : i32
    %c0_i32_1 = arith.constant 0 : i32
    %c0_i32_2 = arith.constant 0 : i32
    return %c0_i32, %c0_i32_0, %c0_i32_1 : i32, i32, i32
  }
  func.func @transform_5(%arg0: i32) -> (i32, i32, i32) {
    %c0_i32 = arith.constant 0 : i32
    %c0_i32_0 = arith.constant 0 : i32
    %c0_i32_1 = arith.constant 0 : i32
    return %arg0, %c0_i32, %c0_i32_0 : i32, i32, i32
  }
}

</mosaic_0001>

<sc_bundles>
// kernel: kernel.4.cloned.1.call-start
scs
__scs_entry_jumppad:
0x0: {  	(pc) =	sbr.rel $0x88, $3  }
0x1: {  	(tag) =	ssettag $0x0;
	lr =	simm.s32 $0x1  }
0x2: {  	[smem:$0x3F99] =	sst lr;
	_ =	strace $0xD0000000  }
0x3: {  	_ = 	snop  }
0x4: {  	_ = 	snop  }
0x5: {  	_ = 	snop  }
0x6: {  	_ = 	snop  }
0x7: {  	_ = 	snop  }
__scs_overlays_trampoline_lowered:
0x8: {  	[smem:$0x3FA8] =	sst s0  }
0x9: {  	[smem:$0x3FA9] =	sst s1  }
0xa: {  	[smem:$0x3FAA] =	sst s2  }
0xb: {  	[smem:$0x3FAB] =	sst s3  }
0xc: {  	[smem:$0x3FAC] =	sst s4  }
0xd: {  	[smem:$0x3FAD] =	sst s5  }
0xe: {  	[smem:$0x3FAE] =	sst s6  }
0xf: {  	[smem:$0x3FAF] =	sst s7  }
0x10: {  	[smem:$0x3FB0] =	sst s8  }
0x11: {  	[smem:$0x3FB1] =	sst s9;
	s0 =	simm.s32 @!p0 $0x0  }
0x12: {  	s1 =	sld [smem:$0x3F97];
	s0 =	simm.s32 @p0 $0x1  }
0x13: {  	[smem:$0x3FB2] =	sst s0;
	s0 =	simm.s32 @!p1 $0x0  }
0x14: {  	s2 =	sld [smem:$0x3F96];
	s0 =	simm.s32 @p1 $0x1  }
0x15: {  	[smem:$0x3FB3] =	sst s0;
	s0 =	simm.s32 @!p2 $0x0  }
0x16: {  	s3 =	sld [smem:$0x3FDB];
	s0 =	simm.s32 @p2 $0x1  }
0x17: {  	s4 =	simm.s32 $0x1BF5;
	[smem:$0x3FB5] =	sst s0  }
0x18: {  	s0 =	sld [smem:$0x3F98];
	_ =	swait.ge [sflag:s4], $0x0  }
0x19: {  	s7 =	sld [smem:$0x3F99]  }
0x1a: {  	s8 =	sadd.s32 $0xFFFFE003, lr  }
0x1b: {  	s9 =	sadd.s32 $0xFFFFFEF7, lr;
	s5 =	simm.s32 $0xFFFFFFFF;
	p2 =	slt.u32 s8, $0xFFFFF086  }
0x1c: {  	p1 =	slt.u32 s9, $0xF7A;
	s5 =	simm.s32 @!p2 $0x0  }
0x1d: {  	s5 =	simm.s32 @p1 $0x1;
	p0 =	seq.s32 s7, s2  }
0x1e: {  	s7 =	smul.u32 @!p0 $0xF7A, s2;
	p2 =	seq.s32 @!p0 s5, $0x0  }
0x1f: {  	s9 =	smul.u32 $0xF7A, s1;
	s8 =	simm.s32 @!p0 $0x1BF5;
	p2 =	por !p2, p0  }
0x20: {  	[sflag:s8] =	ssyncset.s32 @!p0 $0xFFFFF086;
	s6 =	sadd.s32 @!p0 s3, s7;
	s7 =	simm.s32 @!p0 $0x108  }
0x21: {  	s3 =	sadd.s32 s3, s9;
	s6 =	sadd.s32 @!p0 $0x88, s6;
	s7 =	simm.s32 @p2 $0x1082  }
0x22: {  	[simem:s7], [sflag:s8] =	dma.local @!p0 [hbm:s6], $0xF7A  }
0x23: {  	s9 =	sor.u32 $0xD0000000, s2;
	s6 =	simm.s32 $0x108;
	_ =	swait.ge @!p0 [sflag:s8], $0x0  }
0x24: {  	s3 =	sadd.s32 $0x88, s3;
	s6 =	simm.s32 @!p1 $0x1082;
	[sflag:s4] =	ssyncset.s32 $0xFFFFF086  }
0x25: {  	[simem:s6], [sflag:s4] =	dma.local [hbm:s3], $0xF7A  }
0x26: {  	[smem:$0x3F99] =	sst s1;
	(tag) =	ssettag s2;
	_ =	strace s9  }
0x27: {  	s1 =	sld [smem:$0x3FA9]  }
0x28: {  	s2 =	sld [smem:$0x3FAA]  }
0x29: {  	s4 =	sld [smem:$0x3FAC]  }
0x2a: {  	p0 =	seq.s32 s5, $0x0;
	s5 =	sld [smem:$0x3FAD]  }
0x2b: {  	s6 =	sld [smem:$0x3FAE]  }
0x2c: {  	s7 =	sld [smem:$0x3FAF]  }
0x2d: {  	s3 =	simm.s32 $0x108;
	s8 =	sld [smem:$0x3FB0]  }
0x2e: {  	s3 =	simm.s32 @!p0 $0x1082;
	s9 =	sld [smem:$0x3FB1]  }
0x2f: {  	lr =	sadd.s32 s0, s3;
	s0 =	sld [smem:$0x3FA8]  }
0x30: {  	s3 =	sld [smem:$0x3FAB]  }
0x31: {  	[smem:$0x3FB4] =	sst s10  }
0x32: {  	s10 =	sld [smem:$0x3FB2];
	_ =	sdelay $0x3  }
0x33: {  	p0 =	seq.s32 s10, $0x1;
	s10 =	sld [smem:$0x3FB4];
	_ =	sdelay $0x3  }
0x34: {  	[smem:$0x3FB4] =	sst s10  }
0x35: {  	s10 =	sld [smem:$0x3FB3];
	_ =	sdelay $0x3  }
0x36: {  	p1 =	seq.s32 s10, $0x1;
	s10 =	sld [smem:$0x3FB4];
	_ =	sdelay $0x3  }
0x37: {  	[smem:$0x3FB4] =	sst s10  }
0x38: {  	s10 =	sld [smem:$0x3FB5]  }
0x39: {  	_ = 	snop;
	(pc) =	sbr.ind lr, $3  }
0x3a: {  	_ = 	snop  }
0x3b: {  	_ = 	snop  }
0x3c: {  	p2 =	seq.s32 s10, $0x1;
	s10 =	sld [smem:$0x3FB4]  }
0x3d: {  	_ =	shalt  }
0x3e: {  	_ =	shalt  }
0x3f: {  	_ =	shalt  }
0x40: {  	_ =	shalt  }
0x41: {  	_ =	shalt  }
0x42: {  	_ =	shalt  }
0x43: {  	_ =	shalt  }
0x44: {  	_ =	shalt  }
0x45: {  	_ =	shalt  }
0x46: {  	_ =	shalt  }
0x47: {  	_ =	shalt  }
0x48: {  	_ =	shalt  }
0x49: {  	_ =	shalt  }
0x4a: {  	_ =	shalt  }
0x4b: {  	_ =	shalt  }
0x4c: {  	_ =	shalt  }
0x4d: {  	_ =	shalt  }
0x4e: {  	_ =	shalt  }
0x4f: {  	_ =	shalt  }
0x50: {  	_ =	shalt  }
0x51: {  	_ =	shalt  }
0x52: {  	_ =	shalt  }
0x53: {  	_ =	shalt  }
0x54: {  	_ =	shalt  }
0x55: {  	_ =	shalt  }
0x56: {  	_ =	shalt  }
0x57: {  	_ =	shalt  }
0x58: {  	_ =	shalt  }
0x59: {  	_ =	shalt  }
0x5a: {  	_ =	shalt  }
0x5b: {  	_ =	shalt  }
0x5c: {  	_ =	shalt  }
0x5d: {  	_ =	shalt  }
0x5e: {  	_ =	shalt  }
0x5f: {  	_ =	shalt  }
0x60: {  	_ =	shalt  }
0x61: {  	_ =	shalt  }
0x62: {  	_ =	shalt  }
0x63: {  	_ =	shalt  }
0x64: {  	_ =	shalt  }
0x65: {  	_ =	shalt  }
0x66: {  	_ =	shalt  }
0x67: {  	_ =	shalt  }
0x68: {  	_ =	shalt  }
0x69: {  	_ =	shalt  }
0x6a: {  	_ =	shalt  }
0x6b: {  	_ =	shalt  }
0x6c: {  	_ =	shalt  }
0x6d: {  	_ =	shalt  }
0x6e: {  	_ =	shalt  }
0x6f: {  	_ =	shalt  }
0x70: {  	_ =	shalt  }
0x71: {  	_ =	shalt  }
0x72: {  	_ =	shalt  }
0x73: {  	_ =	shalt  }
0x74: {  	_ =	shalt  }
0x75: {  	_ =	shalt  }
0x76: {  	_ =	shalt  }
0x77: {  	_ =	shalt  }
0x78: {  	_ =	shalt  }
0x79: {  	_ =	shalt  }
0x7a: {  	_ =	shalt  }
0x7b: {  	_ =	shalt  }
0x7c: {  	_ =	shalt  }
0x7d: {  	_ =	shalt  }
0x7e: {  	_ =	shalt  }
0x7f: {  	_ =	shalt  }
0x80: {  	_ =	shalt  }
0x81: {  	_ =	shalt  }
0x82: {  	_ =	shalt  }
0x83: {  	_ =	shalt  }
0x84: {  	_ =	shalt  }
0x85: {  	_ =	shalt  }
0x86: {  	_ =	shalt  }
0x87: {  	_ =	shalt  }
.Lfunc_end0:
.L_simem_size_0:
called_computation_lowered:
.L_overlay_start_0:
0x88: {  	s2 =	sld [smem:$0x3FD9]  }
0x89: {  	s3 =	sld [smem:$0x3FFE];
	_ =	sdelay $0x1  }
0x8a: {  	s1 =	srdreg.scid  }
0x8b: {  	s0 =	sand.u32 $0x1, s1  }
0x8c: {  	s17 =	sshll.u32 s0, $0xA;
	s2 =	sadd.s32 s3, s2  }
0x8d: {  	s2 =	sadd.s32 s2, s17  }
0x8e: {  	[smem:$0x3FC0] =	sst s2  }
0x8f: {  	_ = 	snop  }
0x90: {  	s2 =	sld [smem:$0x3FD0];
	(tm) =	ssettm $0x1  }
0x91: {  	s18 =	sld [smem:$0x3FFB];
	_ =	sdelay $0x3  }
0x92: {  	_ =	strace s18  }
0x93: {  	s3 =	sld [smem:$0x3FFC];
	_ =	sdelay $0x3  }
0x94: {  	_ =	strace s3  }
0x95: {  	s3 =	sld [smem:$0x3FFD];
	_ =	sdelay $0x3  }
0x96: {  	_ =	strace s3  }
0x97: {  	_ =	strace $0x8FFFFFFF  }
0x98: {  	s19 =	sld [smem:$0x3FDB];
	_ =	sdelay $0x1  }
0x99: {  	s4 =	simm.s32 $_scs_section_size  }
0x9a: {  	s5 =	simm.s32 $_size__tile_overlayer_lowered;
	s6 =	simm.s32 $_tile_overlayer_lowered  }
0x9b: {  	s22 =	simm.s32 $0x1BFF;
	s21 =	sshll.u32 s6, $0x1;
	s3 =	sadd.s32 s4, s19  }
0x9c: {  	s7 =	simm.s32 $0x0;
	s20 =	sshll.u32 s5, $0x1;
	s5 =	sadd.s32 s21, s3  }
0x9d: {  	[timem:s7], [sflag:s22] =	dma.local [hbm:s5], s20  }
0x9e: {  	_ =	swait.ge [sflag:s22], s20  }
0x9f: {  	s4 =	ssub.s32 $0x0, s20;
	[sflag:s22] =	ssyncset.done $0x0  }
0xa0: {  	[sflag:s22] =	ssyncadd.s32 s4;
	_ =	sdelay $0x1  }
0xa1: {  	s23 =	simm.s32 $0x1B8B  }
0xa2: {  	_ =	swait.ge [sflag:s23], $0x1  }
0xa3: {  	[sflag:s23] =	ssyncset.done $0x0  }
0xa4: {  	s25 =	simm.s32 $0x1B8E;
	s24 =	sld [smem:$0x3FFE];
	[sflag:s23] =	ssyncadd.s32 $0xFFFFFFFF  }
0xa5: {  	s26 =	simm.s32 $execute0_lowered;
	[smem:$0x3FD2] =	sst s25  }
0xa6: {  	s5 =	sshll.u32 s26, $0x1;
	_ =	strace $0x80000046;
	[dreg:$0x1] =	wrdreg $0xFFFFFFFF  }
0xa7: {  	s28 =	simm.s32 $_size_execute0_lowered;
	s3 =	sadd.s32 s3, s5;
	[dreg:$0x0] =	wrdreg $0x0  }
0xa8: {  	s5 =	sshll.u32 s28, $0x1;
	[dreg:$0x2] =	wrdreg s3  }
0xa9: {  	[dreg:$0x3] =	wrdreg s5  }
0xaa: {  	[dreg:$0x4] =	wrdreg $0xC0  }
0xab: {  	_ =	task [dreg:s7], $0x5FFFF  }
0xac: {  	[dreg:$0x1] =	wrdreg $0xFFFFFFFF  }
0xad: {  	[dreg:$0x0] =	wrdreg $0x60  }
0xae: {  	[dreg:$0x2] =	wrdreg s2  }
0xaf: {  	[dreg:$0x3] =	wrdreg s24  }
0xb0: {  	[dreg:$0x4] =	wrdreg $0x9  }
0xb1: {  	_ =	task.clear_ibuf [dreg:s7], $0x5FFFF;
	_ =	strace $0x90000046  }
0xb2: {  	s29 =	simm.s32 $0x9;
	_ =	strace $0x80000048  }
0xb3: {  	_ =	swait.ge [sflag:s29], $0x1  }
0xb4: {  	[sflag:s29] =	ssyncadd.s32 $0xFFFFFFFF  }
0xb5: {  	_ =	strace $0x90000048  }
0xb6: {  	_ =	sfence  }
0xb7: {  	s30 =	sld [smem:$0x0];
	_ =	sdelay $0x2  }
0xb8: {  	s31 =	sshll.u32 s1, $0xD;
	s1 =	sshrl.u32 s1, $0x2  }
0xb9: {  	s3 =	sand.u32 $0x4000, s31;
	s1 =	sadd.s32 s1, s30  }
0xba: {  	s0 =	sor.u32 s3, s0;
	s1 =	sshll.u32 s1, $0x11  }
0xbb: {  	s0 =	sor.u32 s1, s0  }
0xbc: {  	s0 =	sadd.s32 $0x8F2B, s0  }
0xbd: {  	[sflag:s0] =	ssyncadd.remote.s32 $0x1  }
0xbe: {  	_ =	sfence.sel $0xFFFF  }
0xbf: {  	[dreg:$0x0] =	wrdreg $0xFFFFFFFF;
	(pc) =	sbr.abs _section_cstart, $3  }
0xc0: {  	[dreg:$0x1] =	wrdreg $0xFFFFFFFF  }
0xc1: {  	_ =	task.clear_ibuf [dreg:s7], $0x2FFFF;
	_ =	strace $0x9FFFFFFF  }
0xc2: {  	(tm) =	ssettm $0x7FFFFFFF  }
0xc3: {  	_ =	shalt  }
tec
execute0_lowered:
.L_overlay_start_1:
0x0: {  	(tag) =	ssettag $0x1  }
0x1: {  	s0 =	rddreg [dreg:$0x1];
	s1 =	srdreg.scid  }
0x2: {  	s3 =	simm.s32 $0x0;
	s4 =	stileid.u32;
	s7 =	simm.s32 $0x9  }
0x3: {  	s9 =	simm.s32 $0xD;
	s10 =	simm.s32 $0xE;
	s11 =	simm.s32 $0xF  }
0x4: {  	s12 =	simm.s32 $0x10;
	s8 =	simm.s32 $0x0;
	s1 =	sand.u32 $0x1, s1  }
0x5: {  	vm0 =	vmmov $0x1;
	[smem:$0x7FF] =	sst s3;
	s6 =	sshll.u32 s4, $0x1;
	s4 =	sadd.s32 $0x1000, s0  }
.Ltmp0:
0x6: {  	vm1 =	vcmask $0x308;
	vm2 =	vcmask $0x70C;
	vm3 =	vcmask $0xB10;
	s2 =	ssub.s32 $0x2, s1;
	s1 =	sor.u32 s1, s6;
	(pc) =	sbr.rel .LBB2_1-.Ltmp0, $4  }
0x7: {  	vm4 =	vcmask $0xF14;
	vm5 =	vcmask $0x1318;
	vm6 =	vcmask $0x171C;
	s0 =	sadd.s32 $0x27AD400, s0;
	s5 =	sshrl.u32 s2, $0x1;
	s30 =	smul.u32 $0xD00, s1  }
0x8: {  	vm7 =	vcmask $0x1B20;
	vm8 =	vcmask $0x1F24;
	vm9 =	vcmask $0x2328;
	_ =	strace $0x80000047;
	[dreg:$0x3] =	wrdreg s0;
	s2 =	ssub.s32 s2, s5  }
0x9: {  	vm10 =	vcmask $0x272C;
	vm11 =	vcmask $0x2B30;
	vm12 =	vcmask $0x2F34;
	s6 =	simm.s32 $0xC;
	[dreg:$0x4] =	wrdreg s30;
	s31 =	smax.u32 s2, $0x1  }
0xa: {  	vm13 =	vcmask $0x3338;
	vm14 =	vcmask $0x373C;
	vm15 =	vmmov $0x7fff;
	s1 =	simm.s32 $0xA;
	s5 =	simm.s32 $0xB;
	[dreg:$0x5] =	wrdreg s31  }
.LBB2_6:
0xb: {  	s0 =	simm.s32 $0x12  }
0xc: {  	_ =	swait.ge [sflag:s0], $0x8000  }
0xd: {  	[sflag:s0] =	ssyncset.done $0x0  }
0xe: {  	s2 =	simm.s32 $0x11;
	[sflag:s0] =	ssyncadd.s32 $0xFFFF8000  }
0xf: {  	_ =	swait.ge [sflag:s2], $0x8000  }
0x10: {  	s8 =	rddreg [dreg:$0x6]  }
0x11: {  	s31 =	rddreg [dreg:$0x5];
	s8 =	sadd.s32 $0x1, s8  }
0x12: {  	p0 =	sne.s32 s8, s31  }
.Ltmp1:
0x13: {  	_ = 	snop;
	(pc) =	sbr.rel @!p0 .LBB2_7-.Ltmp1, $3  }
0x14: {  	_ =	sdelay $0x1  }
0x15: {  	[sflag:s2] =	ssyncset.done $0x0  }
0x16: {  	[sflag:s2] =	ssyncadd.s32 $0xFFFF8000  }
.LBB2_1:
.Ltmp2:
0x17: {  	(pc) =	sbr.rel .LBB2_2-.Ltmp2, $2  }
0x18: {  	_ =	sdelay $0x2  }
0x19: {  	[dreg:$0x6] =	wrdreg s8;
	p0 =	por $0x0, $0x0;
	s2 =	simm.s32 $0x0  }
.LBB2_5:
0x1a: {  	s0 =	simm.s32 $0x1  }
0x1b: {  	_ =	swait.ge [sflag:s0], $0x400  }
0x1c: {  	[sflag:s0] =	ssyncset.done $0x0  }
0x1d: {  	[sflag:s0] =	ssyncadd.s32 $0xFFFFFC00  }
0x1e: {  	v0 =	vld [tilespmem:s16+$0x100];
	_ =	sdelay $0x4  }
0x1f: {  	[tilespmem:s13+$0xB900] =	vst v0  }
0x20: {  	v0 =	vld [tilespmem:s16+$0x110];
	_ =	sdelay $0x4  }
0x21: {  	[tilespmem:s13+$0xB910] =	vst v0  }
0x22: {  	v0 =	vld [tilespmem:s16+$0x120];
	_ =	sdelay $0x4  }
0x23: {  	[tilespmem:s13+$0xB920] =	vst v0  }
0x24: {  	v0 =	vld [tilespmem:s16+$0x130];
	_ =	sdelay $0x4  }
0x25: {  	s16 =	simm.s32 $0x2;
	[tilespmem:s13+$0xB930] =	vst v0  }
0x26: {  	_ =	swait.ge [sflag:s16], $0x400  }
0x27: {  	[sflag:s16] =	ssyncset.done $0x0  }
0x28: {  	s23 =	sshll.u32 s18, $0x7;
	[sflag:s16] =	ssyncadd.s32 $0xFFFFFC00  }
0x29: {  	v49 =	vld [tilespmem:s23+$0x500];
	_ =	sdelay $0x4  }
0x2a: {  	[tilespmem:s13+$0xB980] =	vst v49  }
0x2b: {  	v0 =	vld [tilespmem:s23+$0x510];
	_ =	sdelay $0x4  }
0x2c: {  	[tilespmem:s13+$0xB990] =	vst v0  }
0x2d: {  	v0 =	vld [tilespmem:s23+$0x520];
	_ =	sdelay $0x4  }
0x2e: {  	[tilespmem:s13+$0xB9A0] =	vst v0  }
0x2f: {  	v0 =	vld [tilespmem:s23+$0x530];
	_ =	sdelay $0x4  }
0x30: {  	s24 =	simm.s32 $0x3;
	[tilespmem:s13+$0xB9B0] =	vst v0  }
0x31: {  	_ =	swait.ge [sflag:s24], $0x400  }
0x32: {  	[sflag:s24] =	ssyncset.done $0x0  }
0x33: {  	s2 =	sshll.u32 s19, $0x7;
	[sflag:s24] =	ssyncadd.s32 $0xFFFFFC00  }
0x34: {  	v50 =	vld [tilespmem:s2+$0x900];
	_ =	sdelay $0x4  }
0x35: {  	[tilespmem:s13+$0xBA00] =	vst v50  }
0x36: {  	v0 =	vld [tilespmem:s2+$0x910];
	_ =	sdelay $0x4  }
0x37: {  	[tilespmem:s13+$0xBA10] =	vst v0  }
0x38: {  	v0 =	vld [tilespmem:s2+$0x920];
	_ =	sdelay $0x4  }
0x39: {  	[tilespmem:s13+$0xBA20] =	vst v0  }
0x3a: {  	v0 =	vld [tilespmem:s2+$0x930];
	_ =	sdelay $0x4  }
0x3b: {  	s16 =	simm.s32 $0x4;
	[tilespmem:s13+$0xBA30] =	vst v0  }
0x3c: {  	_ =	swait.ge [sflag:s16], $0x400  }
0x3d: {  	[sflag:s16] =	ssyncset.done $0x0  }
0x3e: {  	s18 =	sshll.u32 s21, $0x7;
	[sflag:s16] =	ssyncadd.s32 $0xFFFFFC00  }
0x3f: {  	v51 =	vld [tilespmem:s18+$0xD00];
	_ =	sdelay $0x4  }
0x40: {  	[tilespmem:s13+$0xBA80] =	vst v51  }
0x41: {  	v0 =	vld [tilespmem:s18+$0xD10];
	_ =	sdelay $0x4  }
0x42: {  	[tilespmem:s13+$0xBA90] =	vst v0  }
0x43: {  	v0 =	vld [tilespmem:s18+$0xD20];
	_ =	sdelay $0x4  }
0x44: {  	[tilespmem:s13+$0xBAA0] =	vst v0  }
0x45: {  	v0 =	vld [tilespmem:s18+$0xD30];
	_ =	sdelay $0x4  }
0x46: {  	s19 =	simm.s32 $0x5;
	[tilespmem:s13+$0xBAB0] =	vst v0  }
0x47: {  	_ =	swait.ge [sflag:s19], $0x400  }
0x48: {  	[sflag:s19] =	ssyncset.done $0x0  }
0x49: {  	s21 =	sshll.u32 s25, $0x7;
	[sflag:s19] =	ssyncadd.s32 $0xFFFFFC00  }
0x4a: {  	v52 =	vld [tilespmem:s21+$0x1100];
	_ =	sdelay $0x4  }
0x4b: {  	[tilespmem:s13+$0xBB00] =	vst v52  }
0x4c: {  	v0 =	vld [tilespmem:s21+$0x1110];
	_ =	sdelay $0x4  }
0x4d: {  	[tilespmem:s13+$0xBB10] =	vst v0  }
0x4e: {  	v0 =	vld [tilespmem:s21+$0x1120];
	_ =	sdelay $0x4  }
0x4f: {  	[tilespmem:s13+$0xBB20] =	vst v0  }
0x50: {  	v0 =	vld [tilespmem:s21+$0x1130];
	_ =	sdelay $0x4  }
0x51: {  	s23 =	simm.s32 $0x6;
	[tilespmem:s13+$0xBB30] =	vst v0  }
0x52: {  	_ =	swait.ge [sflag:s23], $0x400  }
0x53: {  	[sflag:s23] =	ssyncset.done $0x0  }
0x54: {  	s24 =	sshll.u32 s26, $0x7;
	[sflag:s23] =	ssyncadd.s32 $0xFFFFFC00  }
0x55: {  	v53 =	vld [tilespmem:s24+$0x1500];
	_ =	sdelay $0x4  }
0x56: {  	[tilespmem:s13+$0xBB80] =	vst v53  }
0x57: {  	v0 =	vld [tilespmem:s24+$0x1510];
	_ =	sdelay $0x4  }
0x58: {  	[tilespmem:s13+$0xBB90] =	vst v0  }
0x59: {  	v0 =	vld [tilespmem:s24+$0x1520];
	_ =	sdelay $0x4  }
0x5a: {  	[tilespmem:s13+$0xBBA0] =	vst v0  }
0x5b: {  	v0 =	vld [tilespmem:s24+$0x1530];
	_ =	sdelay $0x4  }
0x5c: {  	s25 =	simm.s32 $0x7;
	[tilespmem:s13+$0xBBB0] =	vst v0  }
0x5d: {  	_ =	swait.ge [sflag:s25], $0x400  }
0x5e: {  	[sflag:s25] =	ssyncset.done $0x0  }
0x5f: {  	s26 =	sshll.u32 s29, $0x7;
	[sflag:s25] =	ssyncadd.s32 $0xFFFFFC00  }
0x60: {  	v54 =	vld [tilespmem:s26+$0x1900];
	_ =	sdelay $0x4  }
0x61: {  	[tilespmem:s13+$0xBC00] =	vst v54  }
0x62: {  	v0 =	vld [tilespmem:s26+$0x1910];
	_ =	sdelay $0x4  }
0x63: {  	[tilespmem:s13+$0xBC10] =	vst v0  }
0x64: {  	v0 =	vld [tilespmem:s26+$0x1920];
	_ =	sdelay $0x4  }
0x65: {  	[tilespmem:s13+$0xBC20] =	vst v0  }
0x66: {  	v0 =	vld [tilespmem:s26+$0x1930];
	_ =	sdelay $0x4  }
0x67: {  	s29 =	simm.s32 $0x8;
	[tilespmem:s13+$0xBC30] =	vst v0  }
0x68: {  	_ =	swait.ge [sflag:s29], $0x400  }
0x69: {  	[sflag:s29] =	ssyncset.done $0x0  }
0x6a: {  	s2 =	sshll.u32 s31, $0x7;
	[sflag:s29] =	ssyncadd.s32 $0xFFFFFC00  }
0x6b: {  	v55 =	vld [tilespmem:s2+$0x1D00];
	_ =	sdelay $0x4  }
0x6c: {  	[tilespmem:s13+$0xBC80] =	vst v55  }
0x6d: {  	v0 =	vld [tilespmem:s2+$0x1D10];
	_ =	sdelay $0x4  }
0x6e: {  	[tilespmem:s13+$0xBC90] =	vst v0  }
0x6f: {  	v0 =	vld [tilespmem:s2+$0x1D20];
	_ =	sdelay $0x4  }
0x70: {  	[tilespmem:s13+$0xBCA0] =	vst v0  }
0x71: {  	v0 =	vld [tilespmem:s2+$0x1D30];
	_ =	sdelay $0x4  }
0x72: {  	[tilespmem:s13+$0xBCB0] =	vst v0  }
0x73: {  	_ =	swait.ge [sflag:s7], $0x400  }
0x74: {  	[sflag:s7] =	ssyncset.done $0x0  }
0x75: {  	s16 =	sshll.u32 s30, $0x7;
	[sflag:s7] =	ssyncadd.s32 $0xFFFFFC00  }
0x76: {  	v56 =	vld [tilespmem:s16+$0x2100];
	_ =	sdelay $0x4  }
0x77: {  	[tilespmem:s13+$0xBD00] =	vst v56  }
0x78: {  	v0 =	vld [tilespmem:s16+$0x2110];
	_ =	sdelay $0x4  }
0x79: {  	[tilespmem:s13+$0xBD10] =	vst v0  }
0x7a: {  	v0 =	vld [tilespmem:s16+$0x2120];
	_ =	sdelay $0x4  }
0x7b: {  	[tilespmem:s13+$0xBD20] =	vst v0  }
0x7c: {  	v0 =	vld [tilespmem:s16+$0x2130];
	_ =	sdelay $0x4  }
0x7d: {  	[tilespmem:s13+$0xBD30] =	vst v0  }
0x7e: {  	_ =	swait.ge [sflag:s1], $0x400  }
0x7f: {  	[sflag:s1] =	ssyncset.done $0x0  }
0x80: {  	s18 =	sshll.u32 s28, $0x7;
	[sflag:s1] =	ssyncadd.s32 $0xFFFFFC00  }
0x81: {  	v57 =	vld [tilespmem:s18+$0x2500];
	_ =	sdelay $0x4  }
0x82: {  	[tilespmem:s13+$0xBD80] =	vst v57  }
0x83: {  	v0 =	vld [tilespmem:s18+$0x2510];
	_ =	sdelay $0x4  }
0x84: {  	[tilespmem:s13+$0xBD90] =	vst v0  }
0x85: {  	v0 =	vld [tilespmem:s18+$0x2520];
	_ =	sdelay $0x4  }
0x86: {  	[tilespmem:s13+$0xBDA0] =	vst v0  }
0x87: {  	v0 =	vld [tilespmem:s18+$0x2530];
	_ =	sdelay $0x4  }
0x88: {  	[tilespmem:s13+$0xBDB0] =	vst v0  }
0x89: {  	_ =	swait.ge [sflag:s5], $0x400  }
0x8a: {  	[sflag:s5] =	ssyncset.done $0x0  }
0x8b: {  	s19 =	sshll.u32 s8, $0x7;
	[sflag:s5] =	ssyncadd.s32 $0xFFFFFC00  }
0x8c: {  	v58 =	vld [tilespmem:s19+$0x2900];
	_ =	sdelay $0x4  }
0x8d: {  	[tilespmem:s13+$0xBE00] =	vst v58  }
0x8e: {  	v0 =	vld [tilespmem:s19+$0x2910];
	_ =	sdelay $0x4  }
0x8f: {  	[tilespmem:s13+$0xBE10] =	vst v0  }
0x90: {  	v0 =	vld [tilespmem:s19+$0x2920];
	_ =	sdelay $0x4  }
0x91: {  	[tilespmem:s13+$0xBE20] =	vst v0  }
0x92: {  	v0 =	vld [tilespmem:s19+$0x2930];
	_ =	sdelay $0x4  }
0x93: {  	[tilespmem:s13+$0xBE30] =	vst v0  }
0x94: {  	_ =	swait.ge [sflag:s6], $0x400  }
0x95: {  	[sflag:s6] =	ssyncset.done $0x0  }
0x96: {  	s21 =	sshll.u32 s22, $0x7;
	[sflag:s6] =	ssyncadd.s32 $0xFFFFFC00  }
0x97: {  	v59 =	vld [tilespmem:s21+$0x2D00];
	_ =	sdelay $0x4  }
0x98: {  	[tilespmem:s13+$0xBE80] =	vst v59  }
0x99: {  	v0 =	vld [tilespmem:s21+$0x2D10];
	_ =	sdelay $0x4  }
0x9a: {  	[tilespmem:s13+$0xBE90] =	vst v0  }
0x9b: {  	v0 =	vld [tilespmem:s21+$0x2D20];
	_ =	sdelay $0x4  }
0x9c: {  	[tilespmem:s13+$0xBEA0] =	vst v0  }
0x9d: {  	v0 =	vld [tilespmem:s21+$0x2D30];
	_ =	sdelay $0x4  }
0x9e: {  	[tilespmem:s13+$0xBEB0] =	vst v0  }
0x9f: {  	_ =	swait.ge [sflag:s9], $0x400  }
0xa0: {  	[sflag:s9] =	ssyncset.done $0x0  }
0xa1: {  	s22 =	sshll.u32 s20, $0x7;
	[sflag:s9] =	ssyncadd.s32 $0xFFFFFC00  }
0xa2: {  	v60 =	vld [tilespmem:s22+$0x3100];
	_ =	sdelay $0x4  }
0xa3: {  	[tilespmem:s13+$0xBF00] =	vst v60  }
0xa4: {  	v0 =	vld [tilespmem:s22+$0x3110];
	_ =	sdelay $0x4  }
0xa5: {  	[tilespmem:s13+$0xBF10] =	vst v0  }
0xa6: {  	v0 =	vld [tilespmem:s22+$0x3120];
	_ =	sdelay $0x4  }
0xa7: {  	[tilespmem:s13+$0xBF20] =	vst v0  }
0xa8: {  	v0 =	vld [tilespmem:s22+$0x3130];
	_ =	sdelay $0x4  }
0xa9: {  	[tilespmem:s13+$0xBF30] =	vst v0  }
0xaa: {  	_ =	swait.ge [sflag:s10], $0x400  }
0xab: {  	[sflag:s10] =	ssyncset.done $0x0  }
0xac: {  	s23 =	sshll.u32 s17, $0x7;
	[sflag:s10] =	ssyncadd.s32 $0xFFFFFC00  }
0xad: {  	v61 =	vld [tilespmem:s23+$0x3500];
	_ =	sdelay $0x4  }
0xae: {  	[tilespmem:s13+$0xBF80] =	vst v61  }
0xaf: {  	v0 =	vld [tilespmem:s23+$0x3510];
	_ =	sdelay $0x4  }
0xb0: {  	[tilespmem:s13+$0xBF90] =	vst v0  }
0xb1: {  	v0 =	vld [tilespmem:s23+$0x3520];
	_ =	sdelay $0x4  }
0xb2: {  	[tilespmem:s13+$0xBFA0] =	vst v0  }
0xb3: {  	v0 =	vld [tilespmem:s23+$0x3530];
	_ =	sdelay $0x4  }
0xb4: {  	[tilespmem:s13+$0xBFB0] =	vst v0  }
0xb5: {  	_ =	swait.ge [sflag:s11], $0x400  }
0xb6: {  	[sflag:s11] =	ssyncset.done $0x0  }
0xb7: {  	s24 =	sshll.u32 s15, $0x7;
	[sflag:s11] =	ssyncadd.s32 $0xFFFFFC00  }
0xb8: {  	v62 =	vld [tilespmem:s24+$0x3900];
	_ =	sdelay $0x4  }
0xb9: {  	[tilespmem:s13+$0xC000] =	vst v62  }
0xba: {  	v0 =	vld [tilespmem:s24+$0x3910];
	_ =	sdelay $0x4  }
0xbb: {  	[tilespmem:s13+$0xC010] =	vst v0  }
0xbc: {  	v0 =	vld [tilespmem:s24+$0x3920];
	_ =	sdelay $0x4  }
0xbd: {  	[tilespmem:s13+$0xC020] =	vst v0  }
0xbe: {  	v0 =	vld [tilespmem:s24+$0x3930];
	_ =	sdelay $0x4  }
0xbf: {  	[tilespmem:s13+$0xC030] =	vst v0  }
0xc0: {  	_ =	swait.ge [sflag:s12], $0x400  }
0xc1: {  	[sflag:s12] =	ssyncset.done $0x0  }
0xc2: {  	s25 =	sshll.u32 s14, $0x7;
	[sflag:s12] =	ssyncadd.s32 $0xFFFFFC00  }
0xc3: {  	v63 =	vld [tilespmem:s25+$0x3D00];
	_ =	sdelay $0x4  }
0xc4: {  	[tilespmem:s13+$0xC080] =	vst v63  }
0xc5: {  	v0 =	vld [tilespmem:s25+$0x3D10];
	_ =	sdelay $0x4  }
0xc6: {  	[tilespmem:s13+$0xC090] =	vst v0  }
0xc7: {  	v0 =	vld [tilespmem:s25+$0x3D20];
	_ =	sdelay $0x3  }
0xc8: {  	s2 =	rddreg [dreg:$0x9]  }
0xc9: {  	s31 =	rddreg [dreg:$0x7];
	[tilespmem:s13+$0xC0A0] =	vst v0  }
0xca: {  	s28 =	sadd.s32 $0x11, s2;
	s2 =	sadd.s32 $0x1, s31;
	v0 =	vld [tilespmem:s25+$0x3D30]  }
0xcb: {  	p1 =	sne.s32 s2, $0xD  }
.Ltmp3:
0xcc: {  	_ = 	snop;
	(pc) =	sbr.rel @!p1 .LBB2_6-.Ltmp3, $4  }
0xcd: {  	s26 =	rddreg [dreg:$0x8]  }
0xce: {  	s29 =	rddreg [dreg:$0x3];
	s0 =	sshll.u32 s26, $0x4  }
0xcf: {  	p0 =	por !p0, !p0;
	s30 =	rddreg [dreg:$0xa];
	s0 =	sadd.s32 s29, s0;
	[tilespmem:s13+$0xC0B0] =	vst v0  }
0xd0: {  	[hbm4b:s0+s3] =	stream.linear.scatter [tilespmem:s30], [sflag:s28], $0x8000, $0x38;
	[tilespmem:$0x14100] =	vst v63  }
.LBB2_2:
0xd1: {  	s8 =	sshll.u32 s2, $0x8;
	s0 =	rddreg [dreg:$0x4]  }
0xd2: {  	s0 =	sadd.s32 s0, s8  }
0xd3: {  	s20 =	rddreg [dreg:$0x0];
	s8 =	sshrl.u32 s0, $0x3  }
0xd4: {  	s21 =	simm.s32 $0x13;
	[dreg:$0x8] =	wrdreg s0;
	s8 =	sadd.s32 s20, s8  }
0xd5: {  	[tilespmem:s3], [sflag:$0x13] =	stream.linear.gather [hbm4b:s8+s3], $0x100, $0x38;
	[tilespmem:$0x14100] =	vst v63  }
0xd6: {  	_ =	swait.ge [sflag:s21], $0x100  }
0xd7: {  	s24 =	sand.u32 $0x1, s2;
	p1 =	slt.u32 s2, $0x2;
	[sflag:s21] =	ssyncset.done $0x0  }
0xd8: {  	s8 =	sadd.s32 @!p1 $0x11, s24;
	[dreg:$0x7] =	wrdreg s2;
	[sflag:s21] =	ssyncadd.s32 $0xFFFFFF00  }
0xd9: {  	_ =	swait.ge @!p1 [sflag:s8], $0x8000  }
0xda: {  	[sflag:s8] =	ssyncset.done @!p1 $0x0  }
0xdb: {  	[sflag:s8] =	ssyncadd.s32 @!p1 $0xFFFF8000  }
0xdc: {  	v0 =	vld [tilespmem:$0x0];
	_ =	sdelay $0x4  }
0xdd: {  	v1 =	vnsel vm0, $0x0, v0  }
0xde: {  	v1 =	vxor.u32 $0x80000000, v1  }
0xdf: {  	(xrf0) =	vmax.scan.msk.u32 $0xffff, v1;
	_ =	sdelay $0x2  }
0xe0: {  	v34 =	vsel vm1, $0x0, v0  }
0xe1: {  	v1 =	vxor.u32 $0x80000000, v34  }
0xe2: {  	(xrf0) =	vmax.scan.msk.u32 $0xffff, v1  }
0xe3: {  	v35, _, _ =	vpop (xrf0)  }
0xe4: {  	(v2sf) =	vpush v35, $0xF;
	_ =	sdelay $0x3  }
0xe5: {  	v2, _, _ =	vpop (xrf0)  }
0xe6: {  	v36 =	vsel vm2, $0x0, v0;
	(v2sf) =	vpush v2, $0xF  }
0xe7: {  	v37 =	vsel vm3, $0x0, v0;
	v1 =	vxor.u32 $0x80000000, v36  }
0xe8: {  	(xrf0) =	vmax.scan.msk.u32 $0xffff, v1;
	v1 =	vxor.u32 $0x80000000, v37  }
0xe9: {  	(xrf0) =	vmax.scan.msk.u32 $0xffff, v1;
	_ =	sdelay $0x2  }
0xea: {  	v39 =	vsel vm4, $0x0, v0  }
0xeb: {  	v1 =	vxor.u32 $0x80000000, v39  }
0xec: {  	v38, _, _ =	vpop (xrf0);
	(xrf0) =	vmax.scan.msk.u32 $0xffff, v1  }
0xed: {  	(v2sf) =	vpush v38, $0xF;
	v40, _, _ =	vpop (xrf0)  }
0xee: {  	v41 =	vsel vm5, $0x0, v0;
	s16 =	spop (v2sf);
	(v2sf) =	vpush v40, $0xF  }
0xef: {  	v1 =	vxor.u32 $0x80000000, v41  }
0xf0: {  	(xrf0) =	vmax.scan.msk.u32 $0xffff, v1;
	_ =	sdelay $0x1  }
0xf1: {  	v42, _, _ =	vpop (xrf0)  }
0xf2: {  	v43 =	vsel vm6, $0x0, v0;
	s18 =	spop (v2sf);
	(v2sf) =	vpush v42, $0xF  }
0xf3: {  	v1 =	vxor.u32 $0x80000000, v43  }
0xf4: {  	(xrf0) =	vmax.scan.msk.u32 $0xffff, v1  }
0xf5: {  	v44, _, _ =	vpop (xrf0)  }
0xf6: {  	(v2sf) =	vpush v44, $0xF;
	_ =	sdelay $0x1  }
0xf7: {  	v45 =	vsel vm7, $0x0, v0  }
0xf8: {  	v1 =	vxor.u32 $0x80000000, v45  }
0xf9: {  	s22 =	sshll.u32 s16, $0x4;
	v46, _, _ =	vpop (xrf0);
	(xrf0) =	vmax.scan.msk.u32 $0xffff, v1  }
0xfa: {  	s23 =	simm.s32 $0x100;
	s8 =	sand.u32 $0x1FFFFF80, s22;
	s19 =	spop (v2sf)  }
0xfb: {  	v47 =	vsel vm8, $0x0, v0;
	s25 =	sshll.u32 s18, $0x4;
	s8 =	sadd.s32 s4, s8;
	s21 =	spop (v2sf);
	(v2sf) =	vpush v46, $0xF  }
0xfc: {  	v1 =	vxor.u32 $0x80000000, v47;
	[tilespmem:s23], [sflag:$0x1] =	stream.linear.gather [hbm4b:s8+s3], $0x400, $0x38;
	[tilespmem:$0x14100] =	vst v63  }
0xfd: {  	(xrf0) =	vmax.scan.msk.u32 $0xffff, v1;
	s8 =	sand.u32 $0x1FFFFF80, s25  }
0xfe: {  	s26 =	simm.s32 $0x500;
	s8 =	sadd.s32 s4, s8  }
0xff: {  	[tilespmem:s26], [sflag:$0x2] =	stream.linear.gather [hbm4b:s8+s3], $0x400, $0x38;
	v48, _, _ =	vpop (xrf0);
	[tilespmem:$0x14100] =	vst v63  }
0x100: {  	v49 =	vsel vm9, $0x0, v0;
	s2 =	sshll.u32 s19, $0x4;
	s25 =	spop (v2sf);
	(v2sf) =	vpush v48, $0xF  }
0x101: {  	v1 =	vxor.u32 $0x80000000, v49;
	s8 =	sand.u32 $0x1FFFFF80, s2  }
0x102: {  	s13 =	simm.s32 $0x900;
	(xrf0) =	vmax.scan.msk.u32 $0xffff, v1;
	s8 =	sadd.s32 s4, s8  }
0x103: {  	v50, _, _ =	vpop (xrf0);
	[tilespmem:s13], [sflag:$0x3] =	stream.linear.gather [hbm4b:s8+s3], $0x400, $0x38;
	[tilespmem:$0x14100] =	vst v63  }
0x104: {  	s26 =	spop (v2sf);
	(v2sf) =	vpush v50, $0xF  }
0x105: {  	v51 =	vsel vm10, $0x0, v0;
	s14 =	sshll.u32 s21, $0x4  }
0x106: {  	v1 =	vxor.u32 $0x80000000, v51;
	s8 =	sand.u32 $0x1FFFFF80, s14  }
0x107: {  	s15 =	simm.s32 $0xD00;
	(xrf0) =	vmax.scan.msk.u32 $0xffff, v1;
	s17 =	sshll.u32 s25, $0x4;
	s8 =	sadd.s32 s4, s8  }
0x108: {  	v53 =	vsel vm11, $0x0, v0;
	[tilespmem:s15], [sflag:$0x4] =	stream.linear.gather [hbm4b:s8+s3], $0x400, $0x38;
	[tilespmem:$0x14100] =	vst v63  }
0x109: {  	s20 =	simm.s32 $0x1100;
	v1 =	vxor.u32 $0x80000000, v53;
	v52, _, _ =	vpop (xrf0);
	s8 =	sand.u32 $0x1FFFFF80, s17  }
0x10a: {  	(xrf0) =	vmax.scan.msk.u32 $0xffff, v1;
	s22 =	sshll.u32 s26, $0x4;
	s8 =	sadd.s32 s4, s8;
	s29 =	spop (v2sf);
	(v2sf) =	vpush v52, $0xF  }
0x10b: {  	v55 =	vsel vm12, $0x0, v0;
	[tilespmem:s20], [sflag:$0x5] =	stream.linear.gather [hbm4b:s8+s3], $0x400, $0x38;
	[tilespmem:$0x14100] =	vst v63  }
0x10c: {  	v56 =	vxor.u32 $0x80000000, v55;
	s8 =	sand.u32 $0x1FFFFF80, s22  }
0x10d: {  	s23 =	simm.s32 $0x1500;
	v54, _, _ =	vpop (xrf0);
	(xrf0) =	vmax.scan.msk.u32 $0xffff, v56;
	s8 =	sadd.s32 s4, s8  }
0x10e: {  	[tilespmem:s23], [sflag:$0x6] =	stream.linear.gather [hbm4b:s8+s3], $0x400, $0x38;
	[tilespmem:$0x14100] =	vst v63  }
0x10f: {  	s2 =	sshll.u32 s29, $0x4;
	s31 =	spop (v2sf);
	(v2sf) =	vpush v54, $0xF  }
0x110: {  	s8 =	sand.u32 $0x1FFFFF80, s2  }
0x111: {  	s13 =	simm.s32 $0x1900;
	v58, _, _ =	vpop (xrf0);
	s14 =	sshll.u32 s31, $0x4;
	s8 =	sadd.s32 s4, s8  }
0x112: {  	v57 =	vsel vm13, $0x0, v0;
	(v2sf) =	vpush v58, $0xF;
	[tilespmem:s13], [sflag:$0x7] =	stream.linear.gather [hbm4b:s8+s3], $0x400, $0x38;
	[tilespmem:$0x14100] =	vst v63  }
0x113: {  	v1 =	vxor.u32 $0x80000000, v57;
	s30 =	spop (v2sf);
	s8 =	sand.u32 $0x1FFFFF80, s14  }
0x114: {  	s15 =	simm.s32 $0x1D00;
	(xrf0) =	vmax.scan.msk.u32 $0xffff, v1;
	v59, _, _ =	vpop (xrf0);
	s17 =	sshll.u32 s30, $0x4;
	s8 =	sadd.s32 s4, s8  }
0x115: {  	v60 =	vsel vm14, $0x0, v0;
	(v2sf) =	vpush v59, $0xF;
	[tilespmem:s15], [sflag:$0x8] =	stream.linear.gather [hbm4b:s8+s3], $0x400, $0x38;
	[tilespmem:$0x14100] =	vst v63  }
0x116: {  	v61 =	vxor.u32 $0x80000000, v60;
	s8 =	sand.u32 $0x1FFFFF80, s17  }
0x117: {  	s20 =	simm.s32 $0x2100;
	(xrf0) =	vmax.scan.msk.u32 $0xffff, v61;
	s8 =	sadd.s32 s4, s8  }
0x118: {  	v0 =	vsel vm15, $0x0, v0;
	[tilespmem:s20], [sflag:$0x9] =	stream.linear.gather [hbm4b:s8+s3], $0x400, $0x38;
	[tilespmem:$0x14100] =	vst v63  }
0x119: {  	v0 =	vxor.u32 $0x80000000, v0;
	s28 =	spop (v2sf)  }
0x11a: {  	v62, _, _ =	vpop (xrf0);
	(xrf0) =	vmax.scan.msk.u32 $0xffff, v0;
	s22 =	sshll.u32 s28, $0x4  }
0x11b: {  	(v2sf) =	vpush v62, $0xF;
	s8 =	sand.u32 $0x1FFFFF80, s22  }
0x11c: {  	s23 =	simm.s32 $0x2500;
	s8 =	sadd.s32 s4, s8  }
0x11d: {  	v63, _, _ =	vpop (xrf0);
	[tilespmem:s23], [sflag:$0xA] =	stream.linear.gather [hbm4b:s8+s3], $0x400, $0x38;
	[tilespmem:$0x14100] =	vst v63  }
0x11e: {  	s8 =	spop (v2sf);
	(v2sf) =	vpush v63, $0xF;
	_ =	sdelay $0x1  }
0x11f: {  	v0, _, _ =	vpop (xrf0);
	s13 =	sshll.u32 s8, $0x4  }
0x120: {  	s22 =	spop (v2sf);
	(v2sf) =	vpush v0, $0xF;
	s13 =	sand.u32 $0x1FFFFF80, s13  }
0x121: {  	s2 =	simm.s32 $0x2900;
	s14 =	sshll.u32 s22, $0x4;
	s13 =	sadd.s32 s4, s13  }
0x122: {  	[tilespmem:s2], [sflag:$0xB] =	stream.linear.gather [hbm4b:s13+s3], $0x400, $0x38;
	[tilespmem:$0x14100] =	vst v63  }
0x123: {  	s20 =	spop (v2sf);
	s13 =	sand.u32 $0x1FFFFF80, s14  }
0x124: {  	s15 =	simm.s32 $0x2D00;
	s17 =	sshll.u32 s20, $0x4;
	s13 =	sadd.s32 s4, s13  }
0x125: {  	[tilespmem:s15], [sflag:$0xC] =	stream.linear.gather [hbm4b:s13+s3], $0x400, $0x38;
	[tilespmem:$0x14100] =	vst v63  }
0x126: {  	s13 =	sand.u32 $0x1FFFFF80, s17  }
0x127: {  	s23 =	simm.s32 $0x3100;
	s13 =	sadd.s32 s4, s13  }
0x128: {  	[tilespmem:s23], [sflag:$0xD] =	stream.linear.gather [hbm4b:s13+s3], $0x400, $0x38;
	[tilespmem:$0x14100] =	vst v63  }
0x129: {  	s17 =	spop (v2sf)  }
0x12a: {  	s0 =	sshll.u32 s17, $0x4  }
0x12b: {  	s13 =	sand.u32 $0x1FFFFF80, s0  }
0x12c: {  	s2 =	simm.s32 $0x3500;
	s13 =	sadd.s32 s4, s13;
	s15 =	spop (v2sf)  }
0x12d: {  	[tilespmem:s2], [sflag:$0xE] =	stream.linear.gather [hbm4b:s13+s3], $0x400, $0x38;
	[tilespmem:$0x14100] =	vst v63  }
0x12e: {  	s14 =	sshll.u32 s15, $0x4  }
0x12f: {  	s13 =	sand.u32 $0x1FFFFF80, s14;
	s14 =	spop (v2sf)  }
0x130: {  	s23 =	simm.s32 $0x3900;
	s13 =	sadd.s32 s4, s13;
	s0 =	sshll.u32 s14, $0x4  }
0x131: {  	[tilespmem:s23], [sflag:$0xF] =	stream.linear.gather [hbm4b:s13+s3], $0x400, $0x38;
	[tilespmem:$0x14100] =	vst v63  }
0x132: {  	s13 =	sand.u32 $0x1FFFFF80, s0  }
0x133: {  	s2 =	simm.s32 $0x3D00;
	s23 =	simm.s32 $0x1;
	s13 =	sadd.s32 s4, s13  }
0x134: {  	[tilespmem:s2], [sflag:$0x10] =	stream.linear.gather [hbm4b:s13+s3], $0x400, $0x38;
	[tilespmem:$0x14100] =	vst v63  }
0x135: {  	s23 =	simm.s32 @!p0 $0x0;
	s13 =	sshll.u32 s24, $0xF  }
0x136: {  	[dreg:$0x9] =	wrdreg s24;
	s23 =	sshll.u32 s23, $0xF;
	s24 =	sor.u32 $0x4100, s13  }
0x137: {  	s23 =	sor.u32 $0x4500, s23;
	[dreg:$0xa] =	wrdreg s24;
	s24 =	simm.s32 $0x40  }
.LBB2_3:
0x138: {  	s14 =	sand.u32 $0x7, s14  }
0x139: {  	s15 =	sand.u32 $0x7, s15;
	s17 =	sand.u32 $0x7, s17;
	p1 =	seq.s32 s24, $0x400  }
.Ltmp4:
0x13a: {  	s20 =	sand.u32 $0x7, s20;
	s22 =	sand.u32 $0x7, s22;
	(pc) =	sbr.rel @p1 .LBB2_5-.Ltmp4, $4  }
0x13b: {  	s8 =	sand.u32 $0x7, s8;
	s28 =	sand.u32 $0x7, s28;
	s30 =	sand.u32 $0x7, s30  }
0x13c: {  	s31 =	sand.u32 $0x7, s31;
	s29 =	sand.u32 $0x7, s29;
	s26 =	sand.u32 $0x7, s26  }
0x13d: {  	s25 =	sand.u32 $0x7, s25;
	s21 =	sand.u32 $0x7, s21;
	s16 =	sand.u32 $0x7, s16  }
0x13e: {  	s19 =	sand.u32 $0x7, s19;
	s18 =	sand.u32 $0x7, s18;
	s16 =	sshll.u32 s16, $0x7  }
0x13f: {  	s0 =	sshra.s32 s24, $0x2  }
0x140: {  	v0 =	vld [tilespmem:s0+$0x0];
	_ =	sdelay $0x4  }
0x141: {  	s2 =	simm.s32 $0x1;
	v1 =	vnsel vm0, $0x0, v0  }
0x142: {  	_ =	swait.ge [sflag:s2], $0x400;
	v1 =	vxor.u32 $0x80000000, v1  }
0x143: {  	[sflag:s2] =	ssyncset.done $0x0;
	(xrf0) =	vmax.scan.msk.u32 $0xffff, v1  }
0x144: {  	[sflag:s2] =	ssyncadd.s32 $0xFFFFFC00  }
0x145: {  	v19 =	vld [tilespmem:s16+$0x100];
	_ =	sdelay $0x3  }
0x146: {  	v2, _, _ =	vpop (xrf0)  }
0x147: {  	[tilespmem:s23+$0xFFFFFC00] =	vst v19;
	(v2sf) =	vpush v2, $0xF  }
0x148: {  	v1 =	vld [tilespmem:s16+$0x110];
	_ =	sdelay $0x4  }
0x149: {  	[tilespmem:s23+$0xFFFFFC10] =	vst v1  }
0x14a: {  	v1 =	vld [tilespmem:s16+$0x120];
	_ =	sdelay $0x4  }
0x14b: {  	[tilespmem:s23+$0xFFFFFC20] =	vst v1  }
0x14c: {  	v1 =	vld [tilespmem:s16+$0x130];
	_ =	sdelay $0x1  }
0x14d: {  	s16 =	spop (v2sf)  }
0x14e: {  	s2 =	sshll.u32 s16, $0x4  }
0x14f: {  	s0 =	sand.u32 $0x1FFFFF80, s2  }
0x150: {  	[tilespmem:s23+$0xFFFFFC30] =	vst v1;
	s2 =	simm.s32 $0x100;
	s0 =	sadd.s32 s4, s0  }
0x151: {  	[tilespmem:s2], [sflag:$0x1] =	stream.linear.gather [hbm4b:s0+s3], $0x400, $0x38;
	[tilespmem:$0x14100] =	vst v63  }
0x152: {  	v20 =	vsel vm1, $0x0, v0;
	s2 =	simm.s32 $0x2  }
0x153: {  	v1 =	vxor.u32 $0x80000000, v20;
	_ =	swait.ge [sflag:s2], $0x400  }
0x154: {  	[sflag:s2] =	ssyncset.done $0x0;
	(xrf0) =	vmax.scan.msk.u32 $0xffff, v1  }
0x155: {  	s18 =	sshll.u32 s18, $0x7;
	[sflag:s2] =	ssyncadd.s32 $0xFFFFFC00  }
0x156: {  	v21 =	vld [tilespmem:s18+$0x500];
	_ =	sdelay $0x3  }
0x157: {  	v22, _, _ =	vpop (xrf0)  }
0x158: {  	[tilespmem:s23+$0xFFFFFC80] =	vst v21;
	(v2sf) =	vpush v22, $0xF  }
0x159: {  	v1 =	vld [tilespmem:s18+$0x510];
	_ =	sdelay $0x4  }
0x15a: {  	[tilespmem:s23+$0xFFFFFC90] =	vst v1  }
0x15b: {  	v1 =	vld [tilespmem:s18+$0x520];
	_ =	sdelay $0x4  }
0x15c: {  	[tilespmem:s23+$0xFFFFFCA0] =	vst v1  }
0x15d: {  	v1 =	vld [tilespmem:s18+$0x530];
	_ =	sdelay $0x1  }
0x15e: {  	s18 =	spop (v2sf)  }
0x15f: {  	s2 =	sshll.u32 s18, $0x4  }
0x160: {  	s0 =	sand.u32 $0x1FFFFF80, s2  }
0x161: {  	s2 =	simm.s32 $0x500;
	[tilespmem:s23+$0xFFFFFCB0] =	vst v1;
	s0 =	sadd.s32 s4, s0  }
0x162: {  	[tilespmem:s2], [sflag:$0x2] =	stream.linear.gather [hbm4b:s0+s3], $0x400, $0x38;
	[tilespmem:$0x14100] =	vst v63  }
0x163: {  	v23 =	vsel vm2, $0x0, v0;
	s2 =	simm.s32 $0x3  }
0x164: {  	v1 =	vxor.u32 $0x80000000, v23;
	_ =	swait.ge [sflag:s2], $0x400  }
0x165: {  	[sflag:s2] =	ssyncset.done $0x0;
	(xrf0) =	vmax.scan.msk.u32 $0xffff, v1  }
0x166: {  	s19 =	sshll.u32 s19, $0x7;
	[sflag:s2] =	ssyncadd.s32 $0xFFFFFC00  }
0x167: {  	v24 =	vld [tilespmem:s19+$0x900];
	_ =	sdelay $0x3  }
0x168: {  	v25, _, _ =	vpop (xrf0)  }
0x169: {  	[tilespmem:s23+$0xFFFFFD00] =	vst v24;
	(v2sf) =	vpush v25, $0xF  }
0x16a: {  	v1 =	vld [tilespmem:s19+$0x910];
	_ =	sdelay $0x4  }
0x16b: {  	[tilespmem:s23+$0xFFFFFD10] =	vst v1  }
0x16c: {  	v1 =	vld [tilespmem:s19+$0x920];
	_ =	sdelay $0x4  }
0x16d: {  	[tilespmem:s23+$0xFFFFFD20] =	vst v1  }
0x16e: {  	v1 =	vld [tilespmem:s19+$0x930];
	_ =	sdelay $0x1  }
0x16f: {  	s19 =	spop (v2sf)  }
0x170: {  	s2 =	sshll.u32 s19, $0x4  }
0x171: {  	s0 =	sand.u32 $0x1FFFFF80, s2  }
0x172: {  	s2 =	simm.s32 $0x900;
	[tilespmem:s23+$0xFFFFFD30] =	vst v1;
	s0 =	sadd.s32 s4, s0  }
0x173: {  	[tilespmem:s2], [sflag:$0x3] =	stream.linear.gather [hbm4b:s0+s3], $0x400, $0x38;
	[tilespmem:$0x14100] =	vst v63  }
0x174: {  	v26 =	vsel vm3, $0x0, v0;
	s2 =	simm.s32 $0x4  }
0x175: {  	v1 =	vxor.u32 $0x80000000, v26;
	_ =	swait.ge [sflag:s2], $0x400  }
0x176: {  	[sflag:s2] =	ssyncset.done $0x0;
	(xrf0) =	vmax.scan.msk.u32 $0xffff, v1  }
0x177: {  	s21 =	sshll.u32 s21, $0x7;
	[sflag:s2] =	ssyncadd.s32 $0xFFFFFC00  }
0x178: {  	v27 =	vld [tilespmem:s21+$0xD00];
	_ =	sdelay $0x3  }
0x179: {  	v28, _, _ =	vpop (xrf0)  }
0x17a: {  	[tilespmem:s23+$0xFFFFFD80] =	vst v27;
	(v2sf) =	vpush v28, $0xF  }
0x17b: {  	v1 =	vld [tilespmem:s21+$0xD10];
	_ =	sdelay $0x4  }
0x17c: {  	[tilespmem:s23+$0xFFFFFD90] =	vst v1  }
0x17d: {  	v1 =	vld [tilespmem:s21+$0xD20];
	_ =	sdelay $0x4  }
0x17e: {  	[tilespmem:s23+$0xFFFFFDA0] =	vst v1  }
0x17f: {  	v1 =	vld [tilespmem:s21+$0xD30];
	_ =	sdelay $0x1  }
0x180: {  	s21 =	spop (v2sf)  }
0x181: {  	s2 =	sshll.u32 s21, $0x4  }
0x182: {  	s0 =	sand.u32 $0x1FFFFF80, s2  }
0x183: {  	s2 =	simm.s32 $0xD00;
	[tilespmem:s23+$0xFFFFFDB0] =	vst v1;
	s0 =	sadd.s32 s4, s0  }
0x184: {  	[tilespmem:s2], [sflag:$0x4] =	stream.linear.gather [hbm4b:s0+s3], $0x400, $0x38;
	[tilespmem:$0x14100] =	vst v63  }
0x185: {  	v29 =	vsel vm4, $0x0, v0;
	s2 =	simm.s32 $0x5  }
0x186: {  	v1 =	vxor.u32 $0x80000000, v29;
	_ =	swait.ge [sflag:s2], $0x400  }
0x187: {  	[sflag:s2] =	ssyncset.done $0x0;
	(xrf0) =	vmax.scan.msk.u32 $0xffff, v1  }
0x188: {  	s25 =	sshll.u32 s25, $0x7;
	[sflag:s2] =	ssyncadd.s32 $0xFFFFFC00  }
0x189: {  	v30 =	vld [tilespmem:s25+$0x1100];
	_ =	sdelay $0x3  }
0x18a: {  	v31, _, _ =	vpop (xrf0)  }
0x18b: {  	[tilespmem:s23+$0xFFFFFE00] =	vst v30;
	(v2sf) =	vpush v31, $0xF  }
0x18c: {  	v1 =	vld [tilespmem:s25+$0x1110];
	_ =	sdelay $0x4  }
0x18d: {  	[tilespmem:s23+$0xFFFFFE10] =	vst v1  }
0x18e: {  	v1 =	vld [tilespmem:s25+$0x1120];
	_ =	sdelay $0x4  }
0x18f: {  	[tilespmem:s23+$0xFFFFFE20] =	vst v1  }
0x190: {  	v1 =	vld [tilespmem:s25+$0x1130];
	_ =	sdelay $0x1  }
0x191: {  	s25 =	spop (v2sf)  }
0x192: {  	s2 =	sshll.u32 s25, $0x4  }
0x193: {  	s0 =	sand.u32 $0x1FFFFF80, s2  }
0x194: {  	s2 =	simm.s32 $0x1100;
	[tilespmem:s23+$0xFFFFFE30] =	vst v1;
	s0 =	sadd.s32 s4, s0  }
0x195: {  	[tilespmem:s2], [sflag:$0x5] =	stream.linear.gather [hbm4b:s0+s3], $0x400, $0x38;
	[tilespmem:$0x14100] =	vst v63  }
0x196: {  	v32 =	vsel vm5, $0x0, v0;
	s2 =	simm.s32 $0x6  }
0x197: {  	v1 =	vxor.u32 $0x80000000, v32;
	_ =	swait.ge [sflag:s2], $0x400  }
0x198: {  	[sflag:s2] =	ssyncset.done $0x0;
	(xrf0) =	vmax.scan.msk.u32 $0xffff, v1  }
0x199: {  	s26 =	sshll.u32 s26, $0x7;
	[sflag:s2] =	ssyncadd.s32 $0xFFFFFC00  }
0x19a: {  	v33 =	vld [tilespmem:s26+$0x1500];
	_ =	sdelay $0x3  }
0x19b: {  	v34, _, _ =	vpop (xrf0)  }
0x19c: {  	[tilespmem:s23+$0xFFFFFE80] =	vst v33;
	(v2sf) =	vpush v34, $0xF  }
0x19d: {  	v1 =	vld [tilespmem:s26+$0x1510];
	_ =	sdelay $0x4  }
0x19e: {  	[tilespmem:s23+$0xFFFFFE90] =	vst v1  }
0x19f: {  	v1 =	vld [tilespmem:s26+$0x1520];
	_ =	sdelay $0x4  }
0x1a0: {  	[tilespmem:s23+$0xFFFFFEA0] =	vst v1  }
0x1a1: {  	v1 =	vld [tilespmem:s26+$0x1530];
	_ =	sdelay $0x1  }
0x1a2: {  	s26 =	spop (v2sf)  }
0x1a3: {  	s2 =	sshll.u32 s26, $0x4  }
0x1a4: {  	s0 =	sand.u32 $0x1FFFFF80, s2  }
0x1a5: {  	s2 =	simm.s32 $0x1500;
	[tilespmem:s23+$0xFFFFFEB0] =	vst v1;
	s0 =	sadd.s32 s4, s0  }
0x1a6: {  	[tilespmem:s2], [sflag:$0x6] =	stream.linear.gather [hbm4b:s0+s3], $0x400, $0x38;
	[tilespmem:$0x14100] =	vst v63  }
0x1a7: {  	v35 =	vsel vm6, $0x0, v0;
	s2 =	simm.s32 $0x7  }
0x1a8: {  	v1 =	vxor.u32 $0x80000000, v35;
	_ =	swait.ge [sflag:s2], $0x400  }
0x1a9: {  	[sflag:s2] =	ssyncset.done $0x0;
	(xrf0) =	vmax.scan.msk.u32 $0xffff, v1  }
0x1aa: {  	[sflag:s2] =	ssyncadd.s32 $0xFFFFFC00;
	s2 =	sshll.u32 s29, $0x7  }
0x1ab: {  	v36 =	vld [tilespmem:s2+$0x1900];
	_ =	sdelay $0x3  }
0x1ac: {  	v37, _, _ =	vpop (xrf0)  }
0x1ad: {  	[tilespmem:s23+$0xFFFFFF00] =	vst v36;
	(v2sf) =	vpush v37, $0xF  }
0x1ae: {  	v1 =	vld [tilespmem:s2+$0x1910];
	_ =	sdelay $0x4  }
0x1af: {  	[tilespmem:s23+$0xFFFFFF10] =	vst v1  }
0x1b0: {  	v1 =	vld [tilespmem:s2+$0x1920];
	_ =	sdelay $0x4  }
0x1b1: {  	[tilespmem:s23+$0xFFFFFF20] =	vst v1  }
0x1b2: {  	v1 =	vld [tilespmem:s2+$0x1930];
	_ =	sdelay $0x1  }
0x1b3: {  	s29 =	spop (v2sf)  }
0x1b4: {  	s2 =	sshll.u32 s29, $0x4  }
0x1b5: {  	s0 =	sand.u32 $0x1FFFFF80, s2  }
0x1b6: {  	s2 =	simm.s32 $0x1900;
	[tilespmem:s23+$0xFFFFFF30] =	vst v1;
	s0 =	sadd.s32 s4, s0  }
0x1b7: {  	[tilespmem:s2], [sflag:$0x7] =	stream.linear.gather [hbm4b:s0+s3], $0x400, $0x38;
	[tilespmem:$0x14100] =	vst v63  }
0x1b8: {  	v38 =	vsel vm7, $0x0, v0;
	s2 =	simm.s32 $0x8  }
0x1b9: {  	v1 =	vxor.u32 $0x80000000, v38;
	_ =	swait.ge [sflag:s2], $0x400  }
0x1ba: {  	[sflag:s2] =	ssyncset.done $0x0;
	(xrf0) =	vmax.scan.msk.u32 $0xffff, v1  }
0x1bb: {  	[sflag:s2] =	ssyncadd.s32 $0xFFFFFC00;
	s2 =	sshll.u32 s31, $0x7  }
0x1bc: {  	v39 =	vld [tilespmem:s2+$0x1D00];
	_ =	sdelay $0x3  }
0x1bd: {  	v40, _, _ =	vpop (xrf0)  }
0x1be: {  	[tilespmem:s23+$0xFFFFFF80] =	vst v39;
	(v2sf) =	vpush v40, $0xF  }
0x1bf: {  	v1 =	vld [tilespmem:s2+$0x1D10];
	_ =	sdelay $0x4  }
0x1c0: {  	[tilespmem:s23+$0xFFFFFF90] =	vst v1  }
0x1c1: {  	v1 =	vld [tilespmem:s2+$0x1D20];
	_ =	sdelay $0x4  }
0x1c2: {  	[tilespmem:s23+$0xFFFFFFA0] =	vst v1  }
0x1c3: {  	v1 =	vld [tilespmem:s2+$0x1D30];
	_ =	sdelay $0x1  }
0x1c4: {  	s31 =	spop (v2sf)  }
0x1c5: {  	s2 =	sshll.u32 s31, $0x4  }
0x1c6: {  	s0 =	sand.u32 $0x1FFFFF80, s2  }
0x1c7: {  	s2 =	simm.s32 $0x1D00;
	[tilespmem:s23+$0xFFFFFFB0] =	vst v1;
	s0 =	sadd.s32 s4, s0  }
0x1c8: {  	v41 =	vsel vm8, $0x0, v0;
	[tilespmem:s2], [sflag:$0x8] =	stream.linear.gather [hbm4b:s0+s3], $0x400, $0x38;
	[tilespmem:$0x14100] =	vst v63  }
0x1c9: {  	v1 =	vxor.u32 $0x80000000, v41;
	_ =	swait.ge [sflag:s7], $0x400  }
0x1ca: {  	[sflag:s7] =	ssyncset.done $0x0;
	(xrf0) =	vmax.scan.msk.u32 $0xffff, v1  }
0x1cb: {  	s2 =	sshll.u32 s30, $0x7;
	[sflag:s7] =	ssyncadd.s32 $0xFFFFFC00  }
0x1cc: {  	v42 =	vld [tilespmem:s2+$0x2100];
	_ =	sdelay $0x3  }
0x1cd: {  	v43, _, _ =	vpop (xrf0)  }
0x1ce: {  	[tilespmem:s23+$0x0] =	vst v42;
	(v2sf) =	vpush v43, $0xF  }
0x1cf: {  	v1 =	vld [tilespmem:s2+$0x2110];
	_ =	sdelay $0x4  }
0x1d0: {  	[tilespmem:s23+$0x10] =	vst v1  }
0x1d1: {  	v1 =	vld [tilespmem:s2+$0x2120];
	_ =	sdelay $0x4  }
0x1d2: {  	[tilespmem:s23+$0x20] =	vst v1  }
0x1d3: {  	v1 =	vld [tilespmem:s2+$0x2130];
	_ =	sdelay $0x1  }
0x1d4: {  	s30 =	spop (v2sf)  }
0x1d5: {  	s2 =	sshll.u32 s30, $0x4  }
0x1d6: {  	s0 =	sand.u32 $0x1FFFFF80, s2  }
0x1d7: {  	s2 =	simm.s32 $0x2100;
	[tilespmem:s23+$0x30] =	vst v1;
	s0 =	sadd.s32 s4, s0  }
0x1d8: {  	v44 =	vsel vm9, $0x0, v0;
	[tilespmem:s2], [sflag:$0x9] =	stream.linear.gather [hbm4b:s0+s3], $0x400, $0x38;
	[tilespmem:$0x14100] =	vst v63  }
0x1d9: {  	v1 =	vxor.u32 $0x80000000, v44;
	_ =	swait.ge [sflag:s1], $0x400  }
0x1da: {  	[sflag:s1] =	ssyncset.done $0x0;
	(xrf0) =	vmax.scan.msk.u32 $0xffff, v1  }
0x1db: {  	s2 =	sshll.u32 s28, $0x7;
	[sflag:s1] =	ssyncadd.s32 $0xFFFFFC00  }
0x1dc: {  	v45 =	vld [tilespmem:s2+$0x2500];
	_ =	sdelay $0x3  }
0x1dd: {  	v46, _, _ =	vpop (xrf0)  }
0x1de: {  	[tilespmem:s23+$0x80] =	vst v45;
	(v2sf) =	vpush v46, $0xF  }
0x1df: {  	v1 =	vld [tilespmem:s2+$0x2510];
	_ =	sdelay $0x4  }
0x1e0: {  	[tilespmem:s23+$0x90] =	vst v1  }
0x1e1: {  	v1 =	vld [tilespmem:s2+$0x2520];
	_ =	sdelay $0x4  }
0x1e2: {  	[tilespmem:s23+$0xA0] =	vst v1  }
0x1e3: {  	v1 =	vld [tilespmem:s2+$0x2530];
	_ =	sdelay $0x1  }
0x1e4: {  	s28 =	spop (v2sf)  }
0x1e5: {  	s2 =	sshll.u32 s28, $0x4  }
0x1e6: {  	s0 =	sand.u32 $0x1FFFFF80, s2  }
0x1e7: {  	s2 =	simm.s32 $0x2500;
	[tilespmem:s23+$0xB0] =	vst v1;
	s0 =	sadd.s32 s4, s0  }
0x1e8: {  	v47 =	vsel vm10, $0x0, v0;
	[tilespmem:s2], [sflag:$0xA] =	stream.linear.gather [hbm4b:s0+s3], $0x400, $0x38;
	[tilespmem:$0x14100] =	vst v63  }
0x1e9: {  	v1 =	vxor.u32 $0x80000000, v47;
	_ =	swait.ge [sflag:s5], $0x400  }
0x1ea: {  	[sflag:s5] =	ssyncset.done $0x0;
	(xrf0) =	vmax.scan.msk.u32 $0xffff, v1  }
0x1eb: {  	s8 =	sshll.u32 s8, $0x7;
	[sflag:s5] =	ssyncadd.s32 $0xFFFFFC00  }
0x1ec: {  	v48 =	vld [tilespmem:s8+$0x2900];
	_ =	sdelay $0x3  }
0x1ed: {  	v49, _, _ =	vpop (xrf0)  }
0x1ee: {  	[tilespmem:s23+$0x100] =	vst v48;
	(v2sf) =	vpush v49, $0xF  }
0x1ef: {  	v1 =	vld [tilespmem:s8+$0x2910];
	_ =	sdelay $0x4  }
0x1f0: {  	[tilespmem:s23+$0x110] =	vst v1  }
0x1f1: {  	v1 =	vld [tilespmem:s8+$0x2920];
	_ =	sdelay $0x4  }
0x1f2: {  	[tilespmem:s23+$0x120] =	vst v1  }
0x1f3: {  	v1 =	vld [tilespmem:s8+$0x2930];
	_ =	sdelay $0x1  }
0x1f4: {  	s8 =	spop (v2sf)  }
0x1f5: {  	s2 =	sshll.u32 s8, $0x4  }
0x1f6: {  	s0 =	sand.u32 $0x1FFFFF80, s2  }
0x1f7: {  	s2 =	simm.s32 $0x2900;
	[tilespmem:s23+$0x130] =	vst v1;
	s0 =	sadd.s32 s4, s0  }
0x1f8: {  	v50 =	vsel vm11, $0x0, v0;
	[tilespmem:s2], [sflag:$0xB] =	stream.linear.gather [hbm4b:s0+s3], $0x400, $0x38;
	[tilespmem:$0x14100] =	vst v63  }
0x1f9: {  	v1 =	vxor.u32 $0x80000000, v50;
	_ =	swait.ge [sflag:s6], $0x400  }
0x1fa: {  	[sflag:s6] =	ssyncset.done $0x0;
	(xrf0) =	vmax.scan.msk.u32 $0xffff, v1  }
0x1fb: {  	s22 =	sshll.u32 s22, $0x7;
	[sflag:s6] =	ssyncadd.s32 $0xFFFFFC00  }
0x1fc: {  	v51 =	vld [tilespmem:s22+$0x2D00];
	_ =	sdelay $0x3  }
0x1fd: {  	v52, _, _ =	vpop (xrf0)  }
0x1fe: {  	[tilespmem:s23+$0x180] =	vst v51;
	(v2sf) =	vpush v52, $0xF  }
0x1ff: {  	v1 =	vld [tilespmem:s22+$0x2D10];
	_ =	sdelay $0x4  }
0x200: {  	[tilespmem:s23+$0x190] =	vst v1  }
0x201: {  	v1 =	vld [tilespmem:s22+$0x2D20];
	_ =	sdelay $0x4  }
0x202: {  	[tilespmem:s23+$0x1A0] =	vst v1  }
0x203: {  	v1 =	vld [tilespmem:s22+$0x2D30];
	_ =	sdelay $0x1  }
0x204: {  	s22 =	spop (v2sf)  }
0x205: {  	s2 =	sshll.u32 s22, $0x4  }
0x206: {  	s0 =	sand.u32 $0x1FFFFF80, s2  }
0x207: {  	s2 =	simm.s32 $0x2D00;
	[tilespmem:s23+$0x1B0] =	vst v1;
	s0 =	sadd.s32 s4, s0  }
0x208: {  	v53 =	vsel vm12, $0x0, v0;
	[tilespmem:s2], [sflag:$0xC] =	stream.linear.gather [hbm4b:s0+s3], $0x400, $0x38;
	[tilespmem:$0x14100] =	vst v63  }
0x209: {  	v1 =	vxor.u32 $0x80000000, v53;
	_ =	swait.ge [sflag:s9], $0x400  }
0x20a: {  	[sflag:s9] =	ssyncset.done $0x0;
	(xrf0) =	vmax.scan.msk.u32 $0xffff, v1  }
0x20b: {  	s20 =	sshll.u32 s20, $0x7;
	[sflag:s9] =	ssyncadd.s32 $0xFFFFFC00  }
0x20c: {  	v54 =	vld [tilespmem:s20+$0x3100];
	_ =	sdelay $0x3  }
0x20d: {  	v55, _, _ =	vpop (xrf0)  }
0x20e: {  	[tilespmem:s23+$0x200] =	vst v54;
	(v2sf) =	vpush v55, $0xF  }
0x20f: {  	v1 =	vld [tilespmem:s20+$0x3110];
	_ =	sdelay $0x4  }
0x210: {  	[tilespmem:s23+$0x210] =	vst v1  }
0x211: {  	v1 =	vld [tilespmem:s20+$0x3120];
	_ =	sdelay $0x4  }
0x212: {  	[tilespmem:s23+$0x220] =	vst v1  }
0x213: {  	v1 =	vld [tilespmem:s20+$0x3130];
	_ =	sdelay $0x1  }
0x214: {  	s20 =	spop (v2sf)  }
0x215: {  	s2 =	sshll.u32 s20, $0x4  }
0x216: {  	s0 =	sand.u32 $0x1FFFFF80, s2  }
0x217: {  	s2 =	simm.s32 $0x3100;
	[tilespmem:s23+$0x230] =	vst v1;
	s0 =	sadd.s32 s4, s0  }
0x218: {  	v56 =	vsel vm13, $0x0, v0;
	[tilespmem:s2], [sflag:$0xD] =	stream.linear.gather [hbm4b:s0+s3], $0x400, $0x38;
	[tilespmem:$0x14100] =	vst v63  }
0x219: {  	v1 =	vxor.u32 $0x80000000, v56;
	_ =	swait.ge [sflag:s10], $0x400  }
0x21a: {  	[sflag:s10] =	ssyncset.done $0x0;
	(xrf0) =	vmax.scan.msk.u32 $0xffff, v1  }
0x21b: {  	s17 =	sshll.u32 s17, $0x7;
	[sflag:s10] =	ssyncadd.s32 $0xFFFFFC00  }
0x21c: {  	v57 =	vld [tilespmem:s17+$0x3500];
	_ =	sdelay $0x3  }
0x21d: {  	v58, _, _ =	vpop (xrf0)  }
0x21e: {  	[tilespmem:s23+$0x280] =	vst v57;
	(v2sf) =	vpush v58, $0xF  }
0x21f: {  	v1 =	vld [tilespmem:s17+$0x3510];
	_ =	sdelay $0x4  }
0x220: {  	[tilespmem:s23+$0x290] =	vst v1  }
0x221: {  	v1 =	vld [tilespmem:s17+$0x3520];
	_ =	sdelay $0x4  }
0x222: {  	[tilespmem:s23+$0x2A0] =	vst v1  }
0x223: {  	v1 =	vld [tilespmem:s17+$0x3530];
	_ =	sdelay $0x1  }
0x224: {  	s17 =	spop (v2sf)  }
0x225: {  	s2 =	sshll.u32 s17, $0x4  }
0x226: {  	s0 =	sand.u32 $0x1FFFFF80, s2  }
0x227: {  	s2 =	simm.s32 $0x3500;
	[tilespmem:s23+$0x2B0] =	vst v1;
	s0 =	sadd.s32 s4, s0  }
0x228: {  	v59 =	vsel vm14, $0x0, v0;
	[tilespmem:s2], [sflag:$0xE] =	stream.linear.gather [hbm4b:s0+s3], $0x400, $0x38;
	[tilespmem:$0x14100] =	vst v63  }
0x229: {  	v1 =	vxor.u32 $0x80000000, v59;
	_ =	swait.ge [sflag:s11], $0x400  }
0x22a: {  	[sflag:s11] =	ssyncset.done $0x0;
	(xrf0) =	vmax.scan.msk.u32 $0xffff, v1  }
0x22b: {  	s15 =	sshll.u32 s15, $0x7;
	[sflag:s11] =	ssyncadd.s32 $0xFFFFFC00  }
0x22c: {  	v60 =	vld [tilespmem:s15+$0x3900];
	_ =	sdelay $0x3  }
0x22d: {  	v61, _, _ =	vpop (xrf0)  }
0x22e: {  	[tilespmem:s23+$0x300] =	vst v60;
	(v2sf) =	vpush v61, $0xF  }
0x22f: {  	v1 =	vld [tilespmem:s15+$0x3910];
	_ =	sdelay $0x4  }
0x230: {  	[tilespmem:s23+$0x310] =	vst v1  }
0x231: {  	v1 =	vld [tilespmem:s15+$0x3920];
	_ =	sdelay $0x4  }
0x232: {  	[tilespmem:s23+$0x320] =	vst v1  }
0x233: {  	v1 =	vld [tilespmem:s15+$0x3930];
	_ =	sdelay $0x1  }
0x234: {  	s15 =	spop (v2sf)  }
0x235: {  	s2 =	sshll.u32 s15, $0x4  }
0x236: {  	s0 =	sand.u32 $0x1FFFFF80, s2  }
0x237: {  	s2 =	simm.s32 $0x3900;
	[tilespmem:s23+$0x330] =	vst v1;
	s0 =	sadd.s32 s4, s0  }
0x238: {  	v0 =	vsel vm15, $0x0, v0;
	[tilespmem:s2], [sflag:$0xF] =	stream.linear.gather [hbm4b:s0+s3], $0x400, $0x38;
	[tilespmem:$0x14100] =	vst v63  }
0x239: {  	v0 =	vxor.u32 $0x80000000, v0;
	_ =	swait.ge [sflag:s12], $0x400  }
0x23a: {  	[sflag:s12] =	ssyncset.done $0x0;
	(xrf0) =	vmax.scan.msk.u32 $0xffff, v0  }
0x23b: {  	s14 =	sshll.u32 s14, $0x7;
	[sflag:s12] =	ssyncadd.s32 $0xFFFFFC00  }
0x23c: {  	v62 =	vld [tilespmem:s14+$0x3D00];
	_ =	sdelay $0x3  }
0x23d: {  	v63, _, _ =	vpop (xrf0)  }
0x23e: {  	[tilespmem:s23+$0x380] =	vst v62;
	(v2sf) =	vpush v63, $0xF  }
0x23f: {  	v0 =	vld [tilespmem:s14+$0x3D10];
	_ =	sdelay $0x4  }
0x240: {  	[tilespmem:s23+$0x390] =	vst v0  }
0x241: {  	v0 =	vld [tilespmem:s14+$0x3D20];
	_ =	sdelay $0x4  }
0x242: {  	[tilespmem:s23+$0x3A0] =	vst v0  }
0x243: {  	v0 =	vld [tilespmem:s14+$0x3D30];
	_ =	sdelay $0x1  }
.Ltmp5:
0x244: {  	s14 =	spop (v2sf);
	(pc) =	sbr.rel .LBB2_3-.Ltmp5, $4  }
0x245: {  	s2 =	sshll.u32 s14, $0x4  }
0x246: {  	s24 =	sadd.s32 $0x40, s24;
	s0 =	sand.u32 $0x1FFFFF80, s2  }
0x247: {  	s2 =	simm.s32 $0x3D00;
	[tilespmem:s23+$0x3B0] =	vst v0;
	s0 =	sadd.s32 s4, s0;
	s23 =	sadd.s32 $0x800, s23  }
0x248: {  	[tilespmem:s2], [sflag:$0x10] =	stream.linear.gather [hbm4b:s0+s3], $0x400, $0x38;
	[tilespmem:$0x14100] =	vst v63  }
.LBB2_7:
0x249: {  	_ =	sfence.sel $0x180000  }
0x24a: {  	[bflag:$0x0] =	sbarrier.arrive $0xFFFF  }
0x24b: {  	_ =	strace $0x90000047  }
0x24c: {  	s0 =	stileid.u32;
	[bflag:$0x2] =	sbarrier.arrive $0xFFFF  }
0x24d: {  	p0 =	sne.s32 s0, $0x0;
	s0 =	rddreg [dreg:$0x2]  }
0x24e: {  	s0 =	sadd.s32 @!p0 $0x100000, s0  }
0x24f: {  	[sflag:s0] =	ssyncadd.tile.s32 @!p0 $0x1;
	_ =	shalt  }
.Lfunc_end2:
_tile_overlayer_lowered:
.L_overlay_start_2:
0x250: {  	(tag) =	ssettag $0x2  }
0x251: {  	s0 =	rddreg [dreg:$0x0];
	s2 =	stileid.u32  }
0x252: {  	s1 =	rddreg [dreg:$0x1];
	p0 =	sne.s32 s2, $0x0  }
0x253: {  	s3 =	rddreg [dreg:$0x2];
	[bflag:$0x3] =	sbarrier.arrive $0xFFFF;
	s2 =	simm.s32 @!p0 $0x1C14  }
0x254: {  	[timem:s3], [sflag:s2] =	dma.local @!p0 [hbm:s0], s1  }
0x255: {  	s0 =	simm.s32 @!p0 $0x14  }
0x256: {  	_ =	swait.ge @!p0 [sflag:s0], s1  }
0x257: {  	s1 =	ssub.s32 @!p0 $0x0, s1;
	[sflag:s0] =	ssyncset.done @!p0 $0x0  }
0x258: {  	[sflag:s0] =	ssyncadd.s32 @!p0 s1  }
0x259: {  	[bflag:$0x3] =	sbarrier.arrive $0xFFFF  }
0x25a: {  	_ =	shalt  }

</sc_bundles>
